<compile_context>
chip_gen: v7x
topology: tpu7x:2x2x1
jax: 0.10.2.dev20260603
libtpu: 0.0.44.dev20260713+nightly
codegen_flags: <defaults>
</compile_context>

<pallas_src>
import functools

import jax
import jax.numpy as jnp
from jax import lax
from jax.experimental import pallas as pl
from jax.experimental.pallas import tpu as pltpu
from jax.experimental.pallas import tpu_sc as plsc

B, N, K = 8, 16384, 4096
C_IN, C_MID = 128, 128
NUM_CLS = 3
BN_EPS = 1e-5

BLK = 2048
NB = N // BLK

SC_CORES, SC_SUBCORES, L = 2, 16, 16
NVREG = N // L
BIG = 0x7FFFFFFF


def _tc_keys_body(cls_ref, keys_ref):
  clst = cls_ref[...]
  s = jnp.max(clst, axis=0)
  s = jnp.where(s == 0.0, 0.0, s)
  u = lax.bitcast_convert_type(s, jnp.int32)
  keys_ref[...] = jnp.where(s < 0.0, u, jnp.int32(0x7FFFFFFF) - u)


def _tc_keys_stage(cls2):
  return pl.pallas_call(
      _tc_keys_body,
      grid=(B * NB,),
      in_specs=[pl.BlockSpec((NUM_CLS, BLK), lambda i: (0, i))],
      out_specs=pl.BlockSpec((BLK,), lambda i: (i,)),
      out_shape=jax.ShapeDtypeStruct((B * N,), jnp.int32),
  )(cls2)


def _tc_body(f_ref, pts_ref, w1_ref, b1_ref, g_ref, be_ref, w2_ref,
             mol_ref, p0_ref, p1_ref, p2_ref, o0_ref, o1_ref,
             o2_ref, x0_ref, x1_ref, x2_ref):
  inv = 1.0 / (1.0 + BN_EPS) ** 0.5
  scale = g_ref[...] * inv
  w1e = w1_ref[...] * scale
  bias = b1_ref[...] * scale + be_ref[...]
  f = f_ref[0]
  h = lax.dot_general(w1e, f, (((1,), (0,)), ((), ())),
                      preferred_element_type=jnp.float32) + bias
  h = jnp.maximum(h, 0.0)
  off = lax.dot_general(w2_ref[...], h, (((1,), (0,)), ((), ())),
                        preferred_element_type=jnp.float32)
  mol = mol_ref[...]
  lim = jnp.where(off > mol, mol, off)
  lim = jnp.where(lim < -mol, -mol, lim)
  ptst = pts_ref[...]
  predb = ptst + lim
  for c, r in enumerate((p0_ref, p1_ref, p2_ref)):
    r[...] = predb[c]
  for c, r in enumerate((o0_ref, o1_ref, o2_ref)):
    r[...] = off[c]
  for c, r in enumerate((x0_ref, x1_ref, x2_ref)):
    r[...] = ptst[c]


def _tc_stage(features, pts2, w1, b1_c, g_c, be_c, w2, mol_c):
  grid = (B, NB)
  full = lambda b, n: (0, 0)
  row = pl.BlockSpec((BLK,), lambda b, n: (b * NB + n,))
  frow = jax.ShapeDtypeStruct((B * N,), jnp.float32)
  return pl.pallas_call(
      _tc_body,
      grid=grid,
      in_specs=[
          pl.BlockSpec((1, C_IN, BLK), lambda b, n: (b, 0, n)),
          pl.BlockSpec((3, BLK), lambda b, n: (0, b * NB + n)),
          pl.BlockSpec((C_MID, C_IN), full),
          pl.BlockSpec((C_MID, 1), full),
          pl.BlockSpec((C_MID, 1), full),
          pl.BlockSpec((C_MID, 1), full),
          pl.BlockSpec((3, C_MID), full),
          pl.BlockSpec((3, 1), full),
      ],
      out_specs=[row] * 9,
      out_shape=[frow] * 9,
  )(features, pts2, w1, b1_c, g_c, be_c, w2, mol_c)


def _sc_sort_body(keys_hbm, idx_o,
                  keys0, keys1, idx0, idx1, hist,
                  kq, ghist, ck, ci, cbuf,
                  hists_sh, ckeys_sh, cidx_sh, cnts_sh):
  c = lax.axis_index("c")
  s = lax.axis_index("s")
  b = c + 2 * (s % 4)
  bb = s % 4
  q = s // 4

  def zero_hist(nbins):
    def body(i, _):
      hist[pl.ds(i * L, L)] = jnp.zeros((L,), jnp.int32)
      return 0
    lax.fori_loop(0, nbins // L, body, 0)

  def count_sweep(src_k, shift, dmask, n, start=0):
    def body(j, _):
      for u in range(2):
        e = (2 * j + u) * L
        k = src_k[pl.ds(start + e, L)]
        valid = (e + lax.iota(jnp.int32, L)) < n
        d = lax.shift_right_logical(k, shift) & dmask
        cnt, lastm = plsc.scan_count(d, mask=valid)
        plsc.addupdate_scatter(hist, [d], cnt, mask=lastm)
      return 0
    lax.fori_loop(0, (n + 2 * L - 1) // (2 * L), body, 0)

  def excl_scan(nbins):
    def body(i, carry):
      run, m = carry
      chunk = hist[pl.ds(i * L, L)]
      incl = plsc.cumsum(chunk) + run
      hist[pl.ds(i * L, L)] = incl - chunk
      m = jnp.minimum(m, jnp.min(jnp.where(incl >= K, incl, BIG)))
      return jnp.max(incl), m
    _, m = lax.fori_loop(0, nbins // L, body,
                         (jnp.int32(0), jnp.int32(BIG)))
    return m

  def permute_sweep(src_k, src_i, dst_k, dst_i, shift, dmask, n,
                    store_keys=True, start=0):
    def body(j, _):
      k = src_k[pl.ds(start + j * L, L)]
      iv = src_i[pl.ds(start + j * L, L)]
      valid = (j * L + lax.iota(jnp.int32, L)) < n
      d = lax.shift_right_logical(k, shift) & dmask
      cnt, lastm = plsc.scan_count(d, mask=valid)
      base = plsc.load_gather(hist, [d])
      pos = base + cnt - 1
      if store_keys:
        plsc.store_scatter(dst_k, [pos], k, mask=valid)
      plsc.store_scatter(dst_i, [pos], iv, mask=valid)
      plsc.addupdate_scatter(hist, [d], cnt, mask=lastm)
      return 0
    lax.fori_loop(0, (n + L - 1) // L, body, 0)

  QN = N // 4
  QV = QN // L

  pltpu.sync_copy(keys_hbm.at[pl.ds(b * N + q * QN, QN)], kq)
  zero_hist(2048)
  count_sweep(kq, 21, 2047, QN)
  pltpu.sync_copy(hist, hists_sh.at[pl.ds((bb * 4 + q) * 2048, 2048)])
  plsc.subcore_barrier()

  pltpu.sync_copy(hists_sh.at[pl.ds(bb * 4 * 2048, 4 * 2048)], ghist)

  def gscan(i, carry):
    run, db = carry
    tot = (ghist[pl.ds(i * L, L)] + ghist[pl.ds(2048 + i * L, L)] +
           ghist[pl.ds(4096 + i * L, L)] + ghist[pl.ds(6144 + i * L, L)])
    incl = plsc.cumsum(tot) + run
    lane_d = i * L + lax.iota(jnp.int32, L)
    db = jnp.minimum(db, jnp.min(jnp.where(incl >= K, lane_d, BIG)))
    return jnp.max(incl), db
  _, d_bnd = lax.fori_loop(0, 2048 // L, gscan,
                           (jnp.int32(0), jnp.int32(BIG)))

  def compact(j, base):
    k = kq[pl.ds(j * L, L)]
    iv = q * QN + j * L + lax.iota(jnp.int32, L)
    d = lax.shift_right_logical(k, 21) & 2047
    msk = d <= d_bnd
    cnt = plsc.cumsum(jnp.where(msk, 1, 0))
    pos = base + cnt - 1
    plsc.store_scatter(ck, [pos], k, mask=msk)
    plsc.store_scatter(ci, [pos], iv, mask=msk)
    return base + jnp.max(cnt)
  cntq = lax.fori_loop(0, QV, compact, jnp.int32(0))

  pltpu.sync_copy(ck, ckeys_sh.at[pl.ds((bb * 4 + q) * QN, QN)])
  pltpu.sync_copy(ci, cidx_sh.at[pl.ds((bb * 4 + q) * QN, QN)])
  cbuf[pl.ds(0, L)] = jnp.full((L,), cntq, jnp.int32)
  pltpu.sync_copy(cbuf.at[pl.ds(0, L)], cnts_sh.at[pl.ds((bb * 4 + q) * L, L)])
  plsc.subcore_barrier()

  @pl.when(q == 0)
  def _():
    pltpu.sync_copy(ckeys_sh.at[pl.ds(bb * 4 * QN, 4 * QN)], keys1)
    pltpu.sync_copy(cidx_sh.at[pl.ds(bb * 4 * QN, 4 * QN)], idx1)
    pltpu.sync_copy(cnts_sh.at[pl.ds(bb * 4 * L, 4 * L)], cbuf)
    cqs = [jnp.max(cbuf[pl.ds(qq * L, L)]) for qq in range(4)]
    m = cqs[0] + cqs[1] + cqs[2] + cqs[3]

    zero_hist(2048)
    for qq in range(4):
      count_sweep(keys1, 0, 2047, cqs[qq], start=qq * QN)
    excl_scan(2048)
    for qq in range(4):
      permute_sweep(keys1, idx1, keys0, idx0, 0, 2047, cqs[qq],
                    start=qq * QN)

    zero_hist(1024)
    count_sweep(keys0, 11, 1023, m)
    excl_scan(1024)
    permute_sweep(keys0, idx0, keys1, idx1, 11, 1023, m)

    zero_hist(2048)
    count_sweep(keys1, 21, 2047, m)
    excl_scan(2048)
    permute_sweep(keys1, idx1, keys0, idx0, 21, 2047, m, store_keys=False)

    pltpu.sync_copy(idx0.at[pl.ds(0, K)], idx_o.at[pl.ds(b * K, K)])


def _sc_sort_stage(keys):
  mesh = plsc.VectorSubcoreMesh(core_axis_name="c", subcore_axis_name="s",
                                num_cores=SC_CORES, num_subcores=SC_SUBCORES)
  fn = pl.kernel(
      _sc_sort_body,
      out_type=jax.ShapeDtypeStruct((B * K,), jnp.int32),
      mesh=mesh,
      compiler_params=pltpu.CompilerParams(needs_layout_passes=False),
      scratch_types=[
          pltpu.VMEM((N,), jnp.int32),
          pltpu.VMEM((N,), jnp.int32),
          pltpu.VMEM((N,), jnp.int32),
          pltpu.VMEM((N,), jnp.int32),
          pltpu.VMEM((2048,), jnp.int32),
          pltpu.VMEM((N // 4,), jnp.int32),
          pltpu.VMEM((4 * 2048,), jnp.int32),
          pltpu.VMEM((N // 4,), jnp.int32),
          pltpu.VMEM((N // 4,), jnp.int32),
          pltpu.VMEM((64,), jnp.int32),
          pltpu.VMEM_SHARED((4 * 4 * 2048,), jnp.int32),
          pltpu.VMEM_SHARED((4 * N,), jnp.int32),
          pltpu.VMEM_SHARED((4 * N,), jnp.int32),
          pltpu.VMEM_SHARED((4 * 4 * 16,), jnp.int32),
      ],
  )
  return fn(keys)


def _sc_gather_body(idx_hbm, p0, p1, p2, o0, o1, o2, x0, x1, x2,
                    preds_o, orig_o, offs_o, ck, row, outb):
  c = lax.axis_index("c")
  s = lax.axis_index("s")
  b = c + 2 * (s % 4)
  q = s // 4

  pltpu.sync_copy(idx_hbm.at[pl.ds(b * K, K)], ck)
  rows9 = ((p0, preds_o, 0), (p1, preds_o, 1), (p2, preds_o, 2),
           (x0, orig_o, 0), (x1, orig_o, 1), (x2, orig_o, 2),
           (o0, offs_o, 0), (o1, offs_o, 1), (o2, offs_o, 2))
  assign = (0, 1, 2, 3, 0, 1, 2, 3, 0)
  for ridx in range(9):
    src, out_hbm, cc = rows9[ridx]
    @pl.when(q == assign[ridx])
    def _(src=src, out_hbm=out_hbm, cc=cc):
      pltpu.sync_copy(src.at[pl.ds(b * N, N)], row)

      def gather(j, _):
        iv = ck[pl.ds(j * L, L)]
        outb[j // 8, pl.ds((j % 8) * L, L)] = plsc.load_gather(row, [iv])
        return 0
      lax.fori_loop(0, K // L, gather, 0)
      pltpu.sync_copy(outb, out_hbm.at[pl.ds(cc * 32, 32), b])


def _sc_gather_stage(idx, rows9):
  mesh = plsc.VectorSubcoreMesh(core_axis_name="c", subcore_axis_name="s",
                                num_cores=SC_CORES, num_subcores=SC_SUBCORES)
  outk3 = jax.ShapeDtypeStruct((3 * K // 128, B, 128), jnp.float32)
  fn = pl.kernel(
      _sc_gather_body,
      out_type=(outk3, outk3, outk3),
      mesh=mesh,
      compiler_params=pltpu.CompilerParams(needs_layout_passes=False),
      scratch_types=[
          pltpu.VMEM((K,), jnp.int32),
          pltpu.VMEM((N,), jnp.float32),
          pltpu.VMEM((K // 128, 128), jnp.float32),
      ],
  )
  p, o, f = fn(idx, *rows9)
  tok3 = lambda r: jnp.transpose(
      r.reshape(3, K // 128, B, 128), (2, 1, 3, 0)).reshape(B, K, 3)
  return (tok3(p), tok3(o), tok3(f))


def kernel(points, features, cls_preds, W1, b1, gamma, beta, W2,
           max_offset_limit):
  cls2 = jnp.transpose(cls_preds, (2, 0, 1)).reshape(NUM_CLS, B * N)
  pts2 = jnp.transpose(points, (2, 0, 1)).reshape(3, B * N)
  keys = _tc_keys_stage(cls2)
  idx = _sc_sort_stage(keys)
  rows9 = _tc_stage(
      features, pts2, W1,
      b1.reshape(C_MID, 1), gamma.reshape(C_MID, 1), beta.reshape(C_MID, 1),
      W2, max_offset_limit.reshape(3, 1))
  return _sc_gather_stage(idx, rows9)

# --- scband reference (transcript-rebuilt; emitter-appended) ---
"""Pipeline reference for scband-contextual-centroid-perception-24567212933823 (READ-ONLY COPY).

The authoritative reference and input builder live on the scoring server;
editing this copy changes nothing except your own understanding.
"""

import jax, jax.numpy as jnp
import numpy as np

B, N, K = 8, 16384, 4096
C_IN, C_MID = 128, 128
NUM_CLS = 3
BN_EPS = 1e-5


def setup_inputs(seed: int = 0) -> dict:
    key = jax.random.key(seed)
    ks = jax.random.split(key, 6)
    points = jax.random.normal(ks[0], (B, N, 3), jnp.float32) * 20.0
    features = jax.random.normal(ks[1], (B, C_IN, N), jnp.float32)
    cls_preds = jax.random.normal(ks[2], (B, N, NUM_CLS), jnp.float32)
    W1 = jax.random.normal(ks[3], (C_MID, C_IN), jnp.float32) * (1.0 / np.sqrt(C_IN))
    b1 = jnp.zeros((C_MID,), jnp.float32)
    gamma = jnp.ones((C_MID,), jnp.float32)
    beta = jnp.zeros((C_MID,), jnp.float32)
    W2 = jax.random.normal(ks[4], (3, C_MID), jnp.float32) * (1.0 / np.sqrt(C_MID))
    max_offset_limit = jnp.asarray([3.0, 3.0, 2.0], jnp.float32).reshape(1, 1, 3)
    return {
        'points': points,
        'features': features,
        'cls_preds': cls_preds,
        'W1': W1,
        'b1': b1,
        'gamma': gamma,
        'beta': beta,
        'W2': W2,
        'max_offset_limit': max_offset_limit,
    }


def reference(points, features, cls_preds, W1, b1, gamma, beta, W2, max_offset_limit):
    # SamplingLayer 'CentroidAware': top-K points by max class score
    scores = jnp.max(cls_preds, axis=-1)            # (B, N)
    _, idx = jax.lax.top_k(scores, K)               # (B, K) int32
    # masked_gather on points -> ctr_origins (B, K, 3)
    ctr_origins = jnp.take_along_axis(points, idx[..., None], axis=1)
    # masked_gather on features.transpose(1,2) -> (B, K, C_IN)
    feats = jnp.take_along_axis(jnp.transpose(features, (0, 2, 1)), idx[..., None], axis=1)
    # centroid_reg: Conv1d(k=1) + BatchNorm1d(eval, running mean=0 var=1) + ReLU + Conv1d(k=1, no bias)
    y = feats @ W1.T + b1                           # (B, K, C_MID)
    y = gamma * (y / jnp.sqrt(1.0 + BN_EPS)) + beta
    y = jax.nn.relu(y)
    ctr_offsets = y @ W2.T                          # (B, K, 3)
    mol = jnp.broadcast_to(max_offset_limit, ctr_origins.shape)
    limited = jnp.where(ctr_offsets > mol, mol, ctr_offsets)
    limited = jnp.where(limited < -mol, -mol, limited)
    ctr_preds = ctr_origins + limited
    return (ctr_preds, ctr_origins, ctr_offsets)

if __name__ == "__main__":
    import jax
    _d = setup_inputs()
    print(jax.jit(kernel)(*tuple(_d.values())))

</pallas_src>

<mosaic_0001>
#map = affine_map<(d0, d1) -> (0)>
#map1 = affine_map<(d0, d1) -> (0, 0, 0)>
module attributes {stable_mosaic.version = 14 : i64} {
  func.func @_sc_gather_body(%arg0: i32, %arg1: i32, %arg2: memref<32768xi32, #tpu.memory_space<hbm>>, %arg3: memref<131072xf32, #tpu.memory_space<hbm>>, %arg4: memref<131072xf32, #tpu.memory_space<hbm>>, %arg5: memref<131072xf32, #tpu.memory_space<hbm>>, %arg6: memref<131072xf32, #tpu.memory_space<hbm>>, %arg7: memref<131072xf32, #tpu.memory_space<hbm>>, %arg8: memref<131072xf32, #tpu.memory_space<hbm>>, %arg9: memref<131072xf32, #tpu.memory_space<hbm>>, %arg10: memref<131072xf32, #tpu.memory_space<hbm>>, %arg11: memref<131072xf32, #tpu.memory_space<hbm>>, %arg12: memref<96x8x128xf32, #tpu.memory_space<hbm>>, %arg13: memref<96x8x128xf32, #tpu.memory_space<hbm>>, %arg14: memref<96x8x128xf32, #tpu.memory_space<hbm>>, %arg15: memref<4096xi32, #tpu.memory_space<vmem>>, %arg16: memref<16384xf32, #tpu.memory_space<vmem>>, %arg17: memref<32x128xf32, #tpu.memory_space<vmem>>) attributes {dimension_semantics = [#tpu.dimension_semantics<core_parallel>, #tpu.dimension_semantics<subcore_parallel>], iteration_bounds = array<i64: 2, 16>, scalar_prefetch = 0 : i64, scratch_operands = 3 : i64, tpu.core_type = #tpu.core_type<sc_vector_subcore>, window_params = [{transform_indices = #map}, {transform_indices = #map}, {transform_indices = #map}, {transform_indices = #map}, {transform_indices = #map}, {transform_indices = #map}, {transform_indices = #map}, {transform_indices = #map}, {transform_indices = #map}, {transform_indices = #map}, {transform_indices = #map1}, {transform_indices = #map1}, {transform_indices = #map1}]} {
    %jit3A = arith.constant 4 : i32
    %eq3A = arith.constant 0 : i32
    %eq3A_0 = arith.cmpi eq, %jit3A, %eq3A : i32
    %jit3A_1 = arith.constant 1 : i32
    %select_n3A = arith.select %eq3A_0, %jit3A_1, %jit3A : i32
    %rem3A = arith.remsi %arg1, %select_n3A : i32
    %ne3A = arith.constant 0 : i32
    %ne3A_2 = arith.cmpi ne, %rem3A, %ne3A : i32
    %lt3A = arith.constant 0 : i32
    %lt3A_3 = arith.cmpi slt, %rem3A, %lt3A : i32
    %lt3A_4 = arith.constant 0 : i32
    %lt3A_5 = arith.cmpi slt, %select_n3A, %lt3A_4 : i32
    %ne3A_6 = arith.xori %lt3A_3, %lt3A_5 : i1
    %and3A = arith.andi %ne3A_6, %ne3A_2 : i1
    %add3A = arith.addi %rem3A, %select_n3A : i32
    %select_n3A_7 = arith.select %and3A, %add3A, %rem3A : i32
    %mul3A = arith.constant 2 : i32
    %mul3A_8 = arith.muli %mul3A, %select_n3A_7 : i32
    %add3A_9 = arith.addi %arg0, %mul3A_8 : i32
    %jit3A_10 = arith.constant 4 : i32
    %div3A = arith.divsi %arg1, %jit3A_10 : i32
    %sign3A = arith.constant 0 : i32
    %sign3A_11 = arith.cmpi sgt, %arg1, %sign3A : i32
    %sign3A_12 = arith.extui %sign3A_11 : i1 to i32
    %sign3A_13 = arith.constant 0 : i32
    %sign3A_14 = arith.cmpi slt, %arg1, %sign3A_13 : i32
    %sign3A_15 = arith.extui %sign3A_14 : i1 to i32
    %sign3A_16 = arith.subi %sign3A_12, %sign3A_15 : i32
    %sign3A_17 = arith.constant 0 : i32
    %sign3A_18 = arith.cmpi sgt, %jit3A_10, %sign3A_17 : i32
    %sign3A_19 = arith.extui %sign3A_18 : i1 to i32
    %sign3A_20 = arith.constant 0 : i32
    %sign3A_21 = arith.cmpi slt, %jit3A_10, %sign3A_20 : i32
    %sign3A_22 = arith.extui %sign3A_21 : i1 to i32
    %sign3A_23 = arith.subi %sign3A_19, %sign3A_22 : i32
    %ne3A_24 = arith.cmpi ne, %sign3A_16, %sign3A_23 : i32
    %rem3A_25 = arith.remsi %arg1, %jit3A_10 : i32
    %ne3A_26 = arith.constant 0 : i32
    %ne3A_27 = arith.cmpi ne, %rem3A_25, %ne3A_26 : i32
    %and3A_28 = arith.andi %ne3A_24, %ne3A_27 : i1
    %sub3A = arith.constant 1 : i32
    %sub3A_29 = arith.subi %div3A, %sub3A : i32
    %select_n3A_30 = arith.select %and3A_28, %sub3A_29, %div3A : i32
    %mul3A_31 = arith.constant 4096 : i32
    %mul3A_32 = arith.muli %add3A_9, %mul3A_31 : i32
    "tpu.region"() ({
      %run_scoped3A = tpu.sem_alloc : memref<!tpu.dma_semaphore, #tpu.memory_space<semaphore_mem>>
      %dma_start3A = tpu.memref_slice %arg2[%mul3A_32] : memref<32768xi32, #tpu.memory_space<hbm>> -> memref<4096xi32, #tpu.memory_space<hbm>>
      %dma_start3A_76 = tpu.memref_slice %arg2[%mul3A_32] : memref<32768xi32, #tpu.memory_space<hbm>> -> memref<4096xi32, #tpu.memory_space<hbm>>
      tpu.enqueue_dma source(%dma_start3A_76 : memref<4096xi32, #tpu.memory_space<hbm>>) target(%arg15 : memref<4096xi32, #tpu.memory_space<vmem>>) target_semaphore(%run_scoped3A : memref<!tpu.dma_semaphore, #tpu.memory_space<semaphore_mem>>)
      %dma_wait3A = tpu.memref_slice %arg2[%mul3A_32] : memref<32768xi32, #tpu.memory_space<hbm>> -> memref<4096xi32, #tpu.memory_space<hbm>>
      %dma_wait3A_77 = tpu.memref_slice %arg2[%mul3A_32] : memref<32768xi32, #tpu.memory_space<hbm>> -> memref<4096xi32, #tpu.memory_space<hbm>>
      tpu.wait_dma2 semaphore(%run_scoped3A : memref<!tpu.dma_semaphore, #tpu.memory_space<semaphore_mem>>) src(%dma_wait3A_77 : memref<4096xi32, #tpu.memory_space<hbm>>) dst(%arg15 : memref<4096xi32, #tpu.memory_space<vmem>>)
      tpu.yield
    }) : () -> ()
    %eq3A_33 = arith.constant 0 : i32
    %eq3A_34 = arith.cmpi eq, %select_n3A_30, %eq3A_33 : i32
    %convert_element_type3A = arith.extui %eq3A_34 : i1 to i32
    %cond3A = arith.constant 0 : i32
    %cond3A_35 = arith.cmpi ne, %convert_element_type3A, %cond3A : i32
    scf.if %cond3A_35 {
      %mul3A_76 = arith.constant 16384 : i32
      %mul3A_77 = arith.muli %add3A_9, %mul3A_76 : i32
      "tpu.region"() ({
        %run_scoped3A = tpu.sem_alloc : memref<!tpu.dma_semaphore, #tpu.memory_space<semaphore_mem>>
        %dma_start3A = tpu.memref_slice %arg3[%mul3A_77] : memref<131072xf32, #tpu.memory_space<hbm>> -> memref<16384xf32, #tpu.memory_space<hbm>>
        %dma_start3A_84 = tpu.memref_slice %arg3[%mul3A_77] : memref<131072xf32, #tpu.memory_space<hbm>> -> memref<16384xf32, #tpu.memory_space<hbm>>
        tpu.enqueue_dma source(%dma_start3A_84 : memref<16384xf32, #tpu.memory_space<hbm>>) target(%arg16 : memref<16384xf32, #tpu.memory_space<vmem>>) target_semaphore(%run_scoped3A : memref<!tpu.dma_semaphore, #tpu.memory_space<semaphore_mem>>)
        %dma_wait3A = tpu.memref_slice %arg3[%mul3A_77] : memref<131072xf32, #tpu.memory_space<hbm>> -> memref<16384xf32, #tpu.memory_space<hbm>>
        %dma_wait3A_85 = tpu.memref_slice %arg3[%mul3A_77] : memref<131072xf32, #tpu.memory_space<hbm>> -> memref<16384xf32, #tpu.memory_space<hbm>>
        tpu.wait_dma2 semaphore(%run_scoped3A : memref<!tpu.dma_semaphore, #tpu.memory_space<semaphore_mem>>) src(%dma_wait3A_85 : memref<16384xf32, #tpu.memory_space<hbm>>) dst(%arg16 : memref<16384xf32, #tpu.memory_space<vmem>>)
        tpu.yield
      }) : () -> ()
      %scan3A = arith.constant 0 : i32
      %scan3A_78 = arith.constant 0 : i32
      %scan3A_79 = arith.constant 256 : i32
      %scan3A_80 = arith.addi %scan3A_78, %scan3A_79 : i32
      %scan3A_81 = arith.constant 1 : i32
      %scan3A_82 = scf.for %scan3A_84 = %scan3A_78 to %scan3A_80 step %scan3A_81 iter_args(%scan3A_85 = %scan3A) -> (i32)  : i32 {
        %mul3A_86 = arith.constant 16 : i32
        %mul3A_87 = arith.muli %scan3A_84, %mul3A_86 : i32
        %get3A = arith.index_cast %mul3A_87 : i32 to index
        %get3A_88 = tpu.vector_load %arg15[%get3A] {strides = array<i32>} : memref<4096xi32, #tpu.memory_space<vmem>>, vector<16xi32>,
        %gather3A = tpu.vector_load_idx %arg16[%get3A_88] : memref<16384xf32, #tpu.memory_space<vmem>>[vector<16xi32>], vector<16xf32>,
        %jit3A_89 = arith.constant 8 : i32
        %div3A_90 = arith.divsi %scan3A_84, %jit3A_89 : i32
        %sign3A_91 = arith.constant 0 : i32
        %sign3A_92 = arith.cmpi sgt, %scan3A_84, %sign3A_91 : i32
        %sign3A_93 = arith.extui %sign3A_92 : i1 to i32
        %sign3A_94 = arith.constant 0 : i32
        %sign3A_95 = arith.cmpi slt, %scan3A_84, %sign3A_94 : i32
        %sign3A_96 = arith.extui %sign3A_95 : i1 to i32
        %sign3A_97 = arith.subi %sign3A_93, %sign3A_96 : i32
        %sign3A_98 = arith.constant 0 : i32
        %sign3A_99 = arith.cmpi sgt, %jit3A_89, %sign3A_98 : i32
        %sign3A_100 = arith.extui %sign3A_99 : i1 to i32
        %sign3A_101 = arith.constant 0 : i32
        %sign3A_102 = arith.cmpi slt, %jit3A_89, %sign3A_101 : i32
        %sign3A_103 = arith.extui %sign3A_102 : i1 to i32
        %sign3A_104 = arith.subi %sign3A_100, %sign3A_103 : i32
        %ne3A_105 = arith.cmpi ne, %sign3A_97, %sign3A_104 : i32
        %rem3A_106 = arith.remsi %scan3A_84, %jit3A_89 : i32
        %ne3A_107 = arith.constant 0 : i32
        %ne3A_108 = arith.cmpi ne, %rem3A_106, %ne3A_107 : i32
        %and3A_109 = arith.andi %ne3A_105, %ne3A_108 : i1
        %sub3A_110 = arith.constant 1 : i32
        %sub3A_111 = arith.subi %div3A_90, %sub3A_110 : i32
        %select_n3A_112 = arith.select %and3A_109, %sub3A_111, %div3A_90 : i32
        %jit3A_113 = arith.constant 8 : i32
        %eq3A_114 = arith.constant 0 : i32
        %eq3A_115 = arith.cmpi eq, %jit3A_113, %eq3A_114 : i32
        %jit3A_116 = arith.constant 1 : i32
        %select_n3A_117 = arith.select %eq3A_115, %jit3A_116, %jit3A_113 : i32
        %rem3A_118 = arith.remsi %scan3A_84, %select_n3A_117 : i32
        %ne3A_119 = arith.constant 0 : i32
        %ne3A_120 = arith.cmpi ne, %rem3A_118, %ne3A_119 : i32
        %lt3A_121 = arith.constant 0 : i32
        %lt3A_122 = arith.cmpi slt, %rem3A_118, %lt3A_121 : i32
        %lt3A_123 = arith.constant 0 : i32
        %lt3A_124 = arith.cmpi slt, %select_n3A_117, %lt3A_123 : i32
        %ne3A_125 = arith.xori %lt3A_122, %lt3A_124 : i1
        %and3A_126 = arith.andi %ne3A_125, %ne3A_120 : i1
        %add3A_127 = arith.addi %rem3A_118, %select_n3A_117 : i32
        %select_n3A_128 = arith.select %and3A_126, %add3A_127, %rem3A_118 : i32
        %mul3A_129 = arith.constant 16 : i32
        %mul3A_130 = arith.muli %select_n3A_128, %mul3A_129 : i32
        %swap3A = arith.index_cast %select_n3A_112 : i32 to index
        %swap3A_131 = arith.index_cast %mul3A_130 : i32 to index
        %swap3A_132 = tpu.vector_load %arg17[%swap3A, %swap3A_131] {strides = array<i32>} : memref<32x128xf32, #tpu.memory_space<vmem>>, vector<16xf32>,
        tpu.vector_store %arg17[%swap3A, %swap3A_131], %gather3A {strides = array<i32>} : memref<32x128xf32, #tpu.memory_space<vmem>>, vector<16xf32>,
        %scan3A_133 = arith.constant 0 : i32
        scf.yield %scan3A_133 : i32
      }
      %scan3A_83 = arith.constant 256 : i32
      "tpu.region"() ({
        %run_scoped3A = tpu.sem_alloc : memref<!tpu.dma_semaphore, #tpu.memory_space<semaphore_mem>>
        %dma_start3A = arith.constant 0 : i32
        %dma_start3A_84 = arith.constant 0 : i32
        %dma_start3A_85 = tpu.memref_slice %arg12[%dma_start3A, %add3A_9, %dma_start3A_84] : memref<96x8x128xf32, #tpu.memory_space<hbm>> -> memref<32x1x128xf32, #tpu.memory_space<hbm>>
        %dma_start3A_86 = tpu.memref_squeeze %dma_start3A_85 : memref<32x1x128xf32, #tpu.memory_space<hbm>> -> memref<32x128xf32, #tpu.memory_space<hbm>>
        %dma_start3A_87 = arith.constant 0 : i32
        %dma_start3A_88 = arith.constant 0 : i32
        %dma_start3A_89 = tpu.memref_slice %arg12[%dma_start3A_87, %add3A_9, %dma_start3A_88] : memref<96x8x128xf32, #tpu.memory_space<hbm>> -> memref<32x1x128xf32, #tpu.memory_space<hbm>>
        %dma_start3A_90 = tpu.memref_squeeze %dma_start3A_89 : memref<32x1x128xf32, #tpu.memory_space<hbm>> -> memref<32x128xf32, #tpu.memory_space<hbm>>
        tpu.enqueue_dma source(%arg17 : memref<32x128xf32, #tpu.memory_space<vmem>>) target(%dma_start3A_90 : memref<32x128xf32, #tpu.memory_space<hbm>>) target_semaphore(%run_scoped3A : memref<!tpu.dma_semaphore, #tpu.memory_space<semaphore_mem>>)
        %dma_wait3A = arith.constant 0 : i32
        %dma_wait3A_91 = arith.constant 0 : i32
        %dma_wait3A_92 = tpu.memref_slice %arg12[%dma_wait3A, %add3A_9, %dma_wait3A_91] : memref<96x8x128xf32, #tpu.memory_space<hbm>> -> memref<32x1x128xf32, #tpu.memory_space<hbm>>
        %dma_wait3A_93 = tpu.memref_squeeze %dma_wait3A_92 : memref<32x1x128xf32, #tpu.memory_space<hbm>> -> memref<32x128xf32, #tpu.memory_space<hbm>>
        %dma_wait3A_94 = arith.constant 0 : i32
        %dma_wait3A_95 = arith.constant 0 : i32
        %dma_wait3A_96 = tpu.memref_slice %arg12[%dma_wait3A_94, %add3A_9, %dma_wait3A_95] : memref<96x8x128xf32, #tpu.memory_space<hbm>> -> memref<32x1x128xf32, #tpu.memory_space<hbm>>
        %dma_wait3A_97 = tpu.memref_squeeze %dma_wait3A_96 : memref<32x1x128xf32, #tpu.memory_space<hbm>> -> memref<32x128xf32, #tpu.memory_space<hbm>>
        tpu.wait_dma2 semaphore(%run_scoped3A : memref<!tpu.dma_semaphore, #tpu.memory_space<semaphore_mem>>) src(%arg17 : memref<32x128xf32, #tpu.memory_space<vmem>>) dst(%dma_wait3A_97 : memref<32x128xf32, #tpu.memory_space<hbm>>)
        tpu.yield
      }) : () -> ()
    } else {
    }
    %eq3A_36 = arith.constant 1 : i32
    %eq3A_37 = arith.cmpi eq, %select_n3A_30, %eq3A_36 : i32
    %convert_element_type3A_38 = arith.extui %eq3A_37 : i1 to i32
    %cond3A_39 = arith.constant 0 : i32
    %cond3A_40 = arith.cmpi ne, %convert_element_type3A_38, %cond3A_39 : i32
    scf.if %cond3A_40 {
      %mul3A_76 = arith.constant 16384 : i32
      %mul3A_77 = arith.muli %add3A_9, %mul3A_76 : i32
      "tpu.region"() ({
        %run_scoped3A = tpu.sem_alloc : memref<!tpu.dma_semaphore, #tpu.memory_space<semaphore_mem>>
        %dma_start3A = tpu.memref_slice %arg4[%mul3A_77] : memref<131072xf32, #tpu.memory_space<hbm>> -> memref<16384xf32, #tpu.memory_space<hbm>>
        %dma_start3A_84 = tpu.memref_slice %arg4[%mul3A_77] : memref<131072xf32, #tpu.memory_space<hbm>> -> memref<16384xf32, #tpu.memory_space<hbm>>
        tpu.enqueue_dma source(%dma_start3A_84 : memref<16384xf32, #tpu.memory_space<hbm>>) target(%arg16 : memref<16384xf32, #tpu.memory_space<vmem>>) target_semaphore(%run_scoped3A : memref<!tpu.dma_semaphore, #tpu.memory_space<semaphore_mem>>)
        %dma_wait3A = tpu.memref_slice %arg4[%mul3A_77] : memref<131072xf32, #tpu.memory_space<hbm>> -> memref<16384xf32, #tpu.memory_space<hbm>>
        %dma_wait3A_85 = tpu.memref_slice %arg4[%mul3A_77] : memref<131072xf32, #tpu.memory_space<hbm>> -> memref<16384xf32, #tpu.memory_space<hbm>>
        tpu.wait_dma2 semaphore(%run_scoped3A : memref<!tpu.dma_semaphore, #tpu.memory_space<semaphore_mem>>) src(%dma_wait3A_85 : memref<16384xf32, #tpu.memory_space<hbm>>) dst(%arg16 : memref<16384xf32, #tpu.memory_space<vmem>>)
        tpu.yield
      }) : () -> ()
      %scan3A = arith.constant 0 : i32
      %scan3A_78 = arith.constant 0 : i32
      %scan3A_79 = arith.constant 256 : i32
      %scan3A_80 = arith.addi %scan3A_78, %scan3A_79 : i32
      %scan3A_81 = arith.constant 1 : i32
      %scan3A_82 = scf.for %scan3A_84 = %scan3A_78 to %scan3A_80 step %scan3A_81 iter_args(%scan3A_85 = %scan3A) -> (i32)  : i32 {
        %mul3A_86 = arith.constant 16 : i32
        %mul3A_87 = arith.muli %scan3A_84, %mul3A_86 : i32
        %get3A = arith.index_cast %mul3A_87 : i32 to index
        %get3A_88 = tpu.vector_load %arg15[%get3A] {strides = array<i32>} : memref<4096xi32, #tpu.memory_space<vmem>>, vector<16xi32>,
        %gather3A = tpu.vector_load_idx %arg16[%get3A_88] : memref<16384xf32, #tpu.memory_space<vmem>>[vector<16xi32>], vector<16xf32>,
        %jit3A_89 = arith.constant 8 : i32
        %div3A_90 = arith.divsi %scan3A_84, %jit3A_89 : i32
        %sign3A_91 = arith.constant 0 : i32
        %sign3A_92 = arith.cmpi sgt, %scan3A_84, %sign3A_91 : i32
        %sign3A_93 = arith.extui %sign3A_92 : i1 to i32
        %sign3A_94 = arith.constant 0 : i32
        %sign3A_95 = arith.cmpi slt, %scan3A_84, %sign3A_94 : i32
        %sign3A_96 = arith.extui %sign3A_95 : i1 to i32
        %sign3A_97 = arith.subi %sign3A_93, %sign3A_96 : i32
        %sign3A_98 = arith.constant 0 : i32
        %sign3A_99 = arith.cmpi sgt, %jit3A_89, %sign3A_98 : i32
        %sign3A_100 = arith.extui %sign3A_99 : i1 to i32
        %sign3A_101 = arith.constant 0 : i32
        %sign3A_102 = arith.cmpi slt, %jit3A_89, %sign3A_101 : i32
        %sign3A_103 = arith.extui %sign3A_102 : i1 to i32
        %sign3A_104 = arith.subi %sign3A_100, %sign3A_103 : i32
        %ne3A_105 = arith.cmpi ne, %sign3A_97, %sign3A_104 : i32
        %rem3A_106 = arith.remsi %scan3A_84, %jit3A_89 : i32
        %ne3A_107 = arith.constant 0 : i32
        %ne3A_108 = arith.cmpi ne, %rem3A_106, %ne3A_107 : i32
        %and3A_109 = arith.andi %ne3A_105, %ne3A_108 : i1
        %sub3A_110 = arith.constant 1 : i32
        %sub3A_111 = arith.subi %div3A_90, %sub3A_110 : i32
        %select_n3A_112 = arith.select %and3A_109, %sub3A_111, %div3A_90 : i32
        %jit3A_113 = arith.constant 8 : i32
        %eq3A_114 = arith.constant 0 : i32
        %eq3A_115 = arith.cmpi eq, %jit3A_113, %eq3A_114 : i32
        %jit3A_116 = arith.constant 1 : i32
        %select_n3A_117 = arith.select %eq3A_115, %jit3A_116, %jit3A_113 : i32
        %rem3A_118 = arith.remsi %scan3A_84, %select_n3A_117 : i32
        %ne3A_119 = arith.constant 0 : i32
        %ne3A_120 = arith.cmpi ne, %rem3A_118, %ne3A_119 : i32
        %lt3A_121 = arith.constant 0 : i32
        %lt3A_122 = arith.cmpi slt, %rem3A_118, %lt3A_121 : i32
        %lt3A_123 = arith.constant 0 : i32
        %lt3A_124 = arith.cmpi slt, %select_n3A_117, %lt3A_123 : i32
        %ne3A_125 = arith.xori %lt3A_122, %lt3A_124 : i1
        %and3A_126 = arith.andi %ne3A_125, %ne3A_120 : i1
        %add3A_127 = arith.addi %rem3A_118, %select_n3A_117 : i32
        %select_n3A_128 = arith.select %and3A_126, %add3A_127, %rem3A_118 : i32
        %mul3A_129 = arith.constant 16 : i32
        %mul3A_130 = arith.muli %select_n3A_128, %mul3A_129 : i32
        %swap3A = arith.index_cast %select_n3A_112 : i32 to index
        %swap3A_131 = arith.index_cast %mul3A_130 : i32 to index
        %swap3A_132 = tpu.vector_load %arg17[%swap3A, %swap3A_131] {strides = array<i32>} : memref<32x128xf32, #tpu.memory_space<vmem>>, vector<16xf32>,
        tpu.vector_store %arg17[%swap3A, %swap3A_131], %gather3A {strides = array<i32>} : memref<32x128xf32, #tpu.memory_space<vmem>>, vector<16xf32>,
        %scan3A_133 = arith.constant 0 : i32
        scf.yield %scan3A_133 : i32
      }
      %scan3A_83 = arith.constant 256 : i32
      "tpu.region"() ({
        %run_scoped3A = tpu.sem_alloc : memref<!tpu.dma_semaphore, #tpu.memory_space<semaphore_mem>>
        %dma_start3A = arith.constant 32 : i32
        %dma_start3A_84 = arith.constant 0 : i32
        %dma_start3A_85 = tpu.memref_slice %arg12[%dma_start3A, %add3A_9, %dma_start3A_84] : memref<96x8x128xf32, #tpu.memory_space<hbm>> -> memref<32x1x128xf32, #tpu.memory_space<hbm>>
        %dma_start3A_86 = tpu.memref_squeeze %dma_start3A_85 : memref<32x1x128xf32, #tpu.memory_space<hbm>> -> memref<32x128xf32, #tpu.memory_space<hbm>>
        %dma_start3A_87 = arith.constant 32 : i32
        %dma_start3A_88 = arith.constant 0 : i32
        %dma_start3A_89 = tpu.memref_slice %arg12[%dma_start3A_87, %add3A_9, %dma_start3A_88] : memref<96x8x128xf32, #tpu.memory_space<hbm>> -> memref<32x1x128xf32, #tpu.memory_space<hbm>>
        %dma_start3A_90 = tpu.memref_squeeze %dma_start3A_89 : memref<32x1x128xf32, #tpu.memory_space<hbm>> -> memref<32x128xf32, #tpu.memory_space<hbm>>
        tpu.enqueue_dma source(%arg17 : memref<32x128xf32, #tpu.memory_space<vmem>>) target(%dma_start3A_90 : memref<32x128xf32, #tpu.memory_space<hbm>>) target_semaphore(%run_scoped3A : memref<!tpu.dma_semaphore, #tpu.memory_space<semaphore_mem>>)
        %dma_wait3A = arith.constant 32 : i32
        %dma_wait3A_91 = arith.constant 0 : i32
        %dma_wait3A_92 = tpu.memref_slice %arg12[%dma_wait3A, %add3A_9, %dma_wait3A_91] : memref<96x8x128xf32, #tpu.memory_space<hbm>> -> memref<32x1x128xf32, #tpu.memory_space<hbm>>
        %dma_wait3A_93 = tpu.memref_squeeze %dma_wait3A_92 : memref<32x1x128xf32, #tpu.memory_space<hbm>> -> memref<32x128xf32, #tpu.memory_space<hbm>>
        %dma_wait3A_94 = arith.constant 32 : i32
        %dma_wait3A_95 = arith.constant 0 : i32
        %dma_wait3A_96 = tpu.memref_slice %arg12[%dma_wait3A_94, %add3A_9, %dma_wait3A_95] : memref<96x8x128xf32, #tpu.memory_space<hbm>> -> memref<32x1x128xf32, #tpu.memory_space<hbm>>
        %dma_wait3A_97 = tpu.memref_squeeze %dma_wait3A_96 : memref<32x1x128xf32, #tpu.memory_space<hbm>> -> memref<32x128xf32, #tpu.memory_space<hbm>>
        tpu.wait_dma2 semaphore(%run_scoped3A : memref<!tpu.dma_semaphore, #tpu.memory_space<semaphore_mem>>) src(%arg17 : memref<32x128xf32, #tpu.memory_space<vmem>>) dst(%dma_wait3A_97 : memref<32x128xf32, #tpu.memory_space<hbm>>)
        tpu.yield
      }) : () -> ()
    } else {
    }
    %eq3A_41 = arith.constant 2 : i32
    %eq3A_42 = arith.cmpi eq, %select_n3A_30, %eq3A_41 : i32
    %convert_element_type3A_43 = arith.extui %eq3A_42 : i1 to i32
    %cond3A_44 = arith.constant 0 : i32
    %cond3A_45 = arith.cmpi ne, %convert_element_type3A_43, %cond3A_44 : i32
    scf.if %cond3A_45 {
      %mul3A_76 = arith.constant 16384 : i32
      %mul3A_77 = arith.muli %add3A_9, %mul3A_76 : i32
      "tpu.region"() ({
        %run_scoped3A = tpu.sem_alloc : memref<!tpu.dma_semaphore, #tpu.memory_space<semaphore_mem>>
        %dma_start3A = tpu.memref_slice %arg5[%mul3A_77] : memref<131072xf32, #tpu.memory_space<hbm>> -> memref<16384xf32, #tpu.memory_space<hbm>>
        %dma_start3A_84 = tpu.memref_slice %arg5[%mul3A_77] : memref<131072xf32, #tpu.memory_space<hbm>> -> memref<16384xf32, #tpu.memory_space<hbm>>
        tpu.enqueue_dma source(%dma_start3A_84 : memref<16384xf32, #tpu.memory_space<hbm>>) target(%arg16 : memref<16384xf32, #tpu.memory_space<vmem>>) target_semaphore(%run_scoped3A : memref<!tpu.dma_semaphore, #tpu.memory_space<semaphore_mem>>)
        %dma_wait3A = tpu.memref_slice %arg5[%mul3A_77] : memref<131072xf32, #tpu.memory_space<hbm>> -> memref<16384xf32, #tpu.memory_space<hbm>>
        %dma_wait3A_85 = tpu.memref_slice %arg5[%mul3A_77] : memref<131072xf32, #tpu.memory_space<hbm>> -> memref<16384xf32, #tpu.memory_space<hbm>>
        tpu.wait_dma2 semaphore(%run_scoped3A : memref<!tpu.dma_semaphore, #tpu.memory_space<semaphore_mem>>) src(%dma_wait3A_85 : memref<16384xf32, #tpu.memory_space<hbm>>) dst(%arg16 : memref<16384xf32, #tpu.memory_space<vmem>>)
        tpu.yield
      }) : () -> ()
      %scan3A = arith.constant 0 : i32
      %scan3A_78 = arith.constant 0 : i32
      %scan3A_79 = arith.constant 256 : i32
      %scan3A_80 = arith.addi %scan3A_78, %scan3A_79 : i32
      %scan3A_81 = arith.constant 1 : i32
      %scan3A_82 = scf.for %scan3A_84 = %scan3A_78 to %scan3A_80 step %scan3A_81 iter_args(%scan3A_85 = %scan3A) -> (i32)  : i32 {
        %mul3A_86 = arith.constant 16 : i32
        %mul3A_87 = arith.muli %scan3A_84, %mul3A_86 : i32
        %get3A = arith.index_cast %mul3A_87 : i32 to index
        %get3A_88 = tpu.vector_load %arg15[%get3A] {strides = array<i32>} : memref<4096xi32, #tpu.memory_space<vmem>>, vector<16xi32>,
        %gather3A = tpu.vector_load_idx %arg16[%get3A_88] : memref<16384xf32, #tpu.memory_space<vmem>>[vector<16xi32>], vector<16xf32>,
        %jit3A_89 = arith.constant 8 : i32
        %div3A_90 = arith.divsi %scan3A_84, %jit3A_89 : i32
        %sign3A_91 = arith.constant 0 : i32
        %sign3A_92 = arith.cmpi sgt, %scan3A_84, %sign3A_91 : i32
        %sign3A_93 = arith.extui %sign3A_92 : i1 to i32
        %sign3A_94 = arith.constant 0 : i32
        %sign3A_95 = arith.cmpi slt, %scan3A_84, %sign3A_94 : i32
        %sign3A_96 = arith.extui %sign3A_95 : i1 to i32
        %sign3A_97 = arith.subi %sign3A_93, %sign3A_96 : i32
        %sign3A_98 = arith.constant 0 : i32
        %sign3A_99 = arith.cmpi sgt, %jit3A_89, %sign3A_98 : i32
        %sign3A_100 = arith.extui %sign3A_99 : i1 to i32
        %sign3A_101 = arith.constant 0 : i32
        %sign3A_102 = arith.cmpi slt, %jit3A_89, %sign3A_101 : i32
        %sign3A_103 = arith.extui %sign3A_102 : i1 to i32
        %sign3A_104 = arith.subi %sign3A_100, %sign3A_103 : i32
        %ne3A_105 = arith.cmpi ne, %sign3A_97, %sign3A_104 : i32
        %rem3A_106 = arith.remsi %scan3A_84, %jit3A_89 : i32
        %ne3A_107 = arith.constant 0 : i32
        %ne3A_108 = arith.cmpi ne, %rem3A_106, %ne3A_107 : i32
        %and3A_109 = arith.andi %ne3A_105, %ne3A_108 : i1
        %sub3A_110 = arith.constant 1 : i32
        %sub3A_111 = arith.subi %div3A_90, %sub3A_110 : i32
        %select_n3A_112 = arith.select %and3A_109, %sub3A_111, %div3A_90 : i32
        %jit3A_113 = arith.constant 8 : i32
        %eq3A_114 = arith.constant 0 : i32
        %eq3A_115 = arith.cmpi eq, %jit3A_113, %eq3A_114 : i32
        %jit3A_116 = arith.constant 1 : i32
        %select_n3A_117 = arith.select %eq3A_115, %jit3A_116, %jit3A_113 : i32
        %rem3A_118 = arith.remsi %scan3A_84, %select_n3A_117 : i32
        %ne3A_119 = arith.constant 0 : i32
        %ne3A_120 = arith.cmpi ne, %rem3A_118, %ne3A_119 : i32
        %lt3A_121 = arith.constant 0 : i32
        %lt3A_122 = arith.cmpi slt, %rem3A_118, %lt3A_121 : i32
        %lt3A_123 = arith.constant 0 : i32
        %lt3A_124 = arith.cmpi slt, %select_n3A_117, %lt3A_123 : i32
        %ne3A_125 = arith.xori %lt3A_122, %lt3A_124 : i1
        %and3A_126 = arith.andi %ne3A_125, %ne3A_120 : i1
        %add3A_127 = arith.addi %rem3A_118, %select_n3A_117 : i32
        %select_n3A_128 = arith.select %and3A_126, %add3A_127, %rem3A_118 : i32
        %mul3A_129 = arith.constant 16 : i32
        %mul3A_130 = arith.muli %select_n3A_128, %mul3A_129 : i32
        %swap3A = arith.index_cast %select_n3A_112 : i32 to index
        %swap3A_131 = arith.index_cast %mul3A_130 : i32 to index
        %swap3A_132 = tpu.vector_load %arg17[%swap3A, %swap3A_131] {strides = array<i32>} : memref<32x128xf32, #tpu.memory_space<vmem>>, vector<16xf32>,
        tpu.vector_store %arg17[%swap3A, %swap3A_131], %gather3A {strides = array<i32>} : memref<32x128xf32, #tpu.memory_space<vmem>>, vector<16xf32>,
        %scan3A_133 = arith.constant 0 : i32
        scf.yield %scan3A_133 : i32
      }
      %scan3A_83 = arith.constant 256 : i32
      "tpu.region"() ({
        %run_scoped3A = tpu.sem_alloc : memref<!tpu.dma_semaphore, #tpu.memory_space<semaphore_mem>>
        %dma_start3A = arith.constant 64 : i32
        %dma_start3A_84 = arith.constant 0 : i32
        %dma_start3A_85 = tpu.memref_slice %arg12[%dma_start3A, %add3A_9, %dma_start3A_84] : memref<96x8x128xf32, #tpu.memory_space<hbm>> -> memref<32x1x128xf32, #tpu.memory_space<hbm>>
        %dma_start3A_86 = tpu.memref_squeeze %dma_start3A_85 : memref<32x1x128xf32, #tpu.memory_space<hbm>> -> memref<32x128xf32, #tpu.memory_space<hbm>>
        %dma_start3A_87 = arith.constant 64 : i32
        %dma_start3A_88 = arith.constant 0 : i32
        %dma_start3A_89 = tpu.memref_slice %arg12[%dma_start3A_87, %add3A_9, %dma_start3A_88] : memref<96x8x128xf32, #tpu.memory_space<hbm>> -> memref<32x1x128xf32, #tpu.memory_space<hbm>>
        %dma_start3A_90 = tpu.memref_squeeze %dma_start3A_89 : memref<32x1x128xf32, #tpu.memory_space<hbm>> -> memref<32x128xf32, #tpu.memory_space<hbm>>
        tpu.enqueue_dma source(%arg17 : memref<32x128xf32, #tpu.memory_space<vmem>>) target(%dma_start3A_90 : memref<32x128xf32, #tpu.memory_space<hbm>>) target_semaphore(%run_scoped3A : memref<!tpu.dma_semaphore, #tpu.memory_space<semaphore_mem>>)
        %dma_wait3A = arith.constant 64 : i32
        %dma_wait3A_91 = arith.constant 0 : i32
        %dma_wait3A_92 = tpu.memref_slice %arg12[%dma_wait3A, %add3A_9, %dma_wait3A_91] : memref<96x8x128xf32, #tpu.memory_space<hbm>> -> memref<32x1x128xf32, #tpu.memory_space<hbm>>
        %dma_wait3A_93 = tpu.memref_squeeze %dma_wait3A_92 : memref<32x1x128xf32, #tpu.memory_space<hbm>> -> memref<32x128xf32, #tpu.memory_space<hbm>>
        %dma_wait3A_94 = arith.constant 64 : i32
        %dma_wait3A_95 = arith.constant 0 : i32
        %dma_wait3A_96 = tpu.memref_slice %arg12[%dma_wait3A_94, %add3A_9, %dma_wait3A_95] : memref<96x8x128xf32, #tpu.memory_space<hbm>> -> memref<32x1x128xf32, #tpu.memory_space<hbm>>
        %dma_wait3A_97 = tpu.memref_squeeze %dma_wait3A_96 : memref<32x1x128xf32, #tpu.memory_space<hbm>> -> memref<32x128xf32, #tpu.memory_space<hbm>>
        tpu.wait_dma2 semaphore(%run_scoped3A : memref<!tpu.dma_semaphore, #tpu.memory_space<semaphore_mem>>) src(%arg17 : memref<32x128xf32, #tpu.memory_space<vmem>>) dst(%dma_wait3A_97 : memref<32x128xf32, #tpu.memory_space<hbm>>)
        tpu.yield
      }) : () -> ()
    } else {
    }
    %eq3A_46 = arith.constant 3 : i32
    %eq3A_47 = arith.cmpi eq, %select_n3A_30, %eq3A_46 : i32
    %convert_element_type3A_48 = arith.extui %eq3A_47 : i1 to i32
    %cond3A_49 = arith.constant 0 : i32
    %cond3A_50 = arith.cmpi ne, %convert_element_type3A_48, %cond3A_49 : i32
    scf.if %cond3A_50 {
      %mul3A_76 = arith.constant 16384 : i32
      %mul3A_77 = arith.muli %add3A_9, %mul3A_76 : i32
      "tpu.region"() ({
        %run_scoped3A = tpu.sem_alloc : memref<!tpu.dma_semaphore, #tpu.memory_space<semaphore_mem>>
        %dma_start3A = tpu.memref_slice %arg9[%mul3A_77] : memref<131072xf32, #tpu.memory_space<hbm>> -> memref<16384xf32, #tpu.memory_space<hbm>>
        %dma_start3A_84 = tpu.memref_slice %arg9[%mul3A_77] : memref<131072xf32, #tpu.memory_space<hbm>> -> memref<16384xf32, #tpu.memory_space<hbm>>
        tpu.enqueue_dma source(%dma_start3A_84 : memref<16384xf32, #tpu.memory_space<hbm>>) target(%arg16 : memref<16384xf32, #tpu.memory_space<vmem>>) target_semaphore(%run_scoped3A : memref<!tpu.dma_semaphore, #tpu.memory_space<semaphore_mem>>)
        %dma_wait3A = tpu.memref_slice %arg9[%mul3A_77] : memref<131072xf32, #tpu.memory_space<hbm>> -> memref<16384xf32, #tpu.memory_space<hbm>>
        %dma_wait3A_85 = tpu.memref_slice %arg9[%mul3A_77] : memref<131072xf32, #tpu.memory_space<hbm>> -> memref<16384xf32, #tpu.memory_space<hbm>>
        tpu.wait_dma2 semaphore(%run_scoped3A : memref<!tpu.dma_semaphore, #tpu.memory_space<semaphore_mem>>) src(%dma_wait3A_85 : memref<16384xf32, #tpu.memory_space<hbm>>) dst(%arg16 : memref<16384xf32, #tpu.memory_space<vmem>>)
        tpu.yield
      }) : () -> ()
      %scan3A = arith.constant 0 : i32
      %scan3A_78 = arith.constant 0 : i32
      %scan3A_79 = arith.constant 256 : i32
      %scan3A_80 = arith.addi %scan3A_78, %scan3A_79 : i32
      %scan3A_81 = arith.constant 1 : i32
      %scan3A_82 = scf.for %scan3A_84 = %scan3A_78 to %scan3A_80 step %scan3A_81 iter_args(%scan3A_85 = %scan3A) -> (i32)  : i32 {
        %mul3A_86 = arith.constant 16 : i32
        %mul3A_87 = arith.muli %scan3A_84, %mul3A_86 : i32
        %get3A = arith.index_cast %mul3A_87 : i32 to index
        %get3A_88 = tpu.vector_load %arg15[%get3A] {strides = array<i32>} : memref<4096xi32, #tpu.memory_space<vmem>>, vector<16xi32>,
        %gather3A = tpu.vector_load_idx %arg16[%get3A_88] : memref<16384xf32, #tpu.memory_space<vmem>>[vector<16xi32>], vector<16xf32>,
        %jit3A_89 = arith.constant 8 : i32
        %div3A_90 = arith.divsi %scan3A_84, %jit3A_89 : i32
        %sign3A_91 = arith.constant 0 : i32
        %sign3A_92 = arith.cmpi sgt, %scan3A_84, %sign3A_91 : i32
        %sign3A_93 = arith.extui %sign3A_92 : i1 to i32
        %sign3A_94 = arith.constant 0 : i32
        %sign3A_95 = arith.cmpi slt, %scan3A_84, %sign3A_94 : i32
        %sign3A_96 = arith.extui %sign3A_95 : i1 to i32
        %sign3A_97 = arith.subi %sign3A_93, %sign3A_96 : i32
        %sign3A_98 = arith.constant 0 : i32
        %sign3A_99 = arith.cmpi sgt, %jit3A_89, %sign3A_98 : i32
        %sign3A_100 = arith.extui %sign3A_99 : i1 to i32
        %sign3A_101 = arith.constant 0 : i32
        %sign3A_102 = arith.cmpi slt, %jit3A_89, %sign3A_101 : i32
        %sign3A_103 = arith.extui %sign3A_102 : i1 to i32
        %sign3A_104 = arith.subi %sign3A_100, %sign3A_103 : i32
        %ne3A_105 = arith.cmpi ne, %sign3A_97, %sign3A_104 : i32
        %rem3A_106 = arith.remsi %scan3A_84, %jit3A_89 : i32
        %ne3A_107 = arith.constant 0 : i32
        %ne3A_108 = arith.cmpi ne, %rem3A_106, %ne3A_107 : i32
        %and3A_109 = arith.andi %ne3A_105, %ne3A_108 : i1
        %sub3A_110 = arith.constant 1 : i32
        %sub3A_111 = arith.subi %div3A_90, %sub3A_110 : i32
        %select_n3A_112 = arith.select %and3A_109, %sub3A_111, %div3A_90 : i32
        %jit3A_113 = arith.constant 8 : i32
        %eq3A_114 = arith.constant 0 : i32
        %eq3A_115 = arith.cmpi eq, %jit3A_113, %eq3A_114 : i32
        %jit3A_116 = arith.constant 1 : i32
        %select_n3A_117 = arith.select %eq3A_115, %jit3A_116, %jit3A_113 : i32
        %rem3A_118 = arith.remsi %scan3A_84, %select_n3A_117 : i32
        %ne3A_119 = arith.constant 0 : i32
        %ne3A_120 = arith.cmpi ne, %rem3A_118, %ne3A_119 : i32
        %lt3A_121 = arith.constant 0 : i32
        %lt3A_122 = arith.cmpi slt, %rem3A_118, %lt3A_121 : i32
        %lt3A_123 = arith.constant 0 : i32
        %lt3A_124 = arith.cmpi slt, %select_n3A_117, %lt3A_123 : i32
        %ne3A_125 = arith.xori %lt3A_122, %lt3A_124 : i1
        %and3A_126 = arith.andi %ne3A_125, %ne3A_120 : i1
        %add3A_127 = arith.addi %rem3A_118, %select_n3A_117 : i32
        %select_n3A_128 = arith.select %and3A_126, %add3A_127, %rem3A_118 : i32
        %mul3A_129 = arith.constant 16 : i32
        %mul3A_130 = arith.muli %select_n3A_128, %mul3A_129 : i32
        %swap3A = arith.index_cast %select_n3A_112 : i32 to index
        %swap3A_131 = arith.index_cast %mul3A_130 : i32 to index
        %swap3A_132 = tpu.vector_load %arg17[%swap3A, %swap3A_131] {strides = array<i32>} : memref<32x128xf32, #tpu.memory_space<vmem>>, vector<16xf32>,
        tpu.vector_store %arg17[%swap3A, %swap3A_131], %gather3A {strides = array<i32>} : memref<32x128xf32, #tpu.memory_space<vmem>>, vector<16xf32>,
        %scan3A_133 = arith.constant 0 : i32
        scf.yield %scan3A_133 : i32
      }
      %scan3A_83 = arith.constant 256 : i32
      "tpu.region"() ({
        %run_scoped3A = tpu.sem_alloc : memref<!tpu.dma_semaphore, #tpu.memory_space<semaphore_mem>>
        %dma_start3A = arith.constant 0 : i32
        %dma_start3A_84 = arith.constant 0 : i32
        %dma_start3A_85 = tpu.memref_slice %arg13[%dma_start3A, %add3A_9, %dma_start3A_84] : memref<96x8x128xf32, #tpu.memory_space<hbm>> -> memref<32x1x128xf32, #tpu.memory_space<hbm>>
        %dma_start3A_86 = tpu.memref_squeeze %dma_start3A_85 : memref<32x1x128xf32, #tpu.memory_space<hbm>> -> memref<32x128xf32, #tpu.memory_space<hbm>>
        %dma_start3A_87 = arith.constant 0 : i32
        %dma_start3A_88 = arith.constant 0 : i32
        %dma_start3A_89 = tpu.memref_slice %arg13[%dma_start3A_87, %add3A_9, %dma_start3A_88] : memref<96x8x128xf32, #tpu.memory_space<hbm>> -> memref<32x1x128xf32, #tpu.memory_space<hbm>>
        %dma_start3A_90 = tpu.memref_squeeze %dma_start3A_89 : memref<32x1x128xf32, #tpu.memory_space<hbm>> -> memref<32x128xf32, #tpu.memory_space<hbm>>
        tpu.enqueue_dma source(%arg17 : memref<32x128xf32, #tpu.memory_space<vmem>>) target(%dma_start3A_90 : memref<32x128xf32, #tpu.memory_space<hbm>>) target_semaphore(%run_scoped3A : memref<!tpu.dma_semaphore, #tpu.memory_space<semaphore_mem>>)
        %dma_wait3A = arith.constant 0 : i32
        %dma_wait3A_91 = arith.constant 0 : i32
        %dma_wait3A_92 = tpu.memref_slice %arg13[%dma_wait3A, %add3A_9, %dma_wait3A_91] : memref<96x8x128xf32, #tpu.memory_space<hbm>> -> memref<32x1x128xf32, #tpu.memory_space<hbm>>
        %dma_wait3A_93 = tpu.memref_squeeze %dma_wait3A_92 : memref<32x1x128xf32, #tpu.memory_space<hbm>> -> memref<32x128xf32, #tpu.memory_space<hbm>>
        %dma_wait3A_94 = arith.constant 0 : i32
        %dma_wait3A_95 = arith.constant 0 : i32
        %dma_wait3A_96 = tpu.memref_slice %arg13[%dma_wait3A_94, %add3A_9, %dma_wait3A_95] : memref<96x8x128xf32, #tpu.memory_space<hbm>> -> memref<32x1x128xf32, #tpu.memory_space<hbm>>
        %dma_wait3A_97 = tpu.memref_squeeze %dma_wait3A_96 : memref<32x1x128xf32, #tpu.memory_space<hbm>> -> memref<32x128xf32, #tpu.memory_space<hbm>>
        tpu.wait_dma2 semaphore(%run_scoped3A : memref<!tpu.dma_semaphore, #tpu.memory_space<semaphore_mem>>) src(%arg17 : memref<32x128xf32, #tpu.memory_space<vmem>>) dst(%dma_wait3A_97 : memref<32x128xf32, #tpu.memory_space<hbm>>)
        tpu.yield
      }) : () -> ()
    } else {
    }
    %eq3A_51 = arith.constant 0 : i32
    %eq3A_52 = arith.cmpi eq, %select_n3A_30, %eq3A_51 : i32
    %convert_element_type3A_53 = arith.extui %eq3A_52 : i1 to i32
    %cond3A_54 = arith.constant 0 : i32
    %cond3A_55 = arith.cmpi ne, %convert_element_type3A_53, %cond3A_54 : i32
    scf.if %cond3A_55 {
      %mul3A_76 = arith.constant 16384 : i32
      %mul3A_77 = arith.muli %add3A_9, %mul3A_76 : i32
      "tpu.region"() ({
        %run_scoped3A = tpu.sem_alloc : memref<!tpu.dma_semaphore, #tpu.memory_space<semaphore_mem>>
        %dma_start3A = tpu.memref_slice %arg10[%mul3A_77] : memref<131072xf32, #tpu.memory_space<hbm>> -> memref<16384xf32, #tpu.memory_space<hbm>>
        %dma_start3A_84 = tpu.memref_slice %arg10[%mul3A_77] : memref<131072xf32, #tpu.memory_space<hbm>> -> memref<16384xf32, #tpu.memory_space<hbm>>
        tpu.enqueue_dma source(%dma_start3A_84 : memref<16384xf32, #tpu.memory_space<hbm>>) target(%arg16 : memref<16384xf32, #tpu.memory_space<vmem>>) target_semaphore(%run_scoped3A : memref<!tpu.dma_semaphore, #tpu.memory_space<semaphore_mem>>)
        %dma_wait3A = tpu.memref_slice %arg10[%mul3A_77] : memref<131072xf32, #tpu.memory_space<hbm>> -> memref<16384xf32, #tpu.memory_space<hbm>>
        %dma_wait3A_85 = tpu.memref_slice %arg10[%mul3A_77] : memref<131072xf32, #tpu.memory_space<hbm>> -> memref<16384xf32, #tpu.memory_space<hbm>>
        tpu.wait_dma2 semaphore(%run_scoped3A : memref<!tpu.dma_semaphore, #tpu.memory_space<semaphore_mem>>) src(%dma_wait3A_85 : memref<16384xf32, #tpu.memory_space<hbm>>) dst(%arg16 : memref<16384xf32, #tpu.memory_space<vmem>>)
        tpu.yield
      }) : () -> ()
      %scan3A = arith.constant 0 : i32
      %scan3A_78 = arith.constant 0 : i32
      %scan3A_79 = arith.constant 256 : i32
      %scan3A_80 = arith.addi %scan3A_78, %scan3A_79 : i32
      %scan3A_81 = arith.constant 1 : i32
      %scan3A_82 = scf.for %scan3A_84 = %scan3A_78 to %scan3A_80 step %scan3A_81 iter_args(%scan3A_85 = %scan3A) -> (i32)  : i32 {
        %mul3A_86 = arith.constant 16 : i32
        %mul3A_87 = arith.muli %scan3A_84, %mul3A_86 : i32
        %get3A = arith.index_cast %mul3A_87 : i32 to index
        %get3A_88 = tpu.vector_load %arg15[%get3A] {strides = array<i32>} : memref<4096xi32, #tpu.memory_space<vmem>>, vector<16xi32>,
        %gather3A = tpu.vector_load_idx %arg16[%get3A_88] : memref<16384xf32, #tpu.memory_space<vmem>>[vector<16xi32>], vector<16xf32>,
        %jit3A_89 = arith.constant 8 : i32
        %div3A_90 = arith.divsi %scan3A_84, %jit3A_89 : i32
        %sign3A_91 = arith.constant 0 : i32
        %sign3A_92 = arith.cmpi sgt, %scan3A_84, %sign3A_91 : i32
        %sign3A_93 = arith.extui %sign3A_92 : i1 to i32
        %sign3A_94 = arith.constant 0 : i32
        %sign3A_95 = arith.cmpi slt, %scan3A_84, %sign3A_94 : i32
        %sign3A_96 = arith.extui %sign3A_95 : i1 to i32
        %sign3A_97 = arith.subi %sign3A_93, %sign3A_96 : i32
        %sign3A_98 = arith.constant 0 : i32
        %sign3A_99 = arith.cmpi sgt, %jit3A_89, %sign3A_98 : i32
        %sign3A_100 = arith.extui %sign3A_99 : i1 to i32
        %sign3A_101 = arith.constant 0 : i32
        %sign3A_102 = arith.cmpi slt, %jit3A_89, %sign3A_101 : i32
        %sign3A_103 = arith.extui %sign3A_102 : i1 to i32
        %sign3A_104 = arith.subi %sign3A_100, %sign3A_103 : i32
        %ne3A_105 = arith.cmpi ne, %sign3A_97, %sign3A_104 : i32
        %rem3A_106 = arith.remsi %scan3A_84, %jit3A_89 : i32
        %ne3A_107 = arith.constant 0 : i32
        %ne3A_108 = arith.cmpi ne, %rem3A_106, %ne3A_107 : i32
        %and3A_109 = arith.andi %ne3A_105, %ne3A_108 : i1
        %sub3A_110 = arith.constant 1 : i32
        %sub3A_111 = arith.subi %div3A_90, %sub3A_110 : i32
        %select_n3A_112 = arith.select %and3A_109, %sub3A_111, %div3A_90 : i32
        %jit3A_113 = arith.constant 8 : i32
        %eq3A_114 = arith.constant 0 : i32
        %eq3A_115 = arith.cmpi eq, %jit3A_113, %eq3A_114 : i32
        %jit3A_116 = arith.constant 1 : i32
        %select_n3A_117 = arith.select %eq3A_115, %jit3A_116, %jit3A_113 : i32
        %rem3A_118 = arith.remsi %scan3A_84, %select_n3A_117 : i32
        %ne3A_119 = arith.constant 0 : i32
        %ne3A_120 = arith.cmpi ne, %rem3A_118, %ne3A_119 : i32
        %lt3A_121 = arith.constant 0 : i32
        %lt3A_122 = arith.cmpi slt, %rem3A_118, %lt3A_121 : i32
        %lt3A_123 = arith.constant 0 : i32
        %lt3A_124 = arith.cmpi slt, %select_n3A_117, %lt3A_123 : i32
        %ne3A_125 = arith.xori %lt3A_122, %lt3A_124 : i1
        %and3A_126 = arith.andi %ne3A_125, %ne3A_120 : i1
        %add3A_127 = arith.addi %rem3A_118, %select_n3A_117 : i32
        %select_n3A_128 = arith.select %and3A_126, %add3A_127, %rem3A_118 : i32
        %mul3A_129 = arith.constant 16 : i32
        %mul3A_130 = arith.muli %select_n3A_128, %mul3A_129 : i32
        %swap3A = arith.index_cast %select_n3A_112 : i32 to index
        %swap3A_131 = arith.index_cast %mul3A_130 : i32 to index
        %swap3A_132 = tpu.vector_load %arg17[%swap3A, %swap3A_131] {strides = array<i32>} : memref<32x128xf32, #tpu.memory_space<vmem>>, vector<16xf32>,
        tpu.vector_store %arg17[%swap3A, %swap3A_131], %gather3A {strides = array<i32>} : memref<32x128xf32, #tpu.memory_space<vmem>>, vector<16xf32>,
        %scan3A_133 = arith.constant 0 : i32
        scf.yield %scan3A_133 : i32
      }
      %scan3A_83 = arith.constant 256 : i32
      "tpu.region"() ({
        %run_scoped3A = tpu.sem_alloc : memref<!tpu.dma_semaphore, #tpu.memory_space<semaphore_mem>>
        %dma_start3A = arith.constant 32 : i32
        %dma_start3A_84 = arith.constant 0 : i32
        %dma_start3A_85 = tpu.memref_slice %arg13[%dma_start3A, %add3A_9, %dma_start3A_84] : memref<96x8x128xf32, #tpu.memory_space<hbm>> -> memref<32x1x128xf32, #tpu.memory_space<hbm>>
        %dma_start3A_86 = tpu.memref_squeeze %dma_start3A_85 : memref<32x1x128xf32, #tpu.memory_space<hbm>> -> memref<32x128xf32, #tpu.memory_space<hbm>>
        %dma_start3A_87 = arith.constant 32 : i32
        %dma_start3A_88 = arith.constant 0 : i32
        %dma_start3A_89 = tpu.memref_slice %arg13[%dma_start3A_87, %add3A_9, %dma_start3A_88] : memref<96x8x128xf32, #tpu.memory_space<hbm>> -> memref<32x1x128xf32, #tpu.memory_space<hbm>>
        %dma_start3A_90 = tpu.memref_squeeze %dma_start3A_89 : memref<32x1x128xf32, #tpu.memory_space<hbm>> -> memref<32x128xf32, #tpu.memory_space<hbm>>
        tpu.enqueue_dma source(%arg17 : memref<32x128xf32, #tpu.memory_space<vmem>>) target(%dma_start3A_90 : memref<32x128xf32, #tpu.memory_space<hbm>>) target_semaphore(%run_scoped3A : memref<!tpu.dma_semaphore, #tpu.memory_space<semaphore_mem>>)
        %dma_wait3A = arith.constant 32 : i32
        %dma_wait3A_91 = arith.constant 0 : i32
        %dma_wait3A_92 = tpu.memref_slice %arg13[%dma_wait3A, %add3A_9, %dma_wait3A_91] : memref<96x8x128xf32, #tpu.memory_space<hbm>> -> memref<32x1x128xf32, #tpu.memory_space<hbm>>
        %dma_wait3A_93 = tpu.memref_squeeze %dma_wait3A_92 : memref<32x1x128xf32, #tpu.memory_space<hbm>> -> memref<32x128xf32, #tpu.memory_space<hbm>>
        %dma_wait3A_94 = arith.constant 32 : i32
        %dma_wait3A_95 = arith.constant 0 : i32
        %dma_wait3A_96 = tpu.memref_slice %arg13[%dma_wait3A_94, %add3A_9, %dma_wait3A_95] : memref<96x8x128xf32, #tpu.memory_space<hbm>> -> memref<32x1x128xf32, #tpu.memory_space<hbm>>
        %dma_wait3A_97 = tpu.memref_squeeze %dma_wait3A_96 : memref<32x1x128xf32, #tpu.memory_space<hbm>> -> memref<32x128xf32, #tpu.memory_space<hbm>>
        tpu.wait_dma2 semaphore(%run_scoped3A : memref<!tpu.dma_semaphore, #tpu.memory_space<semaphore_mem>>) src(%arg17 : memref<32x128xf32, #tpu.memory_space<vmem>>) dst(%dma_wait3A_97 : memref<32x128xf32, #tpu.memory_space<hbm>>)
        tpu.yield
      }) : () -> ()
    } else {
    }
    %eq3A_56 = arith.constant 1 : i32
    %eq3A_57 = arith.cmpi eq, %select_n3A_30, %eq3A_56 : i32
    %convert_element_type3A_58 = arith.extui %eq3A_57 : i1 to i32
    %cond3A_59 = arith.constant 0 : i32
    %cond3A_60 = arith.cmpi ne, %convert_element_type3A_58, %cond3A_59 : i32
    scf.if %cond3A_60 {
      %mul3A_76 = arith.constant 16384 : i32
      %mul3A_77 = arith.muli %add3A_9, %mul3A_76 : i32
      "tpu.region"() ({
        %run_scoped3A = tpu.sem_alloc : memref<!tpu.dma_semaphore, #tpu.memory_space<semaphore_mem>>
        %dma_start3A = tpu.memref_slice %arg11[%mul3A_77] : memref<131072xf32, #tpu.memory_space<hbm>> -> memref<16384xf32, #tpu.memory_space<hbm>>
        %dma_start3A_84 = tpu.memref_slice %arg11[%mul3A_77] : memref<131072xf32, #tpu.memory_space<hbm>> -> memref<16384xf32, #tpu.memory_space<hbm>>
        tpu.enqueue_dma source(%dma_start3A_84 : memref<16384xf32, #tpu.memory_space<hbm>>) target(%arg16 : memref<16384xf32, #tpu.memory_space<vmem>>) target_semaphore(%run_scoped3A : memref<!tpu.dma_semaphore, #tpu.memory_space<semaphore_mem>>)
        %dma_wait3A = tpu.memref_slice %arg11[%mul3A_77] : memref<131072xf32, #tpu.memory_space<hbm>> -> memref<16384xf32, #tpu.memory_space<hbm>>
        %dma_wait3A_85 = tpu.memref_slice %arg11[%mul3A_77] : memref<131072xf32, #tpu.memory_space<hbm>> -> memref<16384xf32, #tpu.memory_space<hbm>>
        tpu.wait_dma2 semaphore(%run_scoped3A : memref<!tpu.dma_semaphore, #tpu.memory_space<semaphore_mem>>) src(%dma_wait3A_85 : memref<16384xf32, #tpu.memory_space<hbm>>) dst(%arg16 : memref<16384xf32, #tpu.memory_space<vmem>>)
        tpu.yield
      }) : () -> ()
      %scan3A = arith.constant 0 : i32
      %scan3A_78 = arith.constant 0 : i32
      %scan3A_79 = arith.constant 256 : i32
      %scan3A_80 = arith.addi %scan3A_78, %scan3A_79 : i32
      %scan3A_81 = arith.constant 1 : i32
      %scan3A_82 = scf.for %scan3A_84 = %scan3A_78 to %scan3A_80 step %scan3A_81 iter_args(%scan3A_85 = %scan3A) -> (i32)  : i32 {
        %mul3A_86 = arith.constant 16 : i32
        %mul3A_87 = arith.muli %scan3A_84, %mul3A_86 : i32
        %get3A = arith.index_cast %mul3A_87 : i32 to index
        %get3A_88 = tpu.vector_load %arg15[%get3A] {strides = array<i32>} : memref<4096xi32, #tpu.memory_space<vmem>>, vector<16xi32>,
        %gather3A = tpu.vector_load_idx %arg16[%get3A_88] : memref<16384xf32, #tpu.memory_space<vmem>>[vector<16xi32>], vector<16xf32>,
        %jit3A_89 = arith.constant 8 : i32
        %div3A_90 = arith.divsi %scan3A_84, %jit3A_89 : i32
        %sign3A_91 = arith.constant 0 : i32
        %sign3A_92 = arith.cmpi sgt, %scan3A_84, %sign3A_91 : i32
        %sign3A_93 = arith.extui %sign3A_92 : i1 to i32
        %sign3A_94 = arith.constant 0 : i32
        %sign3A_95 = arith.cmpi slt, %scan3A_84, %sign3A_94 : i32
        %sign3A_96 = arith.extui %sign3A_95 : i1 to i32
        %sign3A_97 = arith.subi %sign3A_93, %sign3A_96 : i32
        %sign3A_98 = arith.constant 0 : i32
        %sign3A_99 = arith.cmpi sgt, %jit3A_89, %sign3A_98 : i32
        %sign3A_100 = arith.extui %sign3A_99 : i1 to i32
        %sign3A_101 = arith.constant 0 : i32
        %sign3A_102 = arith.cmpi slt, %jit3A_89, %sign3A_101 : i32
        %sign3A_103 = arith.extui %sign3A_102 : i1 to i32
        %sign3A_104 = arith.subi %sign3A_100, %sign3A_103 : i32
        %ne3A_105 = arith.cmpi ne, %sign3A_97, %sign3A_104 : i32
        %rem3A_106 = arith.remsi %scan3A_84, %jit3A_89 : i32
        %ne3A_107 = arith.constant 0 : i32
        %ne3A_108 = arith.cmpi ne, %rem3A_106, %ne3A_107 : i32
        %and3A_109 = arith.andi %ne3A_105, %ne3A_108 : i1
        %sub3A_110 = arith.constant 1 : i32
        %sub3A_111 = arith.subi %div3A_90, %sub3A_110 : i32
        %select_n3A_112 = arith.select %and3A_109, %sub3A_111, %div3A_90 : i32
        %jit3A_113 = arith.constant 8 : i32
        %eq3A_114 = arith.constant 0 : i32
        %eq3A_115 = arith.cmpi eq, %jit3A_113, %eq3A_114 : i32
        %jit3A_116 = arith.constant 1 : i32
        %select_n3A_117 = arith.select %eq3A_115, %jit3A_116, %jit3A_113 : i32
        %rem3A_118 = arith.remsi %scan3A_84, %select_n3A_117 : i32
        %ne3A_119 = arith.constant 0 : i32
        %ne3A_120 = arith.cmpi ne, %rem3A_118, %ne3A_119 : i32
        %lt3A_121 = arith.constant 0 : i32
        %lt3A_122 = arith.cmpi slt, %rem3A_118, %lt3A_121 : i32
        %lt3A_123 = arith.constant 0 : i32
        %lt3A_124 = arith.cmpi slt, %select_n3A_117, %lt3A_123 : i32
        %ne3A_125 = arith.xori %lt3A_122, %lt3A_124 : i1
        %and3A_126 = arith.andi %ne3A_125, %ne3A_120 : i1
        %add3A_127 = arith.addi %rem3A_118, %select_n3A_117 : i32
        %select_n3A_128 = arith.select %and3A_126, %add3A_127, %rem3A_118 : i32
        %mul3A_129 = arith.constant 16 : i32
        %mul3A_130 = arith.muli %select_n3A_128, %mul3A_129 : i32
        %swap3A = arith.index_cast %select_n3A_112 : i32 to index
        %swap3A_131 = arith.index_cast %mul3A_130 : i32 to index
        %swap3A_132 = tpu.vector_load %arg17[%swap3A, %swap3A_131] {strides = array<i32>} : memref<32x128xf32, #tpu.memory_space<vmem>>, vector<16xf32>,
        tpu.vector_store %arg17[%swap3A, %swap3A_131], %gather3A {strides = array<i32>} : memref<32x128xf32, #tpu.memory_space<vmem>>, vector<16xf32>,
        %scan3A_133 = arith.constant 0 : i32
        scf.yield %scan3A_133 : i32
      }
      %scan3A_83 = arith.constant 256 : i32
      "tpu.region"() ({
        %run_scoped3A = tpu.sem_alloc : memref<!tpu.dma_semaphore, #tpu.memory_space<semaphore_mem>>
        %dma_start3A = arith.constant 64 : i32
        %dma_start3A_84 = arith.constant 0 : i32
        %dma_start3A_85 = tpu.memref_slice %arg13[%dma_start3A, %add3A_9, %dma_start3A_84] : memref<96x8x128xf32, #tpu.memory_space<hbm>> -> memref<32x1x128xf32, #tpu.memory_space<hbm>>
        %dma_start3A_86 = tpu.memref_squeeze %dma_start3A_85 : memref<32x1x128xf32, #tpu.memory_space<hbm>> -> memref<32x128xf32, #tpu.memory_space<hbm>>
        %dma_start3A_87 = arith.constant 64 : i32
        %dma_start3A_88 = arith.constant 0 : i32
        %dma_start3A_89 = tpu.memref_slice %arg13[%dma_start3A_87, %add3A_9, %dma_start3A_88] : memref<96x8x128xf32, #tpu.memory_space<hbm>> -> memref<32x1x128xf32, #tpu.memory_space<hbm>>
        %dma_start3A_90 = tpu.memref_squeeze %dma_start3A_89 : memref<32x1x128xf32, #tpu.memory_space<hbm>> -> memref<32x128xf32, #tpu.memory_space<hbm>>
        tpu.enqueue_dma source(%arg17 : memref<32x128xf32, #tpu.memory_space<vmem>>) target(%dma_start3A_90 : memref<32x128xf32, #tpu.memory_space<hbm>>) target_semaphore(%run_scoped3A : memref<!tpu.dma_semaphore, #tpu.memory_space<semaphore_mem>>)
        %dma_wait3A = arith.constant 64 : i32
        %dma_wait3A_91 = arith.constant 0 : i32
        %dma_wait3A_92 = tpu.memref_slice %arg13[%dma_wait3A, %add3A_9, %dma_wait3A_91] : memref<96x8x128xf32, #tpu.memory_space<hbm>> -> memref<32x1x128xf32, #tpu.memory_space<hbm>>
        %dma_wait3A_93 = tpu.memref_squeeze %dma_wait3A_92 : memref<32x1x128xf32, #tpu.memory_space<hbm>> -> memref<32x128xf32, #tpu.memory_space<hbm>>
        %dma_wait3A_94 = arith.constant 64 : i32
        %dma_wait3A_95 = arith.constant 0 : i32
        %dma_wait3A_96 = tpu.memref_slice %arg13[%dma_wait3A_94, %add3A_9, %dma_wait3A_95] : memref<96x8x128xf32, #tpu.memory_space<hbm>> -> memref<32x1x128xf32, #tpu.memory_space<hbm>>
        %dma_wait3A_97 = tpu.memref_squeeze %dma_wait3A_96 : memref<32x1x128xf32, #tpu.memory_space<hbm>> -> memref<32x128xf32, #tpu.memory_space<hbm>>
        tpu.wait_dma2 semaphore(%run_scoped3A : memref<!tpu.dma_semaphore, #tpu.memory_space<semaphore_mem>>) src(%arg17 : memref<32x128xf32, #tpu.memory_space<vmem>>) dst(%dma_wait3A_97 : memref<32x128xf32, #tpu.memory_space<hbm>>)
        tpu.yield
      }) : () -> ()
    } else {
    }
    %eq3A_61 = arith.constant 2 : i32
    %eq3A_62 = arith.cmpi eq, %select_n3A_30, %eq3A_61 : i32
    %convert_element_type3A_63 = arith.extui %eq3A_62 : i1 to i32
    %cond3A_64 = arith.constant 0 : i32
    %cond3A_65 = arith.cmpi ne, %convert_element_type3A_63, %cond3A_64 : i32
    scf.if %cond3A_65 {
      %mul3A_76 = arith.constant 16384 : i32
      %mul3A_77 = arith.muli %add3A_9, %mul3A_76 : i32
      "tpu.region"() ({
        %run_scoped3A = tpu.sem_alloc : memref<!tpu.dma_semaphore, #tpu.memory_space<semaphore_mem>>
        %dma_start3A = tpu.memref_slice %arg6[%mul3A_77] : memref<131072xf32, #tpu.memory_space<hbm>> -> memref<16384xf32, #tpu.memory_space<hbm>>
        %dma_start3A_84 = tpu.memref_slice %arg6[%mul3A_77] : memref<131072xf32, #tpu.memory_space<hbm>> -> memref<16384xf32, #tpu.memory_space<hbm>>
        tpu.enqueue_dma source(%dma_start3A_84 : memref<16384xf32, #tpu.memory_space<hbm>>) target(%arg16 : memref<16384xf32, #tpu.memory_space<vmem>>) target_semaphore(%run_scoped3A : memref<!tpu.dma_semaphore, #tpu.memory_space<semaphore_mem>>)
        %dma_wait3A = tpu.memref_slice %arg6[%mul3A_77] : memref<131072xf32, #tpu.memory_space<hbm>> -> memref<16384xf32, #tpu.memory_space<hbm>>
        %dma_wait3A_85 = tpu.memref_slice %arg6[%mul3A_77] : memref<131072xf32, #tpu.memory_space<hbm>> -> memref<16384xf32, #tpu.memory_space<hbm>>
        tpu.wait_dma2 semaphore(%run_scoped3A : memref<!tpu.dma_semaphore, #tpu.memory_space<semaphore_mem>>) src(%dma_wait3A_85 : memref<16384xf32, #tpu.memory_space<hbm>>) dst(%arg16 : memref<16384xf32, #tpu.memory_space<vmem>>)
        tpu.yield
      }) : () -> ()
      %scan3A = arith.constant 0 : i32
      %scan3A_78 = arith.constant 0 : i32
      %scan3A_79 = arith.constant 256 : i32
      %scan3A_80 = arith.addi %scan3A_78, %scan3A_79 : i32
      %scan3A_81 = arith.constant 1 : i32
      %scan3A_82 = scf.for %scan3A_84 = %scan3A_78 to %scan3A_80 step %scan3A_81 iter_args(%scan3A_85 = %scan3A) -> (i32)  : i32 {
        %mul3A_86 = arith.constant 16 : i32
        %mul3A_87 = arith.muli %scan3A_84, %mul3A_86 : i32
        %get3A = arith.index_cast %mul3A_87 : i32 to index
        %get3A_88 = tpu.vector_load %arg15[%get3A] {strides = array<i32>} : memref<4096xi32, #tpu.memory_space<vmem>>, vector<16xi32>,
        %gather3A = tpu.vector_load_idx %arg16[%get3A_88] : memref<16384xf32, #tpu.memory_space<vmem>>[vector<16xi32>], vector<16xf32>,
        %jit3A_89 = arith.constant 8 : i32
        %div3A_90 = arith.divsi %scan3A_84, %jit3A_89 : i32
        %sign3A_91 = arith.constant 0 : i32
        %sign3A_92 = arith.cmpi sgt, %scan3A_84, %sign3A_91 : i32
        %sign3A_93 = arith.extui %sign3A_92 : i1 to i32
        %sign3A_94 = arith.constant 0 : i32
        %sign3A_95 = arith.cmpi slt, %scan3A_84, %sign3A_94 : i32
        %sign3A_96 = arith.extui %sign3A_95 : i1 to i32
        %sign3A_97 = arith.subi %sign3A_93, %sign3A_96 : i32
        %sign3A_98 = arith.constant 0 : i32
        %sign3A_99 = arith.cmpi sgt, %jit3A_89, %sign3A_98 : i32
        %sign3A_100 = arith.extui %sign3A_99 : i1 to i32
        %sign3A_101 = arith.constant 0 : i32
        %sign3A_102 = arith.cmpi slt, %jit3A_89, %sign3A_101 : i32
        %sign3A_103 = arith.extui %sign3A_102 : i1 to i32
        %sign3A_104 = arith.subi %sign3A_100, %sign3A_103 : i32
        %ne3A_105 = arith.cmpi ne, %sign3A_97, %sign3A_104 : i32
        %rem3A_106 = arith.remsi %scan3A_84, %jit3A_89 : i32
        %ne3A_107 = arith.constant 0 : i32
        %ne3A_108 = arith.cmpi ne, %rem3A_106, %ne3A_107 : i32
        %and3A_109 = arith.andi %ne3A_105, %ne3A_108 : i1
        %sub3A_110 = arith.constant 1 : i32
        %sub3A_111 = arith.subi %div3A_90, %sub3A_110 : i32
        %select_n3A_112 = arith.select %and3A_109, %sub3A_111, %div3A_90 : i32
        %jit3A_113 = arith.constant 8 : i32
        %eq3A_114 = arith.constant 0 : i32
        %eq3A_115 = arith.cmpi eq, %jit3A_113, %eq3A_114 : i32
        %jit3A_116 = arith.constant 1 : i32
        %select_n3A_117 = arith.select %eq3A_115, %jit3A_116, %jit3A_113 : i32
        %rem3A_118 = arith.remsi %scan3A_84, %select_n3A_117 : i32
        %ne3A_119 = arith.constant 0 : i32
        %ne3A_120 = arith.cmpi ne, %rem3A_118, %ne3A_119 : i32
        %lt3A_121 = arith.constant 0 : i32
        %lt3A_122 = arith.cmpi slt, %rem3A_118, %lt3A_121 : i32
        %lt3A_123 = arith.constant 0 : i32
        %lt3A_124 = arith.cmpi slt, %select_n3A_117, %lt3A_123 : i32
        %ne3A_125 = arith.xori %lt3A_122, %lt3A_124 : i1
        %and3A_126 = arith.andi %ne3A_125, %ne3A_120 : i1
        %add3A_127 = arith.addi %rem3A_118, %select_n3A_117 : i32
        %select_n3A_128 = arith.select %and3A_126, %add3A_127, %rem3A_118 : i32
        %mul3A_129 = arith.constant 16 : i32
        %mul3A_130 = arith.muli %select_n3A_128, %mul3A_129 : i32
        %swap3A = arith.index_cast %select_n3A_112 : i32 to index
        %swap3A_131 = arith.index_cast %mul3A_130 : i32 to index
        %swap3A_132 = tpu.vector_load %arg17[%swap3A, %swap3A_131] {strides = array<i32>} : memref<32x128xf32, #tpu.memory_space<vmem>>, vector<16xf32>,
        tpu.vector_store %arg17[%swap3A, %swap3A_131], %gather3A {strides = array<i32>} : memref<32x128xf32, #tpu.memory_space<vmem>>, vector<16xf32>,
        %scan3A_133 = arith.constant 0 : i32
        scf.yield %scan3A_133 : i32
      }
      %scan3A_83 = arith.constant 256 : i32
      "tpu.region"() ({
        %run_scoped3A = tpu.sem_alloc : memref<!tpu.dma_semaphore, #tpu.memory_space<semaphore_mem>>
        %dma_start3A = arith.constant 0 : i32
        %dma_start3A_84 = arith.constant 0 : i32
        %dma_start3A_85 = tpu.memref_slice %arg14[%dma_start3A, %add3A_9, %dma_start3A_84] : memref<96x8x128xf32, #tpu.memory_space<hbm>> -> memref<32x1x128xf32, #tpu.memory_space<hbm>>
        %dma_start3A_86 = tpu.memref_squeeze %dma_start3A_85 : memref<32x1x128xf32, #tpu.memory_space<hbm>> -> memref<32x128xf32, #tpu.memory_space<hbm>>
        %dma_start3A_87 = arith.constant 0 : i32
        %dma_start3A_88 = arith.constant 0 : i32
        %dma_start3A_89 = tpu.memref_slice %arg14[%dma_start3A_87, %add3A_9, %dma_start3A_88] : memref<96x8x128xf32, #tpu.memory_space<hbm>> -> memref<32x1x128xf32, #tpu.memory_space<hbm>>
        %dma_start3A_90 = tpu.memref_squeeze %dma_start3A_89 : memref<32x1x128xf32, #tpu.memory_space<hbm>> -> memref<32x128xf32, #tpu.memory_space<hbm>>
        tpu.enqueue_dma source(%arg17 : memref<32x128xf32, #tpu.memory_space<vmem>>) target(%dma_start3A_90 : memref<32x128xf32, #tpu.memory_space<hbm>>) target_semaphore(%run_scoped3A : memref<!tpu.dma_semaphore, #tpu.memory_space<semaphore_mem>>)
        %dma_wait3A = arith.constant 0 : i32
        %dma_wait3A_91 = arith.constant 0 : i32
        %dma_wait3A_92 = tpu.memref_slice %arg14[%dma_wait3A, %add3A_9, %dma_wait3A_91] : memref<96x8x128xf32, #tpu.memory_space<hbm>> -> memref<32x1x128xf32, #tpu.memory_space<hbm>>
        %dma_wait3A_93 = tpu.memref_squeeze %dma_wait3A_92 : memref<32x1x128xf32, #tpu.memory_space<hbm>> -> memref<32x128xf32, #tpu.memory_space<hbm>>
        %dma_wait3A_94 = arith.constant 0 : i32
        %dma_wait3A_95 = arith.constant 0 : i32
        %dma_wait3A_96 = tpu.memref_slice %arg14[%dma_wait3A_94, %add3A_9, %dma_wait3A_95] : memref<96x8x128xf32, #tpu.memory_space<hbm>> -> memref<32x1x128xf32, #tpu.memory_space<hbm>>
        %dma_wait3A_97 = tpu.memref_squeeze %dma_wait3A_96 : memref<32x1x128xf32, #tpu.memory_space<hbm>> -> memref<32x128xf32, #tpu.memory_space<hbm>>
        tpu.wait_dma2 semaphore(%run_scoped3A : memref<!tpu.dma_semaphore, #tpu.memory_space<semaphore_mem>>) src(%arg17 : memref<32x128xf32, #tpu.memory_space<vmem>>) dst(%dma_wait3A_97 : memref<32x128xf32, #tpu.memory_space<hbm>>)
        tpu.yield
      }) : () -> ()
    } else {
    }
    %eq3A_66 = arith.constant 3 : i32
    %eq3A_67 = arith.cmpi eq, %select_n3A_30, %eq3A_66 : i32
    %convert_element_type3A_68 = arith.extui %eq3A_67 : i1 to i32
    %cond3A_69 = arith.constant 0 : i32
    %cond3A_70 = arith.cmpi ne, %convert_element_type3A_68, %cond3A_69 : i32
    scf.if %cond3A_70 {
      %mul3A_76 = arith.constant 16384 : i32
      %mul3A_77 = arith.muli %add3A_9, %mul3A_76 : i32
      "tpu.region"() ({
        %run_scoped3A = tpu.sem_alloc : memref<!tpu.dma_semaphore, #tpu.memory_space<semaphore_mem>>
        %dma_start3A = tpu.memref_slice %arg7[%mul3A_77] : memref<131072xf32, #tpu.memory_space<hbm>> -> memref<16384xf32, #tpu.memory_space<hbm>>
        %dma_start3A_84 = tpu.memref_slice %arg7[%mul3A_77] : memref<131072xf32, #tpu.memory_space<hbm>> -> memref<16384xf32, #tpu.memory_space<hbm>>
        tpu.enqueue_dma source(%dma_start3A_84 : memref<16384xf32, #tpu.memory_space<hbm>>) target(%arg16 : memref<16384xf32, #tpu.memory_space<vmem>>) target_semaphore(%run_scoped3A : memref<!tpu.dma_semaphore, #tpu.memory_space<semaphore_mem>>)
        %dma_wait3A = tpu.memref_slice %arg7[%mul3A_77] : memref<131072xf32, #tpu.memory_space<hbm>> -> memref<16384xf32, #tpu.memory_space<hbm>>
        %dma_wait3A_85 = tpu.memref_slice %arg7[%mul3A_77] : memref<131072xf32, #tpu.memory_space<hbm>> -> memref<16384xf32, #tpu.memory_space<hbm>>
        tpu.wait_dma2 semaphore(%run_scoped3A : memref<!tpu.dma_semaphore, #tpu.memory_space<semaphore_mem>>) src(%dma_wait3A_85 : memref<16384xf32, #tpu.memory_space<hbm>>) dst(%arg16 : memref<16384xf32, #tpu.memory_space<vmem>>)
        tpu.yield
      }) : () -> ()
      %scan3A = arith.constant 0 : i32
      %scan3A_78 = arith.constant 0 : i32
      %scan3A_79 = arith.constant 256 : i32
      %scan3A_80 = arith.addi %scan3A_78, %scan3A_79 : i32
      %scan3A_81 = arith.constant 1 : i32
      %scan3A_82 = scf.for %scan3A_84 = %scan3A_78 to %scan3A_80 step %scan3A_81 iter_args(%scan3A_85 = %scan3A) -> (i32)  : i32 {
        %mul3A_86 = arith.constant 16 : i32
        %mul3A_87 = arith.muli %scan3A_84, %mul3A_86 : i32
        %get3A = arith.index_cast %mul3A_87 : i32 to index
        %get3A_88 = tpu.vector_load %arg15[%get3A] {strides = array<i32>} : memref<4096xi32, #tpu.memory_space<vmem>>, vector<16xi32>,
        %gather3A = tpu.vector_load_idx %arg16[%get3A_88] : memref<16384xf32, #tpu.memory_space<vmem>>[vector<16xi32>], vector<16xf32>,
        %jit3A_89 = arith.constant 8 : i32
        %div3A_90 = arith.divsi %scan3A_84, %jit3A_89 : i32
        %sign3A_91 = arith.constant 0 : i32
        %sign3A_92 = arith.cmpi sgt, %scan3A_84, %sign3A_91 : i32
        %sign3A_93 = arith.extui %sign3A_92 : i1 to i32
        %sign3A_94 = arith.constant 0 : i32
        %sign3A_95 = arith.cmpi slt, %scan3A_84, %sign3A_94 : i32
        %sign3A_96 = arith.extui %sign3A_95 : i1 to i32
        %sign3A_97 = arith.subi %sign3A_93, %sign3A_96 : i32
        %sign3A_98 = arith.constant 0 : i32
        %sign3A_99 = arith.cmpi sgt, %jit3A_89, %sign3A_98 : i32
        %sign3A_100 = arith.extui %sign3A_99 : i1 to i32
        %sign3A_101 = arith.constant 0 : i32
        %sign3A_102 = arith.cmpi slt, %jit3A_89, %sign3A_101 : i32
        %sign3A_103 = arith.extui %sign3A_102 : i1 to i32
        %sign3A_104 = arith.subi %sign3A_100, %sign3A_103 : i32
        %ne3A_105 = arith.cmpi ne, %sign3A_97, %sign3A_104 : i32
        %rem3A_106 = arith.remsi %scan3A_84, %jit3A_89 : i32
        %ne3A_107 = arith.constant 0 : i32
        %ne3A_108 = arith.cmpi ne, %rem3A_106, %ne3A_107 : i32
        %and3A_109 = arith.andi %ne3A_105, %ne3A_108 : i1
        %sub3A_110 = arith.constant 1 : i32
        %sub3A_111 = arith.subi %div3A_90, %sub3A_110 : i32
        %select_n3A_112 = arith.select %and3A_109, %sub3A_111, %div3A_90 : i32
        %jit3A_113 = arith.constant 8 : i32
        %eq3A_114 = arith.constant 0 : i32
        %eq3A_115 = arith.cmpi eq, %jit3A_113, %eq3A_114 : i32
        %jit3A_116 = arith.constant 1 : i32
        %select_n3A_117 = arith.select %eq3A_115, %jit3A_116, %jit3A_113 : i32
        %rem3A_118 = arith.remsi %scan3A_84, %select_n3A_117 : i32
        %ne3A_119 = arith.constant 0 : i32
        %ne3A_120 = arith.cmpi ne, %rem3A_118, %ne3A_119 : i32
        %lt3A_121 = arith.constant 0 : i32
        %lt3A_122 = arith.cmpi slt, %rem3A_118, %lt3A_121 : i32
        %lt3A_123 = arith.constant 0 : i32
        %lt3A_124 = arith.cmpi slt, %select_n3A_117, %lt3A_123 : i32
        %ne3A_125 = arith.xori %lt3A_122, %lt3A_124 : i1
        %and3A_126 = arith.andi %ne3A_125, %ne3A_120 : i1
        %add3A_127 = arith.addi %rem3A_118, %select_n3A_117 : i32
        %select_n3A_128 = arith.select %and3A_126, %add3A_127, %rem3A_118 : i32
        %mul3A_129 = arith.constant 16 : i32
        %mul3A_130 = arith.muli %select_n3A_128, %mul3A_129 : i32
        %swap3A = arith.index_cast %select_n3A_112 : i32 to index
        %swap3A_131 = arith.index_cast %mul3A_130 : i32 to index
        %swap3A_132 = tpu.vector_load %arg17[%swap3A, %swap3A_131] {strides = array<i32>} : memref<32x128xf32, #tpu.memory_space<vmem>>, vector<16xf32>,
        tpu.vector_store %arg17[%swap3A, %swap3A_131], %gather3A {strides = array<i32>} : memref<32x128xf32, #tpu.memory_space<vmem>>, vector<16xf32>,
        %scan3A_133 = arith.constant 0 : i32
        scf.yield %scan3A_133 : i32
      }
      %scan3A_83 = arith.constant 256 : i32
      "tpu.region"() ({
        %run_scoped3A = tpu.sem_alloc : memref<!tpu.dma_semaphore, #tpu.memory_space<semaphore_mem>>
        %dma_start3A = arith.constant 32 : i32
        %dma_start3A_84 = arith.constant 0 : i32
        %dma_start3A_85 = tpu.memref_slice %arg14[%dma_start3A, %add3A_9, %dma_start3A_84] : memref<96x8x128xf32, #tpu.memory_space<hbm>> -> memref<32x1x128xf32, #tpu.memory_space<hbm>>
        %dma_start3A_86 = tpu.memref_squeeze %dma_start3A_85 : memref<32x1x128xf32, #tpu.memory_space<hbm>> -> memref<32x128xf32, #tpu.memory_space<hbm>>
        %dma_start3A_87 = arith.constant 32 : i32
        %dma_start3A_88 = arith.constant 0 : i32
        %dma_start3A_89 = tpu.memref_slice %arg14[%dma_start3A_87, %add3A_9, %dma_start3A_88] : memref<96x8x128xf32, #tpu.memory_space<hbm>> -> memref<32x1x128xf32, #tpu.memory_space<hbm>>
        %dma_start3A_90 = tpu.memref_squeeze %dma_start3A_89 : memref<32x1x128xf32, #tpu.memory_space<hbm>> -> memref<32x128xf32, #tpu.memory_space<hbm>>
        tpu.enqueue_dma source(%arg17 : memref<32x128xf32, #tpu.memory_space<vmem>>) target(%dma_start3A_90 : memref<32x128xf32, #tpu.memory_space<hbm>>) target_semaphore(%run_scoped3A : memref<!tpu.dma_semaphore, #tpu.memory_space<semaphore_mem>>)
        %dma_wait3A = arith.constant 32 : i32
        %dma_wait3A_91 = arith.constant 0 : i32
        %dma_wait3A_92 = tpu.memref_slice %arg14[%dma_wait3A, %add3A_9, %dma_wait3A_91] : memref<96x8x128xf32, #tpu.memory_space<hbm>> -> memref<32x1x128xf32, #tpu.memory_space<hbm>>
        %dma_wait3A_93 = tpu.memref_squeeze %dma_wait3A_92 : memref<32x1x128xf32, #tpu.memory_space<hbm>> -> memref<32x128xf32, #tpu.memory_space<hbm>>
        %dma_wait3A_94 = arith.constant 32 : i32
        %dma_wait3A_95 = arith.constant 0 : i32
        %dma_wait3A_96 = tpu.memref_slice %arg14[%dma_wait3A_94, %add3A_9, %dma_wait3A_95] : memref<96x8x128xf32, #tpu.memory_space<hbm>> -> memref<32x1x128xf32, #tpu.memory_space<hbm>>
        %dma_wait3A_97 = tpu.memref_squeeze %dma_wait3A_96 : memref<32x1x128xf32, #tpu.memory_space<hbm>> -> memref<32x128xf32, #tpu.memory_space<hbm>>
        tpu.wait_dma2 semaphore(%run_scoped3A : memref<!tpu.dma_semaphore, #tpu.memory_space<semaphore_mem>>) src(%arg17 : memref<32x128xf32, #tpu.memory_space<vmem>>) dst(%dma_wait3A_97 : memref<32x128xf32, #tpu.memory_space<hbm>>)
        tpu.yield
      }) : () -> ()
    } else {
    }
    %eq3A_71 = arith.constant 0 : i32
    %eq3A_72 = arith.cmpi eq, %select_n3A_30, %eq3A_71 : i32
    %convert_element_type3A_73 = arith.extui %eq3A_72 : i1 to i32
    %cond3A_74 = arith.constant 0 : i32
    %cond3A_75 = arith.cmpi ne, %convert_element_type3A_73, %cond3A_74 : i32
    scf.if %cond3A_75 {
      %mul3A_76 = arith.constant 16384 : i32
      %mul3A_77 = arith.muli %add3A_9, %mul3A_76 : i32
      "tpu.region"() ({
        %run_scoped3A = tpu.sem_alloc : memref<!tpu.dma_semaphore, #tpu.memory_space<semaphore_mem>>
        %dma_start3A = tpu.memref_slice %arg8[%mul3A_77] : memref<131072xf32, #tpu.memory_space<hbm>> -> memref<16384xf32, #tpu.memory_space<hbm>>
        %dma_start3A_84 = tpu.memref_slice %arg8[%mul3A_77] : memref<131072xf32, #tpu.memory_space<hbm>> -> memref<16384xf32, #tpu.memory_space<hbm>>
        tpu.enqueue_dma source(%dma_start3A_84 : memref<16384xf32, #tpu.memory_space<hbm>>) target(%arg16 : memref<16384xf32, #tpu.memory_space<vmem>>) target_semaphore(%run_scoped3A : memref<!tpu.dma_semaphore, #tpu.memory_space<semaphore_mem>>)
        %dma_wait3A = tpu.memref_slice %arg8[%mul3A_77] : memref<131072xf32, #tpu.memory_space<hbm>> -> memref<16384xf32, #tpu.memory_space<hbm>>
        %dma_wait3A_85 = tpu.memref_slice %arg8[%mul3A_77] : memref<131072xf32, #tpu.memory_space<hbm>> -> memref<16384xf32, #tpu.memory_space<hbm>>
        tpu.wait_dma2 semaphore(%run_scoped3A : memref<!tpu.dma_semaphore, #tpu.memory_space<semaphore_mem>>) src(%dma_wait3A_85 : memref<16384xf32, #tpu.memory_space<hbm>>) dst(%arg16 : memref<16384xf32, #tpu.memory_space<vmem>>)
        tpu.yield
      }) : () -> ()
      %scan3A = arith.constant 0 : i32
      %scan3A_78 = arith.constant 0 : i32
      %scan3A_79 = arith.constant 256 : i32
      %scan3A_80 = arith.addi %scan3A_78, %scan3A_79 : i32
      %scan3A_81 = arith.constant 1 : i32
      %scan3A_82 = scf.for %scan3A_84 = %scan3A_78 to %scan3A_80 step %scan3A_81 iter_args(%scan3A_85 = %scan3A) -> (i32)  : i32 {
        %mul3A_86 = arith.constant 16 : i32
        %mul3A_87 = arith.muli %scan3A_84, %mul3A_86 : i32
        %get3A = arith.index_cast %mul3A_87 : i32 to index
        %get3A_88 = tpu.vector_load %arg15[%get3A] {strides = array<i32>} : memref<4096xi32, #tpu.memory_space<vmem>>, vector<16xi32>,
        %gather3A = tpu.vector_load_idx %arg16[%get3A_88] : memref<16384xf32, #tpu.memory_space<vmem>>[vector<16xi32>], vector<16xf32>,
        %jit3A_89 = arith.constant 8 : i32
        %div3A_90 = arith.divsi %scan3A_84, %jit3A_89 : i32
        %sign3A_91 = arith.constant 0 : i32
        %sign3A_92 = arith.cmpi sgt, %scan3A_84, %sign3A_91 : i32
        %sign3A_93 = arith.extui %sign3A_92 : i1 to i32
        %sign3A_94 = arith.constant 0 : i32
        %sign3A_95 = arith.cmpi slt, %scan3A_84, %sign3A_94 : i32
        %sign3A_96 = arith.extui %sign3A_95 : i1 to i32
        %sign3A_97 = arith.subi %sign3A_93, %sign3A_96 : i32
        %sign3A_98 = arith.constant 0 : i32
        %sign3A_99 = arith.cmpi sgt, %jit3A_89, %sign3A_98 : i32
        %sign3A_100 = arith.extui %sign3A_99 : i1 to i32
        %sign3A_101 = arith.constant 0 : i32
        %sign3A_102 = arith.cmpi slt, %jit3A_89, %sign3A_101 : i32
        %sign3A_103 = arith.extui %sign3A_102 : i1 to i32
        %sign3A_104 = arith.subi %sign3A_100, %sign3A_103 : i32
        %ne3A_105 = arith.cmpi ne, %sign3A_97, %sign3A_104 : i32
        %rem3A_106 = arith.remsi %scan3A_84, %jit3A_89 : i32
        %ne3A_107 = arith.constant 0 : i32
        %ne3A_108 = arith.cmpi ne, %rem3A_106, %ne3A_107 : i32
        %and3A_109 = arith.andi %ne3A_105, %ne3A_108 : i1
        %sub3A_110 = arith.constant 1 : i32
        %sub3A_111 = arith.subi %div3A_90, %sub3A_110 : i32
        %select_n3A_112 = arith.select %and3A_109, %sub3A_111, %div3A_90 : i32
        %jit3A_113 = arith.constant 8 : i32
        %eq3A_114 = arith.constant 0 : i32
        %eq3A_115 = arith.cmpi eq, %jit3A_113, %eq3A_114 : i32
        %jit3A_116 = arith.constant 1 : i32
        %select_n3A_117 = arith.select %eq3A_115, %jit3A_116, %jit3A_113 : i32
        %rem3A_118 = arith.remsi %scan3A_84, %select_n3A_117 : i32
        %ne3A_119 = arith.constant 0 : i32
        %ne3A_120 = arith.cmpi ne, %rem3A_118, %ne3A_119 : i32
        %lt3A_121 = arith.constant 0 : i32
        %lt3A_122 = arith.cmpi slt, %rem3A_118, %lt3A_121 : i32
        %lt3A_123 = arith.constant 0 : i32
        %lt3A_124 = arith.cmpi slt, %select_n3A_117, %lt3A_123 : i32
        %ne3A_125 = arith.xori %lt3A_122, %lt3A_124 : i1
        %and3A_126 = arith.andi %ne3A_125, %ne3A_120 : i1
        %add3A_127 = arith.addi %rem3A_118, %select_n3A_117 : i32
        %select_n3A_128 = arith.select %and3A_126, %add3A_127, %rem3A_118 : i32
        %mul3A_129 = arith.constant 16 : i32
        %mul3A_130 = arith.muli %select_n3A_128, %mul3A_129 : i32
        %swap3A = arith.index_cast %select_n3A_112 : i32 to index
        %swap3A_131 = arith.index_cast %mul3A_130 : i32 to index
        %swap3A_132 = tpu.vector_load %arg17[%swap3A, %swap3A_131] {strides = array<i32>} : memref<32x128xf32, #tpu.memory_space<vmem>>, vector<16xf32>,
        tpu.vector_store %arg17[%swap3A, %swap3A_131], %gather3A {strides = array<i32>} : memref<32x128xf32, #tpu.memory_space<vmem>>, vector<16xf32>,
        %scan3A_133 = arith.constant 0 : i32
        scf.yield %scan3A_133 : i32
      }
      %scan3A_83 = arith.constant 256 : i32
      "tpu.region"() ({
        %run_scoped3A = tpu.sem_alloc : memref<!tpu.dma_semaphore, #tpu.memory_space<semaphore_mem>>
        %dma_start3A = arith.constant 64 : i32
        %dma_start3A_84 = arith.constant 0 : i32
        %dma_start3A_85 = tpu.memref_slice %arg14[%dma_start3A, %add3A_9, %dma_start3A_84] : memref<96x8x128xf32, #tpu.memory_space<hbm>> -> memref<32x1x128xf32, #tpu.memory_space<hbm>>
        %dma_start3A_86 = tpu.memref_squeeze %dma_start3A_85 : memref<32x1x128xf32, #tpu.memory_space<hbm>> -> memref<32x128xf32, #tpu.memory_space<hbm>>
        %dma_start3A_87 = arith.constant 64 : i32
        %dma_start3A_88 = arith.constant 0 : i32
        %dma_start3A_89 = tpu.memref_slice %arg14[%dma_start3A_87, %add3A_9, %dma_start3A_88] : memref<96x8x128xf32, #tpu.memory_space<hbm>> -> memref<32x1x128xf32, #tpu.memory_space<hbm>>
        %dma_start3A_90 = tpu.memref_squeeze %dma_start3A_89 : memref<32x1x128xf32, #tpu.memory_space<hbm>> -> memref<32x128xf32, #tpu.memory_space<hbm>>
        tpu.enqueue_dma source(%arg17 : memref<32x128xf32, #tpu.memory_space<vmem>>) target(%dma_start3A_90 : memref<32x128xf32, #tpu.memory_space<hbm>>) target_semaphore(%run_scoped3A : memref<!tpu.dma_semaphore, #tpu.memory_space<semaphore_mem>>)
        %dma_wait3A = arith.constant 64 : i32
        %dma_wait3A_91 = arith.constant 0 : i32
        %dma_wait3A_92 = tpu.memref_slice %arg14[%dma_wait3A, %add3A_9, %dma_wait3A_91] : memref<96x8x128xf32, #tpu.memory_space<hbm>> -> memref<32x1x128xf32, #tpu.memory_space<hbm>>
        %dma_wait3A_93 = tpu.memref_squeeze %dma_wait3A_92 : memref<32x1x128xf32, #tpu.memory_space<hbm>> -> memref<32x128xf32, #tpu.memory_space<hbm>>
        %dma_wait3A_94 = arith.constant 64 : i32
        %dma_wait3A_95 = arith.constant 0 : i32
        %dma_wait3A_96 = tpu.memref_slice %arg14[%dma_wait3A_94, %add3A_9, %dma_wait3A_95] : memref<96x8x128xf32, #tpu.memory_space<hbm>> -> memref<32x1x128xf32, #tpu.memory_space<hbm>>
        %dma_wait3A_97 = tpu.memref_squeeze %dma_wait3A_96 : memref<32x1x128xf32, #tpu.memory_space<hbm>> -> memref<32x128xf32, #tpu.memory_space<hbm>>
        tpu.wait_dma2 semaphore(%run_scoped3A : memref<!tpu.dma_semaphore, #tpu.memory_space<semaphore_mem>>) src(%arg17 : memref<32x128xf32, #tpu.memory_space<vmem>>) dst(%dma_wait3A_97 : memref<32x128xf32, #tpu.memory_space<hbm>>)
        tpu.yield
      }) : () -> ()
    } else {
    }
    return
  }
}

#map = affine_map<(d0, d1) -> (0)>
module attributes {stable_mosaic.version = 14 : i64} {
  func.func @_sc_sort_body(%arg0: i32, %arg1: i32, %arg2: memref<131072xi32, #tpu.memory_space<hbm>>, %arg3: memref<32768xi32, #tpu.memory_space<hbm>>, %arg4: memref<16384xi32, #tpu.memory_space<vmem>>, %arg5: memref<16384xi32, #tpu.memory_space<vmem>>, %arg6: memref<16384xi32, #tpu.memory_space<vmem>>, %arg7: memref<16384xi32, #tpu.memory_space<vmem>>, %arg8: memref<2048xi32, #tpu.memory_space<vmem>>, %arg9: memref<4096xi32, #tpu.memory_space<vmem>>, %arg10: memref<8192xi32, #tpu.memory_space<vmem>>, %arg11: memref<4096xi32, #tpu.memory_space<vmem>>, %arg12: memref<4096xi32, #tpu.memory_space<vmem>>, %arg13: memref<64xi32, #tpu.memory_space<vmem>>, %arg14: memref<32768xi32, #tpu.memory_space<vmem_shared>>, %arg15: memref<65536xi32, #tpu.memory_space<vmem_shared>>, %arg16: memref<65536xi32, #tpu.memory_space<vmem_shared>>, %arg17: memref<256xi32, #tpu.memory_space<vmem_shared>>) attributes {dimension_semantics = [#tpu.dimension_semantics<core_parallel>, #tpu.dimension_semantics<subcore_parallel>], iteration_bounds = array<i64: 2, 16>, scalar_prefetch = 0 : i64, scratch_operands = 14 : i64, tpu.core_type = #tpu.core_type<sc_vector_subcore>, window_params = [{transform_indices = #map}, {transform_indices = #map}]} {
    %jit3A = arith.constant 4 : i32
    %eq3A = arith.constant 0 : i32
    %eq3A_0 = arith.cmpi eq, %jit3A, %eq3A : i32
    %jit3A_1 = arith.constant 1 : i32
    %select_n3A = arith.select %eq3A_0, %jit3A_1, %jit3A : i32
    %rem3A = arith.remsi %arg1, %select_n3A : i32
    %ne3A = arith.constant 0 : i32
    %ne3A_2 = arith.cmpi ne, %rem3A, %ne3A : i32
    %lt3A = arith.constant 0 : i32
    %lt3A_3 = arith.cmpi slt, %rem3A, %lt3A : i32
    %lt3A_4 = arith.constant 0 : i32
    %lt3A_5 = arith.cmpi slt, %select_n3A, %lt3A_4 : i32
    %ne3A_6 = arith.xori %lt3A_3, %lt3A_5 : i1
    %and3A = arith.andi %ne3A_6, %ne3A_2 : i1
    %add3A = arith.addi %rem3A, %select_n3A : i32
    %select_n3A_7 = arith.select %and3A, %add3A, %rem3A : i32
    %mul3A = arith.constant 2 : i32
    %mul3A_8 = arith.muli %mul3A, %select_n3A_7 : i32
    %add3A_9 = arith.addi %arg0, %mul3A_8 : i32
    %jit3A_10 = arith.constant 4 : i32
    %eq3A_11 = arith.constant 0 : i32
    %eq3A_12 = arith.cmpi eq, %jit3A_10, %eq3A_11 : i32
    %jit3A_13 = arith.constant 1 : i32
    %select_n3A_14 = arith.select %eq3A_12, %jit3A_13, %jit3A_10 : i32
    %rem3A_15 = arith.remsi %arg1, %select_n3A_14 : i32
    %ne3A_16 = arith.constant 0 : i32
    %ne3A_17 = arith.cmpi ne, %rem3A_15, %ne3A_16 : i32
    %lt3A_18 = arith.constant 0 : i32
    %lt3A_19 = arith.cmpi slt, %rem3A_15, %lt3A_18 : i32
    %lt3A_20 = arith.constant 0 : i32
    %lt3A_21 = arith.cmpi slt, %select_n3A_14, %lt3A_20 : i32
    %ne3A_22 = arith.xori %lt3A_19, %lt3A_21 : i1
    %and3A_23 = arith.andi %ne3A_22, %ne3A_17 : i1
    %add3A_24 = arith.addi %rem3A_15, %select_n3A_14 : i32
    %select_n3A_25 = arith.select %and3A_23, %add3A_24, %rem3A_15 : i32
    %jit3A_26 = arith.constant 4 : i32
    %div3A = arith.divsi %arg1, %jit3A_26 : i32
    %sign3A = arith.constant 0 : i32
    %sign3A_27 = arith.cmpi sgt, %arg1, %sign3A : i32
    %sign3A_28 = arith.extui %sign3A_27 : i1 to i32
    %sign3A_29 = arith.constant 0 : i32
    %sign3A_30 = arith.cmpi slt, %arg1, %sign3A_29 : i32
    %sign3A_31 = arith.extui %sign3A_30 : i1 to i32
    %sign3A_32 = arith.subi %sign3A_28, %sign3A_31 : i32
    %sign3A_33 = arith.constant 0 : i32
    %sign3A_34 = arith.cmpi sgt, %jit3A_26, %sign3A_33 : i32
    %sign3A_35 = arith.extui %sign3A_34 : i1 to i32
    %sign3A_36 = arith.constant 0 : i32
    %sign3A_37 = arith.cmpi slt, %jit3A_26, %sign3A_36 : i32
    %sign3A_38 = arith.extui %sign3A_37 : i1 to i32
    %sign3A_39 = arith.subi %sign3A_35, %sign3A_38 : i32
    %ne3A_40 = arith.cmpi ne, %sign3A_32, %sign3A_39 : i32
    %rem3A_41 = arith.remsi %arg1, %jit3A_26 : i32
    %ne3A_42 = arith.constant 0 : i32
    %ne3A_43 = arith.cmpi ne, %rem3A_41, %ne3A_42 : i32
    %and3A_44 = arith.andi %ne3A_40, %ne3A_43 : i1
    %sub3A = arith.constant 1 : i32
    %sub3A_45 = arith.subi %div3A, %sub3A : i32
    %select_n3A_46 = arith.select %and3A_44, %sub3A_45, %div3A : i32
    %mul3A_47 = arith.constant 16384 : i32
    %mul3A_48 = arith.muli %add3A_9, %mul3A_47 : i32
    %mul3A_49 = arith.constant 4096 : i32
    %mul3A_50 = arith.muli %select_n3A_46, %mul3A_49 : i32
    %add3A_51 = arith.addi %mul3A_48, %mul3A_50 : i32
    "tpu.region"() ({
      %run_scoped3A = tpu.sem_alloc : memref<!tpu.dma_semaphore, #tpu.memory_space<semaphore_mem>>
      %dma_start3A = tpu.memref_slice %arg2[%add3A_51] : memref<131072xi32, #tpu.memory_space<hbm>> -> memref<4096xi32, #tpu.memory_space<hbm>>
      %dma_start3A_109 = tpu.memref_slice %arg2[%add3A_51] : memref<131072xi32, #tpu.memory_space<hbm>> -> memref<4096xi32, #tpu.memory_space<hbm>>
      tpu.enqueue_dma source(%dma_start3A_109 : memref<4096xi32, #tpu.memory_space<hbm>>) target(%arg9 : memref<4096xi32, #tpu.memory_space<vmem>>) target_semaphore(%run_scoped3A : memref<!tpu.dma_semaphore, #tpu.memory_space<semaphore_mem>>)
      %dma_wait3A = tpu.memref_slice %arg2[%add3A_51] : memref<131072xi32, #tpu.memory_space<hbm>> -> memref<4096xi32, #tpu.memory_space<hbm>>
      %dma_wait3A_110 = tpu.memref_slice %arg2[%add3A_51] : memref<131072xi32, #tpu.memory_space<hbm>> -> memref<4096xi32, #tpu.memory_space<hbm>>
      tpu.wait_dma2 semaphore(%run_scoped3A : memref<!tpu.dma_semaphore, #tpu.memory_space<semaphore_mem>>) src(%dma_wait3A_110 : memref<4096xi32, #tpu.memory_space<hbm>>) dst(%arg9 : memref<4096xi32, #tpu.memory_space<vmem>>)
      tpu.yield
    }) : () -> ()
    %scan3A = arith.constant 0 : i32
    %scan3A_52 = arith.constant 0 : i32
    %scan3A_53 = arith.constant 128 : i32
    %scan3A_54 = arith.addi %scan3A_52, %scan3A_53 : i32
    %scan3A_55 = arith.constant 1 : i32
    %scan3A_56 = scf.for %scan3A_109 = %scan3A_52 to %scan3A_54 step %scan3A_55 iter_args(%scan3A_110 = %scan3A) -> (i32)  : i32 {
      %broadcast_in_dim3A_111 = arith.constant 0 : i32
      %broadcast_in_dim3A_112 = vector.broadcast %broadcast_in_dim3A_111 : i32 to vector<16xi32>
      %mul3A_113 = arith.constant 16 : i32
      %mul3A_114 = arith.muli %scan3A_109, %mul3A_113 : i32
      %swap3A_115 = arith.index_cast %mul3A_114 : i32 to index
      %swap3A_116 = tpu.vector_load %arg8[%swap3A_115] {strides = array<i32>} : memref<2048xi32, #tpu.memory_space<vmem>>, vector<16xi32>,
      tpu.vector_store %arg8[%swap3A_115], %broadcast_in_dim3A_112 {strides = array<i32>} : memref<2048xi32, #tpu.memory_space<vmem>>, vector<16xi32>,
      %scan3A_117 = arith.constant 0 : i32
      scf.yield %scan3A_117 : i32
    }
    %scan3A_57 = arith.constant 128 : i32
    %scan3A_58 = arith.constant 0 : i32
    %scan3A_59 = arith.constant 0 : i32
    %scan3A_60 = arith.constant 128 : i32
    %scan3A_61 = arith.addi %scan3A_59, %scan3A_60 : i32
    %scan3A_62 = arith.constant 1 : i32
    %scan3A_63 = scf.for %scan3A_109 = %scan3A_59 to %scan3A_61 step %scan3A_62 iter_args(%scan3A_110 = %scan3A_58) -> (i32)  : i32 {
      %mul3A_111 = arith.constant 2 : i32
      %mul3A_112 = arith.muli %mul3A_111, %scan3A_109 : i32
      %add3A_113 = arith.constant 0 : i32
      %add3A_114 = arith.addi %mul3A_112, %add3A_113 : i32
      %mul3A_115 = arith.constant 16 : i32
      %mul3A_116 = arith.muli %add3A_114, %mul3A_115 : i32
      %add3A_117 = arith.constant 0 : i32
      %add3A_118 = arith.addi %add3A_117, %mul3A_116 : i32
      %get3A = arith.index_cast %add3A_118 : i32 to index
      %get3A_119 = tpu.vector_load %arg9[%get3A] {strides = array<i32>} : memref<4096xi32, #tpu.memory_space<vmem>>, vector<16xi32>,
      %iota3A = tpu.iota {dimensions = array<i32: 0>} : vector<16xi32>
      %add3A_120 = vector.broadcast %mul3A_116 : i32 to vector<16xi32>
      %add3A_121 = arith.addi %add3A_120, %iota3A : vector<16xi32>
      %lt3A_122 = arith.constant 4096 : i32
      %lt3A_123 = vector.broadcast %lt3A_122 : i32 to vector<16xi32>
      %lt3A_124 = arith.cmpi slt, %add3A_121, %lt3A_123 : vector<16xi32>
      %shift_right_logical3A = arith.constant 21 : i32
      %shift_right_logical3A_125 = vector.broadcast %shift_right_logical3A : i32 to vector<16xi32>
      %shift_right_logical3A_126 = arith.shrui %get3A_119, %shift_right_logical3A_125 : vector<16xi32>
      %and3A_127 = arith.constant 2047 : i32
      %and3A_128 = vector.broadcast %and3A_127 : i32 to vector<16xi32>
      %and3A_129 = arith.andi %shift_right_logical3A_126, %and3A_128 : vector<16xi32>
      %unique3A, %unique3A_130 = tpu.scan_count mask(%lt3A_124 : vector<16xi1>) value(%and3A_129 : vector<16xi32>) : vector<16xi1>, vector<16xi32>
      tpu.vector_store_idx %arg8[%and3A_129], %unique3A_130 masked %unique3A {add = true} : memref<2048xi32, #tpu.memory_space<vmem>>[vector<16xi32>], vector<16xi32>, vector<16xi1>
      %mul3A_131 = arith.constant 2 : i32
      %mul3A_132 = arith.muli %mul3A_131, %scan3A_109 : i32
      %add3A_133 = arith.constant 1 : i32
      %add3A_134 = arith.addi %mul3A_132, %add3A_133 : i32
      %mul3A_135 = arith.constant 16 : i32
      %mul3A_136 = arith.muli %add3A_134, %mul3A_135 : i32
      %add3A_137 = arith.constant 0 : i32
      %add3A_138 = arith.addi %add3A_137, %mul3A_136 : i32
      %get3A_139 = arith.index_cast %add3A_138 : i32 to index
      %get3A_140 = tpu.vector_load %arg9[%get3A_139] {strides = array<i32>} : memref<4096xi32, #tpu.memory_space<vmem>>, vector<16xi32>,
      %iota3A_141 = tpu.iota {dimensions = array<i32: 0>} : vector<16xi32>
      %add3A_142 = vector.broadcast %mul3A_136 : i32 to vector<16xi32>
      %add3A_143 = arith.addi %add3A_142, %iota3A_141 : vector<16xi32>
      %lt3A_144 = arith.constant 4096 : i32
      %lt3A_145 = vector.broadcast %lt3A_144 : i32 to vector<16xi32>
      %lt3A_146 = arith.cmpi slt, %add3A_143, %lt3A_145 : vector<16xi32>
      %shift_right_logical3A_147 = arith.constant 21 : i32
      %shift_right_logical3A_148 = vector.broadcast %shift_right_logical3A_147 : i32 to vector<16xi32>
      %shift_right_logical3A_149 = arith.shrui %get3A_140, %shift_right_logical3A_148 : vector<16xi32>
      %and3A_150 = arith.constant 2047 : i32
      %and3A_151 = vector.broadcast %and3A_150 : i32 to vector<16xi32>
      %and3A_152 = arith.andi %shift_right_logical3A_149, %and3A_151 : vector<16xi32>
      %unique3A_153, %unique3A_154 = tpu.scan_count mask(%lt3A_146 : vector<16xi1>) value(%and3A_152 : vector<16xi32>) : vector<16xi1>, vector<16xi32>
      tpu.vector_store_idx %arg8[%and3A_152], %unique3A_154 masked %unique3A_153 {add = true} : memref<2048xi32, #tpu.memory_space<vmem>>[vector<16xi32>], vector<16xi32>, vector<16xi1>
      %scan3A_155 = arith.constant 0 : i32
      scf.yield %scan3A_155 : i32
    }
    %scan3A_64 = arith.constant 128 : i32
    %mul3A_65 = arith.constant 4 : i32
    %mul3A_66 = arith.muli %select_n3A_25, %mul3A_65 : i32
    %add3A_67 = arith.addi %mul3A_66, %select_n3A_46 : i32
    %mul3A_68 = arith.constant 2048 : i32
    %mul3A_69 = arith.muli %add3A_67, %mul3A_68 : i32
    "tpu.region"() ({
      %run_scoped3A = tpu.sem_alloc : memref<!tpu.dma_semaphore, #tpu.memory_space<semaphore_mem>>
      %dma_start3A = tpu.memref_slice %arg14[%mul3A_69] : memref<32768xi32, #tpu.memory_space<vmem_shared>> -> memref<2048xi32, #tpu.memory_space<vmem_shared>>
      %dma_start3A_109 = tpu.memref_slice %arg14[%mul3A_69] : memref<32768xi32, #tpu.memory_space<vmem_shared>> -> memref<2048xi32, #tpu.memory_space<vmem_shared>>
      tpu.enqueue_dma source(%arg8 : memref<2048xi32, #tpu.memory_space<vmem>>) target(%dma_start3A_109 : memref<2048xi32, #tpu.memory_space<vmem_shared>>) target_semaphore(%run_scoped3A : memref<!tpu.dma_semaphore, #tpu.memory_space<semaphore_mem>>)
      %dma_wait3A = tpu.memref_slice %arg14[%mul3A_69] : memref<32768xi32, #tpu.memory_space<vmem_shared>> -> memref<2048xi32, #tpu.memory_space<vmem_shared>>
      %dma_wait3A_110 = tpu.memref_slice %arg14[%mul3A_69] : memref<32768xi32, #tpu.memory_space<vmem_shared>> -> memref<2048xi32, #tpu.memory_space<vmem_shared>>
      tpu.wait_dma2 semaphore(%run_scoped3A : memref<!tpu.dma_semaphore, #tpu.memory_space<semaphore_mem>>) src(%arg8 : memref<2048xi32, #tpu.memory_space<vmem>>) dst(%dma_wait3A_110 : memref<2048xi32, #tpu.memory_space<vmem_shared>>)
      tpu.yield
    }) : () -> ()
    %barrier3A = arith.constant 0 : index
    tpu.barrier barrier_id(%barrier3A)
    %mul3A_70 = arith.constant 4 : i32
    %mul3A_71 = arith.muli %select_n3A_25, %mul3A_70 : i32
    %mul3A_72 = arith.constant 2048 : i32
    %mul3A_73 = arith.muli %mul3A_71, %mul3A_72 : i32
    "tpu.region"() ({
      %run_scoped3A = tpu.sem_alloc : memref<!tpu.dma_semaphore, #tpu.memory_space<semaphore_mem>>
      %dma_start3A = tpu.memref_slice %arg14[%mul3A_73] : memref<32768xi32, #tpu.memory_space<vmem_shared>> -> memref<8192xi32, #tpu.memory_space<vmem_shared>>
      %dma_start3A_109 = tpu.memref_slice %arg14[%mul3A_73] : memref<32768xi32, #tpu.memory_space<vmem_shared>> -> memref<8192xi32, #tpu.memory_space<vmem_shared>>
      tpu.enqueue_dma source(%dma_start3A_109 : memref<8192xi32, #tpu.memory_space<vmem_shared>>) target(%arg10 : memref<8192xi32, #tpu.memory_space<vmem>>) target_semaphore(%run_scoped3A : memref<!tpu.dma_semaphore, #tpu.memory_space<semaphore_mem>>)
      %dma_wait3A = tpu.memref_slice %arg14[%mul3A_73] : memref<32768xi32, #tpu.memory_space<vmem_shared>> -> memref<8192xi32, #tpu.memory_space<vmem_shared>>
      %dma_wait3A_110 = tpu.memref_slice %arg14[%mul3A_73] : memref<32768xi32, #tpu.memory_space<vmem_shared>> -> memref<8192xi32, #tpu.memory_space<vmem_shared>>
      tpu.wait_dma2 semaphore(%run_scoped3A : memref<!tpu.dma_semaphore, #tpu.memory_space<semaphore_mem>>) src(%dma_wait3A_110 : memref<8192xi32, #tpu.memory_space<vmem_shared>>) dst(%arg10 : memref<8192xi32, #tpu.memory_space<vmem>>)
      tpu.yield
    }) : () -> ()
    %scan3A_74 = arith.constant 0 : i32
    %scan3A_75 = arith.constant 2147483647 : i32
    %scan3A_76 = arith.constant 0 : i32
    %scan3A_77 = arith.constant 128 : i32
    %scan3A_78 = arith.addi %scan3A_76, %scan3A_77 : i32
    %scan3A_79 = arith.constant 1 : i32
    %scan3A_80:2 = scf.for %scan3A_109 = %scan3A_76 to %scan3A_78 step %scan3A_79 iter_args(%scan3A_110 = %scan3A_74, %scan3A_111 = %scan3A_75) -> (i32, i32)  : i32 {
      %mul3A_112 = arith.constant 16 : i32
      %mul3A_113 = arith.muli %scan3A_109, %mul3A_112 : i32
      %get3A = arith.index_cast %mul3A_113 : i32 to index
      %get3A_114 = tpu.vector_load %arg10[%get3A] {strides = array<i32>} : memref<8192xi32, #tpu.memory_space<vmem>>, vector<16xi32>,
      %mul3A_115 = arith.constant 16 : i32
      %mul3A_116 = arith.muli %scan3A_109, %mul3A_115 : i32
      %add3A_117 = arith.constant 2048 : i32
      %add3A_118 = arith.addi %add3A_117, %mul3A_116 : i32
      %get3A_119 = arith.index_cast %add3A_118 : i32 to index
      %get3A_120 = tpu.vector_load %arg10[%get3A_119] {strides = array<i32>} : memref<8192xi32, #tpu.memory_space<vmem>>, vector<16xi32>,
      %add3A_121 = arith.addi %get3A_114, %get3A_120 : vector<16xi32>
      %mul3A_122 = arith.constant 16 : i32
      %mul3A_123 = arith.muli %scan3A_109, %mul3A_122 : i32
      %add3A_124 = arith.constant 4096 : i32
      %add3A_125 = arith.addi %add3A_124, %mul3A_123 : i32
      %get3A_126 = arith.index_cast %add3A_125 : i32 to index
      %get3A_127 = tpu.vector_load %arg10[%get3A_126] {strides = array<i32>} : memref<8192xi32, #tpu.memory_space<vmem>>, vector<16xi32>,
      %add3A_128 = arith.addi %add3A_121, %get3A_127 : vector<16xi32>
      %mul3A_129 = arith.constant 16 : i32
      %mul3A_130 = arith.muli %scan3A_109, %mul3A_129 : i32
      %add3A_131 = arith.constant 6144 : i32
      %add3A_132 = arith.addi %add3A_131, %mul3A_130 : i32
      %get3A_133 = arith.index_cast %add3A_132 : i32 to index
      %get3A_134 = tpu.vector_load %arg10[%get3A_133] {strides = array<i32>} : memref<8192xi32, #tpu.memory_space<vmem>>, vector<16xi32>,
      %add3A_135 = arith.addi %add3A_128, %get3A_134 : vector<16xi32>
      %broadcast_in_dim3A_136 = arith.constant true
      %broadcast_in_dim3A_137 = vector.broadcast %broadcast_in_dim3A_136 : i1 to vector<16xi1>
      %masked_cumsum3A = tpu.scan <sum>, %add3A_135 masked %broadcast_in_dim3A_137 : vector<16xi32>, vector<16xi1> -> vector<16xi32>
      %add3A_138 = vector.broadcast %scan3A_110 : i32 to vector<16xi32>
      %add3A_139 = arith.addi %masked_cumsum3A, %add3A_138 : vector<16xi32>
      %mul3A_140 = arith.constant 16 : i32
      %mul3A_141 = arith.muli %scan3A_109, %mul3A_140 : i32
      %iota3A = tpu.iota {dimensions = array<i32: 0>} : vector<16xi32>
      %add3A_142 = vector.broadcast %mul3A_141 : i32 to vector<16xi32>
      %add3A_143 = arith.addi %add3A_142, %iota3A : vector<16xi32>
      %ge3A = arith.constant 4096 : i32
      %ge3A_144 = vector.broadcast %ge3A : i32 to vector<16xi32>
      %ge3A_145 = arith.cmpi sge, %add3A_139, %ge3A_144 : vector<16xi32>
      %jit3A_146 = arith.constant 2147483647 : i32
      %broadcast_in_dim3A_147 = vector.broadcast %jit3A_146 : i32 to vector<16xi32>
      %select_n3A_148 = arith.select %ge3A_145, %add3A_143, %broadcast_in_dim3A_147 : vector<16xi1>, vector<16xi32>
      %reduce_min3A = arith.constant true
      %reduce_min3A_149 = vector.broadcast %reduce_min3A : i1 to vector<16xi1>
      %reduce_min3A_150 = arith.constant -2147483648 : i32
      %reduce_min3A_151 = vector.broadcast %reduce_min3A_150 : i32 to vector<16xi32>
      %reduce_min3A_152 = arith.xori %select_n3A_148, %reduce_min3A_151 : vector<16xi32>
      %reduce_min3A_153 = tpu.scan <min>, %reduce_min3A_152 masked %reduce_min3A_149 : vector<16xi32>, vector<16xi1> -> vector<16xi32>
      %reduce_min3A_154 = arith.xori %reduce_min3A_153, %reduce_min3A_151 : vector<16xi32>
      %reduce_min3A_155 = vector.extract %reduce_min3A_154[15] : i32 from vector<16xi32>
      %min3A = arith.minsi %scan3A_111, %reduce_min3A_155 : i32
      %reduce_max3A = arith.constant true
      %reduce_max3A_156 = vector.broadcast %reduce_max3A : i1 to vector<16xi1>
      %reduce_max3A_157 = arith.constant -2147483648 : i32
      %reduce_max3A_158 = vector.broadcast %reduce_max3A_157 : i32 to vector<16xi32>
      %reduce_max3A_159 = arith.xori %add3A_139, %reduce_max3A_158 : vector<16xi32>
      %reduce_max3A_160 = tpu.scan <max>, %reduce_max3A_159 masked %reduce_max3A_156 : vector<16xi32>, vector<16xi1> -> vector<16xi32>
      %reduce_max3A_161 = arith.xori %reduce_max3A_160, %reduce_max3A_158 : vector<16xi32>
      %reduce_max3A_162 = vector.extract %reduce_max3A_161[15] : i32 from vector<16xi32>
      scf.yield %reduce_max3A_162, %min3A : i32, i32
    }
    %scan3A_81 = arith.constant 128 : i32
    %scan3A_82 = arith.constant 0 : i32
    %scan3A_83 = arith.constant 0 : i32
    %scan3A_84 = arith.constant 256 : i32
    %scan3A_85 = arith.addi %scan3A_83, %scan3A_84 : i32
    %scan3A_86 = arith.constant 1 : i32
    %scan3A_87 = scf.for %scan3A_109 = %scan3A_83 to %scan3A_85 step %scan3A_86 iter_args(%scan3A_110 = %scan3A_82) -> (i32)  : i32 {
      %mul3A_111 = arith.constant 16 : i32
      %mul3A_112 = arith.muli %scan3A_109, %mul3A_111 : i32
      %get3A = arith.index_cast %mul3A_112 : i32 to index
      %get3A_113 = tpu.vector_load %arg9[%get3A] {strides = array<i32>} : memref<4096xi32, #tpu.memory_space<vmem>>, vector<16xi32>,
      %mul3A_114 = arith.constant 4096 : i32
      %mul3A_115 = arith.muli %select_n3A_46, %mul3A_114 : i32
      %mul3A_116 = arith.constant 16 : i32
      %mul3A_117 = arith.muli %scan3A_109, %mul3A_116 : i32
      %add3A_118 = arith.addi %mul3A_115, %mul3A_117 : i32
      %iota3A = tpu.iota {dimensions = array<i32: 0>} : vector<16xi32>
      %add3A_119 = vector.broadcast %add3A_118 : i32 to vector<16xi32>
      %add3A_120 = arith.addi %add3A_119, %iota3A : vector<16xi32>
      %shift_right_logical3A = arith.constant 21 : i32
      %shift_right_logical3A_121 = vector.broadcast %shift_right_logical3A : i32 to vector<16xi32>
      %shift_right_logical3A_122 = arith.shrui %get3A_113, %shift_right_logical3A_121 : vector<16xi32>
      %and3A_123 = arith.constant 2047 : i32
      %and3A_124 = vector.broadcast %and3A_123 : i32 to vector<16xi32>
      %and3A_125 = arith.andi %shift_right_logical3A_122, %and3A_124 : vector<16xi32>
      %le3A = vector.broadcast %scan3A_80#1 : i32 to vector<16xi32>
      %le3A_126 = arith.cmpi sle, %and3A_125, %le3A : vector<16xi32>
      %jit3A_127 = arith.constant 1 : i32
      %jit3A_128 = arith.constant 0 : i32
      %broadcast_in_dim3A_129 = vector.broadcast %jit3A_127 : i32 to vector<16xi32>
      %broadcast_in_dim3A_130 = vector.broadcast %jit3A_128 : i32 to vector<16xi32>
      %select_n3A_131 = arith.select %le3A_126, %broadcast_in_dim3A_129, %broadcast_in_dim3A_130 : vector<16xi1>, vector<16xi32>
      %broadcast_in_dim3A_132 = arith.constant true
      %broadcast_in_dim3A_133 = vector.broadcast %broadcast_in_dim3A_132 : i1 to vector<16xi1>
      %masked_cumsum3A = tpu.scan <sum>, %select_n3A_131 masked %broadcast_in_dim3A_133 : vector<16xi32>, vector<16xi1> -> vector<16xi32>
      %add3A_134 = vector.broadcast %scan3A_110 : i32 to vector<16xi32>
      %add3A_135 = arith.addi %add3A_134, %masked_cumsum3A : vector<16xi32>
      %sub3A_136 = arith.constant 1 : i32
      %sub3A_137 = vector.broadcast %sub3A_136 : i32 to vector<16xi32>
      %sub3A_138 = arith.subi %add3A_135, %sub3A_137 : vector<16xi32>
      tpu.vector_store_idx %arg11[%sub3A_138], %get3A_113 masked %le3A_126 : memref<4096xi32, #tpu.memory_space<vmem>>[vector<16xi32>], vector<16xi32>, vector<16xi1>
      tpu.vector_store_idx %arg12[%sub3A_138], %add3A_120 masked %le3A_126 : memref<4096xi32, #tpu.memory_space<vmem>>[vector<16xi32>], vector<16xi32>, vector<16xi1>
      %reduce_max3A = arith.constant true
      %reduce_max3A_139 = vector.broadcast %reduce_max3A : i1 to vector<16xi1>
      %reduce_max3A_140 = arith.constant -2147483648 : i32
      %reduce_max3A_141 = vector.broadcast %reduce_max3A_140 : i32 to vector<16xi32>
      %reduce_max3A_142 = arith.xori %masked_cumsum3A, %reduce_max3A_141 : vector<16xi32>
      %reduce_max3A_143 = tpu.scan <max>, %reduce_max3A_142 masked %reduce_max3A_139 : vector<16xi32>, vector<16xi1> -> vector<16xi32>
      %reduce_max3A_144 = arith.xori %reduce_max3A_143, %reduce_max3A_141 : vector<16xi32>
      %reduce_max3A_145 = vector.extract %reduce_max3A_144[15] : i32 from vector<16xi32>
      %add3A_146 = arith.addi %scan3A_110, %reduce_max3A_145 : i32
      scf.yield %add3A_146 : i32
    }
    %scan3A_88 = arith.constant 256 : i32
    %mul3A_89 = arith.constant 4 : i32
    %mul3A_90 = arith.muli %select_n3A_25, %mul3A_89 : i32
    %add3A_91 = arith.addi %mul3A_90, %select_n3A_46 : i32
    %mul3A_92 = arith.constant 4096 : i32
    %mul3A_93 = arith.muli %add3A_91, %mul3A_92 : i32
    "tpu.region"() ({
      %run_scoped3A = tpu.sem_alloc : memref<!tpu.dma_semaphore, #tpu.memory_space<semaphore_mem>>
      %dma_start3A = tpu.memref_slice %arg15[%mul3A_93] : memref<65536xi32, #tpu.memory_space<vmem_shared>> -> memref<4096xi32, #tpu.memory_space<vmem_shared>>
      %dma_start3A_109 = tpu.memref_slice %arg15[%mul3A_93] : memref<65536xi32, #tpu.memory_space<vmem_shared>> -> memref<4096xi32, #tpu.memory_space<vmem_shared>>
      tpu.enqueue_dma source(%arg11 : memref<4096xi32, #tpu.memory_space<vmem>>) target(%dma_start3A_109 : memref<4096xi32, #tpu.memory_space<vmem_shared>>) target_semaphore(%run_scoped3A : memref<!tpu.dma_semaphore, #tpu.memory_space<semaphore_mem>>)
      %dma_wait3A = tpu.memref_slice %arg15[%mul3A_93] : memref<65536xi32, #tpu.memory_space<vmem_shared>> -> memref<4096xi32, #tpu.memory_space<vmem_shared>>
      %dma_wait3A_110 = tpu.memref_slice %arg15[%mul3A_93] : memref<65536xi32, #tpu.memory_space<vmem_shared>> -> memref<4096xi32, #tpu.memory_space<vmem_shared>>
      tpu.wait_dma2 semaphore(%run_scoped3A : memref<!tpu.dma_semaphore, #tpu.memory_space<semaphore_mem>>) src(%arg11 : memref<4096xi32, #tpu.memory_space<vmem>>) dst(%dma_wait3A_110 : memref<4096xi32, #tpu.memory_space<vmem_shared>>)
      tpu.yield
    }) : () -> ()
    %mul3A_94 = arith.constant 4 : i32
    %mul3A_95 = arith.muli %select_n3A_25, %mul3A_94 : i32
    %add3A_96 = arith.addi %mul3A_95, %select_n3A_46 : i32
    %mul3A_97 = arith.constant 4096 : i32
    %mul3A_98 = arith.muli %add3A_96, %mul3A_97 : i32
    "tpu.region"() ({
      %run_scoped3A = tpu.sem_alloc : memref<!tpu.dma_semaphore, #tpu.memory_space<semaphore_mem>>
      %dma_start3A = tpu.memref_slice %arg16[%mul3A_98] : memref<65536xi32, #tpu.memory_space<vmem_shared>> -> memref<4096xi32, #tpu.memory_space<vmem_shared>>
      %dma_start3A_109 = tpu.memref_slice %arg16[%mul3A_98] : memref<65536xi32, #tpu.memory_space<vmem_shared>> -> memref<4096xi32, #tpu.memory_space<vmem_shared>>
      tpu.enqueue_dma source(%arg12 : memref<4096xi32, #tpu.memory_space<vmem>>) target(%dma_start3A_109 : memref<4096xi32, #tpu.memory_space<vmem_shared>>) target_semaphore(%run_scoped3A : memref<!tpu.dma_semaphore, #tpu.memory_space<semaphore_mem>>)
      %dma_wait3A = tpu.memref_slice %arg16[%mul3A_98] : memref<65536xi32, #tpu.memory_space<vmem_shared>> -> memref<4096xi32, #tpu.memory_space<vmem_shared>>
      %dma_wait3A_110 = tpu.memref_slice %arg16[%mul3A_98] : memref<65536xi32, #tpu.memory_space<vmem_shared>> -> memref<4096xi32, #tpu.memory_space<vmem_shared>>
      tpu.wait_dma2 semaphore(%run_scoped3A : memref<!tpu.dma_semaphore, #tpu.memory_space<semaphore_mem>>) src(%arg12 : memref<4096xi32, #tpu.memory_space<vmem>>) dst(%dma_wait3A_110 : memref<4096xi32, #tpu.memory_space<vmem_shared>>)
      tpu.yield
    }) : () -> ()
    %broadcast_in_dim3A = vector.broadcast %scan3A_87 : i32 to vector<16xi32>
    %swap3A = arith.constant 0 : index
    %swap3A_99 = tpu.vector_load %arg13[%swap3A] {strides = array<i32>} : memref<64xi32, #tpu.memory_space<vmem>>, vector<16xi32>,
    tpu.vector_store %arg13[%swap3A], %broadcast_in_dim3A {strides = array<i32>} : memref<64xi32, #tpu.memory_space<vmem>>, vector<16xi32>,
    %mul3A_100 = arith.constant 4 : i32
    %mul3A_101 = arith.muli %select_n3A_25, %mul3A_100 : i32
    %add3A_102 = arith.addi %mul3A_101, %select_n3A_46 : i32
    %mul3A_103 = arith.constant 16 : i32
    %mul3A_104 = arith.muli %add3A_102, %mul3A_103 : i32
    "tpu.region"() ({
      %run_scoped3A = tpu.sem_alloc : memref<!tpu.dma_semaphore, #tpu.memory_space<semaphore_mem>>
      %dma_start3A = arith.constant 0 : i32
      %dma_start3A_109 = tpu.memref_slice %arg13[%dma_start3A] : memref<64xi32, #tpu.memory_space<vmem>> -> memref<16xi32, #tpu.memory_space<vmem>>
      %dma_start3A_110 = tpu.memref_slice %arg17[%mul3A_104] : memref<256xi32, #tpu.memory_space<vmem_shared>> -> memref<16xi32, #tpu.memory_space<vmem_shared>>
      %dma_start3A_111 = tpu.memref_slice %arg17[%mul3A_104] : memref<256xi32, #tpu.memory_space<vmem_shared>> -> memref<16xi32, #tpu.memory_space<vmem_shared>>
      %dma_start3A_112 = arith.constant 0 : i32
      %dma_start3A_113 = tpu.memref_slice %arg13[%dma_start3A_112] : memref<64xi32, #tpu.memory_space<vmem>> -> memref<16xi32, #tpu.memory_space<vmem>>
      tpu.enqueue_dma source(%dma_start3A_113 : memref<16xi32, #tpu.memory_space<vmem>>) target(%dma_start3A_111 : memref<16xi32, #tpu.memory_space<vmem_shared>>) target_semaphore(%run_scoped3A : memref<!tpu.dma_semaphore, #tpu.memory_space<semaphore_mem>>)
      %dma_wait3A = arith.constant 0 : i32
      %dma_wait3A_114 = tpu.memref_slice %arg13[%dma_wait3A] : memref<64xi32, #tpu.memory_space<vmem>> -> memref<16xi32, #tpu.memory_space<vmem>>
      %dma_wait3A_115 = tpu.memref_slice %arg17[%mul3A_104] : memref<256xi32, #tpu.memory_space<vmem_shared>> -> memref<16xi32, #tpu.memory_space<vmem_shared>>
      %dma_wait3A_116 = tpu.memref_slice %arg17[%mul3A_104] : memref<256xi32, #tpu.memory_space<vmem_shared>> -> memref<16xi32, #tpu.memory_space<vmem_shared>>
      %dma_wait3A_117 = arith.constant 0 : i32
      %dma_wait3A_118 = tpu.memref_slice %arg13[%dma_wait3A_117] : memref<64xi32, #tpu.memory_space<vmem>> -> memref<16xi32, #tpu.memory_space<vmem>>
      tpu.wait_dma2 semaphore(%run_scoped3A : memref<!tpu.dma_semaphore, #tpu.memory_space<semaphore_mem>>) src(%dma_wait3A_118 : memref<16xi32, #tpu.memory_space<vmem>>) dst(%dma_wait3A_116 : memref<16xi32, #tpu.memory_space<vmem_shared>>)
      tpu.yield
    }) : () -> ()
    %barrier3A_105 = arith.constant 0 : index
    tpu.barrier barrier_id(%barrier3A_105)
    %eq3A_106 = arith.constant 0 : i32
    %eq3A_107 = arith.cmpi eq, %select_n3A_46, %eq3A_106 : i32
    %convert_element_type3A = arith.extui %eq3A_107 : i1 to i32
    %cond3A = arith.constant 0 : i32
    %cond3A_108 = arith.cmpi ne, %convert_element_type3A, %cond3A : i32
    scf.if %cond3A_108 {
      %mul3A_109 = arith.constant 4 : i32
      %mul3A_110 = arith.muli %select_n3A_25, %mul3A_109 : i32
      %mul3A_111 = arith.constant 4096 : i32
      %mul3A_112 = arith.muli %mul3A_110, %mul3A_111 : i32
      "tpu.region"() ({
        %run_scoped3A = tpu.sem_alloc : memref<!tpu.dma_semaphore, #tpu.memory_space<semaphore_mem>>
        %dma_start3A = tpu.memref_slice %arg15[%mul3A_112] : memref<65536xi32, #tpu.memory_space<vmem_shared>> -> memref<16384xi32, #tpu.memory_space<vmem_shared>>
        %dma_start3A_688 = tpu.memref_slice %arg15[%mul3A_112] : memref<65536xi32, #tpu.memory_space<vmem_shared>> -> memref<16384xi32, #tpu.memory_space<vmem_shared>>
        tpu.enqueue_dma source(%dma_start3A_688 : memref<16384xi32, #tpu.memory_space<vmem_shared>>) target(%arg5 : memref<16384xi32, #tpu.memory_space<vmem>>) target_semaphore(%run_scoped3A : memref<!tpu.dma_semaphore, #tpu.memory_space<semaphore_mem>>)
        %dma_wait3A = tpu.memref_slice %arg15[%mul3A_112] : memref<65536xi32, #tpu.memory_space<vmem_shared>> -> memref<16384xi32, #tpu.memory_space<vmem_shared>>
        %dma_wait3A_689 = tpu.memref_slice %arg15[%mul3A_112] : memref<65536xi32, #tpu.memory_space<vmem_shared>> -> memref<16384xi32, #tpu.memory_space<vmem_shared>>
        tpu.wait_dma2 semaphore(%run_scoped3A : memref<!tpu.dma_semaphore, #tpu.memory_space<semaphore_mem>>) src(%dma_wait3A_689 : memref<16384xi32, #tpu.memory_space<vmem_shared>>) dst(%arg5 : memref<16384xi32, #tpu.memory_space<vmem>>)
        tpu.yield
      }) : () -> ()
      %mul3A_113 = arith.constant 4 : i32
      %mul3A_114 = arith.muli %select_n3A_25, %mul3A_113 : i32
      %mul3A_115 = arith.constant 4096 : i32
      %mul3A_116 = arith.muli %mul3A_114, %mul3A_115 : i32
      "tpu.region"() ({
        %run_scoped3A = tpu.sem_alloc : memref<!tpu.dma_semaphore, #tpu.memory_space<semaphore_mem>>
        %dma_start3A = tpu.memref_slice %arg16[%mul3A_116] : memref<65536xi32, #tpu.memory_space<vmem_shared>> -> memref<16384xi32, #tpu.memory_space<vmem_shared>>
        %dma_start3A_688 = tpu.memref_slice %arg16[%mul3A_116] : memref<65536xi32, #tpu.memory_space<vmem_shared>> -> memref<16384xi32, #tpu.memory_space<vmem_shared>>
        tpu.enqueue_dma source(%dma_start3A_688 : memref<16384xi32, #tpu.memory_space<vmem_shared>>) target(%arg7 : memref<16384xi32, #tpu.memory_space<vmem>>) target_semaphore(%run_scoped3A : memref<!tpu.dma_semaphore, #tpu.memory_space<semaphore_mem>>)
        %dma_wait3A = tpu.memref_slice %arg16[%mul3A_116] : memref<65536xi32, #tpu.memory_space<vmem_shared>> -> memref<16384xi32, #tpu.memory_space<vmem_shared>>
        %dma_wait3A_689 = tpu.memref_slice %arg16[%mul3A_116] : memref<65536xi32, #tpu.memory_space<vmem_shared>> -> memref<16384xi32, #tpu.memory_space<vmem_shared>>
        tpu.wait_dma2 semaphore(%run_scoped3A : memref<!tpu.dma_semaphore, #tpu.memory_space<semaphore_mem>>) src(%dma_wait3A_689 : memref<16384xi32, #tpu.memory_space<vmem_shared>>) dst(%arg7 : memref<16384xi32, #tpu.memory_space<vmem>>)
        tpu.yield
      }) : () -> ()
      %mul3A_117 = arith.constant 4 : i32
      %mul3A_118 = arith.muli %select_n3A_25, %mul3A_117 : i32
      %mul3A_119 = arith.constant 16 : i32
      %mul3A_120 = arith.muli %mul3A_118, %mul3A_119 : i32
      "tpu.region"() ({
        %run_scoped3A = tpu.sem_alloc : memref<!tpu.dma_semaphore, #tpu.memory_space<semaphore_mem>>
        %dma_start3A = tpu.memref_slice %arg17[%mul3A_120] : memref<256xi32, #tpu.memory_space<vmem_shared>> -> memref<64xi32, #tpu.memory_space<vmem_shared>>
        %dma_start3A_688 = tpu.memref_slice %arg17[%mul3A_120] : memref<256xi32, #tpu.memory_space<vmem_shared>> -> memref<64xi32, #tpu.memory_space<vmem_shared>>
        tpu.enqueue_dma source(%dma_start3A_688 : memref<64xi32, #tpu.memory_space<vmem_shared>>) target(%arg13 : memref<64xi32, #tpu.memory_space<vmem>>) target_semaphore(%run_scoped3A : memref<!tpu.dma_semaphore, #tpu.memory_space<semaphore_mem>>)
        %dma_wait3A = tpu.memref_slice %arg17[%mul3A_120] : memref<256xi32, #tpu.memory_space<vmem_shared>> -> memref<64xi32, #tpu.memory_space<vmem_shared>>
        %dma_wait3A_689 = tpu.memref_slice %arg17[%mul3A_120] : memref<256xi32, #tpu.memory_space<vmem_shared>> -> memref<64xi32, #tpu.memory_space<vmem_shared>>
        tpu.wait_dma2 semaphore(%run_scoped3A : memref<!tpu.dma_semaphore, #tpu.memory_space<semaphore_mem>>) src(%dma_wait3A_689 : memref<64xi32, #tpu.memory_space<vmem_shared>>) dst(%arg13 : memref<64xi32, #tpu.memory_space<vmem>>)
        tpu.yield
      }) : () -> ()
      %get3A = arith.constant 0 : index
      %get3A_121 = tpu.vector_load %arg13[%get3A] {strides = array<i32>} : memref<64xi32, #tpu.memory_space<vmem>>, vector<16xi32>,
      %reduce_max3A = arith.constant true
      %reduce_max3A_122 = vector.broadcast %reduce_max3A : i1 to vector<16xi1>
      %reduce_max3A_123 = arith.constant -2147483648 : i32
      %reduce_max3A_124 = vector.broadcast %reduce_max3A_123 : i32 to vector<16xi32>
      %reduce_max3A_125 = arith.xori %get3A_121, %reduce_max3A_124 : vector<16xi32>
      %reduce_max3A_126 = tpu.scan <max>, %reduce_max3A_125 masked %reduce_max3A_122 : vector<16xi32>, vector<16xi1> -> vector<16xi32>
      %reduce_max3A_127 = arith.xori %reduce_max3A_126, %reduce_max3A_124 : vector<16xi32>
      %reduce_max3A_128 = vector.extract %reduce_max3A_127[15] : i32 from vector<16xi32>
      %get3A_129 = arith.constant 16 : index
      %get3A_130 = tpu.vector_load %arg13[%get3A_129] {strides = array<i32>} : memref<64xi32, #tpu.memory_space<vmem>>, vector<16xi32>,
      %reduce_max3A_131 = arith.constant true
      %reduce_max3A_132 = vector.broadcast %reduce_max3A_131 : i1 to vector<16xi1>
      %reduce_max3A_133 = arith.constant -2147483648 : i32
      %reduce_max3A_134 = vector.broadcast %reduce_max3A_133 : i32 to vector<16xi32>
      %reduce_max3A_135 = arith.xori %get3A_130, %reduce_max3A_134 : vector<16xi32>
      %reduce_max3A_136 = tpu.scan <max>, %reduce_max3A_135 masked %reduce_max3A_132 : vector<16xi32>, vector<16xi1> -> vector<16xi32>
      %reduce_max3A_137 = arith.xori %reduce_max3A_136, %reduce_max3A_134 : vector<16xi32>
      %reduce_max3A_138 = vector.extract %reduce_max3A_137[15] : i32 from vector<16xi32>
      %get3A_139 = arith.constant 32 : index
      %get3A_140 = tpu.vector_load %arg13[%get3A_139] {strides = array<i32>} : memref<64xi32, #tpu.memory_space<vmem>>, vector<16xi32>,
      %reduce_max3A_141 = arith.constant true
      %reduce_max3A_142 = vector.broadcast %reduce_max3A_141 : i1 to vector<16xi1>
      %reduce_max3A_143 = arith.constant -2147483648 : i32
      %reduce_max3A_144 = vector.broadcast %reduce_max3A_143 : i32 to vector<16xi32>
      %reduce_max3A_145 = arith.xori %get3A_140, %reduce_max3A_144 : vector<16xi32>
      %reduce_max3A_146 = tpu.scan <max>, %reduce_max3A_145 masked %reduce_max3A_142 : vector<16xi32>, vector<16xi1> -> vector<16xi32>
      %reduce_max3A_147 = arith.xori %reduce_max3A_146, %reduce_max3A_144 : vector<16xi32>
      %reduce_max3A_148 = vector.extract %reduce_max3A_147[15] : i32 from vector<16xi32>
      %get3A_149 = arith.constant 48 : index
      %get3A_150 = tpu.vector_load %arg13[%get3A_149] {strides = array<i32>} : memref<64xi32, #tpu.memory_space<vmem>>, vector<16xi32>,
      %reduce_max3A_151 = arith.constant true
      %reduce_max3A_152 = vector.broadcast %reduce_max3A_151 : i1 to vector<16xi1>
      %reduce_max3A_153 = arith.constant -2147483648 : i32
      %reduce_max3A_154 = vector.broadcast %reduce_max3A_153 : i32 to vector<16xi32>
      %reduce_max3A_155 = arith.xori %get3A_150, %reduce_max3A_154 : vector<16xi32>
      %reduce_max3A_156 = tpu.scan <max>, %reduce_max3A_155 masked %reduce_max3A_152 : vector<16xi32>, vector<16xi1> -> vector<16xi32>
      %reduce_max3A_157 = arith.xori %reduce_max3A_156, %reduce_max3A_154 : vector<16xi32>
      %reduce_max3A_158 = vector.extract %reduce_max3A_157[15] : i32 from vector<16xi32>
      %add3A_159 = arith.addi %reduce_max3A_128, %reduce_max3A_138 : i32
      %add3A_160 = arith.addi %add3A_159, %reduce_max3A_148 : i32
      %add3A_161 = arith.addi %add3A_160, %reduce_max3A_158 : i32
      %scan3A_162 = arith.constant 0 : i32
      %scan3A_163 = arith.constant 0 : i32
      %scan3A_164 = arith.constant 128 : i32
      %scan3A_165 = arith.addi %scan3A_163, %scan3A_164 : i32
      %scan3A_166 = arith.constant 1 : i32
      %scan3A_167 = scf.for %scan3A_688 = %scan3A_163 to %scan3A_165 step %scan3A_166 iter_args(%scan3A_689 = %scan3A_162) -> (i32)  : i32 {
        %broadcast_in_dim3A_690 = arith.constant 0 : i32
        %broadcast_in_dim3A_691 = vector.broadcast %broadcast_in_dim3A_690 : i32 to vector<16xi32>
        %mul3A_692 = arith.constant 16 : i32
        %mul3A_693 = arith.muli %scan3A_688, %mul3A_692 : i32
        %swap3A_694 = arith.index_cast %mul3A_693 : i32 to index
        %swap3A_695 = tpu.vector_load %arg8[%swap3A_694] {strides = array<i32>} : memref<2048xi32, #tpu.memory_space<vmem>>, vector<16xi32>,
        tpu.vector_store %arg8[%swap3A_694], %broadcast_in_dim3A_691 {strides = array<i32>} : memref<2048xi32, #tpu.memory_space<vmem>>, vector<16xi32>,
        %scan3A_696 = arith.constant 0 : i32
        scf.yield %scan3A_696 : i32
      }
      %scan3A_168 = arith.constant 128 : i32
      %add3A_169 = arith.constant 32 : i32
      %add3A_170 = arith.addi %reduce_max3A_128, %add3A_169 : i32
      %sub3A_171 = arith.constant 1 : i32
      %sub3A_172 = arith.subi %add3A_170, %sub3A_171 : i32
      %jit3A_173 = arith.constant 32 : i32
      %div3A_174 = arith.divsi %sub3A_172, %jit3A_173 : i32
      %sign3A_175 = arith.constant 0 : i32
      %sign3A_176 = arith.cmpi sgt, %sub3A_172, %sign3A_175 : i32
      %sign3A_177 = arith.extui %sign3A_176 : i1 to i32
      %sign3A_178 = arith.constant 0 : i32
      %sign3A_179 = arith.cmpi slt, %sub3A_172, %sign3A_178 : i32
      %sign3A_180 = arith.extui %sign3A_179 : i1 to i32
      %sign3A_181 = arith.subi %sign3A_177, %sign3A_180 : i32
      %sign3A_182 = arith.constant 0 : i32
      %sign3A_183 = arith.cmpi sgt, %jit3A_173, %sign3A_182 : i32
      %sign3A_184 = arith.extui %sign3A_183 : i1 to i32
      %sign3A_185 = arith.constant 0 : i32
      %sign3A_186 = arith.cmpi slt, %jit3A_173, %sign3A_185 : i32
      %sign3A_187 = arith.extui %sign3A_186 : i1 to i32
      %sign3A_188 = arith.subi %sign3A_184, %sign3A_187 : i32
      %ne3A_189 = arith.cmpi ne, %sign3A_181, %sign3A_188 : i32
      %rem3A_190 = arith.remsi %sub3A_172, %jit3A_173 : i32
      %ne3A_191 = arith.constant 0 : i32
      %ne3A_192 = arith.cmpi ne, %rem3A_190, %ne3A_191 : i32
      %and3A_193 = arith.andi %ne3A_189, %ne3A_192 : i1
      %sub3A_194 = arith.constant 1 : i32
      %sub3A_195 = arith.subi %div3A_174, %sub3A_194 : i32
      %select_n3A_196 = arith.select %and3A_193, %sub3A_195, %div3A_174 : i32
      %while3A = arith.constant 0 : i32
      %while3A_197 = arith.constant 0 : i32
      %while3A_198 = arith.subi %select_n3A_196, %while3A : i32
      %while3A_199 = arith.addi %while3A, %while3A_198 : i32
      %while3A_200 = arith.constant 1 : i32
      %while3A_201 = arith.divsi %while3A_198, %while3A_200 : i32
      %while3A_202 = arith.muli %while3A_201, %while3A_200 : i32
      %while3A_203 = arith.addi %while3A, %while3A_202 : i32
      %while3A_204 = arith.constant 1 : i32
      %while3A_205 = scf.for %while3A_688 = %while3A to %while3A_203 step %while3A_204 iter_args(%while3A_689 = %while3A_197) -> (i32)  : i32 {
        %mul3A_690 = arith.constant 2 : i32
        %mul3A_691 = arith.muli %mul3A_690, %while3A_688 : i32
        %add3A_692 = arith.constant 0 : i32
        %add3A_693 = arith.addi %mul3A_691, %add3A_692 : i32
        %mul3A_694 = arith.constant 16 : i32
        %mul3A_695 = arith.muli %add3A_693, %mul3A_694 : i32
        %add3A_696 = arith.constant 0 : i32
        %add3A_697 = arith.addi %add3A_696, %mul3A_695 : i32
        %get3A_698 = arith.index_cast %add3A_697 : i32 to index
        %get3A_699 = tpu.vector_load %arg5[%get3A_698] {strides = array<i32>} : memref<16384xi32, #tpu.memory_space<vmem>>, vector<16xi32>,
        %iota3A = tpu.iota {dimensions = array<i32: 0>} : vector<16xi32>
        %add3A_700 = vector.broadcast %mul3A_695 : i32 to vector<16xi32>
        %add3A_701 = arith.addi %add3A_700, %iota3A : vector<16xi32>
        %lt3A_702 = vector.broadcast %reduce_max3A_128 : i32 to vector<16xi32>
        %lt3A_703 = arith.cmpi slt, %add3A_701, %lt3A_702 : vector<16xi32>
        %shift_right_logical3A = arith.constant 0 : i32
        %shift_right_logical3A_704 = vector.broadcast %shift_right_logical3A : i32 to vector<16xi32>
        %shift_right_logical3A_705 = arith.shrui %get3A_699, %shift_right_logical3A_704 : vector<16xi32>
        %and3A_706 = arith.constant 2047 : i32
        %and3A_707 = vector.broadcast %and3A_706 : i32 to vector<16xi32>
        %and3A_708 = arith.andi %shift_right_logical3A_705, %and3A_707 : vector<16xi32>
        %unique3A, %unique3A_709 = tpu.scan_count mask(%lt3A_703 : vector<16xi1>) value(%and3A_708 : vector<16xi32>) : vector<16xi1>, vector<16xi32>
        tpu.vector_store_idx %arg8[%and3A_708], %unique3A_709 masked %unique3A {add = true} : memref<2048xi32, #tpu.memory_space<vmem>>[vector<16xi32>], vector<16xi32>, vector<16xi1>
        %mul3A_710 = arith.constant 2 : i32
        %mul3A_711 = arith.muli %mul3A_710, %while3A_688 : i32
        %add3A_712 = arith.constant 1 : i32
        %add3A_713 = arith.addi %mul3A_711, %add3A_712 : i32
        %mul3A_714 = arith.constant 16 : i32
        %mul3A_715 = arith.muli %add3A_713, %mul3A_714 : i32
        %add3A_716 = arith.constant 0 : i32
        %add3A_717 = arith.addi %add3A_716, %mul3A_715 : i32
        %get3A_718 = arith.index_cast %add3A_717 : i32 to index
        %get3A_719 = tpu.vector_load %arg5[%get3A_718] {strides = array<i32>} : memref<16384xi32, #tpu.memory_space<vmem>>, vector<16xi32>,
        %iota3A_720 = tpu.iota {dimensions = array<i32: 0>} : vector<16xi32>
        %add3A_721 = vector.broadcast %mul3A_715 : i32 to vector<16xi32>
        %add3A_722 = arith.addi %add3A_721, %iota3A_720 : vector<16xi32>
        %lt3A_723 = vector.broadcast %reduce_max3A_128 : i32 to vector<16xi32>
        %lt3A_724 = arith.cmpi slt, %add3A_722, %lt3A_723 : vector<16xi32>
        %shift_right_logical3A_725 = arith.constant 0 : i32
        %shift_right_logical3A_726 = vector.broadcast %shift_right_logical3A_725 : i32 to vector<16xi32>
        %shift_right_logical3A_727 = arith.shrui %get3A_719, %shift_right_logical3A_726 : vector<16xi32>
        %and3A_728 = arith.constant 2047 : i32
        %and3A_729 = vector.broadcast %and3A_728 : i32 to vector<16xi32>
        %and3A_730 = arith.andi %shift_right_logical3A_727, %and3A_729 : vector<16xi32>
        %unique3A_731, %unique3A_732 = tpu.scan_count mask(%lt3A_724 : vector<16xi1>) value(%and3A_730 : vector<16xi32>) : vector<16xi1>, vector<16xi32>
        tpu.vector_store_idx %arg8[%and3A_730], %unique3A_732 masked %unique3A_731 {add = true} : memref<2048xi32, #tpu.memory_space<vmem>>[vector<16xi32>], vector<16xi32>, vector<16xi1>
        %while3A_733 = arith.constant 0 : i32
        scf.yield %while3A_733 : i32
      }
      %while3A_206 = arith.constant 1 : i32
      %while3A_207 = scf.for %while3A_688 = %while3A_203 to %while3A_199 step %while3A_206 iter_args(%while3A_689 = %while3A_205) -> (i32)  : i32 {
        %mul3A_690 = arith.constant 2 : i32
        %mul3A_691 = arith.muli %mul3A_690, %while3A_688 : i32
        %add3A_692 = arith.constant 0 : i32
        %add3A_693 = arith.addi %mul3A_691, %add3A_692 : i32
        %mul3A_694 = arith.constant 16 : i32
        %mul3A_695 = arith.muli %add3A_693, %mul3A_694 : i32
        %add3A_696 = arith.constant 0 : i32
        %add3A_697 = arith.addi %add3A_696, %mul3A_695 : i32
        %get3A_698 = arith.index_cast %add3A_697 : i32 to index
        %get3A_699 = tpu.vector_load %arg5[%get3A_698] {strides = array<i32>} : memref<16384xi32, #tpu.memory_space<vmem>>, vector<16xi32>,
        %iota3A = tpu.iota {dimensions = array<i32: 0>} : vector<16xi32>
        %add3A_700 = vector.broadcast %mul3A_695 : i32 to vector<16xi32>
        %add3A_701 = arith.addi %add3A_700, %iota3A : vector<16xi32>
        %lt3A_702 = vector.broadcast %reduce_max3A_128 : i32 to vector<16xi32>
        %lt3A_703 = arith.cmpi slt, %add3A_701, %lt3A_702 : vector<16xi32>
        %shift_right_logical3A = arith.constant 0 : i32
        %shift_right_logical3A_704 = vector.broadcast %shift_right_logical3A : i32 to vector<16xi32>
        %shift_right_logical3A_705 = arith.shrui %get3A_699, %shift_right_logical3A_704 : vector<16xi32>
        %and3A_706 = arith.constant 2047 : i32
        %and3A_707 = vector.broadcast %and3A_706 : i32 to vector<16xi32>
        %and3A_708 = arith.andi %shift_right_logical3A_705, %and3A_707 : vector<16xi32>
        %unique3A, %unique3A_709 = tpu.scan_count mask(%lt3A_703 : vector<16xi1>) value(%and3A_708 : vector<16xi32>) : vector<16xi1>, vector<16xi32>
        tpu.vector_store_idx %arg8[%and3A_708], %unique3A_709 masked %unique3A {add = true} : memref<2048xi32, #tpu.memory_space<vmem>>[vector<16xi32>], vector<16xi32>, vector<16xi1>
        %mul3A_710 = arith.constant 2 : i32
        %mul3A_711 = arith.muli %mul3A_710, %while3A_688 : i32
        %add3A_712 = arith.constant 1 : i32
        %add3A_713 = arith.addi %mul3A_711, %add3A_712 : i32
        %mul3A_714 = arith.constant 16 : i32
        %mul3A_715 = arith.muli %add3A_713, %mul3A_714 : i32
        %add3A_716 = arith.constant 0 : i32
        %add3A_717 = arith.addi %add3A_716, %mul3A_715 : i32
        %get3A_718 = arith.index_cast %add3A_717 : i32 to index
        %get3A_719 = tpu.vector_load %arg5[%get3A_718] {strides = array<i32>} : memref<16384xi32, #tpu.memory_space<vmem>>, vector<16xi32>,
        %iota3A_720 = tpu.iota {dimensions = array<i32: 0>} : vector<16xi32>
        %add3A_721 = vector.broadcast %mul3A_715 : i32 to vector<16xi32>
        %add3A_722 = arith.addi %add3A_721, %iota3A_720 : vector<16xi32>
        %lt3A_723 = vector.broadcast %reduce_max3A_128 : i32 to vector<16xi32>
        %lt3A_724 = arith.cmpi slt, %add3A_722, %lt3A_723 : vector<16xi32>
        %shift_right_logical3A_725 = arith.constant 0 : i32
        %shift_right_logical3A_726 = vector.broadcast %shift_right_logical3A_725 : i32 to vector<16xi32>
        %shift_right_logical3A_727 = arith.shrui %get3A_719, %shift_right_logical3A_726 : vector<16xi32>
        %and3A_728 = arith.constant 2047 : i32
        %and3A_729 = vector.broadcast %and3A_728 : i32 to vector<16xi32>
        %and3A_730 = arith.andi %shift_right_logical3A_727, %and3A_729 : vector<16xi32>
        %unique3A_731, %unique3A_732 = tpu.scan_count mask(%lt3A_724 : vector<16xi1>) value(%and3A_730 : vector<16xi32>) : vector<16xi1>, vector<16xi32>
        tpu.vector_store_idx %arg8[%and3A_730], %unique3A_732 masked %unique3A_731 {add = true} : memref<2048xi32, #tpu.memory_space<vmem>>[vector<16xi32>], vector<16xi32>, vector<16xi1>
        %while3A_733 = arith.constant 0 : i32
        scf.yield %while3A_733 : i32
      }
      %add3A_208 = arith.constant 32 : i32
      %add3A_209 = arith.addi %reduce_max3A_138, %add3A_208 : i32
      %sub3A_210 = arith.constant 1 : i32
      %sub3A_211 = arith.subi %add3A_209, %sub3A_210 : i32
      %jit3A_212 = arith.constant 32 : i32
      %div3A_213 = arith.divsi %sub3A_211, %jit3A_212 : i32
      %sign3A_214 = arith.constant 0 : i32
      %sign3A_215 = arith.cmpi sgt, %sub3A_211, %sign3A_214 : i32
      %sign3A_216 = arith.extui %sign3A_215 : i1 to i32
      %sign3A_217 = arith.constant 0 : i32
      %sign3A_218 = arith.cmpi slt, %sub3A_211, %sign3A_217 : i32
      %sign3A_219 = arith.extui %sign3A_218 : i1 to i32
      %sign3A_220 = arith.subi %sign3A_216, %sign3A_219 : i32
      %sign3A_221 = arith.constant 0 : i32
      %sign3A_222 = arith.cmpi sgt, %jit3A_212, %sign3A_221 : i32
      %sign3A_223 = arith.extui %sign3A_222 : i1 to i32
      %sign3A_224 = arith.constant 0 : i32
      %sign3A_225 = arith.cmpi slt, %jit3A_212, %sign3A_224 : i32
      %sign3A_226 = arith.extui %sign3A_225 : i1 to i32
      %sign3A_227 = arith.subi %sign3A_223, %sign3A_226 : i32
      %ne3A_228 = arith.cmpi ne, %sign3A_220, %sign3A_227 : i32
      %rem3A_229 = arith.remsi %sub3A_211, %jit3A_212 : i32
      %ne3A_230 = arith.constant 0 : i32
      %ne3A_231 = arith.cmpi ne, %rem3A_229, %ne3A_230 : i32
      %and3A_232 = arith.andi %ne3A_228, %ne3A_231 : i1
      %sub3A_233 = arith.constant 1 : i32
      %sub3A_234 = arith.subi %div3A_213, %sub3A_233 : i32
      %select_n3A_235 = arith.select %and3A_232, %sub3A_234, %div3A_213 : i32
      %while3A_236 = arith.constant 0 : i32
      %while3A_237 = arith.constant 0 : i32
      %while3A_238 = arith.subi %select_n3A_235, %while3A_236 : i32
      %while3A_239 = arith.addi %while3A_236, %while3A_238 : i32
      %while3A_240 = arith.constant 1 : i32
      %while3A_241 = arith.divsi %while3A_238, %while3A_240 : i32
      %while3A_242 = arith.muli %while3A_241, %while3A_240 : i32
      %while3A_243 = arith.addi %while3A_236, %while3A_242 : i32
      %while3A_244 = arith.constant 1 : i32
      %while3A_245 = scf.for %while3A_688 = %while3A_236 to %while3A_243 step %while3A_244 iter_args(%while3A_689 = %while3A_237) -> (i32)  : i32 {
        %mul3A_690 = arith.constant 2 : i32
        %mul3A_691 = arith.muli %mul3A_690, %while3A_688 : i32
        %add3A_692 = arith.constant 0 : i32
        %add3A_693 = arith.addi %mul3A_691, %add3A_692 : i32
        %mul3A_694 = arith.constant 16 : i32
        %mul3A_695 = arith.muli %add3A_693, %mul3A_694 : i32
        %add3A_696 = arith.constant 4096 : i32
        %add3A_697 = arith.addi %add3A_696, %mul3A_695 : i32
        %get3A_698 = arith.index_cast %add3A_697 : i32 to index
        %get3A_699 = tpu.vector_load %arg5[%get3A_698] {strides = array<i32>} : memref<16384xi32, #tpu.memory_space<vmem>>, vector<16xi32>,
        %iota3A = tpu.iota {dimensions = array<i32: 0>} : vector<16xi32>
        %add3A_700 = vector.broadcast %mul3A_695 : i32 to vector<16xi32>
        %add3A_701 = arith.addi %add3A_700, %iota3A : vector<16xi32>
        %lt3A_702 = vector.broadcast %reduce_max3A_138 : i32 to vector<16xi32>
        %lt3A_703 = arith.cmpi slt, %add3A_701, %lt3A_702 : vector<16xi32>
        %shift_right_logical3A = arith.constant 0 : i32
        %shift_right_logical3A_704 = vector.broadcast %shift_right_logical3A : i32 to vector<16xi32>
        %shift_right_logical3A_705 = arith.shrui %get3A_699, %shift_right_logical3A_704 : vector<16xi32>
        %and3A_706 = arith.constant 2047 : i32
        %and3A_707 = vector.broadcast %and3A_706 : i32 to vector<16xi32>
        %and3A_708 = arith.andi %shift_right_logical3A_705, %and3A_707 : vector<16xi32>
        %unique3A, %unique3A_709 = tpu.scan_count mask(%lt3A_703 : vector<16xi1>) value(%and3A_708 : vector<16xi32>) : vector<16xi1>, vector<16xi32>
        tpu.vector_store_idx %arg8[%and3A_708], %unique3A_709 masked %unique3A {add = true} : memref<2048xi32, #tpu.memory_space<vmem>>[vector<16xi32>], vector<16xi32>, vector<16xi1>
        %mul3A_710 = arith.constant 2 : i32
        %mul3A_711 = arith.muli %mul3A_710, %while3A_688 : i32
        %add3A_712 = arith.constant 1 : i32
        %add3A_713 = arith.addi %mul3A_711, %add3A_712 : i32
        %mul3A_714 = arith.constant 16 : i32
        %mul3A_715 = arith.muli %add3A_713, %mul3A_714 : i32
        %add3A_716 = arith.constant 4096 : i32
        %add3A_717 = arith.addi %add3A_716, %mul3A_715 : i32
        %get3A_718 = arith.index_cast %add3A_717 : i32 to index
        %get3A_719 = tpu.vector_load %arg5[%get3A_718] {strides = array<i32>} : memref<16384xi32, #tpu.memory_space<vmem>>, vector<16xi32>,
        %iota3A_720 = tpu.iota {dimensions = array<i32: 0>} : vector<16xi32>
        %add3A_721 = vector.broadcast %mul3A_715 : i32 to vector<16xi32>
        %add3A_722 = arith.addi %add3A_721, %iota3A_720 : vector<16xi32>
        %lt3A_723 = vector.broadcast %reduce_max3A_138 : i32 to vector<16xi32>
        %lt3A_724 = arith.cmpi slt, %add3A_722, %lt3A_723 : vector<16xi32>
        %shift_right_logical3A_725 = arith.constant 0 : i32
        %shift_right_logical3A_726 = vector.broadcast %shift_right_logical3A_725 : i32 to vector<16xi32>
        %shift_right_logical3A_727 = arith.shrui %get3A_719, %shift_right_logical3A_726 : vector<16xi32>
        %and3A_728 = arith.constant 2047 : i32
        %and3A_729 = vector.broadcast %and3A_728 : i32 to vector<16xi32>
        %and3A_730 = arith.andi %shift_right_logical3A_727, %and3A_729 : vector<16xi32>
        %unique3A_731, %unique3A_732 = tpu.scan_count mask(%lt3A_724 : vector<16xi1>) value(%and3A_730 : vector<16xi32>) : vector<16xi1>, vector<16xi32>
        tpu.vector_store_idx %arg8[%and3A_730], %unique3A_732 masked %unique3A_731 {add = true} : memref<2048xi32, #tpu.memory_space<vmem>>[vector<16xi32>], vector<16xi32>, vector<16xi1>
        %while3A_733 = arith.constant 0 : i32
        scf.yield %while3A_733 : i32
      }
      %while3A_246 = arith.constant 1 : i32
      %while3A_247 = scf.for %while3A_688 = %while3A_243 to %while3A_239 step %while3A_246 iter_args(%while3A_689 = %while3A_245) -> (i32)  : i32 {
        %mul3A_690 = arith.constant 2 : i32
        %mul3A_691 = arith.muli %mul3A_690, %while3A_688 : i32
        %add3A_692 = arith.constant 0 : i32
        %add3A_693 = arith.addi %mul3A_691, %add3A_692 : i32
        %mul3A_694 = arith.constant 16 : i32
        %mul3A_695 = arith.muli %add3A_693, %mul3A_694 : i32
        %add3A_696 = arith.constant 4096 : i32
        %add3A_697 = arith.addi %add3A_696, %mul3A_695 : i32
        %get3A_698 = arith.index_cast %add3A_697 : i32 to index
        %get3A_699 = tpu.vector_load %arg5[%get3A_698] {strides = array<i32>} : memref<16384xi32, #tpu.memory_space<vmem>>, vector<16xi32>,
        %iota3A = tpu.iota {dimensions = array<i32: 0>} : vector<16xi32>
        %add3A_700 = vector.broadcast %mul3A_695 : i32 to vector<16xi32>
        %add3A_701 = arith.addi %add3A_700, %iota3A : vector<16xi32>
        %lt3A_702 = vector.broadcast %reduce_max3A_138 : i32 to vector<16xi32>
        %lt3A_703 = arith.cmpi slt, %add3A_701, %lt3A_702 : vector<16xi32>
        %shift_right_logical3A = arith.constant 0 : i32
        %shift_right_logical3A_704 = vector.broadcast %shift_right_logical3A : i32 to vector<16xi32>
        %shift_right_logical3A_705 = arith.shrui %get3A_699, %shift_right_logical3A_704 : vector<16xi32>
        %and3A_706 = arith.constant 2047 : i32
        %and3A_707 = vector.broadcast %and3A_706 : i32 to vector<16xi32>
        %and3A_708 = arith.andi %shift_right_logical3A_705, %and3A_707 : vector<16xi32>
        %unique3A, %unique3A_709 = tpu.scan_count mask(%lt3A_703 : vector<16xi1>) value(%and3A_708 : vector<16xi32>) : vector<16xi1>, vector<16xi32>
        tpu.vector_store_idx %arg8[%and3A_708], %unique3A_709 masked %unique3A {add = true} : memref<2048xi32, #tpu.memory_space<vmem>>[vector<16xi32>], vector<16xi32>, vector<16xi1>
        %mul3A_710 = arith.constant 2 : i32
        %mul3A_711 = arith.muli %mul3A_710, %while3A_688 : i32
        %add3A_712 = arith.constant 1 : i32
        %add3A_713 = arith.addi %mul3A_711, %add3A_712 : i32
        %mul3A_714 = arith.constant 16 : i32
        %mul3A_715 = arith.muli %add3A_713, %mul3A_714 : i32
        %add3A_716 = arith.constant 4096 : i32
        %add3A_717 = arith.addi %add3A_716, %mul3A_715 : i32
        %get3A_718 = arith.index_cast %add3A_717 : i32 to index
        %get3A_719 = tpu.vector_load %arg5[%get3A_718] {strides = array<i32>} : memref<16384xi32, #tpu.memory_space<vmem>>, vector<16xi32>,
        %iota3A_720 = tpu.iota {dimensions = array<i32: 0>} : vector<16xi32>
        %add3A_721 = vector.broadcast %mul3A_715 : i32 to vector<16xi32>
        %add3A_722 = arith.addi %add3A_721, %iota3A_720 : vector<16xi32>
        %lt3A_723 = vector.broadcast %reduce_max3A_138 : i32 to vector<16xi32>
        %lt3A_724 = arith.cmpi slt, %add3A_722, %lt3A_723 : vector<16xi32>
        %shift_right_logical3A_725 = arith.constant 0 : i32
        %shift_right_logical3A_726 = vector.broadcast %shift_right_logical3A_725 : i32 to vector<16xi32>
        %shift_right_logical3A_727 = arith.shrui %get3A_719, %shift_right_logical3A_726 : vector<16xi32>
        %and3A_728 = arith.constant 2047 : i32
        %and3A_729 = vector.broadcast %and3A_728 : i32 to vector<16xi32>
        %and3A_730 = arith.andi %shift_right_logical3A_727, %and3A_729 : vector<16xi32>
        %unique3A_731, %unique3A_732 = tpu.scan_count mask(%lt3A_724 : vector<16xi1>) value(%and3A_730 : vector<16xi32>) : vector<16xi1>, vector<16xi32>
        tpu.vector_store_idx %arg8[%and3A_730], %unique3A_732 masked %unique3A_731 {add = true} : memref<2048xi32, #tpu.memory_space<vmem>>[vector<16xi32>], vector<16xi32>, vector<16xi1>
        %while3A_733 = arith.constant 0 : i32
        scf.yield %while3A_733 : i32
      }
      %add3A_248 = arith.constant 32 : i32
      %add3A_249 = arith.addi %reduce_max3A_148, %add3A_248 : i32
      %sub3A_250 = arith.constant 1 : i32
      %sub3A_251 = arith.subi %add3A_249, %sub3A_250 : i32
      %jit3A_252 = arith.constant 32 : i32
      %div3A_253 = arith.divsi %sub3A_251, %jit3A_252 : i32
      %sign3A_254 = arith.constant 0 : i32
      %sign3A_255 = arith.cmpi sgt, %sub3A_251, %sign3A_254 : i32
      %sign3A_256 = arith.extui %sign3A_255 : i1 to i32
      %sign3A_257 = arith.constant 0 : i32
      %sign3A_258 = arith.cmpi slt, %sub3A_251, %sign3A_257 : i32
      %sign3A_259 = arith.extui %sign3A_258 : i1 to i32
      %sign3A_260 = arith.subi %sign3A_256, %sign3A_259 : i32
      %sign3A_261 = arith.constant 0 : i32
      %sign3A_262 = arith.cmpi sgt, %jit3A_252, %sign3A_261 : i32
      %sign3A_263 = arith.extui %sign3A_262 : i1 to i32
      %sign3A_264 = arith.constant 0 : i32
      %sign3A_265 = arith.cmpi slt, %jit3A_252, %sign3A_264 : i32
      %sign3A_266 = arith.extui %sign3A_265 : i1 to i32
      %sign3A_267 = arith.subi %sign3A_263, %sign3A_266 : i32
      %ne3A_268 = arith.cmpi ne, %sign3A_260, %sign3A_267 : i32
      %rem3A_269 = arith.remsi %sub3A_251, %jit3A_252 : i32
      %ne3A_270 = arith.constant 0 : i32
      %ne3A_271 = arith.cmpi ne, %rem3A_269, %ne3A_270 : i32
      %and3A_272 = arith.andi %ne3A_268, %ne3A_271 : i1
      %sub3A_273 = arith.constant 1 : i32
      %sub3A_274 = arith.subi %div3A_253, %sub3A_273 : i32
      %select_n3A_275 = arith.select %and3A_272, %sub3A_274, %div3A_253 : i32
      %while3A_276 = arith.constant 0 : i32
      %while3A_277 = arith.constant 0 : i32
      %while3A_278 = arith.subi %select_n3A_275, %while3A_276 : i32
      %while3A_279 = arith.addi %while3A_276, %while3A_278 : i32
      %while3A_280 = arith.constant 1 : i32
      %while3A_281 = arith.divsi %while3A_278, %while3A_280 : i32
      %while3A_282 = arith.muli %while3A_281, %while3A_280 : i32
      %while3A_283 = arith.addi %while3A_276, %while3A_282 : i32
      %while3A_284 = arith.constant 1 : i32
      %while3A_285 = scf.for %while3A_688 = %while3A_276 to %while3A_283 step %while3A_284 iter_args(%while3A_689 = %while3A_277) -> (i32)  : i32 {
        %mul3A_690 = arith.constant 2 : i32
        %mul3A_691 = arith.muli %mul3A_690, %while3A_688 : i32
        %add3A_692 = arith.constant 0 : i32
        %add3A_693 = arith.addi %mul3A_691, %add3A_692 : i32
        %mul3A_694 = arith.constant 16 : i32
        %mul3A_695 = arith.muli %add3A_693, %mul3A_694 : i32
        %add3A_696 = arith.constant 8192 : i32
        %add3A_697 = arith.addi %add3A_696, %mul3A_695 : i32
        %get3A_698 = arith.index_cast %add3A_697 : i32 to index
        %get3A_699 = tpu.vector_load %arg5[%get3A_698] {strides = array<i32>} : memref<16384xi32, #tpu.memory_space<vmem>>, vector<16xi32>,
        %iota3A = tpu.iota {dimensions = array<i32: 0>} : vector<16xi32>
        %add3A_700 = vector.broadcast %mul3A_695 : i32 to vector<16xi32>
        %add3A_701 = arith.addi %add3A_700, %iota3A : vector<16xi32>
        %lt3A_702 = vector.broadcast %reduce_max3A_148 : i32 to vector<16xi32>
        %lt3A_703 = arith.cmpi slt, %add3A_701, %lt3A_702 : vector<16xi32>
        %shift_right_logical3A = arith.constant 0 : i32
        %shift_right_logical3A_704 = vector.broadcast %shift_right_logical3A : i32 to vector<16xi32>
        %shift_right_logical3A_705 = arith.shrui %get3A_699, %shift_right_logical3A_704 : vector<16xi32>
        %and3A_706 = arith.constant 2047 : i32
        %and3A_707 = vector.broadcast %and3A_706 : i32 to vector<16xi32>
        %and3A_708 = arith.andi %shift_right_logical3A_705, %and3A_707 : vector<16xi32>
        %unique3A, %unique3A_709 = tpu.scan_count mask(%lt3A_703 : vector<16xi1>) value(%and3A_708 : vector<16xi32>) : vector<16xi1>, vector<16xi32>
        tpu.vector_store_idx %arg8[%and3A_708], %unique3A_709 masked %unique3A {add = true} : memref<2048xi32, #tpu.memory_space<vmem>>[vector<16xi32>], vector<16xi32>, vector<16xi1>
        %mul3A_710 = arith.constant 2 : i32
        %mul3A_711 = arith.muli %mul3A_710, %while3A_688 : i32
        %add3A_712 = arith.constant 1 : i32
        %add3A_713 = arith.addi %mul3A_711, %add3A_712 : i32
        %mul3A_714 = arith.constant 16 : i32
        %mul3A_715 = arith.muli %add3A_713, %mul3A_714 : i32
        %add3A_716 = arith.constant 8192 : i32
        %add3A_717 = arith.addi %add3A_716, %mul3A_715 : i32
        %get3A_718 = arith.index_cast %add3A_717 : i32 to index
        %get3A_719 = tpu.vector_load %arg5[%get3A_718] {strides = array<i32>} : memref<16384xi32, #tpu.memory_space<vmem>>, vector<16xi32>,
        %iota3A_720 = tpu.iota {dimensions = array<i32: 0>} : vector<16xi32>
        %add3A_721 = vector.broadcast %mul3A_715 : i32 to vector<16xi32>
        %add3A_722 = arith.addi %add3A_721, %iota3A_720 : vector<16xi32>
        %lt3A_723 = vector.broadcast %reduce_max3A_148 : i32 to vector<16xi32>
        %lt3A_724 = arith.cmpi slt, %add3A_722, %lt3A_723 : vector<16xi32>
        %shift_right_logical3A_725 = arith.constant 0 : i32
        %shift_right_logical3A_726 = vector.broadcast %shift_right_logical3A_725 : i32 to vector<16xi32>
        %shift_right_logical3A_727 = arith.shrui %get3A_719, %shift_right_logical3A_726 : vector<16xi32>
        %and3A_728 = arith.constant 2047 : i32
        %and3A_729 = vector.broadcast %and3A_728 : i32 to vector<16xi32>
        %and3A_730 = arith.andi %shift_right_logical3A_727, %and3A_729 : vector<16xi32>
        %unique3A_731, %unique3A_732 = tpu.scan_count mask(%lt3A_724 : vector<16xi1>) value(%and3A_730 : vector<16xi32>) : vector<16xi1>, vector<16xi32>
        tpu.vector_store_idx %arg8[%and3A_730], %unique3A_732 masked %unique3A_731 {add = true} : memref<2048xi32, #tpu.memory_space<vmem>>[vector<16xi32>], vector<16xi32>, vector<16xi1>
        %while3A_733 = arith.constant 0 : i32
        scf.yield %while3A_733 : i32
      }
      %while3A_286 = arith.constant 1 : i32
      %while3A_287 = scf.for %while3A_688 = %while3A_283 to %while3A_279 step %while3A_286 iter_args(%while3A_689 = %while3A_285) -> (i32)  : i32 {
        %mul3A_690 = arith.constant 2 : i32
        %mul3A_691 = arith.muli %mul3A_690, %while3A_688 : i32
        %add3A_692 = arith.constant 0 : i32
        %add3A_693 = arith.addi %mul3A_691, %add3A_692 : i32
        %mul3A_694 = arith.constant 16 : i32
        %mul3A_695 = arith.muli %add3A_693, %mul3A_694 : i32
        %add3A_696 = arith.constant 8192 : i32
        %add3A_697 = arith.addi %add3A_696, %mul3A_695 : i32
        %get3A_698 = arith.index_cast %add3A_697 : i32 to index
        %get3A_699 = tpu.vector_load %arg5[%get3A_698] {strides = array<i32>} : memref<16384xi32, #tpu.memory_space<vmem>>, vector<16xi32>,
        %iota3A = tpu.iota {dimensions = array<i32: 0>} : vector<16xi32>
        %add3A_700 = vector.broadcast %mul3A_695 : i32 to vector<16xi32>
        %add3A_701 = arith.addi %add3A_700, %iota3A : vector<16xi32>
        %lt3A_702 = vector.broadcast %reduce_max3A_148 : i32 to vector<16xi32>
        %lt3A_703 = arith.cmpi slt, %add3A_701, %lt3A_702 : vector<16xi32>
        %shift_right_logical3A = arith.constant 0 : i32
        %shift_right_logical3A_704 = vector.broadcast %shift_right_logical3A : i32 to vector<16xi32>
        %shift_right_logical3A_705 = arith.shrui %get3A_699, %shift_right_logical3A_704 : vector<16xi32>
        %and3A_706 = arith.constant 2047 : i32
        %and3A_707 = vector.broadcast %and3A_706 : i32 to vector<16xi32>
        %and3A_708 = arith.andi %shift_right_logical3A_705, %and3A_707 : vector<16xi32>
        %unique3A, %unique3A_709 = tpu.scan_count mask(%lt3A_703 : vector<16xi1>) value(%and3A_708 : vector<16xi32>) : vector<16xi1>, vector<16xi32>
        tpu.vector_store_idx %arg8[%and3A_708], %unique3A_709 masked %unique3A {add = true} : memref<2048xi32, #tpu.memory_space<vmem>>[vector<16xi32>], vector<16xi32>, vector<16xi1>
        %mul3A_710 = arith.constant 2 : i32
        %mul3A_711 = arith.muli %mul3A_710, %while3A_688 : i32
        %add3A_712 = arith.constant 1 : i32
        %add3A_713 = arith.addi %mul3A_711, %add3A_712 : i32
        %mul3A_714 = arith.constant 16 : i32
        %mul3A_715 = arith.muli %add3A_713, %mul3A_714 : i32
        %add3A_716 = arith.constant 8192 : i32
        %add3A_717 = arith.addi %add3A_716, %mul3A_715 : i32
        %get3A_718 = arith.index_cast %add3A_717 : i32 to index
        %get3A_719 = tpu.vector_load %arg5[%get3A_718] {strides = array<i32>} : memref<16384xi32, #tpu.memory_space<vmem>>, vector<16xi32>,
        %iota3A_720 = tpu.iota {dimensions = array<i32: 0>} : vector<16xi32>
        %add3A_721 = vector.broadcast %mul3A_715 : i32 to vector<16xi32>
        %add3A_722 = arith.addi %add3A_721, %iota3A_720 : vector<16xi32>
        %lt3A_723 = vector.broadcast %reduce_max3A_148 : i32 to vector<16xi32>
        %lt3A_724 = arith.cmpi slt, %add3A_722, %lt3A_723 : vector<16xi32>
        %shift_right_logical3A_725 = arith.constant 0 : i32
        %shift_right_logical3A_726 = vector.broadcast %shift_right_logical3A_725 : i32 to vector<16xi32>
        %shift_right_logical3A_727 = arith.shrui %get3A_719, %shift_right_logical3A_726 : vector<16xi32>
        %and3A_728 = arith.constant 2047 : i32
        %and3A_729 = vector.broadcast %and3A_728 : i32 to vector<16xi32>
        %and3A_730 = arith.andi %shift_right_logical3A_727, %and3A_729 : vector<16xi32>
        %unique3A_731, %unique3A_732 = tpu.scan_count mask(%lt3A_724 : vector<16xi1>) value(%and3A_730 : vector<16xi32>) : vector<16xi1>, vector<16xi32>
        tpu.vector_store_idx %arg8[%and3A_730], %unique3A_732 masked %unique3A_731 {add = true} : memref<2048xi32, #tpu.memory_space<vmem>>[vector<16xi32>], vector<16xi32>, vector<16xi1>
        %while3A_733 = arith.constant 0 : i32
        scf.yield %while3A_733 : i32
      }
      %add3A_288 = arith.constant 32 : i32
      %add3A_289 = arith.addi %reduce_max3A_158, %add3A_288 : i32
      %sub3A_290 = arith.constant 1 : i32
      %sub3A_291 = arith.subi %add3A_289, %sub3A_290 : i32
      %jit3A_292 = arith.constant 32 : i32
      %div3A_293 = arith.divsi %sub3A_291, %jit3A_292 : i32
      %sign3A_294 = arith.constant 0 : i32
      %sign3A_295 = arith.cmpi sgt, %sub3A_291, %sign3A_294 : i32
      %sign3A_296 = arith.extui %sign3A_295 : i1 to i32
      %sign3A_297 = arith.constant 0 : i32
      %sign3A_298 = arith.cmpi slt, %sub3A_291, %sign3A_297 : i32
      %sign3A_299 = arith.extui %sign3A_298 : i1 to i32
      %sign3A_300 = arith.subi %sign3A_296, %sign3A_299 : i32
      %sign3A_301 = arith.constant 0 : i32
      %sign3A_302 = arith.cmpi sgt, %jit3A_292, %sign3A_301 : i32
      %sign3A_303 = arith.extui %sign3A_302 : i1 to i32
      %sign3A_304 = arith.constant 0 : i32
      %sign3A_305 = arith.cmpi slt, %jit3A_292, %sign3A_304 : i32
      %sign3A_306 = arith.extui %sign3A_305 : i1 to i32
      %sign3A_307 = arith.subi %sign3A_303, %sign3A_306 : i32
      %ne3A_308 = arith.cmpi ne, %sign3A_300, %sign3A_307 : i32
      %rem3A_309 = arith.remsi %sub3A_291, %jit3A_292 : i32
      %ne3A_310 = arith.constant 0 : i32
      %ne3A_311 = arith.cmpi ne, %rem3A_309, %ne3A_310 : i32
      %and3A_312 = arith.andi %ne3A_308, %ne3A_311 : i1
      %sub3A_313 = arith.constant 1 : i32
      %sub3A_314 = arith.subi %div3A_293, %sub3A_313 : i32
      %select_n3A_315 = arith.select %and3A_312, %sub3A_314, %div3A_293 : i32
      %while3A_316 = arith.constant 0 : i32
      %while3A_317 = arith.constant 0 : i32
      %while3A_318 = arith.subi %select_n3A_315, %while3A_316 : i32
      %while3A_319 = arith.addi %while3A_316, %while3A_318 : i32
      %while3A_320 = arith.constant 1 : i32
      %while3A_321 = arith.divsi %while3A_318, %while3A_320 : i32
      %while3A_322 = arith.muli %while3A_321, %while3A_320 : i32
      %while3A_323 = arith.addi %while3A_316, %while3A_322 : i32
      %while3A_324 = arith.constant 1 : i32
      %while3A_325 = scf.for %while3A_688 = %while3A_316 to %while3A_323 step %while3A_324 iter_args(%while3A_689 = %while3A_317) -> (i32)  : i32 {
        %mul3A_690 = arith.constant 2 : i32
        %mul3A_691 = arith.muli %mul3A_690, %while3A_688 : i32
        %add3A_692 = arith.constant 0 : i32
        %add3A_693 = arith.addi %mul3A_691, %add3A_692 : i32
        %mul3A_694 = arith.constant 16 : i32
        %mul3A_695 = arith.muli %add3A_693, %mul3A_694 : i32
        %add3A_696 = arith.constant 12288 : i32
        %add3A_697 = arith.addi %add3A_696, %mul3A_695 : i32
        %get3A_698 = arith.index_cast %add3A_697 : i32 to index
        %get3A_699 = tpu.vector_load %arg5[%get3A_698] {strides = array<i32>} : memref<16384xi32, #tpu.memory_space<vmem>>, vector<16xi32>,
        %iota3A = tpu.iota {dimensions = array<i32: 0>} : vector<16xi32>
        %add3A_700 = vector.broadcast %mul3A_695 : i32 to vector<16xi32>
        %add3A_701 = arith.addi %add3A_700, %iota3A : vector<16xi32>
        %lt3A_702 = vector.broadcast %reduce_max3A_158 : i32 to vector<16xi32>
        %lt3A_703 = arith.cmpi slt, %add3A_701, %lt3A_702 : vector<16xi32>
        %shift_right_logical3A = arith.constant 0 : i32
        %shift_right_logical3A_704 = vector.broadcast %shift_right_logical3A : i32 to vector<16xi32>
        %shift_right_logical3A_705 = arith.shrui %get3A_699, %shift_right_logical3A_704 : vector<16xi32>
        %and3A_706 = arith.constant 2047 : i32
        %and3A_707 = vector.broadcast %and3A_706 : i32 to vector<16xi32>
        %and3A_708 = arith.andi %shift_right_logical3A_705, %and3A_707 : vector<16xi32>
        %unique3A, %unique3A_709 = tpu.scan_count mask(%lt3A_703 : vector<16xi1>) value(%and3A_708 : vector<16xi32>) : vector<16xi1>, vector<16xi32>
        tpu.vector_store_idx %arg8[%and3A_708], %unique3A_709 masked %unique3A {add = true} : memref<2048xi32, #tpu.memory_space<vmem>>[vector<16xi32>], vector<16xi32>, vector<16xi1>
        %mul3A_710 = arith.constant 2 : i32
        %mul3A_711 = arith.muli %mul3A_710, %while3A_688 : i32
        %add3A_712 = arith.constant 1 : i32
        %add3A_713 = arith.addi %mul3A_711, %add3A_712 : i32
        %mul3A_714 = arith.constant 16 : i32
        %mul3A_715 = arith.muli %add3A_713, %mul3A_714 : i32
        %add3A_716 = arith.constant 12288 : i32
        %add3A_717 = arith.addi %add3A_716, %mul3A_715 : i32
        %get3A_718 = arith.index_cast %add3A_717 : i32 to index
        %get3A_719 = tpu.vector_load %arg5[%get3A_718] {strides = array<i32>} : memref<16384xi32, #tpu.memory_space<vmem>>, vector<16xi32>,
        %iota3A_720 = tpu.iota {dimensions = array<i32: 0>} : vector<16xi32>
        %add3A_721 = vector.broadcast %mul3A_715 : i32 to vector<16xi32>
        %add3A_722 = arith.addi %add3A_721, %iota3A_720 : vector<16xi32>
        %lt3A_723 = vector.broadcast %reduce_max3A_158 : i32 to vector<16xi32>
        %lt3A_724 = arith.cmpi slt, %add3A_722, %lt3A_723 : vector<16xi32>
        %shift_right_logical3A_725 = arith.constant 0 : i32
        %shift_right_logical3A_726 = vector.broadcast %shift_right_logical3A_725 : i32 to vector<16xi32>
        %shift_right_logical3A_727 = arith.shrui %get3A_719, %shift_right_logical3A_726 : vector<16xi32>
        %and3A_728 = arith.constant 2047 : i32
        %and3A_729 = vector.broadcast %and3A_728 : i32 to vector<16xi32>
        %and3A_730 = arith.andi %shift_right_logical3A_727, %and3A_729 : vector<16xi32>
        %unique3A_731, %unique3A_732 = tpu.scan_count mask(%lt3A_724 : vector<16xi1>) value(%and3A_730 : vector<16xi32>) : vector<16xi1>, vector<16xi32>
        tpu.vector_store_idx %arg8[%and3A_730], %unique3A_732 masked %unique3A_731 {add = true} : memref<2048xi32, #tpu.memory_space<vmem>>[vector<16xi32>], vector<16xi32>, vector<16xi1>
        %while3A_733 = arith.constant 0 : i32
        scf.yield %while3A_733 : i32
      }
      %while3A_326 = arith.constant 1 : i32
      %while3A_327 = scf.for %while3A_688 = %while3A_323 to %while3A_319 step %while3A_326 iter_args(%while3A_689 = %while3A_325) -> (i32)  : i32 {
        %mul3A_690 = arith.constant 2 : i32
        %mul3A_691 = arith.muli %mul3A_690, %while3A_688 : i32
        %add3A_692 = arith.constant 0 : i32
        %add3A_693 = arith.addi %mul3A_691, %add3A_692 : i32
        %mul3A_694 = arith.constant 16 : i32
        %mul3A_695 = arith.muli %add3A_693, %mul3A_694 : i32
        %add3A_696 = arith.constant 12288 : i32
        %add3A_697 = arith.addi %add3A_696, %mul3A_695 : i32
        %get3A_698 = arith.index_cast %add3A_697 : i32 to index
        %get3A_699 = tpu.vector_load %arg5[%get3A_698] {strides = array<i32>} : memref<16384xi32, #tpu.memory_space<vmem>>, vector<16xi32>,
        %iota3A = tpu.iota {dimensions = array<i32: 0>} : vector<16xi32>
        %add3A_700 = vector.broadcast %mul3A_695 : i32 to vector<16xi32>
        %add3A_701 = arith.addi %add3A_700, %iota3A : vector<16xi32>
        %lt3A_702 = vector.broadcast %reduce_max3A_158 : i32 to vector<16xi32>
        %lt3A_703 = arith.cmpi slt, %add3A_701, %lt3A_702 : vector<16xi32>
        %shift_right_logical3A = arith.constant 0 : i32
        %shift_right_logical3A_704 = vector.broadcast %shift_right_logical3A : i32 to vector<16xi32>
        %shift_right_logical3A_705 = arith.shrui %get3A_699, %shift_right_logical3A_704 : vector<16xi32>
        %and3A_706 = arith.constant 2047 : i32
        %and3A_707 = vector.broadcast %and3A_706 : i32 to vector<16xi32>
        %and3A_708 = arith.andi %shift_right_logical3A_705, %and3A_707 : vector<16xi32>
        %unique3A, %unique3A_709 = tpu.scan_count mask(%lt3A_703 : vector<16xi1>) value(%and3A_708 : vector<16xi32>) : vector<16xi1>, vector<16xi32>
        tpu.vector_store_idx %arg8[%and3A_708], %unique3A_709 masked %unique3A {add = true} : memref<2048xi32, #tpu.memory_space<vmem>>[vector<16xi32>], vector<16xi32>, vector<16xi1>
        %mul3A_710 = arith.constant 2 : i32
        %mul3A_711 = arith.muli %mul3A_710, %while3A_688 : i32
        %add3A_712 = arith.constant 1 : i32
        %add3A_713 = arith.addi %mul3A_711, %add3A_712 : i32
        %mul3A_714 = arith.constant 16 : i32
        %mul3A_715 = arith.muli %add3A_713, %mul3A_714 : i32
        %add3A_716 = arith.constant 12288 : i32
        %add3A_717 = arith.addi %add3A_716, %mul3A_715 : i32
        %get3A_718 = arith.index_cast %add3A_717 : i32 to index
        %get3A_719 = tpu.vector_load %arg5[%get3A_718] {strides = array<i32>} : memref<16384xi32, #tpu.memory_space<vmem>>, vector<16xi32>,
        %iota3A_720 = tpu.iota {dimensions = array<i32: 0>} : vector<16xi32>
        %add3A_721 = vector.broadcast %mul3A_715 : i32 to vector<16xi32>
        %add3A_722 = arith.addi %add3A_721, %iota3A_720 : vector<16xi32>
        %lt3A_723 = vector.broadcast %reduce_max3A_158 : i32 to vector<16xi32>
        %lt3A_724 = arith.cmpi slt, %add3A_722, %lt3A_723 : vector<16xi32>
        %shift_right_logical3A_725 = arith.constant 0 : i32
        %shift_right_logical3A_726 = vector.broadcast %shift_right_logical3A_725 : i32 to vector<16xi32>
        %shift_right_logical3A_727 = arith.shrui %get3A_719, %shift_right_logical3A_726 : vector<16xi32>
        %and3A_728 = arith.constant 2047 : i32
        %and3A_729 = vector.broadcast %and3A_728 : i32 to vector<16xi32>
        %and3A_730 = arith.andi %shift_right_logical3A_727, %and3A_729 : vector<16xi32>
        %unique3A_731, %unique3A_732 = tpu.scan_count mask(%lt3A_724 : vector<16xi1>) value(%and3A_730 : vector<16xi32>) : vector<16xi1>, vector<16xi32>
        tpu.vector_store_idx %arg8[%and3A_730], %unique3A_732 masked %unique3A_731 {add = true} : memref<2048xi32, #tpu.memory_space<vmem>>[vector<16xi32>], vector<16xi32>, vector<16xi1>
        %while3A_733 = arith.constant 0 : i32
        scf.yield %while3A_733 : i32
      }
      %scan3A_328 = arith.constant 0 : i32
      %scan3A_329 = arith.constant 2147483647 : i32
      %scan3A_330 = arith.constant 0 : i32
      %scan3A_331 = arith.constant 128 : i32
      %scan3A_332 = arith.addi %scan3A_330, %scan3A_331 : i32
      %scan3A_333 = arith.constant 1 : i32
      %scan3A_334:2 = scf.for %scan3A_688 = %scan3A_330 to %scan3A_332 step %scan3A_333 iter_args(%scan3A_689 = %scan3A_328, %scan3A_690 = %scan3A_329) -> (i32, i32)  : i32 {
        %mul3A_691 = arith.constant 16 : i32
        %mul3A_692 = arith.muli %scan3A_688, %mul3A_691 : i32
        %get3A_693 = arith.index_cast %mul3A_692 : i32 to index
        %get3A_694 = tpu.vector_load %arg8[%get3A_693] {strides = array<i32>} : memref<2048xi32, #tpu.memory_space<vmem>>, vector<16xi32>,
        %broadcast_in_dim3A_695 = arith.constant true
        %broadcast_in_dim3A_696 = vector.broadcast %broadcast_in_dim3A_695 : i1 to vector<16xi1>
        %masked_cumsum3A = tpu.scan <sum>, %get3A_694 masked %broadcast_in_dim3A_696 : vector<16xi32>, vector<16xi1> -> vector<16xi32>
        %add3A_697 = vector.broadcast %scan3A_689 : i32 to vector<16xi32>
        %add3A_698 = arith.addi %masked_cumsum3A, %add3A_697 : vector<16xi32>
        %sub3A_699 = arith.subi %add3A_698, %get3A_694 : vector<16xi32>
        %mul3A_700 = arith.constant 16 : i32
        %mul3A_701 = arith.muli %scan3A_688, %mul3A_700 : i32
        %swap3A_702 = arith.index_cast %mul3A_701 : i32 to index
        %swap3A_703 = tpu.vector_load %arg8[%swap3A_702] {strides = array<i32>} : memref<2048xi32, #tpu.memory_space<vmem>>, vector<16xi32>,
        tpu.vector_store %arg8[%swap3A_702], %sub3A_699 {strides = array<i32>} : memref<2048xi32, #tpu.memory_space<vmem>>, vector<16xi32>,
        %ge3A = arith.constant 4096 : i32
        %ge3A_704 = vector.broadcast %ge3A : i32 to vector<16xi32>
        %ge3A_705 = arith.cmpi sge, %add3A_698, %ge3A_704 : vector<16xi32>
        %jit3A_706 = arith.constant 2147483647 : i32
        %broadcast_in_dim3A_707 = vector.broadcast %jit3A_706 : i32 to vector<16xi32>
        %select_n3A_708 = arith.select %ge3A_705, %add3A_698, %broadcast_in_dim3A_707 : vector<16xi1>, vector<16xi32>
        %reduce_min3A = arith.constant true
        %reduce_min3A_709 = vector.broadcast %reduce_min3A : i1 to vector<16xi1>
        %reduce_min3A_710 = arith.constant -2147483648 : i32
        %reduce_min3A_711 = vector.broadcast %reduce_min3A_710 : i32 to vector<16xi32>
        %reduce_min3A_712 = arith.xori %select_n3A_708, %reduce_min3A_711 : vector<16xi32>
        %reduce_min3A_713 = tpu.scan <min>, %reduce_min3A_712 masked %reduce_min3A_709 : vector<16xi32>, vector<16xi1> -> vector<16xi32>
        %reduce_min3A_714 = arith.xori %reduce_min3A_713, %reduce_min3A_711 : vector<16xi32>
        %reduce_min3A_715 = vector.extract %reduce_min3A_714[15] : i32 from vector<16xi32>
        %min3A = arith.minsi %scan3A_690, %reduce_min3A_715 : i32
        %reduce_max3A_716 = arith.constant true
        %reduce_max3A_717 = vector.broadcast %reduce_max3A_716 : i1 to vector<16xi1>
        %reduce_max3A_718 = arith.constant -2147483648 : i32
        %reduce_max3A_719 = vector.broadcast %reduce_max3A_718 : i32 to vector<16xi32>
        %reduce_max3A_720 = arith.xori %add3A_698, %reduce_max3A_719 : vector<16xi32>
        %reduce_max3A_721 = tpu.scan <max>, %reduce_max3A_720 masked %reduce_max3A_717 : vector<16xi32>, vector<16xi1> -> vector<16xi32>
        %reduce_max3A_722 = arith.xori %reduce_max3A_721, %reduce_max3A_719 : vector<16xi32>
        %reduce_max3A_723 = vector.extract %reduce_max3A_722[15] : i32 from vector<16xi32>
        scf.yield %reduce_max3A_723, %min3A : i32, i32
      }
      %scan3A_335 = arith.constant 128 : i32
      %add3A_336 = arith.constant 16 : i32
      %add3A_337 = arith.addi %reduce_max3A_128, %add3A_336 : i32
      %sub3A_338 = arith.constant 1 : i32
      %sub3A_339 = arith.subi %add3A_337, %sub3A_338 : i32
      %jit3A_340 = arith.constant 16 : i32
      %div3A_341 = arith.divsi %sub3A_339, %jit3A_340 : i32
      %sign3A_342 = arith.constant 0 : i32
      %sign3A_343 = arith.cmpi sgt, %sub3A_339, %sign3A_342 : i32
      %sign3A_344 = arith.extui %sign3A_343 : i1 to i32
      %sign3A_345 = arith.constant 0 : i32
      %sign3A_346 = arith.cmpi slt, %sub3A_339, %sign3A_345 : i32
      %sign3A_347 = arith.extui %sign3A_346 : i1 to i32
      %sign3A_348 = arith.subi %sign3A_344, %sign3A_347 : i32
      %sign3A_349 = arith.constant 0 : i32
      %sign3A_350 = arith.cmpi sgt, %jit3A_340, %sign3A_349 : i32
      %sign3A_351 = arith.extui %sign3A_350 : i1 to i32
      %sign3A_352 = arith.constant 0 : i32
      %sign3A_353 = arith.cmpi slt, %jit3A_340, %sign3A_352 : i32
      %sign3A_354 = arith.extui %sign3A_353 : i1 to i32
      %sign3A_355 = arith.subi %sign3A_351, %sign3A_354 : i32
      %ne3A_356 = arith.cmpi ne, %sign3A_348, %sign3A_355 : i32
      %rem3A_357 = arith.remsi %sub3A_339, %jit3A_340 : i32
      %ne3A_358 = arith.constant 0 : i32
      %ne3A_359 = arith.cmpi ne, %rem3A_357, %ne3A_358 : i32
      %and3A_360 = arith.andi %ne3A_356, %ne3A_359 : i1
      %sub3A_361 = arith.constant 1 : i32
      %sub3A_362 = arith.subi %div3A_341, %sub3A_361 : i32
      %select_n3A_363 = arith.select %and3A_360, %sub3A_362, %div3A_341 : i32
      %while3A_364 = arith.constant 0 : i32
      %while3A_365 = arith.constant 0 : i32
      %while3A_366 = arith.subi %select_n3A_363, %while3A_364 : i32
      %while3A_367 = arith.addi %while3A_364, %while3A_366 : i32
      %while3A_368 = arith.constant 1 : i32
      %while3A_369 = arith.divsi %while3A_366, %while3A_368 : i32
      %while3A_370 = arith.muli %while3A_369, %while3A_368 : i32
      %while3A_371 = arith.addi %while3A_364, %while3A_370 : i32
      %while3A_372 = arith.constant 1 : i32
      %while3A_373 = scf.for %while3A_688 = %while3A_364 to %while3A_371 step %while3A_372 iter_args(%while3A_689 = %while3A_365) -> (i32)  : i32 {
        %mul3A_690 = arith.constant 16 : i32
        %mul3A_691 = arith.muli %while3A_688, %mul3A_690 : i32
        %add3A_692 = arith.constant 0 : i32
        %add3A_693 = arith.addi %add3A_692, %mul3A_691 : i32
        %get3A_694 = arith.index_cast %add3A_693 : i32 to index
        %get3A_695 = tpu.vector_load %arg5[%get3A_694] {strides = array<i32>} : memref<16384xi32, #tpu.memory_space<vmem>>, vector<16xi32>,
        %mul3A_696 = arith.constant 16 : i32
        %mul3A_697 = arith.muli %while3A_688, %mul3A_696 : i32
        %add3A_698 = arith.constant 0 : i32
        %add3A_699 = arith.addi %add3A_698, %mul3A_697 : i32
        %get3A_700 = arith.index_cast %add3A_699 : i32 to index
        %get3A_701 = tpu.vector_load %arg7[%get3A_700] {strides = array<i32>} : memref<16384xi32, #tpu.memory_space<vmem>>, vector<16xi32>,
        %mul3A_702 = arith.constant 16 : i32
        %mul3A_703 = arith.muli %while3A_688, %mul3A_702 : i32
        %iota3A = tpu.iota {dimensions = array<i32: 0>} : vector<16xi32>
        %add3A_704 = vector.broadcast %mul3A_703 : i32 to vector<16xi32>
        %add3A_705 = arith.addi %add3A_704, %iota3A : vector<16xi32>
        %lt3A_706 = vector.broadcast %reduce_max3A_128 : i32 to vector<16xi32>
        %lt3A_707 = arith.cmpi slt, %add3A_705, %lt3A_706 : vector<16xi32>
        %shift_right_logical3A = arith.constant 0 : i32
        %shift_right_logical3A_708 = vector.broadcast %shift_right_logical3A : i32 to vector<16xi32>
        %shift_right_logical3A_709 = arith.shrui %get3A_695, %shift_right_logical3A_708 : vector<16xi32>
        %and3A_710 = arith.constant 2047 : i32
        %and3A_711 = vector.broadcast %and3A_710 : i32 to vector<16xi32>
        %and3A_712 = arith.andi %shift_right_logical3A_709, %and3A_711 : vector<16xi32>
        %unique3A, %unique3A_713 = tpu.scan_count mask(%lt3A_707 : vector<16xi1>) value(%and3A_712 : vector<16xi32>) : vector<16xi1>, vector<16xi32>
        %gather3A = tpu.vector_load_idx %arg8[%and3A_712] : memref<2048xi32, #tpu.memory_space<vmem>>[vector<16xi32>], vector<16xi32>,
        %add3A_714 = arith.addi %gather3A, %unique3A_713 : vector<16xi32>
        %sub3A_715 = arith.constant 1 : i32
        %sub3A_716 = vector.broadcast %sub3A_715 : i32 to vector<16xi32>
        %sub3A_717 = arith.subi %add3A_714, %sub3A_716 : vector<16xi32>
        tpu.vector_store_idx %arg4[%sub3A_717], %get3A_695 masked %lt3A_707 : memref<16384xi32, #tpu.memory_space<vmem>>[vector<16xi32>], vector<16xi32>, vector<16xi1>
        tpu.vector_store_idx %arg6[%sub3A_717], %get3A_701 masked %lt3A_707 : memref<16384xi32, #tpu.memory_space<vmem>>[vector<16xi32>], vector<16xi32>, vector<16xi1>
        tpu.vector_store_idx %arg8[%and3A_712], %unique3A_713 masked %unique3A {add = true} : memref<2048xi32, #tpu.memory_space<vmem>>[vector<16xi32>], vector<16xi32>, vector<16xi1>
        %while3A_718 = arith.constant 0 : i32
        scf.yield %while3A_718 : i32
      }
      %while3A_374 = arith.constant 1 : i32
      %while3A_375 = scf.for %while3A_688 = %while3A_371 to %while3A_367 step %while3A_374 iter_args(%while3A_689 = %while3A_373) -> (i32)  : i32 {
        %mul3A_690 = arith.constant 16 : i32
        %mul3A_691 = arith.muli %while3A_688, %mul3A_690 : i32
        %add3A_692 = arith.constant 0 : i32
        %add3A_693 = arith.addi %add3A_692, %mul3A_691 : i32
        %get3A_694 = arith.index_cast %add3A_693 : i32 to index
        %get3A_695 = tpu.vector_load %arg5[%get3A_694] {strides = array<i32>} : memref<16384xi32, #tpu.memory_space<vmem>>, vector<16xi32>,
        %mul3A_696 = arith.constant 16 : i32
        %mul3A_697 = arith.muli %while3A_688, %mul3A_696 : i32
        %add3A_698 = arith.constant 0 : i32
        %add3A_699 = arith.addi %add3A_698, %mul3A_697 : i32
        %get3A_700 = arith.index_cast %add3A_699 : i32 to index
        %get3A_701 = tpu.vector_load %arg7[%get3A_700] {strides = array<i32>} : memref<16384xi32, #tpu.memory_space<vmem>>, vector<16xi32>,
        %mul3A_702 = arith.constant 16 : i32
        %mul3A_703 = arith.muli %while3A_688, %mul3A_702 : i32
        %iota3A = tpu.iota {dimensions = array<i32: 0>} : vector<16xi32>
        %add3A_704 = vector.broadcast %mul3A_703 : i32 to vector<16xi32>
        %add3A_705 = arith.addi %add3A_704, %iota3A : vector<16xi32>
        %lt3A_706 = vector.broadcast %reduce_max3A_128 : i32 to vector<16xi32>
        %lt3A_707 = arith.cmpi slt, %add3A_705, %lt3A_706 : vector<16xi32>
        %shift_right_logical3A = arith.constant 0 : i32
        %shift_right_logical3A_708 = vector.broadcast %shift_right_logical3A : i32 to vector<16xi32>
        %shift_right_logical3A_709 = arith.shrui %get3A_695, %shift_right_logical3A_708 : vector<16xi32>
        %and3A_710 = arith.constant 2047 : i32
        %and3A_711 = vector.broadcast %and3A_710 : i32 to vector<16xi32>
        %and3A_712 = arith.andi %shift_right_logical3A_709, %and3A_711 : vector<16xi32>
        %unique3A, %unique3A_713 = tpu.scan_count mask(%lt3A_707 : vector<16xi1>) value(%and3A_712 : vector<16xi32>) : vector<16xi1>, vector<16xi32>
        %gather3A = tpu.vector_load_idx %arg8[%and3A_712] : memref<2048xi32, #tpu.memory_space<vmem>>[vector<16xi32>], vector<16xi32>,
        %add3A_714 = arith.addi %gather3A, %unique3A_713 : vector<16xi32>
        %sub3A_715 = arith.constant 1 : i32
        %sub3A_716 = vector.broadcast %sub3A_715 : i32 to vector<16xi32>
        %sub3A_717 = arith.subi %add3A_714, %sub3A_716 : vector<16xi32>
        tpu.vector_store_idx %arg4[%sub3A_717], %get3A_695 masked %lt3A_707 : memref<16384xi32, #tpu.memory_space<vmem>>[vector<16xi32>], vector<16xi32>, vector<16xi1>
        tpu.vector_store_idx %arg6[%sub3A_717], %get3A_701 masked %lt3A_707 : memref<16384xi32, #tpu.memory_space<vmem>>[vector<16xi32>], vector<16xi32>, vector<16xi1>
        tpu.vector_store_idx %arg8[%and3A_712], %unique3A_713 masked %unique3A {add = true} : memref<2048xi32, #tpu.memory_space<vmem>>[vector<16xi32>], vector<16xi32>, vector<16xi1>
        %while3A_718 = arith.constant 0 : i32
        scf.yield %while3A_718 : i32
      }
      %add3A_376 = arith.constant 16 : i32
      %add3A_377 = arith.addi %reduce_max3A_138, %add3A_376 : i32
      %sub3A_378 = arith.constant 1 : i32
      %sub3A_379 = arith.subi %add3A_377, %sub3A_378 : i32
      %jit3A_380 = arith.constant 16 : i32
      %div3A_381 = arith.divsi %sub3A_379, %jit3A_380 : i32
      %sign3A_382 = arith.constant 0 : i32
      %sign3A_383 = arith.cmpi sgt, %sub3A_379, %sign3A_382 : i32
      %sign3A_384 = arith.extui %sign3A_383 : i1 to i32
      %sign3A_385 = arith.constant 0 : i32
      %sign3A_386 = arith.cmpi slt, %sub3A_379, %sign3A_385 : i32
      %sign3A_387 = arith.extui %sign3A_386 : i1 to i32
      %sign3A_388 = arith.subi %sign3A_384, %sign3A_387 : i32
      %sign3A_389 = arith.constant 0 : i32
      %sign3A_390 = arith.cmpi sgt, %jit3A_380, %sign3A_389 : i32
      %sign3A_391 = arith.extui %sign3A_390 : i1 to i32
      %sign3A_392 = arith.constant 0 : i32
      %sign3A_393 = arith.cmpi slt, %jit3A_380, %sign3A_392 : i32
      %sign3A_394 = arith.extui %sign3A_393 : i1 to i32
      %sign3A_395 = arith.subi %sign3A_391, %sign3A_394 : i32
      %ne3A_396 = arith.cmpi ne, %sign3A_388, %sign3A_395 : i32
      %rem3A_397 = arith.remsi %sub3A_379, %jit3A_380 : i32
      %ne3A_398 = arith.constant 0 : i32
      %ne3A_399 = arith.cmpi ne, %rem3A_397, %ne3A_398 : i32
      %and3A_400 = arith.andi %ne3A_396, %ne3A_399 : i1
      %sub3A_401 = arith.constant 1 : i32
      %sub3A_402 = arith.subi %div3A_381, %sub3A_401 : i32
      %select_n3A_403 = arith.select %and3A_400, %sub3A_402, %div3A_381 : i32
      %while3A_404 = arith.constant 0 : i32
      %while3A_405 = arith.constant 0 : i32
      %while3A_406 = arith.subi %select_n3A_403, %while3A_404 : i32
      %while3A_407 = arith.addi %while3A_404, %while3A_406 : i32
      %while3A_408 = arith.constant 1 : i32
      %while3A_409 = arith.divsi %while3A_406, %while3A_408 : i32
      %while3A_410 = arith.muli %while3A_409, %while3A_408 : i32
      %while3A_411 = arith.addi %while3A_404, %while3A_410 : i32
      %while3A_412 = arith.constant 1 : i32
      %while3A_413 = scf.for %while3A_688 = %while3A_404 to %while3A_411 step %while3A_412 iter_args(%while3A_689 = %while3A_405) -> (i32)  : i32 {
        %mul3A_690 = arith.constant 16 : i32
        %mul3A_691 = arith.muli %while3A_688, %mul3A_690 : i32
        %add3A_692 = arith.constant 4096 : i32
        %add3A_693 = arith.addi %add3A_692, %mul3A_691 : i32
        %get3A_694 = arith.index_cast %add3A_693 : i32 to index
        %get3A_695 = tpu.vector_load %arg5[%get3A_694] {strides = array<i32>} : memref<16384xi32, #tpu.memory_space<vmem>>, vector<16xi32>,
        %mul3A_696 = arith.constant 16 : i32
        %mul3A_697 = arith.muli %while3A_688, %mul3A_696 : i32
        %add3A_698 = arith.constant 4096 : i32
        %add3A_699 = arith.addi %add3A_698, %mul3A_697 : i32
        %get3A_700 = arith.index_cast %add3A_699 : i32 to index
        %get3A_701 = tpu.vector_load %arg7[%get3A_700] {strides = array<i32>} : memref<16384xi32, #tpu.memory_space<vmem>>, vector<16xi32>,
        %mul3A_702 = arith.constant 16 : i32
        %mul3A_703 = arith.muli %while3A_688, %mul3A_702 : i32
        %iota3A = tpu.iota {dimensions = array<i32: 0>} : vector<16xi32>
        %add3A_704 = vector.broadcast %mul3A_703 : i32 to vector<16xi32>
        %add3A_705 = arith.addi %add3A_704, %iota3A : vector<16xi32>
        %lt3A_706 = vector.broadcast %reduce_max3A_138 : i32 to vector<16xi32>
        %lt3A_707 = arith.cmpi slt, %add3A_705, %lt3A_706 : vector<16xi32>
        %shift_right_logical3A = arith.constant 0 : i32
        %shift_right_logical3A_708 = vector.broadcast %shift_right_logical3A : i32 to vector<16xi32>
        %shift_right_logical3A_709 = arith.shrui %get3A_695, %shift_right_logical3A_708 : vector<16xi32>
        %and3A_710 = arith.constant 2047 : i32
        %and3A_711 = vector.broadcast %and3A_710 : i32 to vector<16xi32>
        %and3A_712 = arith.andi %shift_right_logical3A_709, %and3A_711 : vector<16xi32>
        %unique3A, %unique3A_713 = tpu.scan_count mask(%lt3A_707 : vector<16xi1>) value(%and3A_712 : vector<16xi32>) : vector<16xi1>, vector<16xi32>
        %gather3A = tpu.vector_load_idx %arg8[%and3A_712] : memref<2048xi32, #tpu.memory_space<vmem>>[vector<16xi32>], vector<16xi32>,
        %add3A_714 = arith.addi %gather3A, %unique3A_713 : vector<16xi32>
        %sub3A_715 = arith.constant 1 : i32
        %sub3A_716 = vector.broadcast %sub3A_715 : i32 to vector<16xi32>
        %sub3A_717 = arith.subi %add3A_714, %sub3A_716 : vector<16xi32>
        tpu.vector_store_idx %arg4[%sub3A_717], %get3A_695 masked %lt3A_707 : memref<16384xi32, #tpu.memory_space<vmem>>[vector<16xi32>], vector<16xi32>, vector<16xi1>
        tpu.vector_store_idx %arg6[%sub3A_717], %get3A_701 masked %lt3A_707 : memref<16384xi32, #tpu.memory_space<vmem>>[vector<16xi32>], vector<16xi32>, vector<16xi1>
        tpu.vector_store_idx %arg8[%and3A_712], %unique3A_713 masked %unique3A {add = true} : memref<2048xi32, #tpu.memory_space<vmem>>[vector<16xi32>], vector<16xi32>, vector<16xi1>
        %while3A_718 = arith.constant 0 : i32
        scf.yield %while3A_718 : i32
      }
      %while3A_414 = arith.constant 1 : i32
      %while3A_415 = scf.for %while3A_688 = %while3A_411 to %while3A_407 step %while3A_414 iter_args(%while3A_689 = %while3A_413) -> (i32)  : i32 {
        %mul3A_690 = arith.constant 16 : i32
        %mul3A_691 = arith.muli %while3A_688, %mul3A_690 : i32
        %add3A_692 = arith.constant 4096 : i32
        %add3A_693 = arith.addi %add3A_692, %mul3A_691 : i32
        %get3A_694 = arith.index_cast %add3A_693 : i32 to index
        %get3A_695 = tpu.vector_load %arg5[%get3A_694] {strides = array<i32>} : memref<16384xi32, #tpu.memory_space<vmem>>, vector<16xi32>,
        %mul3A_696 = arith.constant 16 : i32
        %mul3A_697 = arith.muli %while3A_688, %mul3A_696 : i32
        %add3A_698 = arith.constant 4096 : i32
        %add3A_699 = arith.addi %add3A_698, %mul3A_697 : i32
        %get3A_700 = arith.index_cast %add3A_699 : i32 to index
        %get3A_701 = tpu.vector_load %arg7[%get3A_700] {strides = array<i32>} : memref<16384xi32, #tpu.memory_space<vmem>>, vector<16xi32>,
        %mul3A_702 = arith.constant 16 : i32
        %mul3A_703 = arith.muli %while3A_688, %mul3A_702 : i32
        %iota3A = tpu.iota {dimensions = array<i32: 0>} : vector<16xi32>
        %add3A_704 = vector.broadcast %mul3A_703 : i32 to vector<16xi32>
        %add3A_705 = arith.addi %add3A_704, %iota3A : vector<16xi32>
        %lt3A_706 = vector.broadcast %reduce_max3A_138 : i32 to vector<16xi32>
        %lt3A_707 = arith.cmpi slt, %add3A_705, %lt3A_706 : vector<16xi32>
        %shift_right_logical3A = arith.constant 0 : i32
        %shift_right_logical3A_708 = vector.broadcast %shift_right_logical3A : i32 to vector<16xi32>
        %shift_right_logical3A_709 = arith.shrui %get3A_695, %shift_right_logical3A_708 : vector<16xi32>
        %and3A_710 = arith.constant 2047 : i32
        %and3A_711 = vector.broadcast %and3A_710 : i32 to vector<16xi32>
        %and3A_712 = arith.andi %shift_right_logical3A_709, %and3A_711 : vector<16xi32>
        %unique3A, %unique3A_713 = tpu.scan_count mask(%lt3A_707 : vector<16xi1>) value(%and3A_712 : vector<16xi32>) : vector<16xi1>, vector<16xi32>
        %gather3A = tpu.vector_load_idx %arg8[%and3A_712] : memref<2048xi32, #tpu.memory_space<vmem>>[vector<16xi32>], vector<16xi32>,
        %add3A_714 = arith.addi %gather3A, %unique3A_713 : vector<16xi32>
        %sub3A_715 = arith.constant 1 : i32
        %sub3A_716 = vector.broadcast %sub3A_715 : i32 to vector<16xi32>
        %sub3A_717 = arith.subi %add3A_714, %sub3A_716 : vector<16xi32>
        tpu.vector_store_idx %arg4[%sub3A_717], %get3A_695 masked %lt3A_707 : memref<16384xi32, #tpu.memory_space<vmem>>[vector<16xi32>], vector<16xi32>, vector<16xi1>
        tpu.vector_store_idx %arg6[%sub3A_717], %get3A_701 masked %lt3A_707 : memref<16384xi32, #tpu.memory_space<vmem>>[vector<16xi32>], vector<16xi32>, vector<16xi1>
        tpu.vector_store_idx %arg8[%and3A_712], %unique3A_713 masked %unique3A {add = true} : memref<2048xi32, #tpu.memory_space<vmem>>[vector<16xi32>], vector<16xi32>, vector<16xi1>
        %while3A_718 = arith.constant 0 : i32
        scf.yield %while3A_718 : i32
      }
      %add3A_416 = arith.constant 16 : i32
      %add3A_417 = arith.addi %reduce_max3A_148, %add3A_416 : i32
      %sub3A_418 = arith.constant 1 : i32
      %sub3A_419 = arith.subi %add3A_417, %sub3A_418 : i32
      %jit3A_420 = arith.constant 16 : i32
      %div3A_421 = arith.divsi %sub3A_419, %jit3A_420 : i32
      %sign3A_422 = arith.constant 0 : i32
      %sign3A_423 = arith.cmpi sgt, %sub3A_419, %sign3A_422 : i32
      %sign3A_424 = arith.extui %sign3A_423 : i1 to i32
      %sign3A_425 = arith.constant 0 : i32
      %sign3A_426 = arith.cmpi slt, %sub3A_419, %sign3A_425 : i32
      %sign3A_427 = arith.extui %sign3A_426 : i1 to i32
      %sign3A_428 = arith.subi %sign3A_424, %sign3A_427 : i32
      %sign3A_429 = arith.constant 0 : i32
      %sign3A_430 = arith.cmpi sgt, %jit3A_420, %sign3A_429 : i32
      %sign3A_431 = arith.extui %sign3A_430 : i1 to i32
      %sign3A_432 = arith.constant 0 : i32
      %sign3A_433 = arith.cmpi slt, %jit3A_420, %sign3A_432 : i32
      %sign3A_434 = arith.extui %sign3A_433 : i1 to i32
      %sign3A_435 = arith.subi %sign3A_431, %sign3A_434 : i32
      %ne3A_436 = arith.cmpi ne, %sign3A_428, %sign3A_435 : i32
      %rem3A_437 = arith.remsi %sub3A_419, %jit3A_420 : i32
      %ne3A_438 = arith.constant 0 : i32
      %ne3A_439 = arith.cmpi ne, %rem3A_437, %ne3A_438 : i32
      %and3A_440 = arith.andi %ne3A_436, %ne3A_439 : i1
      %sub3A_441 = arith.constant 1 : i32
      %sub3A_442 = arith.subi %div3A_421, %sub3A_441 : i32
      %select_n3A_443 = arith.select %and3A_440, %sub3A_442, %div3A_421 : i32
      %while3A_444 = arith.constant 0 : i32
      %while3A_445 = arith.constant 0 : i32
      %while3A_446 = arith.subi %select_n3A_443, %while3A_444 : i32
      %while3A_447 = arith.addi %while3A_444, %while3A_446 : i32
      %while3A_448 = arith.constant 1 : i32
      %while3A_449 = arith.divsi %while3A_446, %while3A_448 : i32
      %while3A_450 = arith.muli %while3A_449, %while3A_448 : i32
      %while3A_451 = arith.addi %while3A_444, %while3A_450 : i32
      %while3A_452 = arith.constant 1 : i32
      %while3A_453 = scf.for %while3A_688 = %while3A_444 to %while3A_451 step %while3A_452 iter_args(%while3A_689 = %while3A_445) -> (i32)  : i32 {
        %mul3A_690 = arith.constant 16 : i32
        %mul3A_691 = arith.muli %while3A_688, %mul3A_690 : i32
        %add3A_692 = arith.constant 8192 : i32
        %add3A_693 = arith.addi %add3A_692, %mul3A_691 : i32
        %get3A_694 = arith.index_cast %add3A_693 : i32 to index
        %get3A_695 = tpu.vector_load %arg5[%get3A_694] {strides = array<i32>} : memref<16384xi32, #tpu.memory_space<vmem>>, vector<16xi32>,
        %mul3A_696 = arith.constant 16 : i32
        %mul3A_697 = arith.muli %while3A_688, %mul3A_696 : i32
        %add3A_698 = arith.constant 8192 : i32
        %add3A_699 = arith.addi %add3A_698, %mul3A_697 : i32
        %get3A_700 = arith.index_cast %add3A_699 : i32 to index
        %get3A_701 = tpu.vector_load %arg7[%get3A_700] {strides = array<i32>} : memref<16384xi32, #tpu.memory_space<vmem>>, vector<16xi32>,
        %mul3A_702 = arith.constant 16 : i32
        %mul3A_703 = arith.muli %while3A_688, %mul3A_702 : i32
        %iota3A = tpu.iota {dimensions = array<i32: 0>} : vector<16xi32>
        %add3A_704 = vector.broadcast %mul3A_703 : i32 to vector<16xi32>
        %add3A_705 = arith.addi %add3A_704, %iota3A : vector<16xi32>
        %lt3A_706 = vector.broadcast %reduce_max3A_148 : i32 to vector<16xi32>
        %lt3A_707 = arith.cmpi slt, %add3A_705, %lt3A_706 : vector<16xi32>
        %shift_right_logical3A = arith.constant 0 : i32
        %shift_right_logical3A_708 = vector.broadcast %shift_right_logical3A : i32 to vector<16xi32>
        %shift_right_logical3A_709 = arith.shrui %get3A_695, %shift_right_logical3A_708 : vector<16xi32>
        %and3A_710 = arith.constant 2047 : i32
        %and3A_711 = vector.broadcast %and3A_710 : i32 to vector<16xi32>
        %and3A_712 = arith.andi %shift_right_logical3A_709, %and3A_711 : vector<16xi32>
        %unique3A, %unique3A_713 = tpu.scan_count mask(%lt3A_707 : vector<16xi1>) value(%and3A_712 : vector<16xi32>) : vector<16xi1>, vector<16xi32>
        %gather3A = tpu.vector_load_idx %arg8[%and3A_712] : memref<2048xi32, #tpu.memory_space<vmem>>[vector<16xi32>], vector<16xi32>,
        %add3A_714 = arith.addi %gather3A, %unique3A_713 : vector<16xi32>
        %sub3A_715 = arith.constant 1 : i32
        %sub3A_716 = vector.broadcast %sub3A_715 : i32 to vector<16xi32>
        %sub3A_717 = arith.subi %add3A_714, %sub3A_716 : vector<16xi32>
        tpu.vector_store_idx %arg4[%sub3A_717], %get3A_695 masked %lt3A_707 : memref<16384xi32, #tpu.memory_space<vmem>>[vector<16xi32>], vector<16xi32>, vector<16xi1>
        tpu.vector_store_idx %arg6[%sub3A_717], %get3A_701 masked %lt3A_707 : memref<16384xi32, #tpu.memory_space<vmem>>[vector<16xi32>], vector<16xi32>, vector<16xi1>
        tpu.vector_store_idx %arg8[%and3A_712], %unique3A_713 masked %unique3A {add = true} : memref<2048xi32, #tpu.memory_space<vmem>>[vector<16xi32>], vector<16xi32>, vector<16xi1>
        %while3A_718 = arith.constant 0 : i32
        scf.yield %while3A_718 : i32
      }
      %while3A_454 = arith.constant 1 : i32
      %while3A_455 = scf.for %while3A_688 = %while3A_451 to %while3A_447 step %while3A_454 iter_args(%while3A_689 = %while3A_453) -> (i32)  : i32 {
        %mul3A_690 = arith.constant 16 : i32
        %mul3A_691 = arith.muli %while3A_688, %mul3A_690 : i32
        %add3A_692 = arith.constant 8192 : i32
        %add3A_693 = arith.addi %add3A_692, %mul3A_691 : i32
        %get3A_694 = arith.index_cast %add3A_693 : i32 to index
        %get3A_695 = tpu.vector_load %arg5[%get3A_694] {strides = array<i32>} : memref<16384xi32, #tpu.memory_space<vmem>>, vector<16xi32>,
        %mul3A_696 = arith.constant 16 : i32
        %mul3A_697 = arith.muli %while3A_688, %mul3A_696 : i32
        %add3A_698 = arith.constant 8192 : i32
        %add3A_699 = arith.addi %add3A_698, %mul3A_697 : i32
        %get3A_700 = arith.index_cast %add3A_699 : i32 to index
        %get3A_701 = tpu.vector_load %arg7[%get3A_700] {strides = array<i32>} : memref<16384xi32, #tpu.memory_space<vmem>>, vector<16xi32>,
        %mul3A_702 = arith.constant 16 : i32
        %mul3A_703 = arith.muli %while3A_688, %mul3A_702 : i32
        %iota3A = tpu.iota {dimensions = array<i32: 0>} : vector<16xi32>
        %add3A_704 = vector.broadcast %mul3A_703 : i32 to vector<16xi32>
        %add3A_705 = arith.addi %add3A_704, %iota3A : vector<16xi32>
        %lt3A_706 = vector.broadcast %reduce_max3A_148 : i32 to vector<16xi32>
        %lt3A_707 = arith.cmpi slt, %add3A_705, %lt3A_706 : vector<16xi32>
        %shift_right_logical3A = arith.constant 0 : i32
        %shift_right_logical3A_708 = vector.broadcast %shift_right_logical3A : i32 to vector<16xi32>
        %shift_right_logical3A_709 = arith.shrui %get3A_695, %shift_right_logical3A_708 : vector<16xi32>
        %and3A_710 = arith.constant 2047 : i32
        %and3A_711 = vector.broadcast %and3A_710 : i32 to vector<16xi32>
        %and3A_712 = arith.andi %shift_right_logical3A_709, %and3A_711 : vector<16xi32>
        %unique3A, %unique3A_713 = tpu.scan_count mask(%lt3A_707 : vector<16xi1>) value(%and3A_712 : vector<16xi32>) : vector<16xi1>, vector<16xi32>
        %gather3A = tpu.vector_load_idx %arg8[%and3A_712] : memref<2048xi32, #tpu.memory_space<vmem>>[vector<16xi32>], vector<16xi32>,
        %add3A_714 = arith.addi %gather3A, %unique3A_713 : vector<16xi32>
        %sub3A_715 = arith.constant 1 : i32
        %sub3A_716 = vector.broadcast %sub3A_715 : i32 to vector<16xi32>
        %sub3A_717 = arith.subi %add3A_714, %sub3A_716 : vector<16xi32>
        tpu.vector_store_idx %arg4[%sub3A_717], %get3A_695 masked %lt3A_707 : memref<16384xi32, #tpu.memory_space<vmem>>[vector<16xi32>], vector<16xi32>, vector<16xi1>
        tpu.vector_store_idx %arg6[%sub3A_717], %get3A_701 masked %lt3A_707 : memref<16384xi32, #tpu.memory_space<vmem>>[vector<16xi32>], vector<16xi32>, vector<16xi1>
        tpu.vector_store_idx %arg8[%and3A_712], %unique3A_713 masked %unique3A {add = true} : memref<2048xi32, #tpu.memory_space<vmem>>[vector<16xi32>], vector<16xi32>, vector<16xi1>
        %while3A_718 = arith.constant 0 : i32
        scf.yield %while3A_718 : i32
      }
      %add3A_456 = arith.constant 16 : i32
      %add3A_457 = arith.addi %reduce_max3A_158, %add3A_456 : i32
      %sub3A_458 = arith.constant 1 : i32
      %sub3A_459 = arith.subi %add3A_457, %sub3A_458 : i32
      %jit3A_460 = arith.constant 16 : i32
      %div3A_461 = arith.divsi %sub3A_459, %jit3A_460 : i32
      %sign3A_462 = arith.constant 0 : i32
      %sign3A_463 = arith.cmpi sgt, %sub3A_459, %sign3A_462 : i32
      %sign3A_464 = arith.extui %sign3A_463 : i1 to i32
      %sign3A_465 = arith.constant 0 : i32
      %sign3A_466 = arith.cmpi slt, %sub3A_459, %sign3A_465 : i32
      %sign3A_467 = arith.extui %sign3A_466 : i1 to i32
      %sign3A_468 = arith.subi %sign3A_464, %sign3A_467 : i32
      %sign3A_469 = arith.constant 0 : i32
      %sign3A_470 = arith.cmpi sgt, %jit3A_460, %sign3A_469 : i32
      %sign3A_471 = arith.extui %sign3A_470 : i1 to i32
      %sign3A_472 = arith.constant 0 : i32
      %sign3A_473 = arith.cmpi slt, %jit3A_460, %sign3A_472 : i32
      %sign3A_474 = arith.extui %sign3A_473 : i1 to i32
      %sign3A_475 = arith.subi %sign3A_471, %sign3A_474 : i32
      %ne3A_476 = arith.cmpi ne, %sign3A_468, %sign3A_475 : i32
      %rem3A_477 = arith.remsi %sub3A_459, %jit3A_460 : i32
      %ne3A_478 = arith.constant 0 : i32
      %ne3A_479 = arith.cmpi ne, %rem3A_477, %ne3A_478 : i32
      %and3A_480 = arith.andi %ne3A_476, %ne3A_479 : i1
      %sub3A_481 = arith.constant 1 : i32
      %sub3A_482 = arith.subi %div3A_461, %sub3A_481 : i32
      %select_n3A_483 = arith.select %and3A_480, %sub3A_482, %div3A_461 : i32
      %while3A_484 = arith.constant 0 : i32
      %while3A_485 = arith.constant 0 : i32
      %while3A_486 = arith.subi %select_n3A_483, %while3A_484 : i32
      %while3A_487 = arith.addi %while3A_484, %while3A_486 : i32
      %while3A_488 = arith.constant 1 : i32
      %while3A_489 = arith.divsi %while3A_486, %while3A_488 : i32
      %while3A_490 = arith.muli %while3A_489, %while3A_488 : i32
      %while3A_491 = arith.addi %while3A_484, %while3A_490 : i32
      %while3A_492 = arith.constant 1 : i32
      %while3A_493 = scf.for %while3A_688 = %while3A_484 to %while3A_491 step %while3A_492 iter_args(%while3A_689 = %while3A_485) -> (i32)  : i32 {
        %mul3A_690 = arith.constant 16 : i32
        %mul3A_691 = arith.muli %while3A_688, %mul3A_690 : i32
        %add3A_692 = arith.constant 12288 : i32
        %add3A_693 = arith.addi %add3A_692, %mul3A_691 : i32
        %get3A_694 = arith.index_cast %add3A_693 : i32 to index
        %get3A_695 = tpu.vector_load %arg5[%get3A_694] {strides = array<i32>} : memref<16384xi32, #tpu.memory_space<vmem>>, vector<16xi32>,
        %mul3A_696 = arith.constant 16 : i32
        %mul3A_697 = arith.muli %while3A_688, %mul3A_696 : i32
        %add3A_698 = arith.constant 12288 : i32
        %add3A_699 = arith.addi %add3A_698, %mul3A_697 : i32
        %get3A_700 = arith.index_cast %add3A_699 : i32 to index
        %get3A_701 = tpu.vector_load %arg7[%get3A_700] {strides = array<i32>} : memref<16384xi32, #tpu.memory_space<vmem>>, vector<16xi32>,
        %mul3A_702 = arith.constant 16 : i32
        %mul3A_703 = arith.muli %while3A_688, %mul3A_702 : i32
        %iota3A = tpu.iota {dimensions = array<i32: 0>} : vector<16xi32>
        %add3A_704 = vector.broadcast %mul3A_703 : i32 to vector<16xi32>
        %add3A_705 = arith.addi %add3A_704, %iota3A : vector<16xi32>
        %lt3A_706 = vector.broadcast %reduce_max3A_158 : i32 to vector<16xi32>
        %lt3A_707 = arith.cmpi slt, %add3A_705, %lt3A_706 : vector<16xi32>
        %shift_right_logical3A = arith.constant 0 : i32
        %shift_right_logical3A_708 = vector.broadcast %shift_right_logical3A : i32 to vector<16xi32>
        %shift_right_logical3A_709 = arith.shrui %get3A_695, %shift_right_logical3A_708 : vector<16xi32>
        %and3A_710 = arith.constant 2047 : i32
        %and3A_711 = vector.broadcast %and3A_710 : i32 to vector<16xi32>
        %and3A_712 = arith.andi %shift_right_logical3A_709, %and3A_711 : vector<16xi32>
        %unique3A, %unique3A_713 = tpu.scan_count mask(%lt3A_707 : vector<16xi1>) value(%and3A_712 : vector<16xi32>) : vector<16xi1>, vector<16xi32>
        %gather3A = tpu.vector_load_idx %arg8[%and3A_712] : memref<2048xi32, #tpu.memory_space<vmem>>[vector<16xi32>], vector<16xi32>,
        %add3A_714 = arith.addi %gather3A, %unique3A_713 : vector<16xi32>
        %sub3A_715 = arith.constant 1 : i32
        %sub3A_716 = vector.broadcast %sub3A_715 : i32 to vector<16xi32>
        %sub3A_717 = arith.subi %add3A_714, %sub3A_716 : vector<16xi32>
        tpu.vector_store_idx %arg4[%sub3A_717], %get3A_695 masked %lt3A_707 : memref<16384xi32, #tpu.memory_space<vmem>>[vector<16xi32>], vector<16xi32>, vector<16xi1>
        tpu.vector_store_idx %arg6[%sub3A_717], %get3A_701 masked %lt3A_707 : memref<16384xi32, #tpu.memory_space<vmem>>[vector<16xi32>], vector<16xi32>, vector<16xi1>
        tpu.vector_store_idx %arg8[%and3A_712], %unique3A_713 masked %unique3A {add = true} : memref<2048xi32, #tpu.memory_space<vmem>>[vector<16xi32>], vector<16xi32>, vector<16xi1>
        %while3A_718 = arith.constant 0 : i32
        scf.yield %while3A_718 : i32
      }
      %while3A_494 = arith.constant 1 : i32
      %while3A_495 = scf.for %while3A_688 = %while3A_491 to %while3A_487 step %while3A_494 iter_args(%while3A_689 = %while3A_493) -> (i32)  : i32 {
        %mul3A_690 = arith.constant 16 : i32
        %mul3A_691 = arith.muli %while3A_688, %mul3A_690 : i32
        %add3A_692 = arith.constant 12288 : i32
        %add3A_693 = arith.addi %add3A_692, %mul3A_691 : i32
        %get3A_694 = arith.index_cast %add3A_693 : i32 to index
        %get3A_695 = tpu.vector_load %arg5[%get3A_694] {strides = array<i32>} : memref<16384xi32, #tpu.memory_space<vmem>>, vector<16xi32>,
        %mul3A_696 = arith.constant 16 : i32
        %mul3A_697 = arith.muli %while3A_688, %mul3A_696 : i32
        %add3A_698 = arith.constant 12288 : i32
        %add3A_699 = arith.addi %add3A_698, %mul3A_697 : i32
        %get3A_700 = arith.index_cast %add3A_699 : i32 to index
        %get3A_701 = tpu.vector_load %arg7[%get3A_700] {strides = array<i32>} : memref<16384xi32, #tpu.memory_space<vmem>>, vector<16xi32>,
        %mul3A_702 = arith.constant 16 : i32
        %mul3A_703 = arith.muli %while3A_688, %mul3A_702 : i32
        %iota3A = tpu.iota {dimensions = array<i32: 0>} : vector<16xi32>
        %add3A_704 = vector.broadcast %mul3A_703 : i32 to vector<16xi32>
        %add3A_705 = arith.addi %add3A_704, %iota3A : vector<16xi32>
        %lt3A_706 = vector.broadcast %reduce_max3A_158 : i32 to vector<16xi32>
        %lt3A_707 = arith.cmpi slt, %add3A_705, %lt3A_706 : vector<16xi32>
        %shift_right_logical3A = arith.constant 0 : i32
        %shift_right_logical3A_708 = vector.broadcast %shift_right_logical3A : i32 to vector<16xi32>
        %shift_right_logical3A_709 = arith.shrui %get3A_695, %shift_right_logical3A_708 : vector<16xi32>
        %and3A_710 = arith.constant 2047 : i32
        %and3A_711 = vector.broadcast %and3A_710 : i32 to vector<16xi32>
        %and3A_712 = arith.andi %shift_right_logical3A_709, %and3A_711 : vector<16xi32>
        %unique3A, %unique3A_713 = tpu.scan_count mask(%lt3A_707 : vector<16xi1>) value(%and3A_712 : vector<16xi32>) : vector<16xi1>, vector<16xi32>
        %gather3A = tpu.vector_load_idx %arg8[%and3A_712] : memref<2048xi32, #tpu.memory_space<vmem>>[vector<16xi32>], vector<16xi32>,
        %add3A_714 = arith.addi %gather3A, %unique3A_713 : vector<16xi32>
        %sub3A_715 = arith.constant 1 : i32
        %sub3A_716 = vector.broadcast %sub3A_715 : i32 to vector<16xi32>
        %sub3A_717 = arith.subi %add3A_714, %sub3A_716 : vector<16xi32>
        tpu.vector_store_idx %arg4[%sub3A_717], %get3A_695 masked %lt3A_707 : memref<16384xi32, #tpu.memory_space<vmem>>[vector<16xi32>], vector<16xi32>, vector<16xi1>
        tpu.vector_store_idx %arg6[%sub3A_717], %get3A_701 masked %lt3A_707 : memref<16384xi32, #tpu.memory_space<vmem>>[vector<16xi32>], vector<16xi32>, vector<16xi1>
        tpu.vector_store_idx %arg8[%and3A_712], %unique3A_713 masked %unique3A {add = true} : memref<2048xi32, #tpu.memory_space<vmem>>[vector<16xi32>], vector<16xi32>, vector<16xi1>
        %while3A_718 = arith.constant 0 : i32
        scf.yield %while3A_718 : i32
      }
      %scan3A_496 = arith.constant 0 : i32
      %scan3A_497 = arith.constant 0 : i32
      %scan3A_498 = arith.constant 64 : i32
      %scan3A_499 = arith.addi %scan3A_497, %scan3A_498 : i32
      %scan3A_500 = arith.constant 1 : i32
      %scan3A_501 = scf.for %scan3A_688 = %scan3A_497 to %scan3A_499 step %scan3A_500 iter_args(%scan3A_689 = %scan3A_496) -> (i32)  : i32 {
        %broadcast_in_dim3A_690 = arith.constant 0 : i32
        %broadcast_in_dim3A_691 = vector.broadcast %broadcast_in_dim3A_690 : i32 to vector<16xi32>
        %mul3A_692 = arith.constant 16 : i32
        %mul3A_693 = arith.muli %scan3A_688, %mul3A_692 : i32
        %swap3A_694 = arith.index_cast %mul3A_693 : i32 to index
        %swap3A_695 = tpu.vector_load %arg8[%swap3A_694] {strides = array<i32>} : memref<2048xi32, #tpu.memory_space<vmem>>, vector<16xi32>,
        tpu.vector_store %arg8[%swap3A_694], %broadcast_in_dim3A_691 {strides = array<i32>} : memref<2048xi32, #tpu.memory_space<vmem>>, vector<16xi32>,
        %scan3A_696 = arith.constant 0 : i32
        scf.yield %scan3A_696 : i32
      }
      %scan3A_502 = arith.constant 64 : i32
      %add3A_503 = arith.constant 32 : i32
      %add3A_504 = arith.addi %add3A_161, %add3A_503 : i32
      %sub3A_505 = arith.constant 1 : i32
      %sub3A_506 = arith.subi %add3A_504, %sub3A_505 : i32
      %jit3A_507 = arith.constant 32 : i32
      %div3A_508 = arith.divsi %sub3A_506, %jit3A_507 : i32
      %sign3A_509 = arith.constant 0 : i32
      %sign3A_510 = arith.cmpi sgt, %sub3A_506, %sign3A_509 : i32
      %sign3A_511 = arith.extui %sign3A_510 : i1 to i32
      %sign3A_512 = arith.constant 0 : i32
      %sign3A_513 = arith.cmpi slt, %sub3A_506, %sign3A_512 : i32
      %sign3A_514 = arith.extui %sign3A_513 : i1 to i32
      %sign3A_515 = arith.subi %sign3A_511, %sign3A_514 : i32
      %sign3A_516 = arith.constant 0 : i32
      %sign3A_517 = arith.cmpi sgt, %jit3A_507, %sign3A_516 : i32
      %sign3A_518 = arith.extui %sign3A_517 : i1 to i32
      %sign3A_519 = arith.constant 0 : i32
      %sign3A_520 = arith.cmpi slt, %jit3A_507, %sign3A_519 : i32
      %sign3A_521 = arith.extui %sign3A_520 : i1 to i32
      %sign3A_522 = arith.subi %sign3A_518, %sign3A_521 : i32
      %ne3A_523 = arith.cmpi ne, %sign3A_515, %sign3A_522 : i32
      %rem3A_524 = arith.remsi %sub3A_506, %jit3A_507 : i32
      %ne3A_525 = arith.constant 0 : i32
      %ne3A_526 = arith.cmpi ne, %rem3A_524, %ne3A_525 : i32
      %and3A_527 = arith.andi %ne3A_523, %ne3A_526 : i1
      %sub3A_528 = arith.constant 1 : i32
      %sub3A_529 = arith.subi %div3A_508, %sub3A_528 : i32
      %select_n3A_530 = arith.select %and3A_527, %sub3A_529, %div3A_508 : i32
      %while3A_531 = arith.constant 0 : i32
      %while3A_532 = arith.constant 0 : i32
      %while3A_533 = arith.subi %select_n3A_530, %while3A_531 : i32
      %while3A_534 = arith.addi %while3A_531, %while3A_533 : i32
      %while3A_535 = arith.constant 1 : i32
      %while3A_536 = arith.divsi %while3A_533, %while3A_535 : i32
      %while3A_537 = arith.muli %while3A_536, %while3A_535 : i32
      %while3A_538 = arith.addi %while3A_531, %while3A_537 : i32
      %while3A_539 = arith.constant 1 : i32
      %while3A_540 = scf.for %while3A_688 = %while3A_531 to %while3A_538 step %while3A_539 iter_args(%while3A_689 = %while3A_532) -> (i32)  : i32 {
        %mul3A_690 = arith.constant 2 : i32
        %mul3A_691 = arith.muli %mul3A_690, %while3A_688 : i32
        %add3A_692 = arith.constant 0 : i32
        %add3A_693 = arith.addi %mul3A_691, %add3A_692 : i32
        %mul3A_694 = arith.constant 16 : i32
        %mul3A_695 = arith.muli %add3A_693, %mul3A_694 : i32
        %add3A_696 = arith.constant 0 : i32
        %add3A_697 = arith.addi %add3A_696, %mul3A_695 : i32
        %get3A_698 = arith.index_cast %add3A_697 : i32 to index
        %get3A_699 = tpu.vector_load %arg4[%get3A_698] {strides = array<i32>} : memref<16384xi32, #tpu.memory_space<vmem>>, vector<16xi32>,
        %iota3A = tpu.iota {dimensions = array<i32: 0>} : vector<16xi32>
        %add3A_700 = vector.broadcast %mul3A_695 : i32 to vector<16xi32>
        %add3A_701 = arith.addi %add3A_700, %iota3A : vector<16xi32>
        %lt3A_702 = vector.broadcast %add3A_161 : i32 to vector<16xi32>
        %lt3A_703 = arith.cmpi slt, %add3A_701, %lt3A_702 : vector<16xi32>
        %shift_right_logical3A = arith.constant 11 : i32
        %shift_right_logical3A_704 = vector.broadcast %shift_right_logical3A : i32 to vector<16xi32>
        %shift_right_logical3A_705 = arith.shrui %get3A_699, %shift_right_logical3A_704 : vector<16xi32>
        %and3A_706 = arith.constant 1023 : i32
        %and3A_707 = vector.broadcast %and3A_706 : i32 to vector<16xi32>
        %and3A_708 = arith.andi %shift_right_logical3A_705, %and3A_707 : vector<16xi32>
        %unique3A, %unique3A_709 = tpu.scan_count mask(%lt3A_703 : vector<16xi1>) value(%and3A_708 : vector<16xi32>) : vector<16xi1>, vector<16xi32>
        tpu.vector_store_idx %arg8[%and3A_708], %unique3A_709 masked %unique3A {add = true} : memref<2048xi32, #tpu.memory_space<vmem>>[vector<16xi32>], vector<16xi32>, vector<16xi1>
        %mul3A_710 = arith.constant 2 : i32
        %mul3A_711 = arith.muli %mul3A_710, %while3A_688 : i32
        %add3A_712 = arith.constant 1 : i32
        %add3A_713 = arith.addi %mul3A_711, %add3A_712 : i32
        %mul3A_714 = arith.constant 16 : i32
        %mul3A_715 = arith.muli %add3A_713, %mul3A_714 : i32
        %add3A_716 = arith.constant 0 : i32
        %add3A_717 = arith.addi %add3A_716, %mul3A_715 : i32
        %get3A_718 = arith.index_cast %add3A_717 : i32 to index
        %get3A_719 = tpu.vector_load %arg4[%get3A_718] {strides = array<i32>} : memref<16384xi32, #tpu.memory_space<vmem>>, vector<16xi32>,
        %iota3A_720 = tpu.iota {dimensions = array<i32: 0>} : vector<16xi32>
        %add3A_721 = vector.broadcast %mul3A_715 : i32 to vector<16xi32>
        %add3A_722 = arith.addi %add3A_721, %iota3A_720 : vector<16xi32>
        %lt3A_723 = vector.broadcast %add3A_161 : i32 to vector<16xi32>
        %lt3A_724 = arith.cmpi slt, %add3A_722, %lt3A_723 : vector<16xi32>
        %shift_right_logical3A_725 = arith.constant 11 : i32
        %shift_right_logical3A_726 = vector.broadcast %shift_right_logical3A_725 : i32 to vector<16xi32>
        %shift_right_logical3A_727 = arith.shrui %get3A_719, %shift_right_logical3A_726 : vector<16xi32>
        %and3A_728 = arith.constant 1023 : i32
        %and3A_729 = vector.broadcast %and3A_728 : i32 to vector<16xi32>
        %and3A_730 = arith.andi %shift_right_logical3A_727, %and3A_729 : vector<16xi32>
        %unique3A_731, %unique3A_732 = tpu.scan_count mask(%lt3A_724 : vector<16xi1>) value(%and3A_730 : vector<16xi32>) : vector<16xi1>, vector<16xi32>
        tpu.vector_store_idx %arg8[%and3A_730], %unique3A_732 masked %unique3A_731 {add = true} : memref<2048xi32, #tpu.memory_space<vmem>>[vector<16xi32>], vector<16xi32>, vector<16xi1>
        %while3A_733 = arith.constant 0 : i32
        scf.yield %while3A_733 : i32
      }
      %while3A_541 = arith.constant 1 : i32
      %while3A_542 = scf.for %while3A_688 = %while3A_538 to %while3A_534 step %while3A_541 iter_args(%while3A_689 = %while3A_540) -> (i32)  : i32 {
        %mul3A_690 = arith.constant 2 : i32
        %mul3A_691 = arith.muli %mul3A_690, %while3A_688 : i32
        %add3A_692 = arith.constant 0 : i32
        %add3A_693 = arith.addi %mul3A_691, %add3A_692 : i32
        %mul3A_694 = arith.constant 16 : i32
        %mul3A_695 = arith.muli %add3A_693, %mul3A_694 : i32
        %add3A_696 = arith.constant 0 : i32
        %add3A_697 = arith.addi %add3A_696, %mul3A_695 : i32
        %get3A_698 = arith.index_cast %add3A_697 : i32 to index
        %get3A_699 = tpu.vector_load %arg4[%get3A_698] {strides = array<i32>} : memref<16384xi32, #tpu.memory_space<vmem>>, vector<16xi32>,
        %iota3A = tpu.iota {dimensions = array<i32: 0>} : vector<16xi32>
        %add3A_700 = vector.broadcast %mul3A_695 : i32 to vector<16xi32>
        %add3A_701 = arith.addi %add3A_700, %iota3A : vector<16xi32>
        %lt3A_702 = vector.broadcast %add3A_161 : i32 to vector<16xi32>
        %lt3A_703 = arith.cmpi slt, %add3A_701, %lt3A_702 : vector<16xi32>
        %shift_right_logical3A = arith.constant 11 : i32
        %shift_right_logical3A_704 = vector.broadcast %shift_right_logical3A : i32 to vector<16xi32>
        %shift_right_logical3A_705 = arith.shrui %get3A_699, %shift_right_logical3A_704 : vector<16xi32>
        %and3A_706 = arith.constant 1023 : i32
        %and3A_707 = vector.broadcast %and3A_706 : i32 to vector<16xi32>
        %and3A_708 = arith.andi %shift_right_logical3A_705, %and3A_707 : vector<16xi32>
        %unique3A, %unique3A_709 = tpu.scan_count mask(%lt3A_703 : vector<16xi1>) value(%and3A_708 : vector<16xi32>) : vector<16xi1>, vector<16xi32>
        tpu.vector_store_idx %arg8[%and3A_708], %unique3A_709 masked %unique3A {add = true} : memref<2048xi32, #tpu.memory_space<vmem>>[vector<16xi32>], vector<16xi32>, vector<16xi1>
        %mul3A_710 = arith.constant 2 : i32
        %mul3A_711 = arith.muli %mul3A_710, %while3A_688 : i32
        %add3A_712 = arith.constant 1 : i32
        %add3A_713 = arith.addi %mul3A_711, %add3A_712 : i32
        %mul3A_714 = arith.constant 16 : i32
        %mul3A_715 = arith.muli %add3A_713, %mul3A_714 : i32
        %add3A_716 = arith.constant 0 : i32
        %add3A_717 = arith.addi %add3A_716, %mul3A_715 : i32
        %get3A_718 = arith.index_cast %add3A_717 : i32 to index
        %get3A_719 = tpu.vector_load %arg4[%get3A_718] {strides = array<i32>} : memref<16384xi32, #tpu.memory_space<vmem>>, vector<16xi32>,
        %iota3A_720 = tpu.iota {dimensions = array<i32: 0>} : vector<16xi32>
        %add3A_721 = vector.broadcast %mul3A_715 : i32 to vector<16xi32>
        %add3A_722 = arith.addi %add3A_721, %iota3A_720 : vector<16xi32>
        %lt3A_723 = vector.broadcast %add3A_161 : i32 to vector<16xi32>
        %lt3A_724 = arith.cmpi slt, %add3A_722, %lt3A_723 : vector<16xi32>
        %shift_right_logical3A_725 = arith.constant 11 : i32
        %shift_right_logical3A_726 = vector.broadcast %shift_right_logical3A_725 : i32 to vector<16xi32>
        %shift_right_logical3A_727 = arith.shrui %get3A_719, %shift_right_logical3A_726 : vector<16xi32>
        %and3A_728 = arith.constant 1023 : i32
        %and3A_729 = vector.broadcast %and3A_728 : i32 to vector<16xi32>
        %and3A_730 = arith.andi %shift_right_logical3A_727, %and3A_729 : vector<16xi32>
        %unique3A_731, %unique3A_732 = tpu.scan_count mask(%lt3A_724 : vector<16xi1>) value(%and3A_730 : vector<16xi32>) : vector<16xi1>, vector<16xi32>
        tpu.vector_store_idx %arg8[%and3A_730], %unique3A_732 masked %unique3A_731 {add = true} : memref<2048xi32, #tpu.memory_space<vmem>>[vector<16xi32>], vector<16xi32>, vector<16xi1>
        %while3A_733 = arith.constant 0 : i32
        scf.yield %while3A_733 : i32
      }
      %scan3A_543 = arith.constant 0 : i32
      %scan3A_544 = arith.constant 2147483647 : i32
      %scan3A_545 = arith.constant 0 : i32
      %scan3A_546 = arith.constant 64 : i32
      %scan3A_547 = arith.addi %scan3A_545, %scan3A_546 : i32
      %scan3A_548 = arith.constant 1 : i32
      %scan3A_549:2 = scf.for %scan3A_688 = %scan3A_545 to %scan3A_547 step %scan3A_548 iter_args(%scan3A_689 = %scan3A_543, %scan3A_690 = %scan3A_544) -> (i32, i32)  : i32 {
        %mul3A_691 = arith.constant 16 : i32
        %mul3A_692 = arith.muli %scan3A_688, %mul3A_691 : i32
        %get3A_693 = arith.index_cast %mul3A_692 : i32 to index
        %get3A_694 = tpu.vector_load %arg8[%get3A_693] {strides = array<i32>} : memref<2048xi32, #tpu.memory_space<vmem>>, vector<16xi32>,
        %broadcast_in_dim3A_695 = arith.constant true
        %broadcast_in_dim3A_696 = vector.broadcast %broadcast_in_dim3A_695 : i1 to vector<16xi1>
        %masked_cumsum3A = tpu.scan <sum>, %get3A_694 masked %broadcast_in_dim3A_696 : vector<16xi32>, vector<16xi1> -> vector<16xi32>
        %add3A_697 = vector.broadcast %scan3A_689 : i32 to vector<16xi32>
        %add3A_698 = arith.addi %masked_cumsum3A, %add3A_697 : vector<16xi32>
        %sub3A_699 = arith.subi %add3A_698, %get3A_694 : vector<16xi32>
        %mul3A_700 = arith.constant 16 : i32
        %mul3A_701 = arith.muli %scan3A_688, %mul3A_700 : i32
        %swap3A_702 = arith.index_cast %mul3A_701 : i32 to index
        %swap3A_703 = tpu.vector_load %arg8[%swap3A_702] {strides = array<i32>} : memref<2048xi32, #tpu.memory_space<vmem>>, vector<16xi32>,
        tpu.vector_store %arg8[%swap3A_702], %sub3A_699 {strides = array<i32>} : memref<2048xi32, #tpu.memory_space<vmem>>, vector<16xi32>,
        %ge3A = arith.constant 4096 : i32
        %ge3A_704 = vector.broadcast %ge3A : i32 to vector<16xi32>
        %ge3A_705 = arith.cmpi sge, %add3A_698, %ge3A_704 : vector<16xi32>
        %jit3A_706 = arith.constant 2147483647 : i32
        %broadcast_in_dim3A_707 = vector.broadcast %jit3A_706 : i32 to vector<16xi32>
        %select_n3A_708 = arith.select %ge3A_705, %add3A_698, %broadcast_in_dim3A_707 : vector<16xi1>, vector<16xi32>
        %reduce_min3A = arith.constant true
        %reduce_min3A_709 = vector.broadcast %reduce_min3A : i1 to vector<16xi1>
        %reduce_min3A_710 = arith.constant -2147483648 : i32
        %reduce_min3A_711 = vector.broadcast %reduce_min3A_710 : i32 to vector<16xi32>
        %reduce_min3A_712 = arith.xori %select_n3A_708, %reduce_min3A_711 : vector<16xi32>
        %reduce_min3A_713 = tpu.scan <min>, %reduce_min3A_712 masked %reduce_min3A_709 : vector<16xi32>, vector<16xi1> -> vector<16xi32>
        %reduce_min3A_714 = arith.xori %reduce_min3A_713, %reduce_min3A_711 : vector<16xi32>
        %reduce_min3A_715 = vector.extract %reduce_min3A_714[15] : i32 from vector<16xi32>
        %min3A = arith.minsi %scan3A_690, %reduce_min3A_715 : i32
        %reduce_max3A_716 = arith.constant true
        %reduce_max3A_717 = vector.broadcast %reduce_max3A_716 : i1 to vector<16xi1>
        %reduce_max3A_718 = arith.constant -2147483648 : i32
        %reduce_max3A_719 = vector.broadcast %reduce_max3A_718 : i32 to vector<16xi32>
        %reduce_max3A_720 = arith.xori %add3A_698, %reduce_max3A_719 : vector<16xi32>
        %reduce_max3A_721 = tpu.scan <max>, %reduce_max3A_720 masked %reduce_max3A_717 : vector<16xi32>, vector<16xi1> -> vector<16xi32>
        %reduce_max3A_722 = arith.xori %reduce_max3A_721, %reduce_max3A_719 : vector<16xi32>
        %reduce_max3A_723 = vector.extract %reduce_max3A_722[15] : i32 from vector<16xi32>
        scf.yield %reduce_max3A_723, %min3A : i32, i32
      }
      %scan3A_550 = arith.constant 64 : i32
      %add3A_551 = arith.constant 16 : i32
      %add3A_552 = arith.addi %add3A_161, %add3A_551 : i32
      %sub3A_553 = arith.constant 1 : i32
      %sub3A_554 = arith.subi %add3A_552, %sub3A_553 : i32
      %jit3A_555 = arith.constant 16 : i32
      %div3A_556 = arith.divsi %sub3A_554, %jit3A_555 : i32
      %sign3A_557 = arith.constant 0 : i32
      %sign3A_558 = arith.cmpi sgt, %sub3A_554, %sign3A_557 : i32
      %sign3A_559 = arith.extui %sign3A_558 : i1 to i32
      %sign3A_560 = arith.constant 0 : i32
      %sign3A_561 = arith.cmpi slt, %sub3A_554, %sign3A_560 : i32
      %sign3A_562 = arith.extui %sign3A_561 : i1 to i32
      %sign3A_563 = arith.subi %sign3A_559, %sign3A_562 : i32
      %sign3A_564 = arith.constant 0 : i32
      %sign3A_565 = arith.cmpi sgt, %jit3A_555, %sign3A_564 : i32
      %sign3A_566 = arith.extui %sign3A_565 : i1 to i32
      %sign3A_567 = arith.constant 0 : i32
      %sign3A_568 = arith.cmpi slt, %jit3A_555, %sign3A_567 : i32
      %sign3A_569 = arith.extui %sign3A_568 : i1 to i32
      %sign3A_570 = arith.subi %sign3A_566, %sign3A_569 : i32
      %ne3A_571 = arith.cmpi ne, %sign3A_563, %sign3A_570 : i32
      %rem3A_572 = arith.remsi %sub3A_554, %jit3A_555 : i32
      %ne3A_573 = arith.constant 0 : i32
      %ne3A_574 = arith.cmpi ne, %rem3A_572, %ne3A_573 : i32
      %and3A_575 = arith.andi %ne3A_571, %ne3A_574 : i1
      %sub3A_576 = arith.constant 1 : i32
      %sub3A_577 = arith.subi %div3A_556, %sub3A_576 : i32
      %select_n3A_578 = arith.select %and3A_575, %sub3A_577, %div3A_556 : i32
      %while3A_579 = arith.constant 0 : i32
      %while3A_580 = arith.constant 0 : i32
      %while3A_581 = arith.subi %select_n3A_578, %while3A_579 : i32
      %while3A_582 = arith.addi %while3A_579, %while3A_581 : i32
      %while3A_583 = arith.constant 1 : i32
      %while3A_584 = arith.divsi %while3A_581, %while3A_583 : i32
      %while3A_585 = arith.muli %while3A_584, %while3A_583 : i32
      %while3A_586 = arith.addi %while3A_579, %while3A_585 : i32
      %while3A_587 = arith.constant 1 : i32
      %while3A_588 = scf.for %while3A_688 = %while3A_579 to %while3A_586 step %while3A_587 iter_args(%while3A_689 = %while3A_580) -> (i32)  : i32 {
        %mul3A_690 = arith.constant 16 : i32
        %mul3A_691 = arith.muli %while3A_688, %mul3A_690 : i32
        %add3A_692 = arith.constant 0 : i32
        %add3A_693 = arith.addi %add3A_692, %mul3A_691 : i32
        %get3A_694 = arith.index_cast %add3A_693 : i32 to index
        %get3A_695 = tpu.vector_load %arg4[%get3A_694] {strides = array<i32>} : memref<16384xi32, #tpu.memory_space<vmem>>, vector<16xi32>,
        %mul3A_696 = arith.constant 16 : i32
        %mul3A_697 = arith.muli %while3A_688, %mul3A_696 : i32
        %add3A_698 = arith.constant 0 : i32
        %add3A_699 = arith.addi %add3A_698, %mul3A_697 : i32
        %get3A_700 = arith.index_cast %add3A_699 : i32 to index
        %get3A_701 = tpu.vector_load %arg6[%get3A_700] {strides = array<i32>} : memref<16384xi32, #tpu.memory_space<vmem>>, vector<16xi32>,
        %mul3A_702 = arith.constant 16 : i32
        %mul3A_703 = arith.muli %while3A_688, %mul3A_702 : i32
        %iota3A = tpu.iota {dimensions = array<i32: 0>} : vector<16xi32>
        %add3A_704 = vector.broadcast %mul3A_703 : i32 to vector<16xi32>
        %add3A_705 = arith.addi %add3A_704, %iota3A : vector<16xi32>
        %lt3A_706 = vector.broadcast %add3A_161 : i32 to vector<16xi32>
        %lt3A_707 = arith.cmpi slt, %add3A_705, %lt3A_706 : vector<16xi32>
        %shift_right_logical3A = arith.constant 11 : i32
        %shift_right_logical3A_708 = vector.broadcast %shift_right_logical3A : i32 to vector<16xi32>
        %shift_right_logical3A_709 = arith.shrui %get3A_695, %shift_right_logical3A_708 : vector<16xi32>
        %and3A_710 = arith.constant 1023 : i32
        %and3A_711 = vector.broadcast %and3A_710 : i32 to vector<16xi32>
        %and3A_712 = arith.andi %shift_right_logical3A_709, %and3A_711 : vector<16xi32>
        %unique3A, %unique3A_713 = tpu.scan_count mask(%lt3A_707 : vector<16xi1>) value(%and3A_712 : vector<16xi32>) : vector<16xi1>, vector<16xi32>
        %gather3A = tpu.vector_load_idx %arg8[%and3A_712] : memref<2048xi32, #tpu.memory_space<vmem>>[vector<16xi32>], vector<16xi32>,
        %add3A_714 = arith.addi %gather3A, %unique3A_713 : vector<16xi32>
        %sub3A_715 = arith.constant 1 : i32
        %sub3A_716 = vector.broadcast %sub3A_715 : i32 to vector<16xi32>
        %sub3A_717 = arith.subi %add3A_714, %sub3A_716 : vector<16xi32>
        tpu.vector_store_idx %arg5[%sub3A_717], %get3A_695 masked %lt3A_707 : memref<16384xi32, #tpu.memory_space<vmem>>[vector<16xi32>], vector<16xi32>, vector<16xi1>
        tpu.vector_store_idx %arg7[%sub3A_717], %get3A_701 masked %lt3A_707 : memref<16384xi32, #tpu.memory_space<vmem>>[vector<16xi32>], vector<16xi32>, vector<16xi1>
        tpu.vector_store_idx %arg8[%and3A_712], %unique3A_713 masked %unique3A {add = true} : memref<2048xi32, #tpu.memory_space<vmem>>[vector<16xi32>], vector<16xi32>, vector<16xi1>
        %while3A_718 = arith.constant 0 : i32
        scf.yield %while3A_718 : i32
      }
      %while3A_589 = arith.constant 1 : i32
      %while3A_590 = scf.for %while3A_688 = %while3A_586 to %while3A_582 step %while3A_589 iter_args(%while3A_689 = %while3A_588) -> (i32)  : i32 {
        %mul3A_690 = arith.constant 16 : i32
        %mul3A_691 = arith.muli %while3A_688, %mul3A_690 : i32
        %add3A_692 = arith.constant 0 : i32
        %add3A_693 = arith.addi %add3A_692, %mul3A_691 : i32
        %get3A_694 = arith.index_cast %add3A_693 : i32 to index
        %get3A_695 = tpu.vector_load %arg4[%get3A_694] {strides = array<i32>} : memref<16384xi32, #tpu.memory_space<vmem>>, vector<16xi32>,
        %mul3A_696 = arith.constant 16 : i32
        %mul3A_697 = arith.muli %while3A_688, %mul3A_696 : i32
        %add3A_698 = arith.constant 0 : i32
        %add3A_699 = arith.addi %add3A_698, %mul3A_697 : i32
        %get3A_700 = arith.index_cast %add3A_699 : i32 to index
        %get3A_701 = tpu.vector_load %arg6[%get3A_700] {strides = array<i32>} : memref<16384xi32, #tpu.memory_space<vmem>>, vector<16xi32>,
        %mul3A_702 = arith.constant 16 : i32
        %mul3A_703 = arith.muli %while3A_688, %mul3A_702 : i32
        %iota3A = tpu.iota {dimensions = array<i32: 0>} : vector<16xi32>
        %add3A_704 = vector.broadcast %mul3A_703 : i32 to vector<16xi32>
        %add3A_705 = arith.addi %add3A_704, %iota3A : vector<16xi32>
        %lt3A_706 = vector.broadcast %add3A_161 : i32 to vector<16xi32>
        %lt3A_707 = arith.cmpi slt, %add3A_705, %lt3A_706 : vector<16xi32>
        %shift_right_logical3A = arith.constant 11 : i32
        %shift_right_logical3A_708 = vector.broadcast %shift_right_logical3A : i32 to vector<16xi32>
        %shift_right_logical3A_709 = arith.shrui %get3A_695, %shift_right_logical3A_708 : vector<16xi32>
        %and3A_710 = arith.constant 1023 : i32
        %and3A_711 = vector.broadcast %and3A_710 : i32 to vector<16xi32>
        %and3A_712 = arith.andi %shift_right_logical3A_709, %and3A_711 : vector<16xi32>
        %unique3A, %unique3A_713 = tpu.scan_count mask(%lt3A_707 : vector<16xi1>) value(%and3A_712 : vector<16xi32>) : vector<16xi1>, vector<16xi32>
        %gather3A = tpu.vector_load_idx %arg8[%and3A_712] : memref<2048xi32, #tpu.memory_space<vmem>>[vector<16xi32>], vector<16xi32>,
        %add3A_714 = arith.addi %gather3A, %unique3A_713 : vector<16xi32>
        %sub3A_715 = arith.constant 1 : i32
        %sub3A_716 = vector.broadcast %sub3A_715 : i32 to vector<16xi32>
        %sub3A_717 = arith.subi %add3A_714, %sub3A_716 : vector<16xi32>
        tpu.vector_store_idx %arg5[%sub3A_717], %get3A_695 masked %lt3A_707 : memref<16384xi32, #tpu.memory_space<vmem>>[vector<16xi32>], vector<16xi32>, vector<16xi1>
        tpu.vector_store_idx %arg7[%sub3A_717], %get3A_701 masked %lt3A_707 : memref<16384xi32, #tpu.memory_space<vmem>>[vector<16xi32>], vector<16xi32>, vector<16xi1>
        tpu.vector_store_idx %arg8[%and3A_712], %unique3A_713 masked %unique3A {add = true} : memref<2048xi32, #tpu.memory_space<vmem>>[vector<16xi32>], vector<16xi32>, vector<16xi1>
        %while3A_718 = arith.constant 0 : i32
        scf.yield %while3A_718 : i32
      }
      %scan3A_591 = arith.constant 0 : i32
      %scan3A_592 = arith.constant 0 : i32
      %scan3A_593 = arith.constant 128 : i32
      %scan3A_594 = arith.addi %scan3A_592, %scan3A_593 : i32
      %scan3A_595 = arith.constant 1 : i32
      %scan3A_596 = scf.for %scan3A_688 = %scan3A_592 to %scan3A_594 step %scan3A_595 iter_args(%scan3A_689 = %scan3A_591) -> (i32)  : i32 {
        %broadcast_in_dim3A_690 = arith.constant 0 : i32
        %broadcast_in_dim3A_691 = vector.broadcast %broadcast_in_dim3A_690 : i32 to vector<16xi32>
        %mul3A_692 = arith.constant 16 : i32
        %mul3A_693 = arith.muli %scan3A_688, %mul3A_692 : i32
        %swap3A_694 = arith.index_cast %mul3A_693 : i32 to index
        %swap3A_695 = tpu.vector_load %arg8[%swap3A_694] {strides = array<i32>} : memref<2048xi32, #tpu.memory_space<vmem>>, vector<16xi32>,
        tpu.vector_store %arg8[%swap3A_694], %broadcast_in_dim3A_691 {strides = array<i32>} : memref<2048xi32, #tpu.memory_space<vmem>>, vector<16xi32>,
        %scan3A_696 = arith.constant 0 : i32
        scf.yield %scan3A_696 : i32
      }
      %scan3A_597 = arith.constant 128 : i32
      %add3A_598 = arith.constant 32 : i32
      %add3A_599 = arith.addi %add3A_161, %add3A_598 : i32
      %sub3A_600 = arith.constant 1 : i32
      %sub3A_601 = arith.subi %add3A_599, %sub3A_600 : i32
      %jit3A_602 = arith.constant 32 : i32
      %div3A_603 = arith.divsi %sub3A_601, %jit3A_602 : i32
      %sign3A_604 = arith.constant 0 : i32
      %sign3A_605 = arith.cmpi sgt, %sub3A_601, %sign3A_604 : i32
      %sign3A_606 = arith.extui %sign3A_605 : i1 to i32
      %sign3A_607 = arith.constant 0 : i32
      %sign3A_608 = arith.cmpi slt, %sub3A_601, %sign3A_607 : i32
      %sign3A_609 = arith.extui %sign3A_608 : i1 to i32
      %sign3A_610 = arith.subi %sign3A_606, %sign3A_609 : i32
      %sign3A_611 = arith.constant 0 : i32
      %sign3A_612 = arith.cmpi sgt, %jit3A_602, %sign3A_611 : i32
      %sign3A_613 = arith.extui %sign3A_612 : i1 to i32
      %sign3A_614 = arith.constant 0 : i32
      %sign3A_615 = arith.cmpi slt, %jit3A_602, %sign3A_614 : i32
      %sign3A_616 = arith.extui %sign3A_615 : i1 to i32
      %sign3A_617 = arith.subi %sign3A_613, %sign3A_616 : i32
      %ne3A_618 = arith.cmpi ne, %sign3A_610, %sign3A_617 : i32
      %rem3A_619 = arith.remsi %sub3A_601, %jit3A_602 : i32
      %ne3A_620 = arith.constant 0 : i32
      %ne3A_621 = arith.cmpi ne, %rem3A_619, %ne3A_620 : i32
      %and3A_622 = arith.andi %ne3A_618, %ne3A_621 : i1
      %sub3A_623 = arith.constant 1 : i32
      %sub3A_624 = arith.subi %div3A_603, %sub3A_623 : i32
      %select_n3A_625 = arith.select %and3A_622, %sub3A_624, %div3A_603 : i32
      %while3A_626 = arith.constant 0 : i32
      %while3A_627 = arith.constant 0 : i32
      %while3A_628 = arith.subi %select_n3A_625, %while3A_626 : i32
      %while3A_629 = arith.addi %while3A_626, %while3A_628 : i32
      %while3A_630 = arith.constant 1 : i32
      %while3A_631 = arith.divsi %while3A_628, %while3A_630 : i32
      %while3A_632 = arith.muli %while3A_631, %while3A_630 : i32
      %while3A_633 = arith.addi %while3A_626, %while3A_632 : i32
      %while3A_634 = arith.constant 1 : i32
      %while3A_635 = scf.for %while3A_688 = %while3A_626 to %while3A_633 step %while3A_634 iter_args(%while3A_689 = %while3A_627) -> (i32)  : i32 {
        %mul3A_690 = arith.constant 2 : i32
        %mul3A_691 = arith.muli %mul3A_690, %while3A_688 : i32
        %add3A_692 = arith.constant 0 : i32
        %add3A_693 = arith.addi %mul3A_691, %add3A_692 : i32
        %mul3A_694 = arith.constant 16 : i32
        %mul3A_695 = arith.muli %add3A_693, %mul3A_694 : i32
        %add3A_696 = arith.constant 0 : i32
        %add3A_697 = arith.addi %add3A_696, %mul3A_695 : i32
        %get3A_698 = arith.index_cast %add3A_697 : i32 to index
        %get3A_699 = tpu.vector_load %arg5[%get3A_698] {strides = array<i32>} : memref<16384xi32, #tpu.memory_space<vmem>>, vector<16xi32>,
        %iota3A = tpu.iota {dimensions = array<i32: 0>} : vector<16xi32>
        %add3A_700 = vector.broadcast %mul3A_695 : i32 to vector<16xi32>
        %add3A_701 = arith.addi %add3A_700, %iota3A : vector<16xi32>
        %lt3A_702 = vector.broadcast %add3A_161 : i32 to vector<16xi32>
        %lt3A_703 = arith.cmpi slt, %add3A_701, %lt3A_702 : vector<16xi32>
        %shift_right_logical3A = arith.constant 21 : i32
        %shift_right_logical3A_704 = vector.broadcast %shift_right_logical3A : i32 to vector<16xi32>
        %shift_right_logical3A_705 = arith.shrui %get3A_699, %shift_right_logical3A_704 : vector<16xi32>
        %and3A_706 = arith.constant 2047 : i32
        %and3A_707 = vector.broadcast %and3A_706 : i32 to vector<16xi32>
        %and3A_708 = arith.andi %shift_right_logical3A_705, %and3A_707 : vector<16xi32>
        %unique3A, %unique3A_709 = tpu.scan_count mask(%lt3A_703 : vector<16xi1>) value(%and3A_708 : vector<16xi32>) : vector<16xi1>, vector<16xi32>
        tpu.vector_store_idx %arg8[%and3A_708], %unique3A_709 masked %unique3A {add = true} : memref<2048xi32, #tpu.memory_space<vmem>>[vector<16xi32>], vector<16xi32>, vector<16xi1>
        %mul3A_710 = arith.constant 2 : i32
        %mul3A_711 = arith.muli %mul3A_710, %while3A_688 : i32
        %add3A_712 = arith.constant 1 : i32
        %add3A_713 = arith.addi %mul3A_711, %add3A_712 : i32
        %mul3A_714 = arith.constant 16 : i32
        %mul3A_715 = arith.muli %add3A_713, %mul3A_714 : i32
        %add3A_716 = arith.constant 0 : i32
        %add3A_717 = arith.addi %add3A_716, %mul3A_715 : i32
        %get3A_718 = arith.index_cast %add3A_717 : i32 to index
        %get3A_719 = tpu.vector_load %arg5[%get3A_718] {strides = array<i32>} : memref<16384xi32, #tpu.memory_space<vmem>>, vector<16xi32>,
        %iota3A_720 = tpu.iota {dimensions = array<i32: 0>} : vector<16xi32>
        %add3A_721 = vector.broadcast %mul3A_715 : i32 to vector<16xi32>
        %add3A_722 = arith.addi %add3A_721, %iota3A_720 : vector<16xi32>
        %lt3A_723 = vector.broadcast %add3A_161 : i32 to vector<16xi32>
        %lt3A_724 = arith.cmpi slt, %add3A_722, %lt3A_723 : vector<16xi32>
        %shift_right_logical3A_725 = arith.constant 21 : i32
        %shift_right_logical3A_726 = vector.broadcast %shift_right_logical3A_725 : i32 to vector<16xi32>
        %shift_right_logical3A_727 = arith.shrui %get3A_719, %shift_right_logical3A_726 : vector<16xi32>
        %and3A_728 = arith.constant 2047 : i32
        %and3A_729 = vector.broadcast %and3A_728 : i32 to vector<16xi32>
        %and3A_730 = arith.andi %shift_right_logical3A_727, %and3A_729 : vector<16xi32>
        %unique3A_731, %unique3A_732 = tpu.scan_count mask(%lt3A_724 : vector<16xi1>) value(%and3A_730 : vector<16xi32>) : vector<16xi1>, vector<16xi32>
        tpu.vector_store_idx %arg8[%and3A_730], %unique3A_732 masked %unique3A_731 {add = true} : memref<2048xi32, #tpu.memory_space<vmem>>[vector<16xi32>], vector<16xi32>, vector<16xi1>
        %while3A_733 = arith.constant 0 : i32
        scf.yield %while3A_733 : i32
      }
      %while3A_636 = arith.constant 1 : i32
      %while3A_637 = scf.for %while3A_688 = %while3A_633 to %while3A_629 step %while3A_636 iter_args(%while3A_689 = %while3A_635) -> (i32)  : i32 {
        %mul3A_690 = arith.constant 2 : i32
        %mul3A_691 = arith.muli %mul3A_690, %while3A_688 : i32
        %add3A_692 = arith.constant 0 : i32
        %add3A_693 = arith.addi %mul3A_691, %add3A_692 : i32
        %mul3A_694 = arith.constant 16 : i32
        %mul3A_695 = arith.muli %add3A_693, %mul3A_694 : i32
        %add3A_696 = arith.constant 0 : i32
        %add3A_697 = arith.addi %add3A_696, %mul3A_695 : i32
        %get3A_698 = arith.index_cast %add3A_697 : i32 to index
        %get3A_699 = tpu.vector_load %arg5[%get3A_698] {strides = array<i32>} : memref<16384xi32, #tpu.memory_space<vmem>>, vector<16xi32>,
        %iota3A = tpu.iota {dimensions = array<i32: 0>} : vector<16xi32>
        %add3A_700 = vector.broadcast %mul3A_695 : i32 to vector<16xi32>
        %add3A_701 = arith.addi %add3A_700, %iota3A : vector<16xi32>
        %lt3A_702 = vector.broadcast %add3A_161 : i32 to vector<16xi32>
        %lt3A_703 = arith.cmpi slt, %add3A_701, %lt3A_702 : vector<16xi32>
        %shift_right_logical3A = arith.constant 21 : i32
        %shift_right_logical3A_704 = vector.broadcast %shift_right_logical3A : i32 to vector<16xi32>
        %shift_right_logical3A_705 = arith.shrui %get3A_699, %shift_right_logical3A_704 : vector<16xi32>
        %and3A_706 = arith.constant 2047 : i32
        %and3A_707 = vector.broadcast %and3A_706 : i32 to vector<16xi32>
        %and3A_708 = arith.andi %shift_right_logical3A_705, %and3A_707 : vector<16xi32>
        %unique3A, %unique3A_709 = tpu.scan_count mask(%lt3A_703 : vector<16xi1>) value(%and3A_708 : vector<16xi32>) : vector<16xi1>, vector<16xi32>
        tpu.vector_store_idx %arg8[%and3A_708], %unique3A_709 masked %unique3A {add = true} : memref<2048xi32, #tpu.memory_space<vmem>>[vector<16xi32>], vector<16xi32>, vector<16xi1>
        %mul3A_710 = arith.constant 2 : i32
        %mul3A_711 = arith.muli %mul3A_710, %while3A_688 : i32
        %add3A_712 = arith.constant 1 : i32
        %add3A_713 = arith.addi %mul3A_711, %add3A_712 : i32
        %mul3A_714 = arith.constant 16 : i32
        %mul3A_715 = arith.muli %add3A_713, %mul3A_714 : i32
        %add3A_716 = arith.constant 0 : i32
        %add3A_717 = arith.addi %add3A_716, %mul3A_715 : i32
        %get3A_718 = arith.index_cast %add3A_717 : i32 to index
        %get3A_719 = tpu.vector_load %arg5[%get3A_718] {strides = array<i32>} : memref<16384xi32, #tpu.memory_space<vmem>>, vector<16xi32>,
        %iota3A_720 = tpu.iota {dimensions = array<i32: 0>} : vector<16xi32>
        %add3A_721 = vector.broadcast %mul3A_715 : i32 to vector<16xi32>
        %add3A_722 = arith.addi %add3A_721, %iota3A_720 : vector<16xi32>
        %lt3A_723 = vector.broadcast %add3A_161 : i32 to vector<16xi32>
        %lt3A_724 = arith.cmpi slt, %add3A_722, %lt3A_723 : vector<16xi32>
        %shift_right_logical3A_725 = arith.constant 21 : i32
        %shift_right_logical3A_726 = vector.broadcast %shift_right_logical3A_725 : i32 to vector<16xi32>
        %shift_right_logical3A_727 = arith.shrui %get3A_719, %shift_right_logical3A_726 : vector<16xi32>
        %and3A_728 = arith.constant 2047 : i32
        %and3A_729 = vector.broadcast %and3A_728 : i32 to vector<16xi32>
        %and3A_730 = arith.andi %shift_right_logical3A_727, %and3A_729 : vector<16xi32>
        %unique3A_731, %unique3A_732 = tpu.scan_count mask(%lt3A_724 : vector<16xi1>) value(%and3A_730 : vector<16xi32>) : vector<16xi1>, vector<16xi32>
        tpu.vector_store_idx %arg8[%and3A_730], %unique3A_732 masked %unique3A_731 {add = true} : memref<2048xi32, #tpu.memory_space<vmem>>[vector<16xi32>], vector<16xi32>, vector<16xi1>
        %while3A_733 = arith.constant 0 : i32
        scf.yield %while3A_733 : i32
      }
      %scan3A_638 = arith.constant 0 : i32
      %scan3A_639 = arith.constant 2147483647 : i32
      %scan3A_640 = arith.constant 0 : i32
      %scan3A_641 = arith.constant 128 : i32
      %scan3A_642 = arith.addi %scan3A_640, %scan3A_641 : i32
      %scan3A_643 = arith.constant 1 : i32
      %scan3A_644:2 = scf.for %scan3A_688 = %scan3A_640 to %scan3A_642 step %scan3A_643 iter_args(%scan3A_689 = %scan3A_638, %scan3A_690 = %scan3A_639) -> (i32, i32)  : i32 {
        %mul3A_691 = arith.constant 16 : i32
        %mul3A_692 = arith.muli %scan3A_688, %mul3A_691 : i32
        %get3A_693 = arith.index_cast %mul3A_692 : i32 to index
        %get3A_694 = tpu.vector_load %arg8[%get3A_693] {strides = array<i32>} : memref<2048xi32, #tpu.memory_space<vmem>>, vector<16xi32>,
        %broadcast_in_dim3A_695 = arith.constant true
        %broadcast_in_dim3A_696 = vector.broadcast %broadcast_in_dim3A_695 : i1 to vector<16xi1>
        %masked_cumsum3A = tpu.scan <sum>, %get3A_694 masked %broadcast_in_dim3A_696 : vector<16xi32>, vector<16xi1> -> vector<16xi32>
        %add3A_697 = vector.broadcast %scan3A_689 : i32 to vector<16xi32>
        %add3A_698 = arith.addi %masked_cumsum3A, %add3A_697 : vector<16xi32>
        %sub3A_699 = arith.subi %add3A_698, %get3A_694 : vector<16xi32>
        %mul3A_700 = arith.constant 16 : i32
        %mul3A_701 = arith.muli %scan3A_688, %mul3A_700 : i32
        %swap3A_702 = arith.index_cast %mul3A_701 : i32 to index
        %swap3A_703 = tpu.vector_load %arg8[%swap3A_702] {strides = array<i32>} : memref<2048xi32, #tpu.memory_space<vmem>>, vector<16xi32>,
        tpu.vector_store %arg8[%swap3A_702], %sub3A_699 {strides = array<i32>} : memref<2048xi32, #tpu.memory_space<vmem>>, vector<16xi32>,
        %ge3A = arith.constant 4096 : i32
        %ge3A_704 = vector.broadcast %ge3A : i32 to vector<16xi32>
        %ge3A_705 = arith.cmpi sge, %add3A_698, %ge3A_704 : vector<16xi32>
        %jit3A_706 = arith.constant 2147483647 : i32
        %broadcast_in_dim3A_707 = vector.broadcast %jit3A_706 : i32 to vector<16xi32>
        %select_n3A_708 = arith.select %ge3A_705, %add3A_698, %broadcast_in_dim3A_707 : vector<16xi1>, vector<16xi32>
        %reduce_min3A = arith.constant true
        %reduce_min3A_709 = vector.broadcast %reduce_min3A : i1 to vector<16xi1>
        %reduce_min3A_710 = arith.constant -2147483648 : i32
        %reduce_min3A_711 = vector.broadcast %reduce_min3A_710 : i32 to vector<16xi32>
        %reduce_min3A_712 = arith.xori %select_n3A_708, %reduce_min3A_711 : vector<16xi32>
        %reduce_min3A_713 = tpu.scan <min>, %reduce_min3A_712 masked %reduce_min3A_709 : vector<16xi32>, vector<16xi1> -> vector<16xi32>
        %reduce_min3A_714 = arith.xori %reduce_min3A_713, %reduce_min3A_711 : vector<16xi32>
        %reduce_min3A_715 = vector.extract %reduce_min3A_714[15] : i32 from vector<16xi32>
        %min3A = arith.minsi %scan3A_690, %reduce_min3A_715 : i32
        %reduce_max3A_716 = arith.constant true
        %reduce_max3A_717 = vector.broadcast %reduce_max3A_716 : i1 to vector<16xi1>
        %reduce_max3A_718 = arith.constant -2147483648 : i32
        %reduce_max3A_719 = vector.broadcast %reduce_max3A_718 : i32 to vector<16xi32>
        %reduce_max3A_720 = arith.xori %add3A_698, %reduce_max3A_719 : vector<16xi32>
        %reduce_max3A_721 = tpu.scan <max>, %reduce_max3A_720 masked %reduce_max3A_717 : vector<16xi32>, vector<16xi1> -> vector<16xi32>
        %reduce_max3A_722 = arith.xori %reduce_max3A_721, %reduce_max3A_719 : vector<16xi32>
        %reduce_max3A_723 = vector.extract %reduce_max3A_722[15] : i32 from vector<16xi32>
        scf.yield %reduce_max3A_723, %min3A : i32, i32
      }
      %scan3A_645 = arith.constant 128 : i32
      %add3A_646 = arith.constant 16 : i32
      %add3A_647 = arith.addi %add3A_161, %add3A_646 : i32
      %sub3A_648 = arith.constant 1 : i32
      %sub3A_649 = arith.subi %add3A_647, %sub3A_648 : i32
      %jit3A_650 = arith.constant 16 : i32
      %div3A_651 = arith.divsi %sub3A_649, %jit3A_650 : i32
      %sign3A_652 = arith.constant 0 : i32
      %sign3A_653 = arith.cmpi sgt, %sub3A_649, %sign3A_652 : i32
      %sign3A_654 = arith.extui %sign3A_653 : i1 to i32
      %sign3A_655 = arith.constant 0 : i32
      %sign3A_656 = arith.cmpi slt, %sub3A_649, %sign3A_655 : i32
      %sign3A_657 = arith.extui %sign3A_656 : i1 to i32
      %sign3A_658 = arith.subi %sign3A_654, %sign3A_657 : i32
      %sign3A_659 = arith.constant 0 : i32
      %sign3A_660 = arith.cmpi sgt, %jit3A_650, %sign3A_659 : i32
      %sign3A_661 = arith.extui %sign3A_660 : i1 to i32
      %sign3A_662 = arith.constant 0 : i32
      %sign3A_663 = arith.cmpi slt, %jit3A_650, %sign3A_662 : i32
      %sign3A_664 = arith.extui %sign3A_663 : i1 to i32
      %sign3A_665 = arith.subi %sign3A_661, %sign3A_664 : i32
      %ne3A_666 = arith.cmpi ne, %sign3A_658, %sign3A_665 : i32
      %rem3A_667 = arith.remsi %sub3A_649, %jit3A_650 : i32
      %ne3A_668 = arith.constant 0 : i32
      %ne3A_669 = arith.cmpi ne, %rem3A_667, %ne3A_668 : i32
      %and3A_670 = arith.andi %ne3A_666, %ne3A_669 : i1
      %sub3A_671 = arith.constant 1 : i32
      %sub3A_672 = arith.subi %div3A_651, %sub3A_671 : i32
      %select_n3A_673 = arith.select %and3A_670, %sub3A_672, %div3A_651 : i32
      %while3A_674 = arith.constant 0 : i32
      %while3A_675 = arith.constant 0 : i32
      %while3A_676 = arith.subi %select_n3A_673, %while3A_674 : i32
      %while3A_677 = arith.addi %while3A_674, %while3A_676 : i32
      %while3A_678 = arith.constant 1 : i32
      %while3A_679 = arith.divsi %while3A_676, %while3A_678 : i32
      %while3A_680 = arith.muli %while3A_679, %while3A_678 : i32
      %while3A_681 = arith.addi %while3A_674, %while3A_680 : i32
      %while3A_682 = arith.constant 1 : i32
      %while3A_683 = scf.for %while3A_688 = %while3A_674 to %while3A_681 step %while3A_682 iter_args(%while3A_689 = %while3A_675) -> (i32)  : i32 {
        %mul3A_690 = arith.constant 16 : i32
        %mul3A_691 = arith.muli %while3A_688, %mul3A_690 : i32
        %add3A_692 = arith.constant 0 : i32
        %add3A_693 = arith.addi %add3A_692, %mul3A_691 : i32
        %get3A_694 = arith.index_cast %add3A_693 : i32 to index
        %get3A_695 = tpu.vector_load %arg5[%get3A_694] {strides = array<i32>} : memref<16384xi32, #tpu.memory_space<vmem>>, vector<16xi32>,
        %mul3A_696 = arith.constant 16 : i32
        %mul3A_697 = arith.muli %while3A_688, %mul3A_696 : i32
        %add3A_698 = arith.constant 0 : i32
        %add3A_699 = arith.addi %add3A_698, %mul3A_697 : i32
        %get3A_700 = arith.index_cast %add3A_699 : i32 to index
        %get3A_701 = tpu.vector_load %arg7[%get3A_700] {strides = array<i32>} : memref<16384xi32, #tpu.memory_space<vmem>>, vector<16xi32>,
        %mul3A_702 = arith.constant 16 : i32
        %mul3A_703 = arith.muli %while3A_688, %mul3A_702 : i32
        %iota3A = tpu.iota {dimensions = array<i32: 0>} : vector<16xi32>
        %add3A_704 = vector.broadcast %mul3A_703 : i32 to vector<16xi32>
        %add3A_705 = arith.addi %add3A_704, %iota3A : vector<16xi32>
        %lt3A_706 = vector.broadcast %add3A_161 : i32 to vector<16xi32>
        %lt3A_707 = arith.cmpi slt, %add3A_705, %lt3A_706 : vector<16xi32>
        %shift_right_logical3A = arith.constant 21 : i32
        %shift_right_logical3A_708 = vector.broadcast %shift_right_logical3A : i32 to vector<16xi32>
        %shift_right_logical3A_709 = arith.shrui %get3A_695, %shift_right_logical3A_708 : vector<16xi32>
        %and3A_710 = arith.constant 2047 : i32
        %and3A_711 = vector.broadcast %and3A_710 : i32 to vector<16xi32>
        %and3A_712 = arith.andi %shift_right_logical3A_709, %and3A_711 : vector<16xi32>
        %unique3A, %unique3A_713 = tpu.scan_count mask(%lt3A_707 : vector<16xi1>) value(%and3A_712 : vector<16xi32>) : vector<16xi1>, vector<16xi32>
        %gather3A = tpu.vector_load_idx %arg8[%and3A_712] : memref<2048xi32, #tpu.memory_space<vmem>>[vector<16xi32>], vector<16xi32>,
        %add3A_714 = arith.addi %gather3A, %unique3A_713 : vector<16xi32>
        %sub3A_715 = arith.constant 1 : i32
        %sub3A_716 = vector.broadcast %sub3A_715 : i32 to vector<16xi32>
        %sub3A_717 = arith.subi %add3A_714, %sub3A_716 : vector<16xi32>
        tpu.vector_store_idx %arg6[%sub3A_717], %get3A_701 masked %lt3A_707 : memref<16384xi32, #tpu.memory_space<vmem>>[vector<16xi32>], vector<16xi32>, vector<16xi1>
        tpu.vector_store_idx %arg8[%and3A_712], %unique3A_713 masked %unique3A {add = true} : memref<2048xi32, #tpu.memory_space<vmem>>[vector<16xi32>], vector<16xi32>, vector<16xi1>
        %while3A_718 = arith.constant 0 : i32
        scf.yield %while3A_718 : i32
      }
      %while3A_684 = arith.constant 1 : i32
      %while3A_685 = scf.for %while3A_688 = %while3A_681 to %while3A_677 step %while3A_684 iter_args(%while3A_689 = %while3A_683) -> (i32)  : i32 {
        %mul3A_690 = arith.constant 16 : i32
        %mul3A_691 = arith.muli %while3A_688, %mul3A_690 : i32
        %add3A_692 = arith.constant 0 : i32
        %add3A_693 = arith.addi %add3A_692, %mul3A_691 : i32
        %get3A_694 = arith.index_cast %add3A_693 : i32 to index
        %get3A_695 = tpu.vector_load %arg5[%get3A_694] {strides = array<i32>} : memref<16384xi32, #tpu.memory_space<vmem>>, vector<16xi32>,
        %mul3A_696 = arith.constant 16 : i32
        %mul3A_697 = arith.muli %while3A_688, %mul3A_696 : i32
        %add3A_698 = arith.constant 0 : i32
        %add3A_699 = arith.addi %add3A_698, %mul3A_697 : i32
        %get3A_700 = arith.index_cast %add3A_699 : i32 to index
        %get3A_701 = tpu.vector_load %arg7[%get3A_700] {strides = array<i32>} : memref<16384xi32, #tpu.memory_space<vmem>>, vector<16xi32>,
        %mul3A_702 = arith.constant 16 : i32
        %mul3A_703 = arith.muli %while3A_688, %mul3A_702 : i32
        %iota3A = tpu.iota {dimensions = array<i32: 0>} : vector<16xi32>
        %add3A_704 = vector.broadcast %mul3A_703 : i32 to vector<16xi32>
        %add3A_705 = arith.addi %add3A_704, %iota3A : vector<16xi32>
        %lt3A_706 = vector.broadcast %add3A_161 : i32 to vector<16xi32>
        %lt3A_707 = arith.cmpi slt, %add3A_705, %lt3A_706 : vector<16xi32>
        %shift_right_logical3A = arith.constant 21 : i32
        %shift_right_logical3A_708 = vector.broadcast %shift_right_logical3A : i32 to vector<16xi32>
        %shift_right_logical3A_709 = arith.shrui %get3A_695, %shift_right_logical3A_708 : vector<16xi32>
        %and3A_710 = arith.constant 2047 : i32
        %and3A_711 = vector.broadcast %and3A_710 : i32 to vector<16xi32>
        %and3A_712 = arith.andi %shift_right_logical3A_709, %and3A_711 : vector<16xi32>
        %unique3A, %unique3A_713 = tpu.scan_count mask(%lt3A_707 : vector<16xi1>) value(%and3A_712 : vector<16xi32>) : vector<16xi1>, vector<16xi32>
        %gather3A = tpu.vector_load_idx %arg8[%and3A_712] : memref<2048xi32, #tpu.memory_space<vmem>>[vector<16xi32>], vector<16xi32>,
        %add3A_714 = arith.addi %gather3A, %unique3A_713 : vector<16xi32>
        %sub3A_715 = arith.constant 1 : i32
        %sub3A_716 = vector.broadcast %sub3A_715 : i32 to vector<16xi32>
        %sub3A_717 = arith.subi %add3A_714, %sub3A_716 : vector<16xi32>
        tpu.vector_store_idx %arg6[%sub3A_717], %get3A_701 masked %lt3A_707 : memref<16384xi32, #tpu.memory_space<vmem>>[vector<16xi32>], vector<16xi32>, vector<16xi1>
        tpu.vector_store_idx %arg8[%and3A_712], %unique3A_713 masked %unique3A {add = true} : memref<2048xi32, #tpu.memory_space<vmem>>[vector<16xi32>], vector<16xi32>, vector<16xi1>
        %while3A_718 = arith.constant 0 : i32
        scf.yield %while3A_718 : i32
      }
      %mul3A_686 = arith.constant 4096 : i32
      %mul3A_687 = arith.muli %add3A_9, %mul3A_686 : i32
      "tpu.region"() ({
        %run_scoped3A = tpu.sem_alloc : memref<!tpu.dma_semaphore, #tpu.memory_space<semaphore_mem>>
        %dma_start3A = arith.constant 0 : i32
        %dma_start3A_688 = tpu.memref_slice %arg6[%dma_start3A] : memref<16384xi32, #tpu.memory_space<vmem>> -> memref<4096xi32, #tpu.memory_space<vmem>>
        %dma_start3A_689 = tpu.memref_slice %arg3[%mul3A_687] : memref<32768xi32, #tpu.memory_space<hbm>> -> memref<4096xi32, #tpu.memory_space<hbm>>
        %dma_start3A_690 = tpu.memref_slice %arg3[%mul3A_687] : memref<32768xi32, #tpu.memory_space<hbm>> -> memref<4096xi32, #tpu.memory_space<hbm>>
        %dma_start3A_691 = arith.constant 0 : i32
        %dma_start3A_692 = tpu.memref_slice %arg6[%dma_start3A_691] : memref<16384xi32, #tpu.memory_space<vmem>> -> memref<4096xi32, #tpu.memory_space<vmem>>
        tpu.enqueue_dma source(%dma_start3A_692 : memref<4096xi32, #tpu.memory_space<vmem>>) target(%dma_start3A_690 : memref<4096xi32, #tpu.memory_space<hbm>>) target_semaphore(%run_scoped3A : memref<!tpu.dma_semaphore, #tpu.memory_space<semaphore_mem>>)
        %dma_wait3A = arith.constant 0 : i32
        %dma_wait3A_693 = tpu.memref_slice %arg6[%dma_wait3A] : memref<16384xi32, #tpu.memory_space<vmem>> -> memref<4096xi32, #tpu.memory_space<vmem>>
        %dma_wait3A_694 = tpu.memref_slice %arg3[%mul3A_687] : memref<32768xi32, #tpu.memory_space<hbm>> -> memref<4096xi32, #tpu.memory_space<hbm>>
        %dma_wait3A_695 = tpu.memref_slice %arg3[%mul3A_687] : memref<32768xi32, #tpu.memory_space<hbm>> -> memref<4096xi32, #tpu.memory_space<hbm>>
        %dma_wait3A_696 = arith.constant 0 : i32
        %dma_wait3A_697 = tpu.memref_slice %arg6[%dma_wait3A_696] : memref<16384xi32, #tpu.memory_space<vmem>> -> memref<4096xi32, #tpu.memory_space<vmem>>
        tpu.wait_dma2 semaphore(%run_scoped3A : memref<!tpu.dma_semaphore, #tpu.memory_space<semaphore_mem>>) src(%dma_wait3A_697 : memref<4096xi32, #tpu.memory_space<vmem>>) dst(%dma_wait3A_695 : memref<4096xi32, #tpu.memory_space<hbm>>)
        tpu.yield
      }) : () -> ()
    } else {
    }
    return
  }
}

module attributes {stable_mosaic.version = 14 : i64} {
  func.func @_tc_keys_body(%arg0: i32, %arg1: memref<3x2048xf32, #tpu.memory_space<vmem>>, %arg2: memref<2048xi32, #tpu.memory_space<vmem>>) attributes {dimension_semantics = [#tpu.dimension_semantics<arbitrary>], iteration_bounds = array<i64: 64>, scalar_prefetch = 0 : i64, scratch_operands = 0 : i64, tpu.core_type = #tpu.core_type<tc>, window_params = [{transform_indices = @transform_0, window_bounds = array<i64: 3, 2048>}, {transform_indices = @transform_1, window_bounds = array<i64: 2048>}]} {
    %get3A = arith.constant 0 : index
    %get3A_0 = arith.constant 0 : index
    %get3A_1 = vector.load %arg1[%get3A, %get3A_0] : memref<3x2048xf32, #tpu.memory_space<vmem>>, vector<3x2048xf32>
    %reduce_max3A = arith.constant dense<0xFF800000> : vector<2048xf32>
    %reduce_max3A_2 = vector.multi_reduction <maximumf>, %get3A_1, %reduce_max3A [0] : vector<3x2048xf32> to vector<2048xf32>
    %eq3A = arith.constant 0.000000e+00 : f32
    %eq3A_3 = vector.broadcast %eq3A : f32 to vector<2048xf32>
    %eq3A_4 = arith.cmpf oeq, %reduce_max3A_2, %eq3A_3 : vector<2048xf32>
    %jit3A = arith.constant 0.000000e+00 : f32
    %broadcast_in_dim3A = vector.broadcast %jit3A : f32 to vector<2048xf32>
    %select_n3A = arith.select %eq3A_4, %broadcast_in_dim3A, %reduce_max3A_2 : vector<2048xi1>, vector<2048xf32>
    %bitcast_convert_type3A = tpu.bitcast %select_n3A : vector<2048xf32> -> vector<2048xi32>
    %lt3A = arith.constant 0.000000e+00 : f32
    %lt3A_5 = vector.broadcast %lt3A : f32 to vector<2048xf32>
    %lt3A_6 = arith.cmpf olt, %select_n3A, %lt3A_5 : vector<2048xf32>
    %sub3A = arith.constant 2147483647 : i32
    %sub3A_7 = vector.broadcast %sub3A : i32 to vector<2048xi32>
    %sub3A_8 = arith.subi %sub3A_7, %bitcast_convert_type3A : vector<2048xi32>
    %select_n3A_9 = arith.select %lt3A_6, %bitcast_convert_type3A, %sub3A_8 : vector<2048xi1>, vector<2048xi32>
    %swap3A = arith.constant 0 : index
    %swap3A_10 = vector.load %arg2[%swap3A] : memref<2048xi32, #tpu.memory_space<vmem>>, vector<2048xi32>
    tpu.vector_store %arg2[%swap3A], %select_n3A_9 {strides = array<i32>} : memref<2048xi32, #tpu.memory_space<vmem>>, vector<2048xi32>,
    return
  }
  func.func @transform_0(%arg0: i32) -> (i32, i32) {
    %c0_i32 = arith.constant 0 : i32
    %c0_i32_0 = arith.constant 0 : i32
    return %c0_i32, %arg0 : i32, i32
  }
  func.func @transform_1(%arg0: i32) -> i32 {
    %c0_i32 = arith.constant 0 : i32
    return %arg0 : i32
  }
}

module attributes {stable_mosaic.version = 14 : i64} {
  func.func @_tc_body(%arg0: i32, %arg1: i32, %arg2: memref<1x128x2048xf32, #tpu.memory_space<vmem>>, %arg3: memref<3x2048xf32, #tpu.memory_space<vmem>>, %arg4: memref<128x128xf32, #tpu.memory_space<vmem>>, %arg5: memref<128x1xf32, #tpu.memory_space<vmem>>, %arg6: memref<128x1xf32, #tpu.memory_space<vmem>>, %arg7: memref<128x1xf32, #tpu.memory_space<vmem>>, %arg8: memref<3x128xf32, #tpu.memory_space<vmem>>, %arg9: memref<3x1xf32, #tpu.memory_space<vmem>>, %arg10: memref<2048xf32, #tpu.memory_space<vmem>>, %arg11: memref<2048xf32, #tpu.memory_space<vmem>>, %arg12: memref<2048xf32, #tpu.memory_space<vmem>>, %arg13: memref<2048xf32, #tpu.memory_space<vmem>>, %arg14: memref<2048xf32, #tpu.memory_space<vmem>>, %arg15: memref<2048xf32, #tpu.memory_space<vmem>>, %arg16: memref<2048xf32, #tpu.memory_space<vmem>>, %arg17: memref<2048xf32, #tpu.memory_space<vmem>>, %arg18: memref<2048xf32, #tpu.memory_space<vmem>>) attributes {dimension_semantics = [#tpu.dimension_semantics<arbitrary>, #tpu.dimension_semantics<arbitrary>], iteration_bounds = array<i64: 8, 8>, scalar_prefetch = 0 : i64, scratch_operands = 0 : i64, tpu.core_type = #tpu.core_type<tc>, window_params = [{transform_indices = @transform_0, window_bounds = array<i64: 1, 128, 2048>}, {transform_indices = @transform_1, window_bounds = array<i64: 3, 2048>}, {pipeline_mode = #tpu.pipeline_mode<synchronous>, transform_indices = @transform_2, window_bounds = array<i64: 128, 128>}, {pipeline_mode = #tpu.pipeline_mode<synchronous>, transform_indices = @transform_3, window_bounds = array<i64: 128, 1>}, {pipeline_mode = #tpu.pipeline_mode<synchronous>, transform_indices = @transform_4, window_bounds = array<i64: 128, 1>}, {pipeline_mode = #tpu.pipeline_mode<synchronous>, transform_indices = @transform_5, window_bounds = array<i64: 128, 1>}, {pipeline_mode = #tpu.pipeline_mode<synchronous>, transform_indices = @transform_6, window_bounds = array<i64: 3, 128>}, {pipeline_mode = #tpu.pipeline_mode<synchronous>, transform_indices = @transform_7, window_bounds = array<i64: 3, 1>}, {transform_indices = @transform_8, window_bounds = array<i64: 2048>}, {transform_indices = @transform_9, window_bounds = array<i64: 2048>}, {transform_indices = @transform_10, window_bounds = array<i64: 2048>}, {transform_indices = @transform_11, window_bounds = array<i64: 2048>}, {transform_indices = @transform_12, window_bounds = array<i64: 2048>}, {transform_indices = @transform_13, window_bounds = array<i64: 2048>}, {transform_indices = @transform_14, window_bounds = array<i64: 2048>}, {transform_indices = @transform_15, window_bounds = array<i64: 2048>}, {transform_indices = @transform_16, window_bounds = array<i64: 2048>}]} {
    %get3A = arith.constant 0 : index
    %get3A_0 = arith.constant 0 : index
    %get3A_1 = vector.load %arg6[%get3A, %get3A_0] : memref<128x1xf32, #tpu.memory_space<vmem>>, vector<128x1xf32>
    %mul3A = arith.constant 0.999994993 : f32
    %mul3A_2 = vector.broadcast %mul3A : f32 to vector<128x1xf32>
    %mul3A_3 = arith.mulf %get3A_1, %mul3A_2 : vector<128x1xf32>
    %get3A_4 = arith.constant 0 : index
    %get3A_5 = arith.constant 0 : index
    %get3A_6 = vector.load %arg4[%get3A_4, %get3A_5] : memref<128x128xf32, #tpu.memory_space<vmem>>, vector<128x128xf32>
    %mul3A_7 = vector.broadcast %mul3A_3 : vector<128x1xf32> to vector<128x128xf32>
    %mul3A_8 = arith.mulf %get3A_6, %mul3A_7 : vector<128x128xf32>
    %get3A_9 = arith.constant 0 : index
    %get3A_10 = arith.constant 0 : index
    %get3A_11 = vector.load %arg5[%get3A_9, %get3A_10] : memref<128x1xf32, #tpu.memory_space<vmem>>, vector<128x1xf32>
    %mul3A_12 = arith.mulf %get3A_11, %mul3A_3 : vector<128x1xf32>
    %get3A_13 = arith.constant 0 : index
    %get3A_14 = arith.constant 0 : index
    %get3A_15 = vector.load %arg7[%get3A_13, %get3A_14] : memref<128x1xf32, #tpu.memory_space<vmem>>, vector<128x1xf32>
    %add3A = arith.addf %mul3A_12, %get3A_15 : vector<128x1xf32>
    %get3A_16 = arith.constant 0 : index
    %get3A_17 = arith.constant 0 : index
    %get3A_18 = arith.constant 0 : index
    %get3A_19 = vector.load %arg2[%get3A_16, %get3A_17, %get3A_18] : memref<1x128x2048xf32, #tpu.memory_space<vmem>>, vector<1x128x2048xf32>
    %get3A_20 = vector.shape_cast %get3A_19 : vector<1x128x2048xf32> to vector<128x2048xf32>
    %dot_general3A = arith.constant dense<0.000000e+00> : vector<128x2048xf32>
    %dot_general3A_21 = tpu.matmul %mul3A_8, %get3A_20, %dot_general3A {dimension_numbers = #tpu.dot_dimension_numbers<[1], [0], [0], [1], [0, 0, 1, 1], [], []>, transpose_lhs_hint = false} : vector<128x128xf32>, vector<128x2048xf32>, vector<128x2048xf32> -> vector<128x2048xf32>
    %add3A_22 = vector.broadcast %add3A : vector<128x1xf32> to vector<128x2048xf32>
    %add3A_23 = arith.addf %dot_general3A_21, %add3A_22 : vector<128x2048xf32>
    %max3A = arith.constant 0.000000e+00 : f32
    %max3A_24 = vector.broadcast %max3A : f32 to vector<128x2048xf32>
    %max3A_25 = arith.maximumf %add3A_23, %max3A_24 : vector<128x2048xf32>
    %get3A_26 = arith.constant 0 : index
    %get3A_27 = arith.constant 0 : index
    %get3A_28 = vector.load %arg8[%get3A_26, %get3A_27] : memref<3x128xf32, #tpu.memory_space<vmem>>, vector<3x128xf32>
    %dot_general3A_29 = arith.constant dense<0.000000e+00> : vector<3x2048xf32>
    %dot_general3A_30 = tpu.matmul %get3A_28, %max3A_25, %dot_general3A_29 {dimension_numbers = #tpu.dot_dimension_numbers<[1], [0], [0], [1], [0, 0, 1, 1], [], []>, transpose_lhs_hint = false} : vector<3x128xf32>, vector<128x2048xf32>, vector<3x2048xf32> -> vector<3x2048xf32>
    %get3A_31 = arith.constant 0 : index
    %get3A_32 = arith.constant 0 : index
    %get3A_33 = vector.load %arg9[%get3A_31, %get3A_32] : memref<3x1xf32, #tpu.memory_space<vmem>>, vector<3x1xf32>
    %gt3A = vector.broadcast %get3A_33 : vector<3x1xf32> to vector<3x2048xf32>
    %gt3A_34 = arith.cmpf ogt, %dot_general3A_30, %gt3A : vector<3x2048xf32>
    %broadcast_in_dim3A = vector.shape_cast %get3A_33 : vector<3x1xf32> to vector<3x1xf32>
    %broadcast_in_dim3A_35 = vector.broadcast %broadcast_in_dim3A : vector<3x1xf32> to vector<3x2048xf32>
    %select_n3A = arith.select %gt3A_34, %broadcast_in_dim3A_35, %dot_general3A_30 : vector<3x2048xi1>, vector<3x2048xf32>
    %neg3A = arith.constant 0.000000e+00 : f32
    %neg3A_36 = vector.broadcast %neg3A : f32 to vector<3x1xf32>
    %neg3A_37 = arith.subf %neg3A_36, %get3A_33 : vector<3x1xf32>
    %lt3A = vector.broadcast %neg3A_37 : vector<3x1xf32> to vector<3x2048xf32>
    %lt3A_38 = arith.cmpf olt, %select_n3A, %lt3A : vector<3x2048xf32>
    %neg3A_39 = arith.constant 0.000000e+00 : f32
    %neg3A_40 = vector.broadcast %neg3A_39 : f32 to vector<3x1xf32>
    %neg3A_41 = arith.subf %neg3A_40, %get3A_33 : vector<3x1xf32>
    %broadcast_in_dim3A_42 = vector.shape_cast %neg3A_41 : vector<3x1xf32> to vector<3x1xf32>
    %broadcast_in_dim3A_43 = vector.broadcast %broadcast_in_dim3A_42 : vector<3x1xf32> to vector<3x2048xf32>
    %select_n3A_44 = arith.select %lt3A_38, %broadcast_in_dim3A_43, %select_n3A : vector<3x2048xi1>, vector<3x2048xf32>
    %get3A_45 = arith.constant 0 : index
    %get3A_46 = arith.constant 0 : index
    %get3A_47 = vector.load %arg3[%get3A_45, %get3A_46] : memref<3x2048xf32, #tpu.memory_space<vmem>>, vector<3x2048xf32>
    %add3A_48 = arith.addf %get3A_47, %select_n3A_44 : vector<3x2048xf32>
    %slice3A = vector.extract_strided_slice %add3A_48 {offsets = [0, 0], sizes = [1, 2048], strides = [1, 1]} : vector<3x2048xf32> to vector<1x2048xf32>
    %squeeze3A = vector.shape_cast %slice3A : vector<1x2048xf32> to vector<2048xf32>
    %swap3A = arith.constant 0 : index
    %swap3A_49 = vector.load %arg10[%swap3A] : memref<2048xf32, #tpu.memory_space<vmem>>, vector<2048xf32>
    tpu.vector_store %arg10[%swap3A], %squeeze3A {strides = array<i32>} : memref<2048xf32, #tpu.memory_space<vmem>>, vector<2048xf32>,
    %slice3A_50 = vector.extract_strided_slice %add3A_48 {offsets = [1, 0], sizes = [1, 2048], strides = [1, 1]} : vector<3x2048xf32> to vector<1x2048xf32>
    %squeeze3A_51 = vector.shape_cast %slice3A_50 : vector<1x2048xf32> to vector<2048xf32>
    %swap3A_52 = arith.constant 0 : index
    %swap3A_53 = vector.load %arg11[%swap3A_52] : memref<2048xf32, #tpu.memory_space<vmem>>, vector<2048xf32>
    tpu.vector_store %arg11[%swap3A_52], %squeeze3A_51 {strides = array<i32>} : memref<2048xf32, #tpu.memory_space<vmem>>, vector<2048xf32>,
    %slice3A_54 = vector.extract_strided_slice %add3A_48 {offsets = [2, 0], sizes = [1, 2048], strides = [1, 1]} : vector<3x2048xf32> to vector<1x2048xf32>
    %squeeze3A_55 = vector.shape_cast %slice3A_54 : vector<1x2048xf32> to vector<2048xf32>
    %swap3A_56 = arith.constant 0 : index
    %swap3A_57 = vector.load %arg12[%swap3A_56] : memref<2048xf32, #tpu.memory_space<vmem>>, vector<2048xf32>
    tpu.vector_store %arg12[%swap3A_56], %squeeze3A_55 {strides = array<i32>} : memref<2048xf32, #tpu.memory_space<vmem>>, vector<2048xf32>,
    %slice3A_58 = vector.extract_strided_slice %dot_general3A_30 {offsets = [0, 0], sizes = [1, 2048], strides = [1, 1]} : vector<3x2048xf32> to vector<1x2048xf32>
    %squeeze3A_59 = vector.shape_cast %slice3A_58 : vector<1x2048xf32> to vector<2048xf32>
    %swap3A_60 = arith.constant 0 : index
    %swap3A_61 = vector.load %arg13[%swap3A_60] : memref<2048xf32, #tpu.memory_space<vmem>>, vector<2048xf32>
    tpu.vector_store %arg13[%swap3A_60], %squeeze3A_59 {strides = array<i32>} : memref<2048xf32, #tpu.memory_space<vmem>>, vector<2048xf32>,
    %slice3A_62 = vector.extract_strided_slice %dot_general3A_30 {offsets = [1, 0], sizes = [1, 2048], strides = [1, 1]} : vector<3x2048xf32> to vector<1x2048xf32>
    %squeeze3A_63 = vector.shape_cast %slice3A_62 : vector<1x2048xf32> to vector<2048xf32>
    %swap3A_64 = arith.constant 0 : index
    %swap3A_65 = vector.load %arg14[%swap3A_64] : memref<2048xf32, #tpu.memory_space<vmem>>, vector<2048xf32>
    tpu.vector_store %arg14[%swap3A_64], %squeeze3A_63 {strides = array<i32>} : memref<2048xf32, #tpu.memory_space<vmem>>, vector<2048xf32>,
    %slice3A_66 = vector.extract_strided_slice %dot_general3A_30 {offsets = [2, 0], sizes = [1, 2048], strides = [1, 1]} : vector<3x2048xf32> to vector<1x2048xf32>
    %squeeze3A_67 = vector.shape_cast %slice3A_66 : vector<1x2048xf32> to vector<2048xf32>
    %swap3A_68 = arith.constant 0 : index
    %swap3A_69 = vector.load %arg15[%swap3A_68] : memref<2048xf32, #tpu.memory_space<vmem>>, vector<2048xf32>
    tpu.vector_store %arg15[%swap3A_68], %squeeze3A_67 {strides = array<i32>} : memref<2048xf32, #tpu.memory_space<vmem>>, vector<2048xf32>,
    %slice3A_70 = vector.extract_strided_slice %get3A_47 {offsets = [0, 0], sizes = [1, 2048], strides = [1, 1]} : vector<3x2048xf32> to vector<1x2048xf32>
    %squeeze3A_71 = vector.shape_cast %slice3A_70 : vector<1x2048xf32> to vector<2048xf32>
    %swap3A_72 = arith.constant 0 : index
    %swap3A_73 = vector.load %arg16[%swap3A_72] : memref<2048xf32, #tpu.memory_space<vmem>>, vector<2048xf32>
    tpu.vector_store %arg16[%swap3A_72], %squeeze3A_71 {strides = array<i32>} : memref<2048xf32, #tpu.memory_space<vmem>>, vector<2048xf32>,
    %slice3A_74 = vector.extract_strided_slice %get3A_47 {offsets = [1, 0], sizes = [1, 2048], strides = [1, 1]} : vector<3x2048xf32> to vector<1x2048xf32>
    %squeeze3A_75 = vector.shape_cast %slice3A_74 : vector<1x2048xf32> to vector<2048xf32>
    %swap3A_76 = arith.constant 0 : index
    %swap3A_77 = vector.load %arg17[%swap3A_76] : memref<2048xf32, #tpu.memory_space<vmem>>, vector<2048xf32>
    tpu.vector_store %arg17[%swap3A_76], %squeeze3A_75 {strides = array<i32>} : memref<2048xf32, #tpu.memory_space<vmem>>, vector<2048xf32>,
    %slice3A_78 = vector.extract_strided_slice %get3A_47 {offsets = [2, 0], sizes = [1, 2048], strides = [1, 1]} : vector<3x2048xf32> to vector<1x2048xf32>
    %squeeze3A_79 = vector.shape_cast %slice3A_78 : vector<1x2048xf32> to vector<2048xf32>
    %swap3A_80 = arith.constant 0 : index
    %swap3A_81 = vector.load %arg18[%swap3A_80] : memref<2048xf32, #tpu.memory_space<vmem>>, vector<2048xf32>
    tpu.vector_store %arg18[%swap3A_80], %squeeze3A_79 {strides = array<i32>} : memref<2048xf32, #tpu.memory_space<vmem>>, vector<2048xf32>,
    return
  }
  func.func @transform_0(%arg0: i32, %arg1: i32) -> (i32, i32, i32) {
    %c0_i32 = arith.constant 0 : i32
    %c0_i32_0 = arith.constant 0 : i32
    return %arg0, %c0_i32, %arg1 : i32, i32, i32
  }
  func.func @transform_1(%arg0: i32, %arg1: i32) -> (i32, i32) {
    %mul3A = arith.constant 8 : i32
    %mul3A_0 = arith.muli %arg0, %mul3A : i32
    %add3A = arith.addi %mul3A_0, %arg1 : i32
    %c0_i32 = arith.constant 0 : i32
    %c0_i32_1 = arith.constant 0 : i32
    return %c0_i32, %add3A : i32, i32
  }
  func.func @transform_2(%arg0: i32, %arg1: i32) -> (i32, i32) {
    %c0_i32 = arith.constant 0 : i32
    %c0_i32_0 = arith.constant 0 : i32
    %c0_i32_1 = arith.constant 0 : i32
    return %c0_i32, %c0_i32_0 : i32, i32
  }
  func.func @transform_3(%arg0: i32, %arg1: i32) -> (i32, i32) {
    %c0_i32 = arith.constant 0 : i32
    %c0_i32_0 = arith.constant 0 : i32
    %c0_i32_1 = arith.constant 0 : i32
    return %c0_i32, %c0_i32_0 : i32, i32
  }
  func.func @transform_4(%arg0: i32, %arg1: i32) -> (i32, i32) {
    %c0_i32 = arith.constant 0 : i32
    %c0_i32_0 = arith.constant 0 : i32
    %c0_i32_1 = arith.constant 0 : i32
    return %c0_i32, %c0_i32_0 : i32, i32
  }
  func.func @transform_5(%arg0: i32, %arg1: i32) -> (i32, i32) {
    %c0_i32 = arith.constant 0 : i32
    %c0_i32_0 = arith.constant 0 : i32
    %c0_i32_1 = arith.constant 0 : i32
    return %c0_i32, %c0_i32_0 : i32, i32
  }
  func.func @transform_6(%arg0: i32, %arg1: i32) -> (i32, i32) {
    %c0_i32 = arith.constant 0 : i32
    %c0_i32_0 = arith.constant 0 : i32
    %c0_i32_1 = arith.constant 0 : i32
    return %c0_i32, %c0_i32_0 : i32, i32
  }
  func.func @transform_7(%arg0: i32, %arg1: i32) -> (i32, i32) {
    %c0_i32 = arith.constant 0 : i32
    %c0_i32_0 = arith.constant 0 : i32
    %c0_i32_1 = arith.constant 0 : i32
    return %c0_i32, %c0_i32_0 : i32, i32
  }
  func.func @transform_8(%arg0: i32, %arg1: i32) -> i32 {
    %mul3A = arith.constant 8 : i32
    %mul3A_0 = arith.muli %arg0, %mul3A : i32
    %add3A = arith.addi %mul3A_0, %arg1 : i32
    %c0_i32 = arith.constant 0 : i32
    return %add3A : i32
  }
  func.func @transform_9(%arg0: i32, %arg1: i32) -> i32 {
    %mul3A = arith.constant 8 : i32
    %mul3A_0 = arith.muli %arg0, %mul3A : i32
    %add3A = arith.addi %mul3A_0, %arg1 : i32
    %c0_i32 = arith.constant 0 : i32
    return %add3A : i32
  }
  func.func @transform_10(%arg0: i32, %arg1: i32) -> i32 {
    %mul3A = arith.constant 8 : i32
    %mul3A_0 = arith.muli %arg0, %mul3A : i32
    %add3A = arith.addi %mul3A_0, %arg1 : i32
    %c0_i32 = arith.constant 0 : i32
    return %add3A : i32
  }
  func.func @transform_11(%arg0: i32, %arg1: i32) -> i32 {
    %mul3A = arith.constant 8 : i32
    %mul3A_0 = arith.muli %arg0, %mul3A : i32
    %add3A = arith.addi %mul3A_0, %arg1 : i32
    %c0_i32 = arith.constant 0 : i32
    return %add3A : i32
  }
  func.func @transform_12(%arg0: i32, %arg1: i32) -> i32 {
    %mul3A = arith.constant 8 : i32
    %mul3A_0 = arith.muli %arg0, %mul3A : i32
    %add3A = arith.addi %mul3A_0, %arg1 : i32
    %c0_i32 = arith.constant 0 : i32
    return %add3A : i32
  }
  func.func @transform_13(%arg0: i32, %arg1: i32) -> i32 {
    %mul3A = arith.constant 8 : i32
    %mul3A_0 = arith.muli %arg0, %mul3A : i32
    %add3A = arith.addi %mul3A_0, %arg1 : i32
    %c0_i32 = arith.constant 0 : i32
    return %add3A : i32
  }
  func.func @transform_14(%arg0: i32, %arg1: i32) -> i32 {
    %mul3A = arith.constant 8 : i32
    %mul3A_0 = arith.muli %arg0, %mul3A : i32
    %add3A = arith.addi %mul3A_0, %arg1 : i32
    %c0_i32 = arith.constant 0 : i32
    return %add3A : i32
  }
  func.func @transform_15(%arg0: i32, %arg1: i32) -> i32 {
    %mul3A = arith.constant 8 : i32
    %mul3A_0 = arith.muli %arg0, %mul3A : i32
    %add3A = arith.addi %mul3A_0, %arg1 : i32
    %c0_i32 = arith.constant 0 : i32
    return %add3A : i32
  }
  func.func @transform_16(%arg0: i32, %arg1: i32) -> i32 {
    %mul3A = arith.constant 8 : i32
    %mul3A_0 = arith.muli %arg0, %mul3A : i32
    %add3A = arith.addi %mul3A_0, %arg1 : i32
    %c0_i32 = arith.constant 0 : i32
    return %add3A : i32
  }
}

</mosaic_0001>

<sc_bundles>
// kernel: kernel.6.cloned.1.call-start
scs
__scs_entry_jumppad:
0x0: {  	(pc) =	sbr.rel $0x88, $3  }
0x1: {  	(tag) =	ssettag $0x0;
	lr =	simm.s32 $0x1  }
0x2: {  	[smem:$0x3F98] =	sst lr;
	_ =	strace $0xD0000000  }
0x3: {  	_ = 	snop  }
0x4: {  	_ = 	snop  }
0x5: {  	_ = 	snop  }
0x6: {  	_ = 	snop  }
0x7: {  	_ = 	snop  }
__scs_overlays_trampoline_lowered:
0x8: {  	[smem:$0x3FA7] =	sst s0  }
0x9: {  	[smem:$0x3FA8] =	sst s1  }
0xa: {  	[smem:$0x3FA9] =	sst s2  }
0xb: {  	[smem:$0x3FAA] =	sst s3  }
0xc: {  	[smem:$0x3FAB] =	sst s4  }
0xd: {  	[smem:$0x3FAC] =	sst s5  }
0xe: {  	[smem:$0x3FAD] =	sst s6  }
0xf: {  	[smem:$0x3FAE] =	sst s7  }
0x10: {  	[smem:$0x3FAF] =	sst s8  }
0x11: {  	[smem:$0x3FB0] =	sst s9;
	s0 =	simm.s32 @!p0 $0x0  }
0x12: {  	s1 =	sld [smem:$0x3F96];
	s0 =	simm.s32 @p0 $0x1  }
0x13: {  	[smem:$0x3FB1] =	sst s0;
	s0 =	simm.s32 @!p1 $0x0  }
0x14: {  	s2 =	sld [smem:$0x3F95];
	s0 =	simm.s32 @p1 $0x1  }
0x15: {  	[smem:$0x3FB2] =	sst s0;
	s0 =	simm.s32 @!p2 $0x0  }
0x16: {  	s3 =	sld [smem:$0x3FDB];
	s0 =	simm.s32 @p2 $0x1  }
0x17: {  	s4 =	simm.s32 $0x1BF5;
	[smem:$0x3FB4] =	sst s0  }
0x18: {  	s0 =	sld [smem:$0x3F97];
	_ =	swait.ge [sflag:s4], $0x0  }
0x19: {  	s7 =	sld [smem:$0x3F98]  }
0x1a: {  	s8 =	sadd.s32 $0xFFFFE003, lr  }
0x1b: {  	s9 =	sadd.s32 $0xFFFFFEF7, lr;
	s5 =	simm.s32 $0xFFFFFFFF;
	p2 =	slt.u32 s8, $0xFFFFF086  }
0x1c: {  	p1 =	slt.u32 s9, $0xF7A;
	s5 =	simm.s32 @!p2 $0x0  }
0x1d: {  	s5 =	simm.s32 @p1 $0x1;
	p0 =	seq.s32 s7, s2  }
0x1e: {  	s7 =	smul.u32 @!p0 $0xF7A, s2;
	p2 =	seq.s32 @!p0 s5, $0x0  }
0x1f: {  	s9 =	smul.u32 $0xF7A, s1;
	s8 =	simm.s32 @!p0 $0x1BF5;
	p2 =	por !p2, p0  }
0x20: {  	[sflag:s8] =	ssyncset.s32 @!p0 $0xFFFFF086;
	s6 =	sadd.s32 @!p0 s3, s7;
	s7 =	simm.s32 @!p0 $0x108  }
0x21: {  	s3 =	sadd.s32 s3, s9;
	s6 =	sadd.s32 @!p0 $0x88, s6;
	s7 =	simm.s32 @p2 $0x1082  }
0x22: {  	[simem:s7], [sflag:s8] =	dma.local @!p0 [hbm:s6], $0xF7A  }
0x23: {  	s9 =	sor.u32 $0xD0000000, s2;
	s6 =	simm.s32 $0x108;
	_ =	swait.ge @!p0 [sflag:s8], $0x0  }
0x24: {  	s3 =	sadd.s32 $0x88, s3;
	s6 =	simm.s32 @!p1 $0x1082;
	[sflag:s4] =	ssyncset.s32 $0xFFFFF086  }
0x25: {  	[simem:s6], [sflag:s4] =	dma.local [hbm:s3], $0xF7A  }
0x26: {  	[smem:$0x3F98] =	sst s1;
	(tag) =	ssettag s2;
	_ =	strace s9  }
0x27: {  	s1 =	sld [smem:$0x3FA8]  }
0x28: {  	s2 =	sld [smem:$0x3FA9]  }
0x29: {  	s4 =	sld [smem:$0x3FAB]  }
0x2a: {  	p0 =	seq.s32 s5, $0x0;
	s5 =	sld [smem:$0x3FAC]  }
0x2b: {  	s6 =	sld [smem:$0x3FAD]  }
0x2c: {  	s7 =	sld [smem:$0x3FAE]  }
0x2d: {  	s3 =	simm.s32 $0x108;
	s8 =	sld [smem:$0x3FAF]  }
0x2e: {  	s3 =	simm.s32 @!p0 $0x1082;
	s9 =	sld [smem:$0x3FB0]  }
0x2f: {  	lr =	sadd.s32 s0, s3;
	s0 =	sld [smem:$0x3FA7]  }
0x30: {  	s3 =	sld [smem:$0x3FAA]  }
0x31: {  	[smem:$0x3FB3] =	sst s10  }
0x32: {  	s10 =	sld [smem:$0x3FB1];
	_ =	sdelay $0x3  }
0x33: {  	p0 =	seq.s32 s10, $0x1;
	s10 =	sld [smem:$0x3FB3];
	_ =	sdelay $0x3  }
0x34: {  	[smem:$0x3FB3] =	sst s10  }
0x35: {  	s10 =	sld [smem:$0x3FB2];
	_ =	sdelay $0x3  }
0x36: {  	p1 =	seq.s32 s10, $0x1;
	s10 =	sld [smem:$0x3FB3];
	_ =	sdelay $0x3  }
0x37: {  	[smem:$0x3FB3] =	sst s10  }
0x38: {  	s10 =	sld [smem:$0x3FB4]  }
0x39: {  	_ = 	snop;
	(pc) =	sbr.ind lr, $3  }
0x3a: {  	_ = 	snop  }
0x3b: {  	_ = 	snop  }
0x3c: {  	p2 =	seq.s32 s10, $0x1;
	s10 =	sld [smem:$0x3FB3]  }
0x3d: {  	_ =	shalt  }
0x3e: {  	_ =	shalt  }
0x3f: {  	_ =	shalt  }
0x40: {  	_ =	shalt  }
0x41: {  	_ =	shalt  }
0x42: {  	_ =	shalt  }
0x43: {  	_ =	shalt  }
0x44: {  	_ =	shalt  }
0x45: {  	_ =	shalt  }
0x46: {  	_ =	shalt  }
0x47: {  	_ =	shalt  }
0x48: {  	_ =	shalt  }
0x49: {  	_ =	shalt  }
0x4a: {  	_ =	shalt  }
0x4b: {  	_ =	shalt  }
0x4c: {  	_ =	shalt  }
0x4d: {  	_ =	shalt  }
0x4e: {  	_ =	shalt  }
0x4f: {  	_ =	shalt  }
0x50: {  	_ =	shalt  }
0x51: {  	_ =	shalt  }
0x52: {  	_ =	shalt  }
0x53: {  	_ =	shalt  }
0x54: {  	_ =	shalt  }
0x55: {  	_ =	shalt  }
0x56: {  	_ =	shalt  }
0x57: {  	_ =	shalt  }
0x58: {  	_ =	shalt  }
0x59: {  	_ =	shalt  }
0x5a: {  	_ =	shalt  }
0x5b: {  	_ =	shalt  }
0x5c: {  	_ =	shalt  }
0x5d: {  	_ =	shalt  }
0x5e: {  	_ =	shalt  }
0x5f: {  	_ =	shalt  }
0x60: {  	_ =	shalt  }
0x61: {  	_ =	shalt  }
0x62: {  	_ =	shalt  }
0x63: {  	_ =	shalt  }
0x64: {  	_ =	shalt  }
0x65: {  	_ =	shalt  }
0x66: {  	_ =	shalt  }
0x67: {  	_ =	shalt  }
0x68: {  	_ =	shalt  }
0x69: {  	_ =	shalt  }
0x6a: {  	_ =	shalt  }
0x6b: {  	_ =	shalt  }
0x6c: {  	_ =	shalt  }
0x6d: {  	_ =	shalt  }
0x6e: {  	_ =	shalt  }
0x6f: {  	_ =	shalt  }
0x70: {  	_ =	shalt  }
0x71: {  	_ =	shalt  }
0x72: {  	_ =	shalt  }
0x73: {  	_ =	shalt  }
0x74: {  	_ =	shalt  }
0x75: {  	_ =	shalt  }
0x76: {  	_ =	shalt  }
0x77: {  	_ =	shalt  }
0x78: {  	_ =	shalt  }
0x79: {  	_ =	shalt  }
0x7a: {  	_ =	shalt  }
0x7b: {  	_ =	shalt  }
0x7c: {  	_ =	shalt  }
0x7d: {  	_ =	shalt  }
0x7e: {  	_ =	shalt  }
0x7f: {  	_ =	shalt  }
0x80: {  	_ =	shalt  }
0x81: {  	_ =	shalt  }
0x82: {  	_ =	shalt  }
0x83: {  	_ =	shalt  }
0x84: {  	_ =	shalt  }
0x85: {  	_ =	shalt  }
0x86: {  	_ =	shalt  }
0x87: {  	_ =	shalt  }
.Lfunc_end0:
.L_simem_size_0:
called_computation_lowered:
.L_overlay_start_0:
0x88: {  	s2 =	sld [smem:$0x3FD9]  }
0x89: {  	s3 =	sld [smem:$0x3FFE];
	_ =	sdelay $0x1  }
0x8a: {  	s1 =	srdreg.scid  }
0x8b: {  	s0 =	sand.u32 $0x1, s1  }
0x8c: {  	s16 =	sshll.u32 s0, $0xA;
	s2 =	sadd.s32 s3, s2  }
0x8d: {  	s2 =	sadd.s32 s2, s16  }
0x8e: {  	[smem:$0x3FBF] =	sst s2  }
0x8f: {  	_ = 	snop  }
0x90: {  	(tm) =	ssettm $0x1  }
0x91: {  	s17 =	sld [smem:$0x3FFB];
	_ =	sdelay $0x3  }
0x92: {  	_ =	strace s17  }
0x93: {  	s2 =	sld [smem:$0x3FFC];
	_ =	sdelay $0x3  }
0x94: {  	_ =	strace s2  }
0x95: {  	s2 =	sld [smem:$0x3FFD];
	_ =	sdelay $0x3  }
0x96: {  	_ =	strace s2  }
0x97: {  	_ =	strace $0x8FFFFFFF  }
0x98: {  	s18 =	sld [smem:$0x3FDB];
	_ =	sdelay $0x1  }
0x99: {  	s19 =	simm.s32 $_scs_section_size  }
0x9a: {  	s4 =	simm.s32 $_size__tile_overlayer_lowered;
	s5 =	simm.s32 $_tile_overlayer_lowered  }
0x9b: {  	s22 =	simm.s32 $0x1BFF;
	s21 =	sshll.u32 s5, $0x1;
	s2 =	sadd.s32 s19, s18  }
0x9c: {  	s6 =	simm.s32 $0x0;
	s20 =	sshll.u32 s4, $0x1;
	s4 =	sadd.s32 s21, s2  }
0x9d: {  	[timem:s6], [sflag:s22] =	dma.local [hbm:s4], s20  }
0x9e: {  	_ =	swait.ge [sflag:s22], s20  }
0x9f: {  	s3 =	ssub.s32 $0x0, s20;
	[sflag:s22] =	ssyncset.done $0x0  }
0xa0: {  	[sflag:s22] =	ssyncadd.s32 s3;
	_ =	sdelay $0x1  }
0xa1: {  	s23 =	simm.s32 $0x1B8B  }
0xa2: {  	_ =	swait.ge [sflag:s23], $0x1  }
0xa3: {  	[sflag:s23] =	ssyncset.done $0x0  }
0xa4: {  	s25 =	simm.s32 $0x1B8E;
	s24 =	sld [smem:$0x3FFE];
	[sflag:s23] =	ssyncadd.s32 $0xFFFFFFFF  }
0xa5: {  	s26 =	simm.s32 $execute0_lowered;
	[smem:$0x3FD2] =	sst s25  }
0xa6: {  	s4 =	sshll.u32 s26, $0x1;
	_ =	strace $0x80000046;
	[dreg:$0x1] =	wrdreg $0xFFFFFFFF  }
0xa7: {  	s28 =	simm.s32 $_size_execute0_lowered;
	s2 =	sadd.s32 s2, s4;
	[dreg:$0x0] =	wrdreg $0x0  }
0xa8: {  	s4 =	sshll.u32 s28, $0x1;
	[dreg:$0x2] =	wrdreg s2  }
0xa9: {  	[dreg:$0x3] =	wrdreg s4  }
0xaa: {  	[dreg:$0x4] =	wrdreg $0xC0  }
0xab: {  	_ =	task [dreg:s6], $0x5FFFF  }
0xac: {  	[dreg:$0x1] =	wrdreg $0xFFFFFFFF  }
0xad: {  	[dreg:$0x0] =	wrdreg $0x60  }
0xae: {  	[dreg:$0x2] =	wrdreg s24  }
0xaf: {  	[dreg:$0x3] =	wrdreg $0x158800  }
0xb0: {  	[dreg:$0x4] =	wrdreg $0x160800  }
0xb1: {  	[dreg:$0x5] =	wrdreg $0x170800  }
0xb2: {  	[dreg:$0x6] =	wrdreg $0x180800  }
0xb3: {  	[dreg:$0x7] =	wrdreg $0x9  }
0xb4: {  	_ =	task.clear_ibuf [dreg:s6], $0x8FFFF;
	_ =	strace $0x90000046  }
0xb5: {  	s29 =	simm.s32 $0x9;
	_ =	strace $0x80000048  }
0xb6: {  	_ =	swait.ge [sflag:s29], $0x1  }
0xb7: {  	[sflag:s29] =	ssyncadd.s32 $0xFFFFFFFF  }
0xb8: {  	_ =	strace $0x90000048  }
0xb9: {  	_ =	sfence  }
0xba: {  	s30 =	sld [smem:$0x0];
	_ =	sdelay $0x2  }
0xbb: {  	s31 =	sshll.u32 s1, $0xD;
	s1 =	sshrl.u32 s1, $0x2  }
0xbc: {  	s3 =	sand.u32 $0x4000, s31;
	s1 =	sadd.s32 s1, s30  }
0xbd: {  	s0 =	sor.u32 s3, s0;
	s1 =	sshll.u32 s1, $0x11  }
0xbe: {  	s0 =	sor.u32 s1, s0  }
0xbf: {  	s0 =	sadd.s32 $0x8F2B, s0  }
0xc0: {  	[sflag:s0] =	ssyncadd.remote.s32 $0x1  }
0xc1: {  	_ =	sfence.sel $0xFFFF  }
0xc2: {  	[dreg:$0x0] =	wrdreg $0xFFFFFFFF;
	(pc) =	sbr.abs _section_cstart, $3  }
0xc3: {  	[dreg:$0x1] =	wrdreg $0xFFFFFFFF  }
0xc4: {  	_ =	task.clear_ibuf [dreg:s6], $0x2FFFF;
	_ =	strace $0x9FFFFFFF  }
0xc5: {  	(tm) =	ssettm $0x7FFFFFFF  }
tec
execute0_lowered:
.L_overlay_start_1:
0x0: {  	(tag) =	ssettag $0x1  }
0x1: {  	s0 =	rddreg [dreg:$0x0]  }
0x2: {  	s1 =	rddreg [dreg:$0x1]  }
0x3: {  	s10 =	rddreg [dreg:$0x2];
	s15 =	stileid.u32  }
0x4: {  	s11 =	rddreg [dreg:$0x3];
	s2 =	srdreg.scid  }
0x5: {  	s12 =	rddreg [dreg:$0x4];
	s16 =	simm.s32 $0x1;
	s17 =	simm.s32 $0x10000  }
0x6: {  	s18 =	simm.s32 $0x13800;
	s19 =	simm.s32 $0x14800;
	s21 =	simm.s32 $0x4000  }
0x7: {  	s22 =	simm.s32 $0xC000;
	s5 =	sand.u32 $0x3, s15;
	s4 =	sand.u32 $0x1, s2  }
0x8: {  	s20 =	sshrl.u32 s15, $0x2;
	s2 =	simm.s32 $0x0;
	s13 =	sshll.u32 s15, $0xE  }
0x9: {  	s30 =	sshll.u32 s15, $0x6;
	s23 =	sshll.u32 s5, $0x1;
	s3 =	sshll.u32 s20, $0xC  }
0xa: {  	[smem:$0x7FF] =	sst s2;
	s8 =	sshll.u32 s5, $0x2;
	s26 =	sshll.u32 s5, $0xD  }
0xb: {  	s29 =	sadd.s32 s13, s10;
	s31 =	sadd.s32 s13, s11;
	p0 =	sne.s32 s20, $0x0  }
0xc: {  	s6 =	sor.u32 s4, s23;
	_ =	strace $0x80000047;
	[dreg:$0x6] =	wrdreg s29  }
0xd: {  	s4 =	ssub.s32 $0x2, s4;
	s9 =	sor.u32 s20, s8;
	[dreg:$0x7] =	wrdreg s31  }
0xe: {  	s20 =	simm.s32 $0x15800;
	s23 =	simm.s32 $0x8000;
	s7 =	sshll.u32 s6, $0xE  }
0xf: {  	s6 =	sshll.u32 s6, $0x9;
	s24 =	sshrl.u32 s4, $0x1;
	s25 =	sshll.u32 s9, $0xB  }
0x10: {  	s8 =	sshll.u32 s9, $0xC;
	s28 =	sshll.u32 s9, $0x4;
	s7 =	sor.u32 s3, s7  }
0x11: {  	s14 =	ssub.s32 s4, s24;
	s5 =	sadd.s32 s25, s1;
	s9 =	sadd.s32 s28, s12  }
.Ltmp0:
0x12: {  	s24 =	simm.s32 $0x0;
	s7 =	sshrl.u32 s7, $0x3;
	(pc) =	sbr.rel .LBB2_1-.Ltmp0, $4  }
0x13: {  	s14 =	smax.u32 s14, $0x1;
	s7 =	sadd.s32 s7, s0;
	s0 =	sadd.s32 s6, s0  }
0x14: {  	s6 =	sadd.s32 s26, s1;
	s1 =	sadd.s32 s30, s12;
	s12 =	simm.s32 $0x10800  }
0x15: {  	v0 =	vlaneseq.u32;
	s4 =	sadd.s32 $0x3000, s7;
	[dreg:$0x8] =	wrdreg s1;
	s0 =	sadd.s32 $0x7000, s0  }
0x16: {  	v1 =	vimm.s32 $0x0;
	v2 =	vor.u32 $0x80000000, v0;
	s7 =	sadd.s32 s8, s10;
	s8 =	sadd.s32 s8, s11;
	[dreg:$0x9] =	wrdreg s0  }
.LBB2_66:
0x17: {  	s25 =	simm.s32 $0x0;
	s1 =	simm.s32 $0xC000  }
.LBB2_72:
0x18: {  	s0 =	sadd.s32 @p1 $0x10, s25  }
0x19: {  	s28 =	smov.u32 @p1 s0  }
0x1a: {  	v5 =	vor.u32 s28, v0  }
0x1b: {  	vm0 =	vlt.s32 v5, v3;
	v3 =	vshrl.u32 v4, $0x15  }
0x1c: {  	(xrf1) =	vunique.msk.u32 vm0, v3;
	_ =	sdelay $0x9  }
0x1d: {  	v4 =	vld.idx.msk [tilespmem:v3+s17+$0x0], $0xffff;
	_ =	sdelay $0x3  }
0x1e: {  	s0 =	sadd.s32 @p1 $0x10, s1;
	_, v63, vm1 =	vpop (xrf1)  }
0x1f: {  	s26 =	smov.u32 @p1 s0;
	v4 =	vadd.s32 v63, v4  }
0x20: {  	v6 =	vld [tilespmem:s26+$0x0];
	v4 =	vadd.s32 $0xFFFFFFFF, v4;
	_ =	sdelay $0x4  }
0x21: {  	[tilespmem:v4+s23+$0x0] =	vst.idx.msk vm0, v6  }
0x22: {  	[tilespmem:v3+s17+$0x0] =	vst.idx.add.s32.msk vm1, v63  }
.LBB2_73:
0x23: {  	s0 =	rddreg [dreg:$0x9]  }
0x24: {  	[hbm4b:s0+s2] =	stream.linear.scatter [tilespmem:s23], [sflag:$0x1], $0x1000, $0x38;
	[tilespmem:$0x18090] =	vst v63  }
0x25: {  	_ =	swait.ge [sflag:s16], $0x1000  }
0x26: {  	[sflag:s16] =	ssyncset.done $0x0  }
0x27: {  	[sflag:s16] =	ssyncadd.s32 $0xFFFFF000  }
.LBB2_74:
0x28: {  	s24 =	sadd.s32 $0x1, s24  }
0x29: {  	p1 =	sne.s32 s24, s14  }
.Ltmp1:
0x2a: {  	_ = 	snop;
	(pc) =	sbr.rel @!p1 .LBB2_75-.Ltmp1, $1  }
0x2b: {  	_ =	sdelay $0x3  }
.LBB2_1:
0x2c: {  	[tilespmem:s12], [sflag:$0x1] =	stream.linear.gather [hbm4b:s4+s2], $0x1000, $0x38;
	[tilespmem:$0x18090] =	vst v63  }
0x2d: {  	_ =	swait.ge [sflag:s16], $0x1000  }
0x2e: {  	[sflag:s16] =	ssyncset.done $0x0  }
0x2f: {  	s0 =	simm.s32 $0x0;
	[sflag:s16] =	ssyncadd.s32 $0xFFFFF000  }
.LBB2_2:
0x30: {  	p1 =	sne.s32 s0, $0x1FC0  }
.Ltmp2:
0x31: {  	_ = 	snop;
	(pc) =	sbr.rel @p1 .LBB2_2-.Ltmp2, $3  }
0x32: {  	_ =	sdelay $0x1  }
0x33: {  	s1 =	sshra.s32 s0, $0x2  }
0x34: {  	s0 =	sadd.s32 $0x40, s0;
	[tilespmem:s1+$0x10000] =	vst v1  }
0x35: {  	s0 =	simm.s32 $0x0  }
.LBB2_4:
0x36: {  	s1 =	sshra.s32 s0, $0x2  }
0x37: {  	v3 =	vld [tilespmem:s1+$0x10800];
	_ =	sdelay $0x4  }
0x38: {  	v3 =	vshrl.u32 v3, $0x15  }
0x39: {  	(xrf1) =	vunique.msk.u32 $0xffff, v3;
	_ =	sdelay $0xd  }
0x3a: {  	_, v4, vm0 =	vpop (xrf1);
	_ =	sdelay $0x5  }
0x3b: {  	[tilespmem:v3+s17+$0x0] =	vst.idx.add.s32.msk vm0, v4  }
0x3c: {  	v3 =	vld [tilespmem:s1+$0x10810];
	_ =	sdelay $0x4  }
0x3d: {  	v3 =	vshrl.u32 v3, $0x15  }
0x3e: {  	(xrf1) =	vunique.msk.u32 $0xffff, v3;
	_ =	sdelay $0xd  }
0x3f: {  	_, v4, vm0 =	vpop (xrf1)  }
0x40: {  	p1 =	sne.s32 s0, $0x3F80  }
.Ltmp3:
0x41: {  	_ = 	snop;
	(pc) =	sbr.rel @p1 .LBB2_4-.Ltmp3, $2  }
0x42: {  	_ =	sdelay $0x2  }
0x43: {  	s0 =	sadd.s32 $0x80, s0;
	[tilespmem:v3+s17+$0x0] =	vst.idx.add.s32.msk vm0, v4  }
0x44: {  	[spmem:s5] =	stream.linear.scatter [tilespmem:s17], [sflag:$0x1], $0x800, $0x38;
	[tilespmem:$0x18090] =	vst v63  }
0x45: {  	_ =	swait.ge [sflag:s16], $0x800  }
0x46: {  	[sflag:s16] =	ssyncset.done $0x0  }
0x47: {  	[sflag:s16] =	ssyncadd.s32 $0xFFFFF800  }
0x48: {  	s25 =	simm.s32 $0x11800;
	[bflag:$0x0] =	sbarrier.arrive $0xFFFF  }
0x49: {  	[tilespmem:s25], [sflag:$0x1] =	stream.linear.gather [spmem:s6], $0x2000, $0x38;
	[tilespmem:$0x18090] =	vst v63  }
0x4a: {  	_ =	swait.ge [sflag:s16], $0x2000  }
0x4b: {  	[sflag:s16] =	ssyncset.done $0x0  }
0x4c: {  	s0 =	simm.s32 $0x0;
	[sflag:s16] =	ssyncadd.s32 $0xFFFFE000  }
0x4d: {  	s1 =	sand.u32 $0x7F0, s0;
	v3 =	vld [tilespmem:s25+$0x0]  }
0x4e: {  	v4 =	vld [tilespmem:s1+$0x12000]  }
0x4f: {  	v5 =	vld [tilespmem:s1+$0x12800]  }
0x50: {  	v6 =	vld [tilespmem:s1+$0x13000];
	_ =	sdelay $0x2  }
0x51: {  	v3 =	vadd.s32 v3, v4  }
0x52: {  	v3 =	vadd.s32 v5, v3  }
0x53: {  	v3 =	vadd.s32 v6, v3  }
0x54: {  	(xrf0) =	vadd.scan.msk.s32 $0xffff, v3;
	_ =	sdelay $0x5  }
0x55: {  	v3, _, _ =	vpop (xrf0)  }
0x56: {  	v3 =	vadd.s32 s0, v3  }
0x57: {  	v63 =	vor.u32 s0, v2;
	vm0 =	vgt.s32 v3, $0xFFF;
	v3 =	vxor.u32 $0x80000000, v3  }
0x58: {  	v4 =	vnsel vm0, $0xFFFFFFFF, v63;
	(xrf0) =	vmax.scan.msk.u32 $0xffff, v3  }
0x59: {  	(xrf0) =	vmin.scan.msk.u32 $0xffff, v4;
	_ =	sdelay $0x2  }
0x5a: {  	s26 =	simm.s32 $0x7FFFFFFF;
	s28 =	simm.s32 $0x20;
	s1 =	simm.s32 $0x10  }
.LBB2_6:
0x5b: {  	s0 =	smov.u32 s26  }
0x5c: {  	p1 =	seq.s32 s28, $0x7F0;
	v3, _, _ =	vpop (xrf0)  }
0x5d: {  	s25 =	sadd.s32 $0x10, s25;
	v4, _, _ =	vpop (xrf0);
	(v2sf) =	vpush v3, $0xF  }
0x5e: {  	s10 =	sand.u32 $0x7F0, s1;
	v3 =	vld [tilespmem:s25+$0x0];
	(v2sf) =	vpush v4, $0xF  }
0x5f: {  	v4 =	vld [tilespmem:s10+$0x12000]  }
0x60: {  	v5 =	vld [tilespmem:s10+$0x12800]  }
0x61: {  	v6 =	vld [tilespmem:s10+$0x13000];
	_ =	sdelay $0x2  }
0x62: {  	v3 =	vadd.s32 v3, v4  }
0x63: {  	v3 =	vadd.s32 v5, v3  }
0x64: {  	v3 =	vadd.s32 v6, v3  }
0x65: {  	(xrf0) =	vadd.scan.msk.s32 $0xffff, v3;
	_ =	sdelay $0x4  }
0x66: {  	s10 =	spop (v2sf)  }
0x67: {  	v3, _, _ =	vpop (xrf0);
	s10 =	sxor.u32 $0x80000000, s10;
	s11 =	spop (v2sf)  }
0x68: {  	v3 =	vadd.s32 s10, v3;
	s26 =	sxor.u32 $0x80000000, s11  }
0x69: {  	v4 =	vor.u32 s1, v2;
	s1 =	smov.u32 s28;
	vm0 =	vgt.s32 v3, $0xFFF;
	v3 =	vxor.u32 $0x80000000, v3;
	p2 =	slt.s32 s0, s26  }
0x6a: {  	v4 =	vnsel vm0, $0xFFFFFFFF, v4;
	(xrf0) =	vmax.scan.msk.u32 $0xffff, v3;
	s26 =	smov.u32 @p2 s0  }
.Ltmp4:
0x6b: {  	(xrf0) =	vmin.scan.msk.u32 $0xffff, v4;
	(pc) =	sbr.rel @!p1 .LBB2_6-.Ltmp4, $2  }
0x6c: {  	_ =	sdelay $0x2  }
0x6d: {  	s28 =	sadd.s32 $0x10, s28  }
0x6e: {  	v3, _, _ =	vpop (xrf0)  }
0x6f: {  	s0 =	sadd.s32 $0x10, s25;
	(v2sf) =	vpush v3, $0xF  }
0x70: {  	s25 =	sand.u32 $0x7F0, s1;
	v3 =	vld [tilespmem:s0+$0x0]  }
0x71: {  	v4 =	vld [tilespmem:s25+$0x12000]  }
0x72: {  	v5 =	vld [tilespmem:s25+$0x12800]  }
0x73: {  	v6 =	vld [tilespmem:s25+$0x13000];
	_ =	sdelay $0x2  }
0x74: {  	v3 =	vadd.s32 v3, v4  }
0x75: {  	v3 =	vadd.s32 v5, v3  }
0x76: {  	v3 =	vadd.s32 v6, v3  }
0x77: {  	(xrf0) =	vadd.scan.msk.s32 $0xffff, v3;
	_ =	sdelay $0x4  }
0x78: {  	v3, _, _ =	vpop (xrf0);
	s28 =	spop (v2sf)  }
0x79: {  	v4, _, _ =	vpop (xrf0);
	s0 =	sxor.u32 $0x80000000, s28  }
0x7a: {  	v4 =	vadd.s32 s0, v4  }
0x7b: {  	v5 =	vor.u32 s1, v2;
	vm0 =	vgt.s32 v4, $0xFFF;
	v4 =	vxor.u32 $0x80000000, v4  }
0x7c: {  	v5 =	vnsel vm0, $0xFFFFFFFF, v5;
	(xrf0) =	vmax.scan.msk.u32 $0xffff, v4  }
0x7d: {  	(xrf0) =	vmin.scan.msk.u32 $0xffff, v5;
	_ =	sdelay $0x4  }
0x7e: {  	(v2sf) =	vpush v3, $0xF;
	v3, _, _ =	vpop (xrf0)  }
0x7f: {  	v4, _, _ =	vpop (xrf0);
	(v2sf) =	vpush v3, $0xF  }
0x80: {  	(v2sf) =	vpush v4, $0xF;
	_ =	sdelay $0xc  }
0x81: {  	s31 =	simm.s32 $0x0;
	s29 =	spop (v2sf)  }
0x82: {  	v4 =	vld [tilespmem:s31+$0x10800];
	s1 =	sxor.u32 $0x80000000, s29;
	s30 =	spop (v2sf)  }
0x83: {  	p1 =	slt.s32 s26, s1;
	s0 =	spop (v2sf)  }
0x84: {  	s1 =	smov.u32 @p1 s26;
	s0 =	sxor.u32 $0x80000000, s0  }
0x85: {  	p1 =	slt.s32 s1, s0  }
0x86: {  	s0 =	smov.u32 @p1 s1  }
0x87: {  	v5 =	vshrl.u32 v4, $0x15;
	v3 =	vmov s0  }
0x88: {  	vm15 =	vle.s32 v5, v3  }
0x89: {  	v5 =	vsel vm15, $0x1, v1  }
0x8a: {  	(xrf0) =	vadd.scan.msk.s32 $0xffff, v5;
	_ =	sdelay $0x5  }
0x8b: {  	s1 =	simm.s32 $0x0;
	v61, _, _ =	vpop (xrf0)  }
0x8c: {  	v5 =	vmov s1;
	v7 =	vxor.u32 $0x80000000, v61  }
0x8d: {  	v5 =	vadd.s32 $0xFFFFFFFF, v5;
	(xrf0) =	vmax.scan.msk.u32 $0xffff, v7  }
0x8e: {  	v5 =	vbroadcast v5, $0x0;
	_ =	sdelay $0x1  }
0x8f: {  	v5 =	vadd.s32 v61, v5;
	_ =	sdelay $0x2  }
0x90: {  	v62, _, _ =	vpop (xrf0)  }
0x91: {  	(v2sf) =	vpush v62, $0xF  }
0x92: {  	v63 =	vor.u32 s3, v0;
	[tilespmem:v5+s18+$0x0] =	vst.idx.msk vm15, v4  }
0x93: {  	s25 =	smov.u32 s3;
	s26 =	simm.s32 $0x80;
	s0 =	simm.s32 $0x10;
	[tilespmem:v5+s19+$0x0] =	vst.idx.msk vm15, v63  }
.LBB2_8:
0x94: {  	p1 =	sne.s32 s26, $0x3FC0;
	v4 =	vld [tilespmem:s0+$0x10800];
	_ =	sdelay $0x4  }
0x95: {  	v5 =	vshrl.u32 v4, $0x15  }
0x96: {  	vm0 =	vle.s32 v5, v3  }
0x97: {  	v5 =	vsel vm0, $0x1, v1  }
0x98: {  	(xrf0) =	vadd.scan.msk.s32 $0xffff, v5;
	_ =	sdelay $0x3  }
0x99: {  	s0 =	spop (v2sf)  }
0x9a: {  	s0 =	sadd.s32 s0, s1  }
0x9b: {  	v5, _, _ =	vpop (xrf0);
	s1 =	sadd.s32 $0x80000000, s0  }
0x9c: {  	v6 =	vmov s1;
	v7 =	vxor.u32 $0x80000000, v5  }
0x9d: {  	v6 =	vadd.s32 $0xFFFFFFFF, v6;
	(xrf0) =	vmax.scan.msk.u32 $0xffff, v7  }
0x9e: {  	v6 =	vbroadcast v6, $0x0;
	_ =	sdelay $0x1  }
0x9f: {  	v5 =	vadd.s32 v5, v6;
	_ =	sdelay $0x1  }
.Ltmp5:
0xa0: {  	(pc) =	sbr.rel @p1 .LBB2_8-.Ltmp5, $4  }
0xa1: {  	v6, _, _ =	vpop (xrf0)  }
0xa2: {  	s25 =	sadd.s32 $0x10, s25;
	(v2sf) =	vpush v6, $0xF  }
0xa3: {  	v6 =	vor.u32 s25, v0;
	[tilespmem:v5+s18+$0x0] =	vst.idx.msk vm0, v4  }
0xa4: {  	s0 =	sshra.s32 s26, $0x2;
	s26 =	sadd.s32 $0x40, s26;
	[tilespmem:v5+s19+$0x0] =	vst.idx.msk vm0, v6  }
0xa5: {  	v4 =	vld [tilespmem:s0+$0x10800];
	_ =	sdelay $0x4  }
0xa6: {  	v5 =	vshrl.u32 v4, $0x15  }
0xa7: {  	vm0 =	vle.s32 v5, v3  }
0xa8: {  	v3 =	vsel vm0, $0x1, v1  }
0xa9: {  	(xrf0) =	vadd.scan.msk.s32 $0xffff, v3;
	_ =	sdelay $0x5  }
0xaa: {  	v3, _, _ =	vpop (xrf0)  }
0xab: {  	v61 =	vxor.u32 $0x80000000, v3  }
0xac: {  	(xrf0) =	vmax.scan.msk.u32 $0xffff, v61;
	_ =	sdelay $0x5  }
0xad: {  	v5, _, _ =	vpop (xrf0)  }
0xae: {  	s29 =	spop (v2sf);
	(v2sf) =	vpush v5, $0xF  }
0xaf: {  	s0 =	sadd.s32 s29, s1  }
0xb0: {  	s0 =	sadd.s32 $0x80000000, s0  }
0xb1: {  	v62 =	vmov s0  }
0xb2: {  	v5 =	vadd.s32 $0xFFFFFFFF, v62  }
0xb3: {  	v5 =	vbroadcast v5, $0x0;
	_ =	sdelay $0x1  }
0xb4: {  	v3 =	vadd.s32 v3, v5;
	_ =	sdelay $0x3  }
0xb5: {  	s30 =	sadd.s32 $0x10, s25  }
0xb6: {  	v63 =	vor.u32 s30, v0;
	[tilespmem:v3+s18+$0x0] =	vst.idx.msk vm0, v4  }
0xb7: {  	[tilespmem:v3+s19+$0x0] =	vst.idx.msk vm0, v63  }
0xb8: {  	[spmem:s7] =	stream.linear.scatter [tilespmem:s18], [sflag:$0x1], $0x1000, $0x38;
	[tilespmem:$0x18090] =	vst v63  }
0xb9: {  	s31 =	spop (v2sf)  }
0xba: {  	_ =	swait.ge [sflag:s16], $0x1000  }
0xbb: {  	[sflag:s16] =	ssyncset.done $0x0  }
0xbc: {  	[sflag:s16] =	ssyncadd.s32 $0xFFFFF000  }
0xbd: {  	[spmem:s8] =	stream.linear.scatter [tilespmem:s19], [sflag:$0x1], $0x1000, $0x38;
	[tilespmem:$0x18090] =	vst v63  }
0xbe: {  	s0 =	sadd.s32 s31, s0;
	_ =	swait.ge [sflag:s16], $0x1000  }
0xbf: {  	s0 =	sadd.s32 $0x80000000, s0;
	[sflag:s16] =	ssyncset.done $0x0  }
0xc0: {  	v3 =	vmov s0;
	[sflag:s16] =	ssyncadd.s32 $0xFFFFF000  }
0xc1: {  	[tilespmem:$0x15800] =	vst v3  }
0xc2: {  	[spmem:s9] =	stream.linear.scatter [tilespmem:s20], [sflag:$0x1], $0x10, $0x38;
	[tilespmem:$0x18090] =	vst v63  }
.Ltmp6:
0xc3: {  	_ =	swait.ge [sflag:s16], $0x10;
	(pc) =	sbr.rel @p0 .LBB2_74-.Ltmp6, $3  }
0xc4: {  	[sflag:s16] =	ssyncset.done $0x0  }
0xc5: {  	[sflag:s16] =	ssyncadd.s32 $0xFFFFFFF0  }
0xc6: {  	[bflag:$0x0] =	sbarrier.arrive $0xFFFF;
	_ =	sdelay $0x1  }
0xc7: {  	s0 =	rddreg [dreg:$0x6]  }
0xc8: {  	[tilespmem:s21], [sflag:$0x1] =	stream.linear.gather [spmem:s0], $0x4000, $0x38;
	[tilespmem:$0x18090] =	vst v63  }
0xc9: {  	_ =	swait.ge [sflag:s16], $0x4000  }
0xca: {  	[sflag:s16] =	ssyncset.done $0x0  }
0xcb: {  	s30 =	rddreg [dreg:$0x7];
	[sflag:s16] =	ssyncadd.s32 $0xFFFFC000  }
0xcc: {  	[tilespmem:s22], [sflag:$0x1] =	stream.linear.gather [spmem:s30], $0x4000, $0x38;
	[tilespmem:$0x18090] =	vst v63  }
0xcd: {  	_ =	swait.ge [sflag:s16], $0x4000  }
0xce: {  	[sflag:s16] =	ssyncset.done $0x0  }
0xcf: {  	s31 =	rddreg [dreg:$0x8];
	[sflag:s16] =	ssyncadd.s32 $0xFFFFC000  }
0xd0: {  	[tilespmem:s20], [sflag:$0x1] =	stream.linear.gather [spmem:s31], $0x40, $0x38;
	[tilespmem:$0x18090] =	vst v63  }
0xd1: {  	_ =	swait.ge [sflag:s16], $0x40  }
0xd2: {  	[sflag:s16] =	ssyncset.done $0x0  }
0xd3: {  	[sflag:s16] =	ssyncadd.s32 $0xFFFFFFC0  }
0xd4: {  	v6 =	vld [tilespmem:$0x15800]  }
0xd5: {  	v5 =	vld [tilespmem:$0x15810]  }
0xd6: {  	v4 =	vld [tilespmem:$0x15820]  }
0xd7: {  	s1 =	simm.s32 $0x40;
	s0 =	simm.s32 $0x0;
	v3 =	vld [tilespmem:$0x15830]  }
.LBB2_11:
0xd8: {  	p1 =	sne.s32 s1, $0x1FC0;
	[tilespmem:s0+$0x10000] =	vst v1;
	s0 =	smov.u32 s1;
	s1 =	sadd.s32 $0x40, s1  }
.Ltmp7:
0xd9: {  	(pc) =	sbr.rel @p1 .LBB2_11-.Ltmp7, $2  }
0xda: {  	_ =	sdelay $0x2  }
0xdb: {  	s0 =	sshra.s32 s0, $0x2  }
0xdc: {  	v6 =	vxor.u32 $0x80000000, v6  }
0xdd: {  	(xrf0) =	vmax.scan.msk.u32 $0xffff, v6;
	_ =	sdelay $0x5  }
0xde: {  	v6, _, _ =	vpop (xrf0)  }
0xdf: {  	(v2sf) =	vpush v6, $0xF;
	_ =	sdelay $0x2  }
0xe0: {  	v5 =	vxor.u32 $0x80000000, v5  }
0xe1: {  	v4 =	vxor.u32 $0x80000000, v4;
	(xrf0) =	vmax.scan.msk.u32 $0xffff, v5  }
0xe2: {  	v3 =	vxor.u32 $0x80000000, v3;
	(xrf0) =	vmax.scan.msk.u32 $0xffff, v4  }
0xe3: {  	(xrf0) =	vmax.scan.msk.u32 $0xffff, v3;
	_ =	sdelay $0x3  }
0xe4: {  	v3, _, _ =	vpop (xrf0)  }
0xe5: {  	v4, _, _ =	vpop (xrf0);
	(v2sf) =	vpush v3, $0xF  }
0xe6: {  	(v2sf) =	vpush v4, $0xF;
	v3, _, _ =	vpop (xrf0)  }
0xe7: {  	(v2sf) =	vpush v3, $0xF;
	_ =	sdelay $0x1  }
0xe8: {  	s30 =	spop (v2sf)  }
0xe9: {  	s1 =	sadd.s32 $0x8000001F, s30  }
0xea: {  	s10 =	sand.u32 $0x1F, s1  }
0xeb: {  	s11 =	sshra.s32 s1, $0x1F;
	p1 =	slt.s32 s1, $0x1;
	p2 =	sne.s32 s10, $0x0  }
0xec: {  	s31 =	sshrl.u32 s11, $0x1B;
	p1 =	por !p1, !p2  }
0xed: {  	s10 =	simm.s32 $0x1;
	s1 =	sadd.s32 s31, s1;
	p1 =	por !p1, !p1  }
0xee: {  	s1 =	sshra.s32 s1, $0x5;
	s10 =	simm.s32 @!p1 $0x0  }
0xef: {  	s1 =	ssub.s32 s1, s10  }
0xf0: {  	p1 =	slt.s32 s1, $0x1  }
.Ltmp8:
0xf1: {  	_ = 	snop;
	(pc) =	sbr.rel @p1 .LBB2_15-.Ltmp8, $4  }
0xf2: {  	_ = 	snop  }
0xf3: {  	s29 =	spop (v2sf)  }
0xf4: {  	s25 =	sxor.u32 $0x80000000, s30;
	s28 =	spop (v2sf)  }
0xf5: {  	[tilespmem:s0+$0x10000] =	vst v1;
	v6 =	vmov s25;
	s26 =	spop (v2sf)  }
0xf6: {  	s0 =	simm.s32 $0x4010;
	s10 =	simm.s32 $0x10  }
.LBB2_14:
0xf7: {  	v3 =	vld [tilespmem:s0+$0xFFFFFFF0];
	_ =	sdelay $0x2  }
0xf8: {  	s11 =	sadd.s32 $0xFFFFFFF0, s10  }
0xf9: {  	v4 =	vor.u32 s11, v0  }
0xfa: {  	vm0 =	vlt.s32 v4, v6;
	v3 =	vand.u32 $0x7FF, v3  }
0xfb: {  	(xrf1) =	vunique.msk.u32 vm0, v3;
	_ =	sdelay $0xd  }
0xfc: {  	_, v4, vm0 =	vpop (xrf1);
	_ =	sdelay $0x5  }
0xfd: {  	[tilespmem:v3+s17+$0x0] =	vst.idx.add.s32.msk vm0, v4  }
0xfe: {  	v3 =	vld [tilespmem:s0+$0x0];
	_ =	sdelay $0x3  }
0xff: {  	v4 =	vor.u32 s10, v0  }
0x100: {  	vm15 =	vlt.s32 v4, v6;
	v3 =	vand.u32 $0x7FF, v3  }
0x101: {  	(xrf1) =	vunique.msk.u32 vm15, v3;
	_ =	sdelay $0xd  }
0x102: {  	_, v4, vm0 =	vpop (xrf1)  }
0x103: {  	p1 =	sne.s32 s1, $0x1  }
.Ltmp9:
0x104: {  	_ = 	snop;
	(pc) =	sbr.rel @p1 .LBB2_14-.Ltmp9, $2  }
0x105: {  	_ =	sdelay $0x2  }
0x106: {  	s1 =	sadd.s32 $0xFFFFFFFF, s1;
	s10 =	sadd.s32 $0x20, s10;
	s0 =	sadd.s32 $0x20, s0;
	[tilespmem:v3+s17+$0x0] =	vst.idx.add.s32.msk vm0, v4  }
.LBB2_15:
0x107: {  	s0 =	sadd.s32 $0x8000001F, s29  }
0x108: {  	s1 =	sand.u32 $0x1F, s0  }
0x109: {  	s10 =	sshra.s32 s0, $0x1F;
	p1 =	slt.s32 s0, $0x1;
	p2 =	sne.s32 s1, $0x0  }
0x10a: {  	s15 =	sshrl.u32 s10, $0x1B;
	p1 =	por !p1, !p2  }
0x10b: {  	s1 =	simm.s32 $0x1;
	s0 =	sadd.s32 s15, s0;
	p1 =	por !p1, !p1  }
0x10c: {  	s0 =	sshra.s32 s0, $0x5;
	s1 =	simm.s32 @!p1 $0x0  }
0x10d: {  	s0 =	ssub.s32 s0, s1  }
0x10e: {  	p1 =	slt.s32 s0, $0x1  }
.Ltmp10:
0x10f: {  	_ = 	snop;
	(pc) =	sbr.rel @p1 .LBB2_18-.Ltmp10, $3  }
0x110: {  	_ =	sdelay $0x1  }
0x111: {  	s31 =	sxor.u32 $0x80000000, s29  }
0x112: {  	v5 =	vmov s31  }
0x113: {  	s1 =	simm.s32 $0x10;
	s10 =	simm.s32 $0x5010  }
.LBB2_17:
0x114: {  	s11 =	sadd.s32 $0xFFFFFFF0, s1  }
0x115: {  	s12 =	sand.u32 $0xFFFFFFE0, s11  }
0x116: {  	v3 =	vld [tilespmem:s12+$0x5000];
	_ =	sdelay $0x3  }
0x117: {  	v4 =	vor.u32 s11, v0  }
0x118: {  	vm0 =	vlt.s32 v4, v5;
	v3 =	vand.u32 $0x7FF, v3  }
0x119: {  	(xrf1) =	vunique.msk.u32 vm0, v3;
	_ =	sdelay $0xd  }
0x11a: {  	_, v4, vm0 =	vpop (xrf1);
	_ =	sdelay $0x5  }
0x11b: {  	[tilespmem:v3+s17+$0x0] =	vst.idx.add.s32.msk vm0, v4  }
0x11c: {  	v3 =	vld [tilespmem:s10+$0x0];
	_ =	sdelay $0x3  }
0x11d: {  	v4 =	vor.u32 s1, v0  }
0x11e: {  	vm15 =	vlt.s32 v4, v5;
	v3 =	vand.u32 $0x7FF, v3  }
0x11f: {  	(xrf1) =	vunique.msk.u32 vm15, v3;
	_ =	sdelay $0xd  }
0x120: {  	_, v4, vm0 =	vpop (xrf1)  }
0x121: {  	p1 =	sne.s32 s0, $0x1  }
.Ltmp11:
0x122: {  	_ = 	snop;
	(pc) =	sbr.rel @p1 .LBB2_17-.Ltmp11, $2  }
0x123: {  	_ =	sdelay $0x2  }
0x124: {  	s0 =	sadd.s32 $0xFFFFFFFF, s0;
	s1 =	sadd.s32 $0x20, s1;
	s10 =	sadd.s32 $0x20, s10;
	[tilespmem:v3+s17+$0x0] =	vst.idx.add.s32.msk vm0, v4  }
.LBB2_18:
0x125: {  	s0 =	sadd.s32 $0x8000001F, s28  }
0x126: {  	s1 =	sand.u32 $0x1F, s0  }
0x127: {  	s10 =	sshra.s32 s0, $0x1F;
	p1 =	slt.s32 s0, $0x1;
	p2 =	sne.s32 s1, $0x0  }
0x128: {  	s15 =	sshrl.u32 s10, $0x1B;
	p1 =	por !p1, !p2  }
0x129: {  	s1 =	simm.s32 $0x1;
	s0 =	sadd.s32 s15, s0;
	p1 =	por !p1, !p1  }
0x12a: {  	s0 =	sshra.s32 s0, $0x5;
	s1 =	simm.s32 @!p1 $0x0  }
0x12b: {  	s0 =	ssub.s32 s0, s1  }
0x12c: {  	p1 =	slt.s32 s0, $0x1  }
.Ltmp12:
0x12d: {  	_ = 	snop;
	(pc) =	sbr.rel @p1 .LBB2_21-.Ltmp12, $3  }
0x12e: {  	_ =	sdelay $0x1  }
0x12f: {  	s1 =	sxor.u32 $0x80000000, s28  }
0x130: {  	v4 =	vmov s1  }
0x131: {  	s10 =	simm.s32 $0x10;
	s11 =	simm.s32 $0x6010  }
.LBB2_20:
0x132: {  	s12 =	sadd.s32 $0xFFFFFFF0, s10  }
0x133: {  	s13 =	sand.u32 $0xFFFFFFE0, s12  }
0x134: {  	v3 =	vld [tilespmem:s13+$0x6000];
	_ =	sdelay $0x3  }
0x135: {  	v7 =	vor.u32 s12, v0  }
0x136: {  	vm0 =	vlt.s32 v7, v4;
	v3 =	vand.u32 $0x7FF, v3  }
0x137: {  	(xrf1) =	vunique.msk.u32 vm0, v3;
	_ =	sdelay $0xd  }
0x138: {  	_, v7, vm0 =	vpop (xrf1);
	_ =	sdelay $0x5  }
0x139: {  	[tilespmem:v3+s17+$0x0] =	vst.idx.add.s32.msk vm0, v7  }
0x13a: {  	v3 =	vld [tilespmem:s11+$0x0];
	_ =	sdelay $0x3  }
0x13b: {  	v7 =	vor.u32 s10, v0  }
0x13c: {  	vm15 =	vlt.s32 v7, v4;
	v3 =	vand.u32 $0x7FF, v3  }
0x13d: {  	(xrf1) =	vunique.msk.u32 vm15, v3;
	_ =	sdelay $0xd  }
0x13e: {  	_, v7, vm0 =	vpop (xrf1)  }
0x13f: {  	p1 =	sne.s32 s0, $0x1  }
.Ltmp13:
0x140: {  	_ = 	snop;
	(pc) =	sbr.rel @p1 .LBB2_20-.Ltmp13, $2  }
0x141: {  	_ =	sdelay $0x2  }
0x142: {  	s0 =	sadd.s32 $0xFFFFFFFF, s0;
	s10 =	sadd.s32 $0x20, s10;
	s11 =	sadd.s32 $0x20, s11;
	[tilespmem:v3+s17+$0x0] =	vst.idx.add.s32.msk vm0, v7  }
.LBB2_21:
0x143: {  	s0 =	sadd.s32 $0x8000001F, s26  }
0x144: {  	s10 =	sand.u32 $0x1F, s0  }
0x145: {  	s11 =	sshra.s32 s0, $0x1F;
	p1 =	slt.s32 s0, $0x1;
	p2 =	sne.s32 s10, $0x0  }
0x146: {  	s15 =	sshrl.u32 s11, $0x1B;
	p1 =	por !p1, !p2  }
0x147: {  	s10 =	simm.s32 $0x1;
	s0 =	sadd.s32 s15, s0;
	p1 =	por !p1, !p1  }
0x148: {  	s0 =	sshra.s32 s0, $0x5;
	s10 =	simm.s32 @!p1 $0x0  }
0x149: {  	s0 =	ssub.s32 s0, s10  }
0x14a: {  	p1 =	slt.s32 s0, $0x1  }
.Ltmp14:
0x14b: {  	_ = 	snop;
	(pc) =	sbr.rel @p1 .LBB2_24-.Ltmp14, $3  }
0x14c: {  	_ =	sdelay $0x1  }
0x14d: {  	s10 =	sxor.u32 $0x80000000, s26  }
0x14e: {  	v3 =	vmov s10  }
0x14f: {  	s11 =	simm.s32 $0x10;
	s12 =	simm.s32 $0x7010  }
.LBB2_23:
0x150: {  	s13 =	sadd.s32 $0xFFFFFFF0, s11  }
0x151: {  	s15 =	sand.u32 $0xFFFFFFE0, s13  }
0x152: {  	v7 =	vld [tilespmem:s15+$0x7000];
	_ =	sdelay $0x3  }
0x153: {  	v8 =	vor.u32 s13, v0  }
0x154: {  	vm0 =	vlt.s32 v8, v3;
	v7 =	vand.u32 $0x7FF, v7  }
0x155: {  	(xrf1) =	vunique.msk.u32 vm0, v7;
	_ =	sdelay $0xd  }
0x156: {  	_, v8, vm0 =	vpop (xrf1);
	_ =	sdelay $0x5  }
0x157: {  	[tilespmem:v7+s17+$0x0] =	vst.idx.add.s32.msk vm0, v8  }
0x158: {  	v7 =	vld [tilespmem:s12+$0x0];
	_ =	sdelay $0x3  }
0x159: {  	v8 =	vor.u32 s11, v0  }
0x15a: {  	vm15 =	vlt.s32 v8, v3;
	v7 =	vand.u32 $0x7FF, v7  }
0x15b: {  	(xrf1) =	vunique.msk.u32 vm15, v7;
	_ =	sdelay $0xd  }
0x15c: {  	_, v8, vm0 =	vpop (xrf1)  }
0x15d: {  	p1 =	sne.s32 s0, $0x1  }
.Ltmp15:
0x15e: {  	_ = 	snop;
	(pc) =	sbr.rel @p1 .LBB2_23-.Ltmp15, $2  }
0x15f: {  	_ =	sdelay $0x2  }
0x160: {  	s0 =	sadd.s32 $0xFFFFFFFF, s0;
	s11 =	sadd.s32 $0x20, s11;
	s12 =	sadd.s32 $0x20, s12;
	[tilespmem:v7+s17+$0x0] =	vst.idx.add.s32.msk vm0, v8  }
.LBB2_24:
0x161: {  	s0 =	simm.s32 $0x0  }
0x162: {  	v7 =	vld [tilespmem:s0+$0x10000];
	_ =	sdelay $0x4  }
0x163: {  	(xrf0) =	vadd.scan.msk.s32 $0xffff, v7;
	_ =	sdelay $0x5  }
0x164: {  	s11 =	simm.s32 $0x0;
	v8, _, _ =	vpop (xrf0)  }
0x165: {  	v8 =	vadd.s32 s11, v8  }
0x166: {  	v9 =	vxor.u32 $0x80000000, v8  }
0x167: {  	(xrf0) =	vmax.scan.msk.u32 $0xffff, v9;
	_ =	sdelay $0x2  }
0x168: {  	v7 =	vsub.s32 v8, v7;
	_ =	sdelay $0x2  }
0x169: {  	[tilespmem:s0+$0x10000] =	vst v7;
	v7, _, _ =	vpop (xrf0)  }
0x16a: {  	(v2sf) =	vpush v7, $0xF;
	_ =	sdelay $0x3  }
0x16b: {  	s0 =	simm.s32 $0x10  }
0x16c: {  	s31 =	sadd.s32 s25, s31;
	v7 =	vld [tilespmem:s0+$0x10000]  }
0x16d: {  	s1 =	sadd.s32 s1, s31  }
0x16e: {  	s25 =	sadd.s32 s10, s1;
	s1 =	simm.s32 $0x80;
	s10 =	simm.s32 $0xC0  }
.LBB2_25:
0x16f: {  	p1 =	sne.s32 s10, $0x1FC0;
	_ =	sdelay $0x1  }
0x170: {  	(xrf0) =	vadd.scan.msk.s32 $0xffff, v7;
	_ =	sdelay $0x4  }
0x171: {  	s11 =	spop (v2sf)  }
0x172: {  	v8, _, _ =	vpop (xrf0);
	s11 =	sxor.u32 $0x80000000, s11  }
0x173: {  	v8 =	vadd.s32 s11, v8  }
0x174: {  	v7 =	vsub.s32 v8, v7;
	v8 =	vxor.u32 $0x80000000, v8  }
0x175: {  	[tilespmem:s0+$0x10000] =	vst v7;
	(xrf0) =	vmax.scan.msk.u32 $0xffff, v8;
	_ =	sdelay $0x5  }
0x176: {  	v7, _, _ =	vpop (xrf0)  }
0x177: {  	(v2sf) =	vpush v7, $0xF;
	_ =	sdelay $0x2  }
.Ltmp16:
0x178: {  	(pc) =	sbr.rel @p1 .LBB2_25-.Ltmp16, $3  }
0x179: {  	s0 =	sshra.s32 s1, $0x2;
	s1 =	smov.u32 s10  }
0x17a: {  	v7 =	vld [tilespmem:s0+$0x10000];
	_ =	sdelay $0x1  }
0x17b: {  	s10 =	sadd.s32 $0x40, s10  }
0x17c: {  	_ =	sdelay $0x1  }
0x17d: {  	(xrf0) =	vadd.scan.msk.s32 $0xffff, v7;
	_ =	sdelay $0x4  }
0x17e: {  	s10 =	spop (v2sf)  }
0x17f: {  	v8, _, _ =	vpop (xrf0);
	s10 =	sxor.u32 $0x80000000, s10  }
0x180: {  	v8 =	vadd.s32 s10, v8  }
0x181: {  	v9 =	vxor.u32 $0x80000000, v8  }
0x182: {  	(xrf0) =	vmax.scan.msk.u32 $0xffff, v9;
	_ =	sdelay $0x5  }
0x183: {  	v9, _, _ =	vpop (xrf0)  }
0x184: {  	(v2sf) =	vpush v9, $0xF;
	_ =	sdelay $0x2  }
0x185: {  	v7 =	vsub.s32 v8, v7  }
0x186: {  	s1 =	sshra.s32 s1, $0x2;
	[tilespmem:s0+$0x10000] =	vst v7  }
0x187: {  	v7 =	vld [tilespmem:s1+$0x10000];
	_ =	sdelay $0x4  }
0x188: {  	(xrf0) =	vadd.scan.msk.s32 $0xffff, v7;
	_ =	sdelay $0x4  }
0x189: {  	s12 =	spop (v2sf)  }
0x18a: {  	v8, _, _ =	vpop (xrf0);
	s0 =	sxor.u32 $0x80000000, s12  }
0x18b: {  	v8 =	vadd.s32 s0, v8  }
0x18c: {  	v63 =	vxor.u32 $0x80000000, v8  }
0x18d: {  	(xrf0) =	vmax.scan.msk.u32 $0xffff, v63;
	_ =	sdelay $0x5  }
0x18e: {  	v9, _, _ =	vpop (xrf0)  }
0x18f: {  	(v2sf) =	vpush v9, $0xF;
	_ =	sdelay $0x2  }
0x190: {  	s13 =	sadd.s32 $0x8000000F, s30  }
0x191: {  	s15 =	sand.u32 $0xF, s13  }
0x192: {  	s11 =	sshra.s32 s13, $0x1F;
	p1 =	slt.s32 s13, $0x1;
	p2 =	sne.s32 s15, $0x0  }
0x193: {  	s30 =	sshrl.u32 s11, $0x1C;
	p1 =	por !p1, !p2  }
0x194: {  	p1 =	por !p1, !p1;
	s10 =	simm.s32 $0x1;
	s0 =	sadd.s32 s30, s13  }
0x195: {  	s10 =	simm.s32 @!p1 $0x0;
	s0 =	sshra.s32 s0, $0x4  }
0x196: {  	s0 =	ssub.s32 s0, s10  }
0x197: {  	p1 =	slt.s32 s0, $0x1  }
.Ltmp17:
0x198: {  	_ = 	snop;
	(pc) =	sbr.rel @p1 .LBB2_33-.Ltmp17, $3  }
0x199: {  	_ =	sdelay $0x1  }
0x19a: {  	v7 =	vsub.s32 v8, v7  }
0x19b: {  	s12 =	simm.s32 $0x10800;
	[tilespmem:s1+$0x10000] =	vst v7;
	s31 =	spop (v2sf)  }
0x19c: {  	p2 =	sne.s32 s0, $0x1  }
.Ltmp18:
0x19d: {  	_ = 	snop;
	(pc) =	sbr.rel @!p2 .LBB2_28-.Ltmp18, $4  }
0x19e: {  	_ = 	snop  }
0x19f: {  	s1 =	simm.s32 $0x4000  }
0x1a0: {  	s10 =	simm.s32 $0xC000;
	v7 =	vld [tilespmem:s1+$0x0]  }
0x1a1: {  	p1 =	por $0x0, $0x0;
	s1 =	simm.s32 $0x0;
	v8 =	vld [tilespmem:s10+$0x0];
	s10 =	sadd.s32 $0xFFFFFFFF, s0  }
0x1a2: {  	_ =	sdelay $0x1  }
0x1a3: {  	v9 =	vor.u32 s1, v0  }
0x1a4: {  	vm0 =	vlt.s32 v9, v6;
	v9 =	vand.u32 $0x7FF, v7  }
0x1a5: {  	(xrf1) =	vunique.msk.u32 vm0, v9;
	_ =	sdelay $0x9  }
0x1a6: {  	v10 =	vld.idx.msk [tilespmem:v9+s17+$0x0], $0xffff;
	_ =	sdelay $0x3  }
0x1a7: {  	_, v11, vm1 =	vpop (xrf1)  }
0x1a8: {  	v10 =	vadd.s32 v11, v10  }
0x1a9: {  	v10 =	vadd.s32 $0xFFFFFFFF, v10;
	_ =	sdelay $0x4  }
0x1aa: {  	p2 =	sne.s32 s10, $0x1;
	[tilespmem:v10+s2+$0x0] =	vst.idx.msk vm0, v7  }
.Ltmp19:
0x1ab: {  	[tilespmem:v10+s23+$0x0] =	vst.idx.msk vm0, v8;
	(pc) =	sbr.rel @!p2 .LBB2_30-.Ltmp19, $4  }
0x1ac: {  	s30 =	simm.s32 $0x4010;
	[tilespmem:v9+s17+$0x0] =	vst.idx.add.s32.msk vm1, v11  }
0x1ad: {  	v7 =	vld [tilespmem:s30+$0x0]  }
0x1ae: {  	s0 =	simm.s32 $0xC010  }
0x1af: {  	s10 =	sadd.s32 $0xFFFFFFFF, s10;
	p1 =	por $0x1, $0x1;
	s31 =	simm.s32 $0x0;
	v8 =	vld [tilespmem:s0+$0x0]  }
.LBB2_31:
0x1b0: {  	p2 =	sne.s32 s10, $0x1;
	s31 =	sadd.s32 $0x10, s31  }
0x1b1: {  	v9 =	vor.u32 s31, v0  }
0x1b2: {  	vm0 =	vlt.s32 v9, v6;
	v9 =	vand.u32 $0x7FF, v7  }
0x1b3: {  	(xrf1) =	vunique.msk.u32 vm0, v9;
	_ =	sdelay $0x8  }
0x1b4: {  	v10 =	vld.idx.msk [tilespmem:v9+s17+$0x0], $0xffff;
	_ =	sdelay $0x4  }
0x1b5: {  	_, v11, vm1 =	vpop (xrf1)  }
0x1b6: {  	v10 =	vadd.s32 v11, v10  }
0x1b7: {  	v10 =	vadd.s32 $0xFFFFFFFF, v10;
	_ =	sdelay $0x4  }
0x1b8: {  	[tilespmem:v10+s2+$0x0] =	vst.idx.msk vm0, v7  }
.Ltmp20:
0x1b9: {  	[tilespmem:v10+s23+$0x0] =	vst.idx.msk vm0, v8;
	(pc) =	sbr.rel @p2 .LBB2_31-.Ltmp20, $4  }
0x1ba: {  	s30 =	sadd.s32 $0x10, s30;
	[tilespmem:v9+s17+$0x0] =	vst.idx.add.s32.msk vm1, v11  }
0x1bb: {  	s0 =	sadd.s32 $0x10, s0;
	v7 =	vld [tilespmem:s30+$0x0]  }
0x1bc: {  	v8 =	vld [tilespmem:s0+$0x0]  }
0x1bd: {  	s10 =	sadd.s32 $0xFFFFFFFF, s10  }
.LBB2_32:
0x1be: {  	s0 =	sadd.s32 @p1 $0x10, s31  }
0x1bf: {  	s1 =	smov.u32 @p1 s0  }
0x1c0: {  	v9 =	vor.u32 s1, v0  }
0x1c1: {  	vm0 =	vlt.s32 v9, v6;
	v6 =	vand.u32 $0x7FF, v7  }
0x1c2: {  	(xrf1) =	vunique.msk.u32 vm0, v6;
	_ =	sdelay $0x9  }
0x1c3: {  	v63 =	vld.idx.msk [tilespmem:v6+s17+$0x0], $0xffff;
	_ =	sdelay $0x3  }
0x1c4: {  	_, v10, vm1 =	vpop (xrf1)  }
0x1c5: {  	v9 =	vadd.s32 v10, v63  }
0x1c6: {  	v9 =	vadd.s32 $0xFFFFFFFF, v9;
	_ =	sdelay $0x4  }
0x1c7: {  	[tilespmem:v9+s2+$0x0] =	vst.idx.msk vm0, v7  }
0x1c8: {  	[tilespmem:v9+s23+$0x0] =	vst.idx.msk vm0, v8  }
0x1c9: {  	[tilespmem:v6+s17+$0x0] =	vst.idx.add.s32.msk vm1, v10  }
.LBB2_33:
0x1ca: {  	s0 =	sadd.s32 $0x8000000F, s29  }
0x1cb: {  	s1 =	sand.u32 $0xF, s0  }
0x1cc: {  	s10 =	sshra.s32 s0, $0x1F;
	p1 =	slt.s32 s0, $0x1;
	p2 =	sne.s32 s1, $0x0  }
0x1cd: {  	s31 =	sshrl.u32 s10, $0x1C;
	p1 =	por !p1, !p2  }
0x1ce: {  	s1 =	simm.s32 $0x1;
	s0 =	sadd.s32 s31, s0;
	p1 =	por !p1, !p1  }
0x1cf: {  	s0 =	sshra.s32 s0, $0x4;
	s1 =	simm.s32 @!p1 $0x0  }
0x1d0: {  	s0 =	ssub.s32 s0, s1  }
0x1d1: {  	p1 =	slt.s32 s0, $0x1  }
.Ltmp21:
0x1d2: {  	_ = 	snop;
	(pc) =	sbr.rel @p1 .LBB2_37-.Ltmp21, $1  }
0x1d3: {  	_ =	sdelay $0x3  }
0x1d4: {  	p1 =	sne.s32 s0, $0x1  }
.Ltmp22:
0x1d5: {  	_ = 	snop;
	(pc) =	sbr.rel @!p1 .LBB2_36-.Ltmp22, $4  }
0x1d6: {  	s1 =	simm.s32 $0x0  }
0x1d7: {  	s10 =	sand.u32 $0xFFFFFFF0, s1  }
0x1d8: {  	v6 =	vld [tilespmem:s10+$0x5000]  }
0x1d9: {  	s0 =	sadd.s32 $0xFFFFFFFF, s0;
	v7 =	vld [tilespmem:s10+$0xD000]  }
.LBB2_35:
0x1da: {  	p1 =	sne.s32 s0, $0x1;
	_ =	sdelay $0x1  }
0x1db: {  	v8 =	vor.u32 s1, v0  }
0x1dc: {  	vm0 =	vlt.s32 v8, v5;
	v8 =	vand.u32 $0x7FF, v6  }
0x1dd: {  	(xrf1) =	vunique.msk.u32 vm0, v8;
	_ =	sdelay $0x8  }
0x1de: {  	v9 =	vld.idx.msk [tilespmem:v8+s17+$0x0], $0xffff;
	_ =	sdelay $0x4  }
0x1df: {  	_, v10, vm1 =	vpop (xrf1)  }
0x1e0: {  	v9 =	vadd.s32 v10, v9  }
0x1e1: {  	v9 =	vadd.s32 $0xFFFFFFFF, v9;
	_ =	sdelay $0x4  }
.Ltmp23:
0x1e2: {  	[tilespmem:v9+s2+$0x0] =	vst.idx.msk vm0, v6;
	(pc) =	sbr.rel @p1 .LBB2_35-.Ltmp23, $4  }
0x1e3: {  	s1 =	sadd.s32 $0x10, s1;
	[tilespmem:v9+s23+$0x0] =	vst.idx.msk vm0, v7  }
0x1e4: {  	s10 =	sand.u32 $0xFFFFFFF0, s1;
	[tilespmem:v8+s17+$0x0] =	vst.idx.add.s32.msk vm1, v10  }
0x1e5: {  	v6 =	vld [tilespmem:s10+$0x5000]  }
0x1e6: {  	s0 =	sadd.s32 $0xFFFFFFFF, s0;
	v7 =	vld [tilespmem:s10+$0xD000]  }
.LBB2_36:
0x1e7: {  	_ =	sdelay $0x1  }
0x1e8: {  	v8 =	vor.u32 s1, v0  }
0x1e9: {  	vm0 =	vlt.s32 v8, v5;
	v5 =	vand.u32 $0x7FF, v6  }
0x1ea: {  	(xrf1) =	vunique.msk.u32 vm0, v5;
	_ =	sdelay $0x9  }
0x1eb: {  	v63 =	vld.idx.msk [tilespmem:v5+s17+$0x0], $0xffff;
	_ =	sdelay $0x3  }
0x1ec: {  	_, v9, vm1 =	vpop (xrf1)  }
0x1ed: {  	v8 =	vadd.s32 v9, v63  }
0x1ee: {  	v8 =	vadd.s32 $0xFFFFFFFF, v8;
	_ =	sdelay $0x4  }
0x1ef: {  	[tilespmem:v8+s2+$0x0] =	vst.idx.msk vm0, v6  }
0x1f0: {  	[tilespmem:v8+s23+$0x0] =	vst.idx.msk vm0, v7  }
0x1f1: {  	[tilespmem:v5+s17+$0x0] =	vst.idx.add.s32.msk vm1, v9  }
.LBB2_37:
0x1f2: {  	s0 =	sadd.s32 $0x8000000F, s28  }
0x1f3: {  	s1 =	sand.u32 $0xF, s0  }
0x1f4: {  	s10 =	sshra.s32 s0, $0x1F;
	p1 =	slt.s32 s0, $0x1;
	p2 =	sne.s32 s1, $0x0  }
0x1f5: {  	s31 =	sshrl.u32 s10, $0x1C;
	p1 =	por !p1, !p2  }
0x1f6: {  	s1 =	simm.s32 $0x1;
	s0 =	sadd.s32 s31, s0;
	p1 =	por !p1, !p1  }
0x1f7: {  	s0 =	sshra.s32 s0, $0x4;
	s1 =	simm.s32 @!p1 $0x0  }
0x1f8: {  	s0 =	ssub.s32 s0, s1  }
0x1f9: {  	p1 =	slt.s32 s0, $0x1  }
.Ltmp24:
0x1fa: {  	_ = 	snop;
	(pc) =	sbr.rel @p1 .LBB2_41-.Ltmp24, $1  }
0x1fb: {  	_ =	sdelay $0x3  }
0x1fc: {  	p1 =	sne.s32 s0, $0x1  }
.Ltmp25:
0x1fd: {  	_ = 	snop;
	(pc) =	sbr.rel @!p1 .LBB2_40-.Ltmp25, $4  }
0x1fe: {  	s1 =	simm.s32 $0x0  }
0x1ff: {  	s10 =	sand.u32 $0xFFFFFFF0, s1  }
0x200: {  	v5 =	vld [tilespmem:s10+$0x6000]  }
0x201: {  	s0 =	sadd.s32 $0xFFFFFFFF, s0;
	v6 =	vld [tilespmem:s10+$0xE000]  }
.LBB2_39:
0x202: {  	p1 =	sne.s32 s0, $0x1;
	_ =	sdelay $0x1  }
0x203: {  	v7 =	vor.u32 s1, v0  }
0x204: {  	vm0 =	vlt.s32 v7, v4;
	v7 =	vand.u32 $0x7FF, v5  }
0x205: {  	(xrf1) =	vunique.msk.u32 vm0, v7;
	_ =	sdelay $0x8  }
0x206: {  	v8 =	vld.idx.msk [tilespmem:v7+s17+$0x0], $0xffff;
	_ =	sdelay $0x4  }
0x207: {  	_, v9, vm1 =	vpop (xrf1)  }
0x208: {  	v8 =	vadd.s32 v9, v8  }
0x209: {  	v8 =	vadd.s32 $0xFFFFFFFF, v8;
	_ =	sdelay $0x4  }
.Ltmp26:
0x20a: {  	[tilespmem:v8+s2+$0x0] =	vst.idx.msk vm0, v5;
	(pc) =	sbr.rel @p1 .LBB2_39-.Ltmp26, $4  }
0x20b: {  	s1 =	sadd.s32 $0x10, s1;
	[tilespmem:v8+s23+$0x0] =	vst.idx.msk vm0, v6  }
0x20c: {  	s10 =	sand.u32 $0xFFFFFFF0, s1;
	[tilespmem:v7+s17+$0x0] =	vst.idx.add.s32.msk vm1, v9  }
0x20d: {  	v5 =	vld [tilespmem:s10+$0x6000]  }
0x20e: {  	s0 =	sadd.s32 $0xFFFFFFFF, s0;
	v6 =	vld [tilespmem:s10+$0xE000]  }
.LBB2_40:
0x20f: {  	_ =	sdelay $0x1  }
0x210: {  	v7 =	vor.u32 s1, v0  }
0x211: {  	vm0 =	vlt.s32 v7, v4;
	v4 =	vand.u32 $0x7FF, v5  }
0x212: {  	(xrf1) =	vunique.msk.u32 vm0, v4;
	_ =	sdelay $0x9  }
0x213: {  	v63 =	vld.idx.msk [tilespmem:v4+s17+$0x0], $0xffff;
	_ =	sdelay $0x3  }
0x214: {  	_, v8, vm1 =	vpop (xrf1)  }
0x215: {  	v7 =	vadd.s32 v8, v63  }
0x216: {  	v7 =	vadd.s32 $0xFFFFFFFF, v7;
	_ =	sdelay $0x4  }
0x217: {  	[tilespmem:v7+s2+$0x0] =	vst.idx.msk vm0, v5  }
0x218: {  	[tilespmem:v7+s23+$0x0] =	vst.idx.msk vm0, v6  }
0x219: {  	[tilespmem:v4+s17+$0x0] =	vst.idx.add.s32.msk vm1, v8  }
.LBB2_41:
0x21a: {  	s0 =	sadd.s32 $0x8000000F, s26  }
0x21b: {  	s1 =	sand.u32 $0xF, s0  }
0x21c: {  	s10 =	sshra.s32 s0, $0x1F;
	p1 =	slt.s32 s0, $0x1;
	p2 =	sne.s32 s1, $0x0  }
0x21d: {  	s31 =	sshrl.u32 s10, $0x1C;
	p1 =	por !p1, !p2  }
0x21e: {  	s1 =	simm.s32 $0x1;
	s0 =	sadd.s32 s31, s0;
	p1 =	por !p1, !p1  }
0x21f: {  	s0 =	sshra.s32 s0, $0x4;
	s1 =	simm.s32 @!p1 $0x0  }
0x220: {  	s0 =	ssub.s32 s0, s1  }
0x221: {  	p1 =	slt.s32 s0, $0x1  }
.Ltmp27:
0x222: {  	_ = 	snop;
	(pc) =	sbr.rel @p1 .LBB2_45-.Ltmp27, $1  }
0x223: {  	_ =	sdelay $0x3  }
0x224: {  	p1 =	sne.s32 s0, $0x1  }
.Ltmp28:
0x225: {  	_ = 	snop;
	(pc) =	sbr.rel @!p1 .LBB2_44-.Ltmp28, $4  }
0x226: {  	s1 =	simm.s32 $0x0  }
0x227: {  	s10 =	sand.u32 $0xFFFFFFF0, s1  }
0x228: {  	v4 =	vld [tilespmem:s10+$0x7000]  }
0x229: {  	s0 =	sadd.s32 $0xFFFFFFFF, s0;
	v5 =	vld [tilespmem:s10+$0xF000]  }
.LBB2_43:
0x22a: {  	p1 =	sne.s32 s0, $0x1;
	_ =	sdelay $0x1  }
0x22b: {  	v6 =	vor.u32 s1, v0  }
0x22c: {  	vm0 =	vlt.s32 v6, v3;
	v6 =	vand.u32 $0x7FF, v4  }
0x22d: {  	(xrf1) =	vunique.msk.u32 vm0, v6;
	_ =	sdelay $0x8  }
0x22e: {  	v7 =	vld.idx.msk [tilespmem:v6+s17+$0x0], $0xffff;
	_ =	sdelay $0x4  }
0x22f: {  	_, v8, vm1 =	vpop (xrf1)  }
0x230: {  	v7 =	vadd.s32 v8, v7  }
0x231: {  	v7 =	vadd.s32 $0xFFFFFFFF, v7;
	_ =	sdelay $0x4  }
.Ltmp29:
0x232: {  	[tilespmem:v7+s2+$0x0] =	vst.idx.msk vm0, v4;
	(pc) =	sbr.rel @p1 .LBB2_43-.Ltmp29, $4  }
0x233: {  	s1 =	sadd.s32 $0x10, s1;
	[tilespmem:v7+s23+$0x0] =	vst.idx.msk vm0, v5  }
0x234: {  	s10 =	sand.u32 $0xFFFFFFF0, s1;
	[tilespmem:v6+s17+$0x0] =	vst.idx.add.s32.msk vm1, v8  }
0x235: {  	v4 =	vld [tilespmem:s10+$0x7000]  }
0x236: {  	s0 =	sadd.s32 $0xFFFFFFFF, s0;
	v5 =	vld [tilespmem:s10+$0xF000]  }
.LBB2_44:
0x237: {  	_ =	sdelay $0x1  }
0x238: {  	v6 =	vor.u32 s1, v0  }
0x239: {  	vm0 =	vlt.s32 v6, v3;
	v3 =	vand.u32 $0x7FF, v4  }
0x23a: {  	(xrf1) =	vunique.msk.u32 vm0, v3;
	_ =	sdelay $0x9  }
0x23b: {  	v63 =	vld.idx.msk [tilespmem:v3+s17+$0x0], $0xffff;
	_ =	sdelay $0x3  }
0x23c: {  	_, v7, vm1 =	vpop (xrf1)  }
0x23d: {  	v6 =	vadd.s32 v7, v63  }
0x23e: {  	v6 =	vadd.s32 $0xFFFFFFFF, v6;
	_ =	sdelay $0x4  }
0x23f: {  	[tilespmem:v6+s2+$0x0] =	vst.idx.msk vm0, v4  }
0x240: {  	[tilespmem:v6+s23+$0x0] =	vst.idx.msk vm0, v5  }
0x241: {  	[tilespmem:v3+s17+$0x0] =	vst.idx.add.s32.msk vm1, v7  }
.LBB2_45:
0x242: {  	s1 =	simm.s32 $0x40;
	s0 =	simm.s32 $0x0  }
.LBB2_46:
0x243: {  	p1 =	sne.s32 s1, $0xFC0;
	[tilespmem:s0+$0x10000] =	vst v1;
	s0 =	smov.u32 s1;
	s1 =	sadd.s32 $0x40, s1  }
.Ltmp30:
0x244: {  	(pc) =	sbr.rel @p1 .LBB2_46-.Ltmp30, $2  }
0x245: {  	_ =	sdelay $0x2  }
0x246: {  	s0 =	sshra.s32 s0, $0x2  }
0x247: {  	s1 =	sadd.s32 $0x1F, s25  }
0x248: {  	s10 =	sand.u32 $0x1F, s1  }
0x249: {  	s31 =	sshra.s32 s1, $0x1F;
	p2 =	slt.s32 s1, $0x1;
	p1 =	sne.s32 s10, $0x0  }
0x24a: {  	s10 =	sshrl.u32 s31, $0x1B;
	p1 =	por !p2, !p1  }
0x24b: {  	s1 =	sadd.s32 s10, s1;
	s10 =	simm.s32 $0x1;
	p1 =	por !p1, !p1  }
0x24c: {  	s1 =	sshra.s32 s1, $0x5;
	s10 =	simm.s32 @!p1 $0x0  }
0x24d: {  	s26 =	ssub.s32 s1, s10  }
0x24e: {  	p1 =	slt.s32 s26, $0x1  }
.Ltmp31:
0x24f: {  	_ = 	snop;
	(pc) =	sbr.rel @p1 .LBB2_50-.Ltmp31, $2  }
0x250: {  	_ =	sdelay $0x2  }
0x251: {  	[tilespmem:s0+$0x10000] =	vst v1;
	v3 =	vmov s25  }
0x252: {  	s0 =	simm.s32 $0x10;
	s1 =	simm.s32 $0x10;
	s10 =	smov.u32 s26  }
.LBB2_49:
0x253: {  	v4 =	vld [tilespmem:s1+$0xFFFFFFF0];
	_ =	sdelay $0x3  }
0x254: {  	s11 =	sadd.s32 $0xFFFFFFF0, s0  }
0x255: {  	v5 =	vor.u32 s11, v0;
	v4 =	vshrl.u32 v4, $0xB  }
0x256: {  	vm0 =	vlt.s32 v5, v3;
	v4 =	vand.u32 $0x3FF, v4  }
0x257: {  	(xrf1) =	vunique.msk.u32 vm0, v4;
	_ =	sdelay $0xd  }
0x258: {  	_, v5, vm0 =	vpop (xrf1);
	_ =	sdelay $0x5  }
0x259: {  	[tilespmem:v4+s17+$0x0] =	vst.idx.add.s32.msk vm0, v5  }
0x25a: {  	v4 =	vld [tilespmem:s1+$0x0];
	_ =	sdelay $0x4  }
0x25b: {  	v5 =	vor.u32 s0, v0;
	v4 =	vshrl.u32 v4, $0xB  }
0x25c: {  	vm15 =	vlt.s32 v5, v3;
	v4 =	vand.u32 $0x3FF, v4  }
0x25d: {  	(xrf1) =	vunique.msk.u32 vm15, v4;
	_ =	sdelay $0xd  }
0x25e: {  	_, v5, vm0 =	vpop (xrf1)  }
0x25f: {  	p1 =	sne.s32 s10, $0x1  }
.Ltmp32:
0x260: {  	_ = 	snop;
	(pc) =	sbr.rel @p1 .LBB2_49-.Ltmp32, $2  }
0x261: {  	_ =	sdelay $0x2  }
0x262: {  	s10 =	sadd.s32 $0xFFFFFFFF, s10;
	s0 =	sadd.s32 $0x20, s0;
	s1 =	sadd.s32 $0x20, s1;
	[tilespmem:v4+s17+$0x0] =	vst.idx.add.s32.msk vm0, v5  }
.LBB2_50:
0x263: {  	s0 =	simm.s32 $0x0  }
0x264: {  	v4 =	vld [tilespmem:s0+$0x10000];
	_ =	sdelay $0x4  }
0x265: {  	(xrf0) =	vadd.scan.msk.s32 $0xffff, v4;
	_ =	sdelay $0x5  }
0x266: {  	s1 =	simm.s32 $0x0;
	v5, _, _ =	vpop (xrf0)  }
0x267: {  	v5 =	vadd.s32 s1, v5  }
0x268: {  	v6 =	vxor.u32 $0x80000000, v5  }
0x269: {  	(xrf0) =	vmax.scan.msk.u32 $0xffff, v6;
	_ =	sdelay $0x2  }
0x26a: {  	v4 =	vsub.s32 v5, v4;
	_ =	sdelay $0x2  }
0x26b: {  	[tilespmem:s0+$0x10000] =	vst v4;
	v4, _, _ =	vpop (xrf0)  }
0x26c: {  	(v2sf) =	vpush v4, $0xF;
	_ =	sdelay $0x3  }
0x26d: {  	s0 =	simm.s32 $0x10  }
0x26e: {  	v4 =	vld [tilespmem:s0+$0x10000];
	_ =	sdelay $0x1  }
0x26f: {  	s10 =	simm.s32 $0xC0;
	s1 =	simm.s32 $0x80  }
.LBB2_51:
0x270: {  	p1 =	sne.s32 s10, $0xFC0;
	_ =	sdelay $0x1  }
0x271: {  	(xrf0) =	vadd.scan.msk.s32 $0xffff, v4;
	_ =	sdelay $0x4  }
0x272: {  	s11 =	spop (v2sf)  }
0x273: {  	v5, _, _ =	vpop (xrf0);
	s11 =	sxor.u32 $0x80000000, s11  }
0x274: {  	v5 =	vadd.s32 s11, v5  }
0x275: {  	v4 =	vsub.s32 v5, v4;
	v5 =	vxor.u32 $0x80000000, v5  }
0x276: {  	[tilespmem:s0+$0x10000] =	vst v4;
	(xrf0) =	vmax.scan.msk.u32 $0xffff, v5;
	_ =	sdelay $0x5  }
0x277: {  	v4, _, _ =	vpop (xrf0)  }
0x278: {  	(v2sf) =	vpush v4, $0xF;
	_ =	sdelay $0x2  }
.Ltmp33:
0x279: {  	(pc) =	sbr.rel @p1 .LBB2_51-.Ltmp33, $3  }
0x27a: {  	s0 =	sshra.s32 s1, $0x2;
	s1 =	smov.u32 s10  }
0x27b: {  	v4 =	vld [tilespmem:s0+$0x10000];
	_ =	sdelay $0x1  }
0x27c: {  	s10 =	sadd.s32 $0x40, s10  }
0x27d: {  	_ =	sdelay $0x1  }
0x27e: {  	(xrf0) =	vadd.scan.msk.s32 $0xffff, v4;
	_ =	sdelay $0x4  }
0x27f: {  	s10 =	spop (v2sf)  }
0x280: {  	v5, _, _ =	vpop (xrf0);
	s10 =	sxor.u32 $0x80000000, s10  }
0x281: {  	v5 =	vadd.s32 s10, v5  }
0x282: {  	v6 =	vxor.u32 $0x80000000, v5  }
0x283: {  	(xrf0) =	vmax.scan.msk.u32 $0xffff, v6;
	_ =	sdelay $0x5  }
0x284: {  	v6, _, _ =	vpop (xrf0)  }
0x285: {  	(v2sf) =	vpush v6, $0xF;
	_ =	sdelay $0x2  }
0x286: {  	v4 =	vsub.s32 v5, v4  }
0x287: {  	s13 =	sshra.s32 s1, $0x2;
	[tilespmem:s0+$0x10000] =	vst v4  }
0x288: {  	v4 =	vld [tilespmem:s13+$0x10000];
	_ =	sdelay $0x4  }
0x289: {  	(xrf0) =	vadd.scan.msk.s32 $0xffff, v4;
	_ =	sdelay $0x4  }
0x28a: {  	s15 =	spop (v2sf)  }
0x28b: {  	v5, _, _ =	vpop (xrf0);
	s1 =	sxor.u32 $0x80000000, s15  }
0x28c: {  	v5 =	vadd.s32 s1, v5  }
0x28d: {  	v63 =	vxor.u32 $0x80000000, v5  }
0x28e: {  	(xrf0) =	vmax.scan.msk.u32 $0xffff, v63;
	_ =	sdelay $0x5  }
0x28f: {  	v6, _, _ =	vpop (xrf0)  }
0x290: {  	(v2sf) =	vpush v6, $0xF;
	_ =	sdelay $0x2  }
0x291: {  	s28 =	sadd.s32 $0xF, s25  }
0x292: {  	s29 =	sand.u32 $0xF, s28  }
0x293: {  	s11 =	sshra.s32 s28, $0x1F;
	p1 =	slt.s32 s28, $0x1;
	p2 =	sne.s32 s29, $0x0  }
0x294: {  	s30 =	sshrl.u32 s11, $0x1C;
	p1 =	por !p1, !p2  }
0x295: {  	p1 =	por !p1, !p1;
	s10 =	simm.s32 $0x1;
	s1 =	sadd.s32 s30, s28  }
0x296: {  	s10 =	simm.s32 @!p1 $0x0;
	s1 =	sshra.s32 s1, $0x4  }
0x297: {  	s25 =	ssub.s32 s1, s10  }
0x298: {  	p1 =	sgt.s32 s25, $0x0  }
.Ltmp34:
0x299: {  	_ = 	snop;
	(pc) =	sbr.rel @!p1 .LBB2_59-.Ltmp34, $3  }
0x29a: {  	_ =	sdelay $0x1  }
0x29b: {  	v4 =	vsub.s32 v5, v4  }
0x29c: {  	[tilespmem:s13+$0x10000] =	vst v4;
	s31 =	spop (v2sf)  }
0x29d: {  	p2 =	seq.s32 s25, $0x1  }
.Ltmp35:
0x29e: {  	_ = 	snop;
	(pc) =	sbr.rel @p2 .LBB2_54-.Ltmp35, $4  }
0x29f: {  	_ = 	snop  }
0x2a0: {  	s28 =	simm.s32 $0x0  }
0x2a1: {  	s0 =	simm.s32 $0x8000;
	v4 =	vld [tilespmem:s28+$0x0]  }
0x2a2: {  	p1 =	por $0x0, $0x0;
	v5 =	vld [tilespmem:s0+$0x0];
	s0 =	sadd.s32 $0xFFFFFFFF, s25  }
0x2a3: {  	_ =	sdelay $0x2  }
0x2a4: {  	v6 =	vor.u32 s28, v0;
	v7 =	vshrl.u32 v4, $0xB  }
0x2a5: {  	vm0 =	vlt.s32 v6, v3;
	v6 =	vand.u32 $0x3FF, v7  }
0x2a6: {  	(xrf1) =	vunique.msk.u32 vm0, v6;
	_ =	sdelay $0x9  }
0x2a7: {  	v7 =	vld.idx.msk [tilespmem:v6+s17+$0x0], $0xffff;
	_ =	sdelay $0x3  }
0x2a8: {  	_, v8, vm1 =	vpop (xrf1)  }
0x2a9: {  	v7 =	vadd.s32 v8, v7  }
0x2aa: {  	v7 =	vadd.s32 $0xFFFFFFFF, v7;
	_ =	sdelay $0x4  }
0x2ab: {  	p2 =	seq.s32 s0, $0x1;
	[tilespmem:v7+s21+$0x0] =	vst.idx.msk vm0, v4  }
.Ltmp36:
0x2ac: {  	[tilespmem:v7+s22+$0x0] =	vst.idx.msk vm0, v5;
	(pc) =	sbr.rel @p2 .LBB2_56-.Ltmp36, $4  }
0x2ad: {  	s1 =	simm.s32 $0x10;
	[tilespmem:v6+s17+$0x0] =	vst.idx.add.s32.msk vm1, v8  }
0x2ae: {  	v4 =	vld [tilespmem:s1+$0x0]  }
0x2af: {  	s30 =	simm.s32 $0x8010  }
0x2b0: {  	s0 =	sadd.s32 $0xFFFFFFFF, s0;
	p1 =	por $0x1, $0x1;
	s29 =	simm.s32 $0x0;
	v5 =	vld [tilespmem:s30+$0x0]  }
.LBB2_57:
0x2b1: {  	p2 =	seq.s32 s0, $0x1  }
0x2b2: {  	s29 =	sadd.s32 $0x10, s29  }
0x2b3: {  	v6 =	vor.u32 s29, v0;
	v7 =	vshrl.u32 v4, $0xB  }
0x2b4: {  	vm0 =	vlt.s32 v6, v3;
	v6 =	vand.u32 $0x3FF, v7  }
0x2b5: {  	(xrf1) =	vunique.msk.u32 vm0, v6;
	_ =	sdelay $0x8  }
0x2b6: {  	v7 =	vld.idx.msk [tilespmem:v6+s17+$0x0], $0xffff;
	_ =	sdelay $0x4  }
0x2b7: {  	_, v8, vm1 =	vpop (xrf1)  }
0x2b8: {  	v7 =	vadd.s32 v8, v7  }
0x2b9: {  	v7 =	vadd.s32 $0xFFFFFFFF, v7;
	_ =	sdelay $0x4  }
0x2ba: {  	[tilespmem:v7+s21+$0x0] =	vst.idx.msk vm0, v4  }
.Ltmp37:
0x2bb: {  	[tilespmem:v7+s22+$0x0] =	vst.idx.msk vm0, v5;
	(pc) =	sbr.rel @!p2 .LBB2_57-.Ltmp37, $4  }
0x2bc: {  	s1 =	sadd.s32 $0x10, s1;
	[tilespmem:v6+s17+$0x0] =	vst.idx.add.s32.msk vm1, v8  }
0x2bd: {  	s30 =	sadd.s32 $0x10, s30;
	v4 =	vld [tilespmem:s1+$0x0]  }
0x2be: {  	v5 =	vld [tilespmem:s30+$0x0]  }
0x2bf: {  	s0 =	sadd.s32 $0xFFFFFFFF, s0  }
.LBB2_58:
0x2c0: {  	s0 =	sadd.s32 @p1 $0x10, s29  }
0x2c1: {  	s28 =	smov.u32 @p1 s0  }
0x2c2: {  	v6 =	vor.u32 s28, v0;
	v7 =	vshrl.u32 v4, $0xB  }
0x2c3: {  	vm0 =	vlt.s32 v6, v3;
	v63 =	vand.u32 $0x3FF, v7  }
0x2c4: {  	(xrf1) =	vunique.msk.u32 vm0, v63;
	_ =	sdelay $0x9  }
0x2c5: {  	v7 =	vld.idx.msk [tilespmem:v63+s17+$0x0], $0xffff;
	_ =	sdelay $0x3  }
0x2c6: {  	_, v8, vm1 =	vpop (xrf1)  }
0x2c7: {  	v7 =	vadd.s32 v8, v7  }
0x2c8: {  	v7 =	vadd.s32 $0xFFFFFFFF, v7;
	_ =	sdelay $0x4  }
0x2c9: {  	[tilespmem:v7+s21+$0x0] =	vst.idx.msk vm0, v4  }
0x2ca: {  	[tilespmem:v7+s22+$0x0] =	vst.idx.msk vm0, v5  }
0x2cb: {  	[tilespmem:v63+s17+$0x0] =	vst.idx.add.s32.msk vm1, v8  }
.LBB2_59:
0x2cc: {  	s0 =	simm.s32 $0x40;
	s1 =	simm.s32 $0x0  }
.LBB2_60:
0x2cd: {  	p1 =	seq.s32 s0, $0x1FC0;
	[tilespmem:s1+$0x10000] =	vst v1;
	s1 =	smov.u32 s0;
	s0 =	sadd.s32 $0x40, s0  }
.Ltmp38:
0x2ce: {  	(pc) =	sbr.rel @!p1 .LBB2_60-.Ltmp38, $2  }
0x2cf: {  	_ =	sdelay $0x2  }
0x2d0: {  	s1 =	sshra.s32 s1, $0x2  }
0x2d1: {  	p1 =	sgt.s32 s26, $0x0  }
.Ltmp39:
0x2d2: {  	_ = 	snop;
	(pc) =	sbr.rel @!p1 .LBB2_62-.Ltmp39, $2  }
0x2d3: {  	_ =	sdelay $0x2  }
0x2d4: {  	[tilespmem:s1+$0x10000] =	vst v1  }
0x2d5: {  	s0 =	simm.s32 $0x4010;
	s1 =	simm.s32 $0x10  }
.LBB2_68:
0x2d6: {  	v4 =	vld [tilespmem:s0+$0xFFFFFFF0];
	_ =	sdelay $0x2  }
0x2d7: {  	s10 =	sadd.s32 $0xFFFFFFF0, s1  }
0x2d8: {  	v5 =	vor.u32 s10, v0  }
0x2d9: {  	vm0 =	vlt.s32 v5, v3;
	v4 =	vshrl.u32 v4, $0x15  }
0x2da: {  	(xrf1) =	vunique.msk.u32 vm0, v4;
	_ =	sdelay $0xd  }
0x2db: {  	_, v5, vm0 =	vpop (xrf1);
	_ =	sdelay $0x5  }
0x2dc: {  	[tilespmem:v4+s17+$0x0] =	vst.idx.add.s32.msk vm0, v5  }
0x2dd: {  	v4 =	vld [tilespmem:s0+$0x0];
	_ =	sdelay $0x3  }
0x2de: {  	v5 =	vor.u32 s1, v0  }
0x2df: {  	vm15 =	vlt.s32 v5, v3;
	v4 =	vshrl.u32 v4, $0x15  }
0x2e0: {  	(xrf1) =	vunique.msk.u32 vm15, v4;
	_ =	sdelay $0xd  }
0x2e1: {  	_, v5, vm0 =	vpop (xrf1)  }
0x2e2: {  	p1 =	seq.s32 s26, $0x1  }
.Ltmp40:
0x2e3: {  	_ = 	snop;
	(pc) =	sbr.rel @!p1 .LBB2_68-.Ltmp40, $2  }
0x2e4: {  	_ =	sdelay $0x2  }
0x2e5: {  	s26 =	sadd.s32 $0xFFFFFFFF, s26;
	s1 =	sadd.s32 $0x20, s1;
	s0 =	sadd.s32 $0x20, s0;
	[tilespmem:v4+s17+$0x0] =	vst.idx.add.s32.msk vm0, v5  }
.LBB2_62:
0x2e6: {  	s1 =	simm.s32 $0x0  }
0x2e7: {  	v4 =	vld [tilespmem:s1+$0x10000];
	_ =	sdelay $0x4  }
0x2e8: {  	(xrf0) =	vadd.scan.msk.s32 $0xffff, v4;
	_ =	sdelay $0x5  }
0x2e9: {  	s0 =	simm.s32 $0x0;
	v5, _, _ =	vpop (xrf0)  }
0x2ea: {  	v5 =	vadd.s32 s0, v5  }
0x2eb: {  	v6 =	vxor.u32 $0x80000000, v5  }
0x2ec: {  	(xrf0) =	vmax.scan.msk.u32 $0xffff, v6;
	_ =	sdelay $0x2  }
0x2ed: {  	v4 =	vsub.s32 v5, v4;
	_ =	sdelay $0x2  }
0x2ee: {  	[tilespmem:s1+$0x10000] =	vst v4;
	v4, _, _ =	vpop (xrf0)  }
0x2ef: {  	(v2sf) =	vpush v4, $0xF;
	_ =	sdelay $0x3  }
0x2f0: {  	s0 =	simm.s32 $0x10  }
0x2f1: {  	v4 =	vld [tilespmem:s0+$0x10000];
	_ =	sdelay $0x1  }
0x2f2: {  	s10 =	simm.s32 $0xC0;
	s1 =	simm.s32 $0x80  }
.LBB2_63:
0x2f3: {  	p1 =	seq.s32 s10, $0x1FC0;
	_ =	sdelay $0x1  }
0x2f4: {  	(xrf0) =	vadd.scan.msk.s32 $0xffff, v4;
	_ =	sdelay $0x4  }
0x2f5: {  	s11 =	spop (v2sf)  }
0x2f6: {  	v5, _, _ =	vpop (xrf0);
	s11 =	sxor.u32 $0x80000000, s11  }
0x2f7: {  	v5 =	vadd.s32 s11, v5  }
0x2f8: {  	v4 =	vsub.s32 v5, v4;
	v5 =	vxor.u32 $0x80000000, v5  }
0x2f9: {  	[tilespmem:s0+$0x10000] =	vst v4;
	(xrf0) =	vmax.scan.msk.u32 $0xffff, v5;
	_ =	sdelay $0x5  }
0x2fa: {  	v4, _, _ =	vpop (xrf0)  }
0x2fb: {  	(v2sf) =	vpush v4, $0xF;
	_ =	sdelay $0x2  }
.Ltmp41:
0x2fc: {  	(pc) =	sbr.rel @!p1 .LBB2_63-.Ltmp41, $3  }
0x2fd: {  	s0 =	sshra.s32 s1, $0x2;
	s1 =	smov.u32 s10  }
0x2fe: {  	v4 =	vld [tilespmem:s0+$0x10000];
	_ =	sdelay $0x1  }
0x2ff: {  	s10 =	sadd.s32 $0x40, s10  }
0x300: {  	_ =	sdelay $0x1  }
0x301: {  	(xrf0) =	vadd.scan.msk.s32 $0xffff, v4;
	_ =	sdelay $0x4  }
0x302: {  	s10 =	spop (v2sf)  }
0x303: {  	v5, _, _ =	vpop (xrf0);
	s10 =	sxor.u32 $0x80000000, s10  }
0x304: {  	v5 =	vadd.s32 s10, v5  }
0x305: {  	v6 =	vxor.u32 $0x80000000, v5  }
0x306: {  	(xrf0) =	vmax.scan.msk.u32 $0xffff, v6;
	_ =	sdelay $0x5  }
0x307: {  	v6, _, _ =	vpop (xrf0)  }
0x308: {  	(v2sf) =	vpush v6, $0xF;
	_ =	sdelay $0x2  }
0x309: {  	v4 =	vsub.s32 v5, v4  }
0x30a: {  	s29 =	sshra.s32 s1, $0x2;
	[tilespmem:s0+$0x10000] =	vst v4  }
0x30b: {  	v4 =	vld [tilespmem:s29+$0x10000];
	_ =	sdelay $0x4  }
0x30c: {  	(xrf0) =	vadd.scan.msk.s32 $0xffff, v4;
	_ =	sdelay $0x4  }
0x30d: {  	s30 =	spop (v2sf)  }
0x30e: {  	v5, _, _ =	vpop (xrf0);
	s1 =	sxor.u32 $0x80000000, s30  }
0x30f: {  	v5 =	vadd.s32 s1, v5  }
0x310: {  	v63 =	vxor.u32 $0x80000000, v5  }
0x311: {  	(xrf0) =	vmax.scan.msk.u32 $0xffff, v63;
	_ =	sdelay $0x5  }
0x312: {  	v6, _, _ =	vpop (xrf0)  }
0x313: {  	(v2sf) =	vpush v6, $0xF;
	_ =	sdelay $0x9  }
0x314: {  	p1 =	slt.s32 s25, $0x1  }
.Ltmp42:
0x315: {  	_ = 	snop;
	(pc) =	sbr.rel @p1 .LBB2_73-.Ltmp42, $3  }
0x316: {  	_ =	sdelay $0x1  }
0x317: {  	v4 =	vsub.s32 v5, v4  }
0x318: {  	[tilespmem:s29+$0x10000] =	vst v4;
	s31 =	spop (v2sf)  }
0x319: {  	p2 =	sne.s32 s25, $0x1  }
.Ltmp43:
0x31a: {  	_ = 	snop;
	(pc) =	sbr.rel @!p2 .LBB2_66-.Ltmp43, $4  }
0x31b: {  	_ = 	snop  }
0x31c: {  	s0 =	simm.s32 $0x4000  }
0x31d: {  	s26 =	simm.s32 $0xC000;
	v4 =	vld [tilespmem:s0+$0x0]  }
0x31e: {  	s28 =	simm.s32 $0x0;
	s1 =	sadd.s32 $0xFFFFFFFF, s25;
	p1 =	por $0x0, $0x0  }
0x31f: {  	_ =	sdelay $0x1  }
0x320: {  	v5 =	vor.u32 s28, v0  }
0x321: {  	vm0 =	vlt.s32 v5, v3;
	v4 =	vshrl.u32 v4, $0x15  }
0x322: {  	(xrf1) =	vunique.msk.u32 vm0, v4;
	_ =	sdelay $0x9  }
0x323: {  	v5 =	vld.idx.msk [tilespmem:v4+s17+$0x0], $0xffff;
	_ =	sdelay $0x3  }
0x324: {  	_, v6, vm1 =	vpop (xrf1)  }
0x325: {  	v5 =	vadd.s32 v6, v5  }
0x326: {  	v7 =	vld [tilespmem:s26+$0x0];
	v5 =	vadd.s32 $0xFFFFFFFF, v5;
	_ =	sdelay $0x2  }
0x327: {  	p2 =	sne.s32 s1, $0x1  }
.Ltmp44:
0x328: {  	_ = 	snop;
	(pc) =	sbr.rel @!p2 .LBB2_70-.Ltmp44, $4  }
0x329: {  	[tilespmem:v5+s23+$0x0] =	vst.idx.msk vm0, v7  }
0x32a: {  	s0 =	simm.s32 $0x4010;
	[tilespmem:v4+s17+$0x0] =	vst.idx.add.s32.msk vm1, v6  }
0x32b: {  	s10 =	sadd.s32 $0xFFFFFFFF, s1;
	v4 =	vld [tilespmem:s0+$0x0]  }
0x32c: {  	p1 =	por $0x1, $0x1;
	s25 =	simm.s32 $0x0;
	s1 =	simm.s32 $0xC000  }
.LBB2_71:
0x32d: {  	p2 =	sne.s32 s10, $0x1  }
0x32e: {  	s25 =	sadd.s32 $0x10, s25  }
0x32f: {  	v5 =	vor.u32 s25, v0  }
0x330: {  	v4 =	vshrl.u32 v4, $0x15;
	vm0 =	vlt.s32 v5, v3  }
0x331: {  	(xrf1) =	vunique.msk.u32 vm0, v4;
	_ =	sdelay $0x8  }
0x332: {  	v5 =	vld.idx.msk [tilespmem:v4+s17+$0x0], $0xffff;
	_ =	sdelay $0x4  }
0x333: {  	_, v6, vm1 =	vpop (xrf1)  }
0x334: {  	s1 =	sadd.s32 $0x10, s1;
	v5 =	vadd.s32 v6, v5  }
0x335: {  	v7 =	vld [tilespmem:s1+$0x0];
	v5 =	vadd.s32 $0xFFFFFFFF, v5;
	_ =	sdelay $0x3  }
.Ltmp45:
0x336: {  	(pc) =	sbr.rel @p2 .LBB2_71-.Ltmp45, $4  }
0x337: {  	[tilespmem:v5+s23+$0x0] =	vst.idx.msk vm0, v7  }
0x338: {  	s0 =	sadd.s32 $0x10, s0;
	[tilespmem:v4+s17+$0x0] =	vst.idx.add.s32.msk vm1, v6  }
0x339: {  	v4 =	vld [tilespmem:s0+$0x0]  }
0x33a: {  	s10 =	sadd.s32 $0xFFFFFFFF, s10  }
.Ltmp46:
0x33b: {  	_ = 	snop;
	(pc) =	sbr.rel .LBB2_72-.Ltmp46, $1  }
0x33c: {  	_ =	sdelay $0x3  }
.LBB2_28:
.Ltmp47:
0x33d: {  	(pc) =	sbr.rel .LBB2_32-.Ltmp47, $2  }
0x33e: {  	_ =	sdelay $0x2  }
0x33f: {  	s31 =	simm.s32 $0x0  }
.LBB2_54:
.Ltmp48:
0x340: {  	(pc) =	sbr.rel .LBB2_58-.Ltmp48, $2  }
0x341: {  	_ =	sdelay $0x2  }
0x342: {  	s29 =	simm.s32 $0x0  }
.LBB2_30:
.Ltmp49:
0x343: {  	(pc) =	sbr.rel .LBB2_32-.Ltmp49, $2  }
0x344: {  	_ =	sdelay $0x2  }
0x345: {  	s31 =	simm.s32 $0x0  }
.LBB2_56:
.Ltmp50:
0x346: {  	(pc) =	sbr.rel .LBB2_58-.Ltmp50, $2  }
0x347: {  	_ =	sdelay $0x2  }
0x348: {  	s29 =	simm.s32 $0x0  }
.LBB2_70:
.Ltmp51:
0x349: {  	(pc) =	sbr.rel .LBB2_72-.Ltmp51, $2  }
0x34a: {  	_ =	sdelay $0x2  }
0x34b: {  	s25 =	simm.s32 $0x0;
	s1 =	simm.s32 $0xC000  }
.LBB2_75:
0x34c: {  	_ =	sfence.sel $0x180000  }
0x34d: {  	[bflag:$0x0] =	sbarrier.arrive $0xFFFF  }
0x34e: {  	_ =	strace $0x90000047  }
0x34f: {  	s0 =	stileid.u32;
	[bflag:$0x2] =	sbarrier.arrive $0xFFFF  }
0x350: {  	p0 =	sne.s32 s0, $0x0;
	s0 =	rddreg [dreg:$0x5]  }
0x351: {  	s0 =	sadd.s32 @!p0 $0x100000, s0  }
0x352: {  	[sflag:s0] =	ssyncadd.tile.s32 @!p0 $0x1;
	_ =	shalt  }
.Lfunc_end2:
_tile_overlayer_lowered:
.L_overlay_start_2:
0x353: {  	(tag) =	ssettag $0x2  }
0x354: {  	s0 =	rddreg [dreg:$0x0];
	s2 =	stileid.u32  }
0x355: {  	s1 =	rddreg [dreg:$0x1];
	p0 =	sne.s32 s2, $0x0  }
0x356: {  	s3 =	rddreg [dreg:$0x2];
	[bflag:$0x3] =	sbarrier.arrive $0xFFFF;
	s2 =	simm.s32 @!p0 $0x1C01  }
0x357: {  	[timem:s3], [sflag:s2] =	dma.local @!p0 [hbm:s0], s1  }
0x358: {  	s0 =	simm.s32 @!p0 $0x1  }
0x359: {  	_ =	swait.ge @!p0 [sflag:s0], s1  }
0x35a: {  	s1 =	ssub.s32 @!p0 $0x0, s1;
	[sflag:s0] =	ssyncset.done @!p0 $0x0  }
0x35b: {  	[sflag:s0] =	ssyncadd.s32 @!p0 s1  }
0x35c: {  	[bflag:$0x3] =	sbarrier.arrive $0xFFFF  }
0x35d: {  	_ =	shalt  }

// kernel: kernel.9.cloned.1.call-start
scs
__scs_entry_jumppad:
0x0: {  	(pc) =	sbr.rel $0x88, $3  }
0x1: {  	(tag) =	ssettag $0x0;
	lr =	simm.s32 $0x1  }
0x2: {  	[smem:$0x3F98] =	sst lr;
	_ =	strace $0xD0000000  }
0x3: {  	_ = 	snop  }
0x4: {  	_ = 	snop  }
0x5: {  	_ = 	snop  }
0x6: {  	_ = 	snop  }
0x7: {  	_ = 	snop  }
__scs_overlays_trampoline_lowered:
0x8: {  	[smem:$0x3FA7] =	sst s0  }
0x9: {  	[smem:$0x3FA8] =	sst s1  }
0xa: {  	[smem:$0x3FA9] =	sst s2  }
0xb: {  	[smem:$0x3FAA] =	sst s3  }
0xc: {  	[smem:$0x3FAB] =	sst s4  }
0xd: {  	[smem:$0x3FAC] =	sst s5  }
0xe: {  	[smem:$0x3FAD] =	sst s6  }
0xf: {  	[smem:$0x3FAE] =	sst s7  }
0x10: {  	[smem:$0x3FAF] =	sst s8  }
0x11: {  	[smem:$0x3FB0] =	sst s9;
	s0 =	simm.s32 @!p0 $0x0  }
0x12: {  	s1 =	sld [smem:$0x3F96];
	s0 =	simm.s32 @p0 $0x1  }
0x13: {  	[smem:$0x3FB1] =	sst s0;
	s0 =	simm.s32 @!p1 $0x0  }
0x14: {  	s2 =	sld [smem:$0x3F95];
	s0 =	simm.s32 @p1 $0x1  }
0x15: {  	[smem:$0x3FB2] =	sst s0;
	s0 =	simm.s32 @!p2 $0x0  }
0x16: {  	s3 =	sld [smem:$0x3FDB];
	s0 =	simm.s32 @p2 $0x1  }
0x17: {  	s4 =	simm.s32 $0x1BF5;
	[smem:$0x3FB4] =	sst s0  }
0x18: {  	s0 =	sld [smem:$0x3F97];
	_ =	swait.ge [sflag:s4], $0x0  }
0x19: {  	s7 =	sld [smem:$0x3F98]  }
0x1a: {  	s8 =	sadd.s32 $0xFFFFE003, lr  }
0x1b: {  	s9 =	sadd.s32 $0xFFFFFEF7, lr;
	s5 =	simm.s32 $0xFFFFFFFF;
	p2 =	slt.u32 s8, $0xFFFFF086  }
0x1c: {  	p1 =	slt.u32 s9, $0xF7A;
	s5 =	simm.s32 @!p2 $0x0  }
0x1d: {  	s5 =	simm.s32 @p1 $0x1;
	p0 =	seq.s32 s7, s2  }
0x1e: {  	s7 =	smul.u32 @!p0 $0xF7A, s2;
	p2 =	seq.s32 @!p0 s5, $0x0  }
0x1f: {  	s9 =	smul.u32 $0xF7A, s1;
	s8 =	simm.s32 @!p0 $0x1BF5;
	p2 =	por !p2, p0  }
0x20: {  	[sflag:s8] =	ssyncset.s32 @!p0 $0xFFFFF086;
	s6 =	sadd.s32 @!p0 s3, s7;
	s7 =	simm.s32 @!p0 $0x108  }
0x21: {  	s3 =	sadd.s32 s3, s9;
	s6 =	sadd.s32 @!p0 $0x88, s6;
	s7 =	simm.s32 @p2 $0x1082  }
0x22: {  	[simem:s7], [sflag:s8] =	dma.local @!p0 [hbm:s6], $0xF7A  }
0x23: {  	s9 =	sor.u32 $0xD0000000, s2;
	s6 =	simm.s32 $0x108;
	_ =	swait.ge @!p0 [sflag:s8], $0x0  }
0x24: {  	s3 =	sadd.s32 $0x88, s3;
	s6 =	simm.s32 @!p1 $0x1082;
	[sflag:s4] =	ssyncset.s32 $0xFFFFF086  }
0x25: {  	[simem:s6], [sflag:s4] =	dma.local [hbm:s3], $0xF7A  }
0x26: {  	[smem:$0x3F98] =	sst s1;
	(tag) =	ssettag s2;
	_ =	strace s9  }
0x27: {  	s1 =	sld [smem:$0x3FA8]  }
0x28: {  	s2 =	sld [smem:$0x3FA9]  }
0x29: {  	s4 =	sld [smem:$0x3FAB]  }
0x2a: {  	p0 =	seq.s32 s5, $0x0;
	s5 =	sld [smem:$0x3FAC]  }
0x2b: {  	s6 =	sld [smem:$0x3FAD]  }
0x2c: {  	s7 =	sld [smem:$0x3FAE]  }
0x2d: {  	s3 =	simm.s32 $0x108;
	s8 =	sld [smem:$0x3FAF]  }
0x2e: {  	s3 =	simm.s32 @!p0 $0x1082;
	s9 =	sld [smem:$0x3FB0]  }
0x2f: {  	lr =	sadd.s32 s0, s3;
	s0 =	sld [smem:$0x3FA7]  }
0x30: {  	s3 =	sld [smem:$0x3FAA]  }
0x31: {  	[smem:$0x3FB3] =	sst s10  }
0x32: {  	s10 =	sld [smem:$0x3FB1];
	_ =	sdelay $0x3  }
0x33: {  	p0 =	seq.s32 s10, $0x1;
	s10 =	sld [smem:$0x3FB3];
	_ =	sdelay $0x3  }
0x34: {  	[smem:$0x3FB3] =	sst s10  }
0x35: {  	s10 =	sld [smem:$0x3FB2];
	_ =	sdelay $0x3  }
0x36: {  	p1 =	seq.s32 s10, $0x1;
	s10 =	sld [smem:$0x3FB3];
	_ =	sdelay $0x3  }
0x37: {  	[smem:$0x3FB3] =	sst s10  }
0x38: {  	s10 =	sld [smem:$0x3FB4]  }
0x39: {  	_ = 	snop;
	(pc) =	sbr.ind lr, $3  }
0x3a: {  	_ = 	snop  }
0x3b: {  	_ = 	snop  }
0x3c: {  	p2 =	seq.s32 s10, $0x1;
	s10 =	sld [smem:$0x3FB3]  }
0x3d: {  	_ =	shalt  }
0x3e: {  	_ =	shalt  }
0x3f: {  	_ =	shalt  }
0x40: {  	_ =	shalt  }
0x41: {  	_ =	shalt  }
0x42: {  	_ =	shalt  }
0x43: {  	_ =	shalt  }
0x44: {  	_ =	shalt  }
0x45: {  	_ =	shalt  }
0x46: {  	_ =	shalt  }
0x47: {  	_ =	shalt  }
0x48: {  	_ =	shalt  }
0x49: {  	_ =	shalt  }
0x4a: {  	_ =	shalt  }
0x4b: {  	_ =	shalt  }
0x4c: {  	_ =	shalt  }
0x4d: {  	_ =	shalt  }
0x4e: {  	_ =	shalt  }
0x4f: {  	_ =	shalt  }
0x50: {  	_ =	shalt  }
0x51: {  	_ =	shalt  }
0x52: {  	_ =	shalt  }
0x53: {  	_ =	shalt  }
0x54: {  	_ =	shalt  }
0x55: {  	_ =	shalt  }
0x56: {  	_ =	shalt  }
0x57: {  	_ =	shalt  }
0x58: {  	_ =	shalt  }
0x59: {  	_ =	shalt  }
0x5a: {  	_ =	shalt  }
0x5b: {  	_ =	shalt  }
0x5c: {  	_ =	shalt  }
0x5d: {  	_ =	shalt  }
0x5e: {  	_ =	shalt  }
0x5f: {  	_ =	shalt  }
0x60: {  	_ =	shalt  }
0x61: {  	_ =	shalt  }
0x62: {  	_ =	shalt  }
0x63: {  	_ =	shalt  }
0x64: {  	_ =	shalt  }
0x65: {  	_ =	shalt  }
0x66: {  	_ =	shalt  }
0x67: {  	_ =	shalt  }
0x68: {  	_ =	shalt  }
0x69: {  	_ =	shalt  }
0x6a: {  	_ =	shalt  }
0x6b: {  	_ =	shalt  }
0x6c: {  	_ =	shalt  }
0x6d: {  	_ =	shalt  }
0x6e: {  	_ =	shalt  }
0x6f: {  	_ =	shalt  }
0x70: {  	_ =	shalt  }
0x71: {  	_ =	shalt  }
0x72: {  	_ =	shalt  }
0x73: {  	_ =	shalt  }
0x74: {  	_ =	shalt  }
0x75: {  	_ =	shalt  }
0x76: {  	_ =	shalt  }
0x77: {  	_ =	shalt  }
0x78: {  	_ =	shalt  }
0x79: {  	_ =	shalt  }
0x7a: {  	_ =	shalt  }
0x7b: {  	_ =	shalt  }
0x7c: {  	_ =	shalt  }
0x7d: {  	_ =	shalt  }
0x7e: {  	_ =	shalt  }
0x7f: {  	_ =	shalt  }
0x80: {  	_ =	shalt  }
0x81: {  	_ =	shalt  }
0x82: {  	_ =	shalt  }
0x83: {  	_ =	shalt  }
0x84: {  	_ =	shalt  }
0x85: {  	_ =	shalt  }
0x86: {  	_ =	shalt  }
0x87: {  	_ =	shalt  }
.Lfunc_end0:
.L_simem_size_0:
called_computation.1_lowered:
.L_overlay_start_0:
0x88: {  	s2 =	sld [smem:$0x3FD9]  }
0x89: {  	s3 =	sld [smem:$0x3FFE];
	_ =	sdelay $0x1  }
0x8a: {  	s1 =	srdreg.scid  }
0x8b: {  	s0 =	sand.u32 $0x1, s1  }
0x8c: {  	s14 =	sshll.u32 s0, $0xA;
	s2 =	sadd.s32 s3, s2  }
0x8d: {  	s2 =	sadd.s32 s2, s14  }
0x8e: {  	[smem:$0x3FBF] =	sst s2  }
0x8f: {  	_ = 	snop  }
0x90: {  	s2 =	sld [smem:$0x3FD0];
	_ =	sdelay $0x2  }
0x91: {  	s15 =	simm.s32 $0xA;
	s4 =	simm.s32 $0x10  }
0x92: {  	[smem:s4], [sflag:s15] =	dma.local [hbm:s2], $0x1  }
0x93: {  	_ =	swait.eq [sflag:s15], $0x1  }
0x94: {  	s16 =	sld [smem:$0x10];
	[sflag:s15] =	ssyncset.done $0x0  }
0x95: {  	s17 =	sld [smem:$0x11];
	[sflag:s15] =	ssyncadd.s32 $0xFFFFFFFF  }
0x96: {  	s18 =	sld [smem:$0x12];
	(tm) =	ssettm $0x1  }
0x97: {  	s5 =	sld [smem:$0x3FFB];
	_ =	sdelay $0x3  }
0x98: {  	_ =	strace s5  }
0x99: {  	s5 =	sld [smem:$0x3FFC];
	_ =	sdelay $0x3  }
0x9a: {  	_ =	strace s5  }
0x9b: {  	s5 =	sld [smem:$0x3FFD];
	_ =	sdelay $0x3  }
0x9c: {  	_ =	strace s5  }
0x9d: {  	_ =	strace $0x8FFFFFFF  }
0x9e: {  	s19 =	sld [smem:$0x3FDB];
	_ =	sdelay $0x1  }
0x9f: {  	s6 =	simm.s32 $_scs_section_size  }
0xa0: {  	s7 =	simm.s32 $_size__tile_overlayer_lowered;
	s8 =	simm.s32 $_tile_overlayer_lowered  }
0xa1: {  	s22 =	simm.s32 $0x1BFF;
	s21 =	sshll.u32 s8, $0x1;
	s5 =	sadd.s32 s6, s19  }
0xa2: {  	s9 =	simm.s32 $0x0;
	s20 =	sshll.u32 s7, $0x1;
	s7 =	sadd.s32 s21, s5  }
0xa3: {  	[timem:s9], [sflag:s22] =	dma.local [hbm:s7], s20  }
0xa4: {  	_ =	swait.ge [sflag:s22], s20  }
0xa5: {  	s6 =	ssub.s32 $0x0, s20;
	[sflag:s22] =	ssyncset.done $0x0  }
0xa6: {  	[sflag:s22] =	ssyncadd.s32 s6;
	_ =	sdelay $0x1  }
0xa7: {  	s23 =	simm.s32 $0x1B8B  }
0xa8: {  	_ =	swait.ge [sflag:s23], $0x1  }
0xa9: {  	[sflag:s23] =	ssyncset.done $0x0  }
0xaa: {  	s25 =	simm.s32 $0x1B8E;
	s24 =	sld [smem:$0x3FFE];
	[sflag:s23] =	ssyncadd.s32 $0xFFFFFFFF  }
0xab: {  	s26 =	simm.s32 $execute0_lowered;
	[smem:$0x3FD2] =	sst s25  }
0xac: {  	s7 =	sshll.u32 s26, $0x1;
	_ =	strace $0x80000049;
	[dreg:$0x1] =	wrdreg $0xFFFFFFFF  }
0xad: {  	s28 =	simm.s32 $_size_execute0_lowered;
	s5 =	sadd.s32 s5, s7;
	[dreg:$0x0] =	wrdreg $0x0  }
0xae: {  	s7 =	sshll.u32 s28, $0x1;
	[dreg:$0x2] =	wrdreg s5  }
0xaf: {  	[dreg:$0x3] =	wrdreg s7  }
0xb0: {  	[dreg:$0x4] =	wrdreg $0xC0  }
0xb1: {  	_ =	task [dreg:s9], $0x5FFFF  }
0xb2: {  	[dreg:$0x1] =	wrdreg $0xFFFFFFFF  }
0xb3: {  	[dreg:$0x0] =	wrdreg $0x60  }
0xb4: {  	[dreg:$0x2] =	wrdreg s24  }
0xb5: {  	[dreg:$0x3] =	wrdreg s16  }
0xb6: {  	[dreg:$0x4] =	wrdreg s17  }
0xb7: {  	[dreg:$0x5] =	wrdreg s18  }
0xb8: {  	[dreg:$0x6] =	wrdreg $0x9  }
0xb9: {  	_ =	task.clear_ibuf [dreg:s9], $0x7FFFF;
	_ =	strace $0x90000049  }
0xba: {  	s29 =	simm.s32 $0x9;
	_ =	strace $0x8000004B  }
0xbb: {  	_ =	swait.ge [sflag:s29], $0x1  }
0xbc: {  	[sflag:s29] =	ssyncadd.s32 $0xFFFFFFFF  }
0xbd: {  	_ =	strace $0x9000004B  }
0xbe: {  	_ =	sfence  }
0xbf: {  	s30 =	sld [smem:$0x0];
	_ =	sdelay $0x2  }
0xc0: {  	s31 =	sshll.u32 s1, $0xD;
	s1 =	sshrl.u32 s1, $0x2  }
0xc1: {  	s3 =	sand.u32 $0x4000, s31;
	s1 =	sadd.s32 s1, s30  }
0xc2: {  	s0 =	sor.u32 s3, s0;
	s1 =	sshll.u32 s1, $0x11  }
0xc3: {  	s0 =	sor.u32 s1, s0  }
0xc4: {  	s0 =	sadd.s32 $0x8F2B, s0  }
0xc5: {  	[sflag:s0] =	ssyncadd.remote.s32 $0x1  }
0xc6: {  	_ =	sfence.sel $0xFFFF  }
0xc7: {  	[dreg:$0x0] =	wrdreg $0xFFFFFFFF;
	(pc) =	sbr.abs _section_cstart, $3  }
0xc8: {  	[dreg:$0x1] =	wrdreg $0xFFFFFFFF  }
0xc9: {  	_ =	task.clear_ibuf [dreg:s9], $0x2FFFF;
	_ =	strace $0x9FFFFFFF  }
0xca: {  	(tm) =	ssettm $0x7FFFFFFF  }
0xcb: {  	_ =	shalt  }
tec
execute0_lowered:
.L_overlay_start_1:
0x0: {  	(tag) =	ssettag $0x1  }
0x1: {  	s0 =	rddreg [dreg:$0x0]  }
0x2: {  	s1 =	rddreg [dreg:$0x1]  }
0x3: {  	s10 =	rddreg [dreg:$0x2]  }
0x4: {  	s16 =	rddreg [dreg:$0x3];
	s8 =	stileid.u32  }
0x5: {  	s3 =	srdreg.scid;
	s2 =	simm.s32 $0x0;
	s23 =	simm.s32 $0x1  }
0x6: {  	s24 =	simm.s32 $0x1000;
	s26 =	simm.s32 $0x400;
	s28 =	simm.s32 $0x5000  }
0x7: {  	s29 =	simm.s32 $0x0;
	s4 =	sshll.u32 s8, $0x1;
	s3 =	sand.u32 $0x1, s3  }
0x8: {  	[smem:$0x7FF] =	sst s2;
	s25 =	sshrl.u32 s8, $0x2;
	s4 =	sand.u32 $0x6, s4  }
0x9: {  	_ =	strace $0x8000004A;
	p0 =	sgt.s32 s25, $0x1;
	p1 =	seq.s32 s25, $0x0  }
0xa: {  	p2 =	seq.s32 s25, $0x2;
	s25 =	simm.s32 $0x80;
	s4 =	sor.u32 s3, s4  }
0xb: {  	s3 =	ssub.s32 $0x2, s3;
	s5 =	sshll.u32 s4, $0x9;
	s6 =	sshll.u32 s4, $0xB  }
0xc: {  	s7 =	sshrl.u32 s3, $0x1;
	s17 =	sshll.u32 s4, $0x4;
	s5 =	sadd.s32 s5, s0  }
0xd: {  	s0 =	sadd.s32 s6, s0;
	s22 =	ssub.s32 s3, s7;
	s4 =	sadd.s32 s1, s17  }
0xe: {  	s10 =	sadd.s32 s10, s17;
	s16 =	sadd.s32 s16, s17;
	s3 =	sadd.s32 $0x7000, s5  }
0xf: {  	s31 =	sadd.s32 $0x8000, s0;
	s6 =	sadd.s32 $0xC000, s0;
	s7 =	sadd.s32 $0x1000, s4  }
.Ltmp0:
0x10: {  	s8 =	sadd.s32 $0x10000, s0;
	s9 =	sadd.s32 $0x2000, s4;
	(pc) =	sbr.rel .LBB2_1-.Ltmp0, $4  }
0x11: {  	s11 =	sadd.s32 $0x20000, s0;
	s12 =	sadd.s32 $0x24000, s0;
	s13 =	sadd.s32 $0x1000, s10  }
0x12: {  	s14 =	sadd.s32 $0x28000, s0;
	s15 =	sadd.s32 $0x2000, s10;
	s17 =	sadd.s32 $0x14000, s0  }
0x13: {  	s18 =	sadd.s32 $0x18000, s0;
	s19 =	sadd.s32 $0x1000, s16;
	s20 =	sadd.s32 $0x1C000, s0  }
0x14: {  	s21 =	sadd.s32 $0x2000, s16;
	s22 =	smax.u32 s22, $0x1;
	[dreg:$0x5] =	wrdreg s31  }
.LBB2_25:
0x15: {  	v0 =	vld [tilespmem:s1+$0x0];
	_ =	sdelay $0x7  }
0x16: {  	v0 =	vld.idx.msk [tilespmem:v0+s24+$0x0], $0xffff;
	_ =	sdelay $0x1  }
0x17: {  	s0 =	sand.u32 $0x3E00, s30  }
0x18: {  	s31 =	sand.u32 $0x70, s31;
	s0 =	sshrl.u32 s0, $0x2  }
0x19: {  	s0 =	sor.u32 s31, s0  }
0x1a: {  	[tilespmem:s0+$0x5000] =	vst v0;
	s0 =	smov.u32 s19  }
.LBB2_26:
0x1b: {  	s29 =	sadd.s32 $0x1, s29  }
0x1c: {  	p3 =	seq.s32 s29, s22  }
.Ltmp1:
0x1d: {  	_ = 	snop;
	(pc) =	sbr.rel @p3 .LBB2_27-.Ltmp1, $4  }
0x1e: {  	[hbm4b:s0+s25] =	stream.strided.scatter [tilespmem:s28], [sflag:$0x1], $0x1000, s26, s25, $0x38;
	[tilespmem:$0x6000] =	vst v63  }
0x1f: {  	_ =	swait.ge [sflag:s23], $0x1000  }
0x20: {  	[sflag:s23] =	ssyncset.done $0x0  }
0x21: {  	[sflag:s23] =	ssyncadd.s32 $0xFFFFF000  }
.LBB2_1:
.Ltmp2:
0x22: {  	(pc) =	sbr.rel @p0 .LBB2_20-.Ltmp2, $4  }
0x23: {  	[tilespmem:s2], [sflag:$0x1] =	stream.linear.gather [hbm4b:s3+s2], $0x1000, $0x38;
	[tilespmem:$0x6000] =	vst v63  }
0x24: {  	_ =	swait.ge [sflag:s23], $0x1000  }
0x25: {  	[sflag:s23] =	ssyncset.done $0x0  }
0x26: {  	s30 =	simm.s32 $0x0;
	[sflag:s23] =	ssyncadd.s32 $0xFFFFF000  }
.Ltmp3:
0x27: {  	(pc) =	sbr.rel @!p1 .LBB2_10-.Ltmp3, $1  }
0x28: {  	_ =	sdelay $0x3  }
0x29: {  	s0 =	rddreg [dreg:$0x5]  }
0x2a: {  	[tilespmem:s24], [sflag:$0x1] =	stream.linear.gather [hbm4b:s0+s30], $0x4000, $0x38;
	[tilespmem:$0x6000] =	vst v63  }
0x2b: {  	_ =	swait.ge [sflag:s23], $0x4000  }
0x2c: {  	s1 =	simm.s32 $0x0;
	[sflag:s23] =	ssyncset.done $0x0  }
0x2d: {  	s31 =	simm.s32 $0x0;
	s0 =	simm.s32 $0x10;
	[sflag:s23] =	ssyncadd.s32 $0xFFFFC000  }
.LBB2_4:
0x2e: {  	p3 =	seq.s32 s0, $0xFF0;
	v0 =	vld [tilespmem:s1+$0x0];
	_ =	sdelay $0x7  }
0x2f: {  	v0 =	vld.idx.msk [tilespmem:v0+s24+$0x0], $0xffff;
	_ =	sdelay $0x1  }
.Ltmp4:
0x30: {  	(pc) =	sbr.rel @!p3 .LBB2_4-.Ltmp4, $4  }
0x31: {  	s1 =	sand.u32 $0x3E00, s30  }
0x32: {  	s5 =	sand.u32 $0x70, s31;
	s31 =	smov.u32 s0;
	s1 =	sshrl.u32 s1, $0x2  }
0x33: {  	s30 =	sadd.s32 $0x40, s30;
	s5 =	sor.u32 s5, s1  }
0x34: {  	s0 =	sadd.s32 $0x10, s0;
	s1 =	sshra.s32 s30, $0x2;
	[tilespmem:s5+$0x5000] =	vst v0  }
0x35: {  	v0 =	vld [tilespmem:s1+$0x0];
	_ =	sdelay $0x7  }
0x36: {  	v0 =	vld.idx.msk [tilespmem:v0+s24+$0x0], $0xffff;
	_ =	sdelay $0x1  }
0x37: {  	s0 =	sand.u32 $0x3E00, s30  }
0x38: {  	s5 =	sand.u32 $0x70, s31;
	s0 =	sshrl.u32 s0, $0x2  }
0x39: {  	s0 =	sor.u32 s5, s0  }
0x3a: {  	[tilespmem:s0+$0x5000] =	vst v0  }
0x3b: {  	[hbm4b:s4+s25] =	stream.strided.scatter [tilespmem:s28], [sflag:$0x1], $0x1000, s26, s25, $0x38;
	[tilespmem:$0x6000] =	vst v63  }
0x3c: {  	_ =	swait.ge [sflag:s23], $0x1000  }
0x3d: {  	[sflag:s23] =	ssyncset.done $0x0  }
0x3e: {  	s30 =	simm.s32 $0x0;
	[sflag:s23] =	ssyncadd.s32 $0xFFFFF000  }
0x3f: {  	[tilespmem:s24], [sflag:$0x1] =	stream.linear.gather [hbm4b:s12+s30], $0x4000, $0x38;
	[tilespmem:$0x6000] =	vst v63  }
0x40: {  	_ =	swait.ge [sflag:s23], $0x4000  }
0x41: {  	s1 =	simm.s32 $0x0;
	[sflag:s23] =	ssyncset.done $0x0  }
0x42: {  	s31 =	simm.s32 $0x0;
	s0 =	simm.s32 $0x10;
	[sflag:s23] =	ssyncadd.s32 $0xFFFFC000  }
.LBB2_6:
0x43: {  	p3 =	seq.s32 s0, $0xFF0;
	v0 =	vld [tilespmem:s1+$0x0];
	_ =	sdelay $0x7  }
0x44: {  	v0 =	vld.idx.msk [tilespmem:v0+s24+$0x0], $0xffff;
	_ =	sdelay $0x1  }
.Ltmp5:
0x45: {  	(pc) =	sbr.rel @!p3 .LBB2_6-.Ltmp5, $4  }
0x46: {  	s1 =	sand.u32 $0x3E00, s30  }
0x47: {  	s5 =	sand.u32 $0x70, s31;
	s31 =	smov.u32 s0;
	s1 =	sshrl.u32 s1, $0x2  }
0x48: {  	s30 =	sadd.s32 $0x40, s30;
	s5 =	sor.u32 s5, s1  }
0x49: {  	s0 =	sadd.s32 $0x10, s0;
	s1 =	sshra.s32 s30, $0x2;
	[tilespmem:s5+$0x5000] =	vst v0  }
0x4a: {  	v0 =	vld [tilespmem:s1+$0x0];
	_ =	sdelay $0x7  }
0x4b: {  	v0 =	vld.idx.msk [tilespmem:v0+s24+$0x0], $0xffff;
	_ =	sdelay $0x1  }
0x4c: {  	s0 =	sand.u32 $0x3E00, s30  }
0x4d: {  	s5 =	sand.u32 $0x70, s31;
	s0 =	sshrl.u32 s0, $0x2  }
0x4e: {  	s0 =	sor.u32 s5, s0  }
0x4f: {  	[tilespmem:s0+$0x5000] =	vst v0  }
0x50: {  	[hbm4b:s13+s25] =	stream.strided.scatter [tilespmem:s28], [sflag:$0x1], $0x1000, s26, s25, $0x38;
	[tilespmem:$0x6000] =	vst v63  }
0x51: {  	_ =	swait.ge [sflag:s23], $0x1000  }
0x52: {  	[sflag:s23] =	ssyncset.done $0x0  }
0x53: {  	s30 =	simm.s32 $0x0;
	[sflag:s23] =	ssyncadd.s32 $0xFFFFF000  }
0x54: {  	[tilespmem:s24], [sflag:$0x1] =	stream.linear.gather [hbm4b:s20+s30], $0x4000, $0x38;
	[tilespmem:$0x6000] =	vst v63  }
0x55: {  	_ =	swait.ge [sflag:s23], $0x4000  }
0x56: {  	s1 =	simm.s32 $0x0;
	[sflag:s23] =	ssyncset.done $0x0  }
0x57: {  	s31 =	simm.s32 $0x0;
	s0 =	simm.s32 $0x10;
	[sflag:s23] =	ssyncadd.s32 $0xFFFFC000  }
.LBB2_8:
0x58: {  	p3 =	sne.s32 s0, $0xFF0;
	v0 =	vld [tilespmem:s1+$0x0];
	_ =	sdelay $0x7  }
0x59: {  	v0 =	vld.idx.msk [tilespmem:v0+s24+$0x0], $0xffff;
	_ =	sdelay $0x1  }
.Ltmp6:
0x5a: {  	(pc) =	sbr.rel @p3 .LBB2_8-.Ltmp6, $4  }
0x5b: {  	s1 =	sand.u32 $0x3E00, s30  }
0x5c: {  	s5 =	sand.u32 $0x70, s31;
	s31 =	smov.u32 s0;
	s1 =	sshrl.u32 s1, $0x2  }
0x5d: {  	s30 =	sadd.s32 $0x40, s30;
	s5 =	sor.u32 s5, s1  }
0x5e: {  	s0 =	sadd.s32 $0x10, s0;
	s1 =	sshra.s32 s30, $0x2;
	[tilespmem:s5+$0x5000] =	vst v0  }
0x5f: {  	v0 =	vld [tilespmem:s1+$0x0];
	_ =	sdelay $0x7  }
0x60: {  	v0 =	vld.idx.msk [tilespmem:v0+s24+$0x0], $0xffff  }
.Ltmp7:
0x61: {  	_ = 	snop;
	(pc) =	sbr.rel .LBB2_26-.Ltmp7, $4  }
0x62: {  	s0 =	sand.u32 $0x3E00, s30  }
0x63: {  	s31 =	sand.u32 $0x70, s31;
	s0 =	sshrl.u32 s0, $0x2  }
0x64: {  	s0 =	sor.u32 s31, s0  }
0x65: {  	[tilespmem:s0+$0x5000] =	vst v0;
	s0 =	smov.u32 s21  }
.LBB2_20:
.Ltmp8:
0x66: {  	(pc) =	sbr.rel @!p2 .LBB2_21-.Ltmp8, $1  }
0x67: {  	_ =	sdelay $0x3  }
0x68: {  	[tilespmem:s24], [sflag:$0x1] =	stream.linear.gather [hbm4b:s8+s30], $0x4000, $0x38;
	[tilespmem:$0x6000] =	vst v63  }
0x69: {  	_ =	swait.ge [sflag:s23], $0x4000  }
0x6a: {  	s1 =	simm.s32 $0x0;
	[sflag:s23] =	ssyncset.done $0x0  }
0x6b: {  	s0 =	simm.s32 $0x10;
	s31 =	simm.s32 $0x0;
	[sflag:s23] =	ssyncadd.s32 $0xFFFFC000  }
.LBB2_16:
0x6c: {  	p3 =	seq.s32 s0, $0xFF0;
	v0 =	vld [tilespmem:s1+$0x0];
	_ =	sdelay $0x7  }
0x6d: {  	v0 =	vld.idx.msk [tilespmem:v0+s24+$0x0], $0xffff;
	_ =	sdelay $0x1  }
.Ltmp9:
0x6e: {  	(pc) =	sbr.rel @!p3 .LBB2_16-.Ltmp9, $4  }
0x6f: {  	s1 =	sand.u32 $0x3E00, s30  }
0x70: {  	s5 =	sand.u32 $0x70, s31;
	s31 =	smov.u32 s0;
	s1 =	sshrl.u32 s1, $0x2  }
0x71: {  	s30 =	sadd.s32 $0x40, s30;
	s5 =	sor.u32 s5, s1  }
0x72: {  	s0 =	sadd.s32 $0x10, s0;
	s1 =	sshra.s32 s30, $0x2;
	[tilespmem:s5+$0x5000] =	vst v0  }
0x73: {  	v0 =	vld [tilespmem:s1+$0x0];
	_ =	sdelay $0x7  }
0x74: {  	v0 =	vld.idx.msk [tilespmem:v0+s24+$0x0], $0xffff;
	_ =	sdelay $0x1  }
0x75: {  	s0 =	sand.u32 $0x3E00, s30  }
0x76: {  	s5 =	sand.u32 $0x70, s31;
	s0 =	sshrl.u32 s0, $0x2  }
0x77: {  	s0 =	sor.u32 s5, s0  }
0x78: {  	[tilespmem:s0+$0x5000] =	vst v0  }
0x79: {  	[hbm4b:s9+s25] =	stream.strided.scatter [tilespmem:s28], [sflag:$0x1], $0x1000, s26, s25, $0x38;
	[tilespmem:$0x6000] =	vst v63  }
0x7a: {  	_ =	swait.ge [sflag:s23], $0x1000  }
0x7b: {  	[sflag:s23] =	ssyncset.done $0x0  }
0x7c: {  	s30 =	simm.s32 $0x0;
	[sflag:s23] =	ssyncadd.s32 $0xFFFFF000  }
0x7d: {  	[tilespmem:s24], [sflag:$0x1] =	stream.linear.gather [hbm4b:s17+s30], $0x4000, $0x38;
	[tilespmem:$0x6000] =	vst v63  }
0x7e: {  	_ =	swait.ge [sflag:s23], $0x4000  }
0x7f: {  	s1 =	simm.s32 $0x0;
	[sflag:s23] =	ssyncset.done $0x0  }
0x80: {  	s31 =	simm.s32 $0x0;
	s0 =	simm.s32 $0x10;
	[sflag:s23] =	ssyncadd.s32 $0xFFFFC000  }
.LBB2_18:
0x81: {  	p3 =	seq.s32 s0, $0xFF0;
	v0 =	vld [tilespmem:s1+$0x0];
	_ =	sdelay $0x7  }
0x82: {  	v0 =	vld.idx.msk [tilespmem:v0+s24+$0x0], $0xffff;
	_ =	sdelay $0x1  }
.Ltmp10:
0x83: {  	(pc) =	sbr.rel @!p3 .LBB2_18-.Ltmp10, $4  }
0x84: {  	s1 =	sand.u32 $0x3E00, s30  }
0x85: {  	s5 =	sand.u32 $0x70, s31;
	s31 =	smov.u32 s0;
	s1 =	sshrl.u32 s1, $0x2  }
0x86: {  	s30 =	sadd.s32 $0x40, s30;
	s5 =	sor.u32 s5, s1  }
0x87: {  	s0 =	sadd.s32 $0x10, s0;
	s1 =	sshra.s32 s30, $0x2;
	[tilespmem:s5+$0x5000] =	vst v0  }
0x88: {  	v0 =	vld [tilespmem:s1+$0x0];
	_ =	sdelay $0x7  }
0x89: {  	v0 =	vld.idx.msk [tilespmem:v0+s24+$0x0], $0xffff  }
.Ltmp11:
0x8a: {  	_ = 	snop;
	(pc) =	sbr.rel .LBB2_26-.Ltmp11, $4  }
0x8b: {  	s0 =	sand.u32 $0x3E00, s30  }
0x8c: {  	s31 =	sand.u32 $0x70, s31;
	s0 =	sshrl.u32 s0, $0x2  }
0x8d: {  	s0 =	sor.u32 s31, s0  }
0x8e: {  	[tilespmem:s0+$0x5000] =	vst v0;
	s0 =	smov.u32 s16  }
.LBB2_10:
0x8f: {  	[tilespmem:s24], [sflag:$0x1] =	stream.linear.gather [hbm4b:s6+s30], $0x4000, $0x38;
	[tilespmem:$0x6000] =	vst v63  }
0x90: {  	_ =	swait.ge [sflag:s23], $0x4000  }
0x91: {  	s1 =	simm.s32 $0x0;
	[sflag:s23] =	ssyncset.done $0x0  }
0x92: {  	s0 =	simm.s32 $0x10;
	s31 =	simm.s32 $0x0;
	[sflag:s23] =	ssyncadd.s32 $0xFFFFC000  }
.LBB2_11:
0x93: {  	p3 =	seq.s32 s0, $0xFF0;
	v0 =	vld [tilespmem:s1+$0x0];
	_ =	sdelay $0x7  }
0x94: {  	v0 =	vld.idx.msk [tilespmem:v0+s24+$0x0], $0xffff;
	_ =	sdelay $0x1  }
.Ltmp12:
0x95: {  	(pc) =	sbr.rel @!p3 .LBB2_11-.Ltmp12, $4  }
0x96: {  	s1 =	sand.u32 $0x3E00, s30  }
0x97: {  	s5 =	sand.u32 $0x70, s31;
	s31 =	smov.u32 s0;
	s1 =	sshrl.u32 s1, $0x2  }
0x98: {  	s30 =	sadd.s32 $0x40, s30;
	s5 =	sor.u32 s5, s1  }
0x99: {  	s0 =	sadd.s32 $0x10, s0;
	s1 =	sshra.s32 s30, $0x2;
	[tilespmem:s5+$0x5000] =	vst v0  }
0x9a: {  	v0 =	vld [tilespmem:s1+$0x0];
	_ =	sdelay $0x7  }
0x9b: {  	v0 =	vld.idx.msk [tilespmem:v0+s24+$0x0], $0xffff;
	_ =	sdelay $0x1  }
0x9c: {  	s0 =	sand.u32 $0x3E00, s30  }
0x9d: {  	s5 =	sand.u32 $0x70, s31;
	s0 =	sshrl.u32 s0, $0x2  }
0x9e: {  	s0 =	sor.u32 s5, s0  }
0x9f: {  	[tilespmem:s0+$0x5000] =	vst v0  }
0xa0: {  	[hbm4b:s7+s25] =	stream.strided.scatter [tilespmem:s28], [sflag:$0x1], $0x1000, s26, s25, $0x38;
	[tilespmem:$0x6000] =	vst v63  }
0xa1: {  	_ =	swait.ge [sflag:s23], $0x1000  }
0xa2: {  	[sflag:s23] =	ssyncset.done $0x0  }
0xa3: {  	s30 =	simm.s32 $0x0;
	[sflag:s23] =	ssyncadd.s32 $0xFFFFF000  }
0xa4: {  	[tilespmem:s24], [sflag:$0x1] =	stream.linear.gather [hbm4b:s14+s30], $0x4000, $0x38;
	[tilespmem:$0x6000] =	vst v63  }
0xa5: {  	_ =	swait.ge [sflag:s23], $0x4000  }
0xa6: {  	s1 =	simm.s32 $0x0;
	[sflag:s23] =	ssyncset.done $0x0  }
0xa7: {  	s31 =	simm.s32 $0x0;
	s0 =	simm.s32 $0x10;
	[sflag:s23] =	ssyncadd.s32 $0xFFFFC000  }
.LBB2_13:
0xa8: {  	p3 =	seq.s32 s0, $0xFF0;
	v0 =	vld [tilespmem:s1+$0x0];
	_ =	sdelay $0x7  }
0xa9: {  	v0 =	vld.idx.msk [tilespmem:v0+s24+$0x0], $0xffff;
	_ =	sdelay $0x1  }
.Ltmp13:
0xaa: {  	(pc) =	sbr.rel @!p3 .LBB2_13-.Ltmp13, $4  }
0xab: {  	s1 =	sand.u32 $0x3E00, s30  }
0xac: {  	s5 =	sand.u32 $0x70, s31;
	s31 =	smov.u32 s0;
	s1 =	sshrl.u32 s1, $0x2  }
0xad: {  	s30 =	sadd.s32 $0x40, s30;
	s5 =	sor.u32 s5, s1  }
0xae: {  	s0 =	sadd.s32 $0x10, s0;
	s1 =	sshra.s32 s30, $0x2;
	[tilespmem:s5+$0x5000] =	vst v0  }
0xaf: {  	v0 =	vld [tilespmem:s1+$0x0];
	_ =	sdelay $0x7  }
0xb0: {  	v0 =	vld.idx.msk [tilespmem:v0+s24+$0x0], $0xffff  }
.Ltmp14:
0xb1: {  	_ = 	snop;
	(pc) =	sbr.rel .LBB2_26-.Ltmp14, $4  }
0xb2: {  	s0 =	sand.u32 $0x3E00, s30  }
0xb3: {  	s31 =	sand.u32 $0x70, s31;
	s0 =	sshrl.u32 s0, $0x2  }
0xb4: {  	s0 =	sor.u32 s31, s0  }
0xb5: {  	[tilespmem:s0+$0x5000] =	vst v0;
	s0 =	smov.u32 s15  }
.LBB2_21:
0xb6: {  	[tilespmem:s24], [sflag:$0x1] =	stream.linear.gather [hbm4b:s11+s30], $0x4000, $0x38;
	[tilespmem:$0x6000] =	vst v63  }
0xb7: {  	_ =	swait.ge [sflag:s23], $0x4000  }
0xb8: {  	s1 =	simm.s32 $0x0;
	[sflag:s23] =	ssyncset.done $0x0  }
0xb9: {  	s0 =	simm.s32 $0x10;
	s31 =	simm.s32 $0x0;
	[sflag:s23] =	ssyncadd.s32 $0xFFFFC000  }
.LBB2_22:
0xba: {  	p3 =	seq.s32 s0, $0xFF0;
	v0 =	vld [tilespmem:s1+$0x0];
	_ =	sdelay $0x7  }
0xbb: {  	v0 =	vld.idx.msk [tilespmem:v0+s24+$0x0], $0xffff;
	_ =	sdelay $0x1  }
.Ltmp15:
0xbc: {  	(pc) =	sbr.rel @!p3 .LBB2_22-.Ltmp15, $4  }
0xbd: {  	s1 =	sand.u32 $0x3E00, s30  }
0xbe: {  	s5 =	sand.u32 $0x70, s31;
	s31 =	smov.u32 s0;
	s1 =	sshrl.u32 s1, $0x2  }
0xbf: {  	s30 =	sadd.s32 $0x40, s30;
	s5 =	sor.u32 s5, s1  }
0xc0: {  	s0 =	sadd.s32 $0x10, s0;
	s1 =	sshra.s32 s30, $0x2;
	[tilespmem:s5+$0x5000] =	vst v0  }
0xc1: {  	v0 =	vld [tilespmem:s1+$0x0];
	_ =	sdelay $0x7  }
0xc2: {  	v0 =	vld.idx.msk [tilespmem:v0+s24+$0x0], $0xffff;
	_ =	sdelay $0x1  }
0xc3: {  	s0 =	sand.u32 $0x3E00, s30  }
0xc4: {  	s5 =	sand.u32 $0x70, s31;
	s0 =	sshrl.u32 s0, $0x2  }
0xc5: {  	s0 =	sor.u32 s5, s0  }
0xc6: {  	[tilespmem:s0+$0x5000] =	vst v0  }
0xc7: {  	[hbm4b:s10+s25] =	stream.strided.scatter [tilespmem:s28], [sflag:$0x1], $0x1000, s26, s25, $0x38;
	[tilespmem:$0x6000] =	vst v63  }
0xc8: {  	_ =	swait.ge [sflag:s23], $0x1000  }
0xc9: {  	[sflag:s23] =	ssyncset.done $0x0  }
0xca: {  	s30 =	simm.s32 $0x0;
	[sflag:s23] =	ssyncadd.s32 $0xFFFFF000  }
0xcb: {  	[tilespmem:s24], [sflag:$0x1] =	stream.linear.gather [hbm4b:s18+s30], $0x4000, $0x38;
	[tilespmem:$0x6000] =	vst v63  }
0xcc: {  	_ =	swait.ge [sflag:s23], $0x4000  }
0xcd: {  	s1 =	simm.s32 $0x0;
	[sflag:s23] =	ssyncset.done $0x0  }
0xce: {  	s31 =	simm.s32 $0x0;
	s0 =	simm.s32 $0x10;
	[sflag:s23] =	ssyncadd.s32 $0xFFFFC000  }
.LBB2_24:
0xcf: {  	p3 =	seq.s32 s0, $0xFF0;
	v0 =	vld [tilespmem:s1+$0x0];
	_ =	sdelay $0x7  }
0xd0: {  	v0 =	vld.idx.msk [tilespmem:v0+s24+$0x0], $0xffff;
	_ =	sdelay $0x1  }
.Ltmp16:
0xd1: {  	(pc) =	sbr.rel @!p3 .LBB2_24-.Ltmp16, $4  }
0xd2: {  	s1 =	sand.u32 $0x3E00, s30  }
0xd3: {  	s5 =	sand.u32 $0x70, s31;
	s31 =	smov.u32 s0;
	s1 =	sshrl.u32 s1, $0x2  }
0xd4: {  	s30 =	sadd.s32 $0x40, s30;
	s5 =	sor.u32 s5, s1  }
0xd5: {  	s0 =	sadd.s32 $0x10, s0;
	s1 =	sshra.s32 s30, $0x2;
	[tilespmem:s5+$0x5000] =	vst v0  }
.Ltmp17:
0xd6: {  	_ = 	snop;
	(pc) =	sbr.rel .LBB2_25-.Ltmp17, $1  }
0xd7: {  	_ =	sdelay $0x3  }
.LBB2_27:
0xd8: {  	_ =	sfence.sel $0x180000  }
0xd9: {  	[bflag:$0x0] =	sbarrier.arrive $0xFFFF  }
0xda: {  	_ =	strace $0x9000004A  }
0xdb: {  	s0 =	stileid.u32;
	[bflag:$0x2] =	sbarrier.arrive $0xFFFF  }
0xdc: {  	p0 =	sne.s32 s0, $0x0;
	s0 =	rddreg [dreg:$0x4]  }
0xdd: {  	s0 =	sadd.s32 @!p0 $0x100000, s0  }
0xde: {  	[sflag:s0] =	ssyncadd.tile.s32 @!p0 $0x1;
	_ =	shalt  }
.Lfunc_end2:
_tile_overlayer_lowered:
.L_overlay_start_2:
0xdf: {  	(tag) =	ssettag $0x2  }
0xe0: {  	s0 =	rddreg [dreg:$0x0];
	s2 =	stileid.u32  }
0xe1: {  	s1 =	rddreg [dreg:$0x1];
	p0 =	sne.s32 s2, $0x0  }
0xe2: {  	s3 =	rddreg [dreg:$0x2];
	[bflag:$0x3] =	sbarrier.arrive $0xFFFF;
	s2 =	simm.s32 @!p0 $0x1C01  }
0xe3: {  	[timem:s3], [sflag:s2] =	dma.local @!p0 [hbm:s0], s1  }
0xe4: {  	s0 =	simm.s32 @!p0 $0x1  }
0xe5: {  	_ =	swait.ge @!p0 [sflag:s0], s1  }
0xe6: {  	s1 =	ssub.s32 @!p0 $0x0, s1;
	[sflag:s0] =	ssyncset.done @!p0 $0x0  }
0xe7: {  	[sflag:s0] =	ssyncadd.s32 @!p0 s1  }
0xe8: {  	[bflag:$0x3] =	sbarrier.arrive $0xFFFF  }
0xe9: {  	_ =	shalt  }

</sc_bundles>
